<compile_context>
chip_gen: v7x
topology: tpu7x:2x2x1
jax: 0.10.2.dev20260603
libtpu: 0.0.44.dev20260713+nightly
codegen_flags: <defaults>
</compile_context>

<pallas_src>
import functools

import jax
import jax.numpy as jnp
from jax import lax
from jax.experimental import pallas as pl
from jax.experimental.pallas import tpu as pltpu
from jax.experimental.pallas import tpu_sc as plsc

N = 10000
D = 128
E = 320000

try:
    _info = plsc.get_sparse_core_info()
    NC, NS = _info.num_cores, _info.num_subcores
except Exception:
    NC, NS = 2, 16
NW = NC * NS
EPT = E // NW
K = 80
ITERS = EPT // K
RPT = N // NS

_mesh = plsc.VectorSubcoreMesh(core_axis_name="c", subcore_axis_name="s")



_B = 1000
_GRID = N // _B


@functools.partial(
    pl.kernel,
    out_type=jax.ShapeDtypeStruct((_GRID, NW, _B), jnp.float32),
    mesh=_mesh,
    compiler_params=pltpu.CompilerParams(needs_layout_passes=False,
                                         use_tc_tiling_on_sc=False),
    scratch_types=[
        pltpu.VMEM((EPT,), jnp.int32),
        pltpu.VMEM((N,), jnp.float32),
    ],
)
def _deg_kernel(dst_hbm, out_hbm, dstv, degv):
    c = lax.axis_index("c")
    s = lax.axis_index("s")
    wid = s * NC + c

    zero = jnp.zeros((16,), jnp.float32)

    def zbody(i, carry):
        degv[pl.ds(i * 16, 16)] = zero
        return carry

    lax.fori_loop(0, N // 16, zbody, 0)

    ones = jnp.ones((16,), jnp.float32)
    pltpu.sync_copy(dst_hbm.at[pl.ds(wid * EPT, EPT)], dstv)

    def body(j, carry):
        idx = dstv[pl.ds(j * 16, 16)]
        plsc.addupdate_scatter(degv, [idx], ones)
        return carry

    lax.fori_loop(0, EPT // 16, body, 0)
    for g in range(_GRID):
        pltpu.sync_copy(degv.at[pl.ds(g * _B, _B)], out_hbm.at[g, wid])


NBUF = 4
KC = 80
NCH = E // KC
CPT = (NCH // NW)
NTAIL = NCH - CPT * NW
_RS = 624
_RS_LAST = N - _RS * (NS - 1)


@functools.partial(
    pl.kernel,
    out_type=jax.ShapeDtypeStruct((NC, N, D), jnp.float32),
    mesh=_mesh,
    compiler_params=pltpu.CompilerParams(needs_layout_passes=False),
    scratch_types=[
        [pltpu.VMEM((2, KC), jnp.int32) for _ in range(NBUF)],
        pltpu.VMEM((NBUF, KC, D), jnp.float32),
        pltpu.VMEM_SHARED((N, D), jnp.float32),
        pltpu.SemaphoreType.DMA((NBUF,)),
        pltpu.SemaphoreType.DMA((NBUF,)),
        pltpu.SemaphoreType.DMA((NBUF,)),
    ],
)
def _agg_kernel(hp_hbm, eidx_hbm, out_hbm, ibufs, rows,
                acc_sh, sem_i, sem_g, sem_s):
    c = lax.axis_index("c")
    s = lax.axis_index("s")
    wid = s * NC + c
    base = wid * CPT

    r0 = s * _RS

    @pl.when(c == 0)
    def _():
        @pl.when(s < NS - 1)
        def _():
            pltpu.sync_copy(hp_hbm.at[pl.ds(r0, _RS)],
                            acc_sh.at[pl.ds(r0, _RS)])

        @pl.when(s == NS - 1)
        def _():
            pltpu.sync_copy(hp_hbm.at[pl.ds(_RS * (NS - 1), _RS_LAST)],
                            acc_sh.at[pl.ds(_RS * (NS - 1), _RS_LAST)])

    @pl.when(c == 1)
    def _():
        zrows = rows.at[0]
        zero16 = jnp.zeros((16,), jnp.float32)

        def zbody(j, carry):
            zrows[j // 8, pl.ds((j % 8) * 16, 16)] = zero16
            return carry

        lax.fori_loop(0, KC * (D // 16), zbody, 0)

        @pl.when(s < NS - 1)
        def _():
            for t in range(_RS // KC):
                pltpu.sync_copy(zrows, acc_sh.at[pl.ds(r0 + t * KC, KC)])
            rem = _RS - (_RS // KC) * KC
            pltpu.sync_copy(zrows.at[pl.ds(0, rem)],
                            acc_sh.at[pl.ds(r0 + (_RS // KC) * KC, rem)])

        @pl.when(s == NS - 1)
        def _():
            for t in range(_RS_LAST // KC):
                pltpu.sync_copy(
                    zrows, acc_sh.at[pl.ds(_RS * (NS - 1) + t * KC, KC)])

    plsc.subcore_barrier()

    def _issue_idx(m, b):
        pltpu.async_copy(eidx_hbm.at[base + m], ibufs[b], sem_i.at[b])

    def _wait_idx(b):
        pltpu.make_async_copy(eidx_hbm.at[base], ibufs[b],
                              sem_i.at[b]).wait()

    def _issue_gather(b):
        pltpu.async_copy(hp_hbm.at[ibufs[b].at[0]], rows.at[b], sem_g.at[b])

    def _wait_gather(b):
        pltpu.make_async_copy(hp_hbm.at[ibufs[b].at[0]], rows.at[b],
                              sem_g.at[b]).wait()

    def _issue_scatter(b):
        pltpu.async_copy(rows.at[b], acc_sh.at[ibufs[b].at[1]], sem_s.at[b],
                         add=True)

    def _wait_scatter(b):
        pltpu.make_async_copy(rows.at[b], acc_sh.at[ibufs[b].at[1]],
                              sem_s.at[b]).wait()

    def _visit(i):
        if i >= 2:
            _wait_scatter((i - 2) % NBUF)
        if i + 2 < CPT:
            _issue_idx(i + 2, (i + 2) % NBUF)
        if i + 1 < CPT:
            _wait_idx((i + 1) % NBUF)
            _issue_gather((i + 1) % NBUF)
        _wait_gather(i % NBUF)
        _issue_scatter(i % NBUF)

    _issue_idx(0, 0)
    _issue_idx(1, 1)
    _wait_idx(0)
    _issue_gather(0)
    _visit(0)
    _visit(1)

    def body(g, carry):
        for b in range(NBUF):
            i = 2 + g * NBUF + b
            _wait_scatter(b)
            _issue_idx(i + 2, b)
            _wait_idx((b + 3) % NBUF)
            _issue_gather((b + 3) % NBUF)
            _wait_gather((b + 2) % NBUF)
            _issue_scatter((b + 2) % NBUF)
        return carry

    lax.fori_loop(0, (CPT - 5) // NBUF, body, 0)

    for i in range(2 + NBUF * ((CPT - 5) // NBUF), CPT):
        _visit(i)

    _wait_scatter((CPT - 2) % NBUF)
    _wait_scatter((CPT - 1) % NBUF)

    if NTAIL:
        @pl.when(wid < NTAIL)
        def _():
            tb = CPT * NW + wid
            pltpu.sync_copy(eidx_hbm.at[tb], ibufs[0])
            pltpu.sync_copy(hp_hbm.at[ibufs[0].at[0]], rows.at[0])
            pltpu.sync_copy(rows.at[0], acc_sh.at[ibufs[0].at[1]], add=True)

    plsc.subcore_barrier()

    @pl.when(s < NS - 1)
    def _():
        pltpu.sync_copy(acc_sh.at[pl.ds(r0, _RS)], out_hbm.at[c, pl.ds(r0, _RS)])

    @pl.when(s == NS - 1)
    def _():
        pltpu.sync_copy(acc_sh.at[pl.ds(_RS * (NS - 1), _RS_LAST)],
                        out_hbm.at[c, pl.ds(_RS * (NS - 1), _RS_LAST)])



def _mm1_body(x_ref, w_ref, h1_ref):
    h1_ref[...] = jnp.dot(x_ref[...], w_ref[...],
                          preferred_element_type=jnp.float32)


def _scale_body(h1_ref, degp_ref, h1p_ref, dinv_ref):
    deg = jnp.sum(degp_ref[...], axis=(0, 1)) + 1.0
    dinv = lax.rsqrt(deg)[:, None]
    h1p_ref[...] = h1_ref[...] * dinv
    dinv_ref[...] = dinv


def _mid_body(accp_ref, dinv_ref, b_ref, w_ref, h2p_ref):
    dinv = dinv_ref[...]
    z = (accp_ref[0] + accp_ref[1]) * dinv + b_ref[...]
    z = jnp.maximum(z, 0.0)
    h2 = jnp.dot(z, w_ref[...], preferred_element_type=jnp.float32)
    h2p_ref[...] = h2 * dinv


def _post_body(accp_ref, dinv_ref, b_ref, wv_ref, bv_ref, wt_ref,
               bt_ref, h_ref, xv_ref, xt_ref):
    dinv = dinv_ref[...]
    h = (accp_ref[0] + accp_ref[1]) * dinv + b_ref[...]
    h_ref[...] = h
    xv = jnp.dot(h, wv_ref[...], preferred_element_type=jnp.float32) + bv_ref[...]
    xv_ref[...] = jnp.maximum(xv, 0.0)
    xt = jnp.dot(h, wt_ref[...], preferred_element_type=jnp.float32) + bt_ref[...]
    xt_ref[...] = jnp.maximum(xt, 0.0)


_row_spec = pl.BlockSpec((_B, D), lambda i: (i, 0))
_w_spec = pl.BlockSpec((D, D), lambda i: (0, 0))
_bias_spec = pl.BlockSpec((1, D), lambda i: (0, 0))
_dinv_spec = pl.BlockSpec((_B, 1), lambda i: (i, 0))
_acc_spec = pl.BlockSpec((NC, _B, D), lambda i: (0, i, 0))


def _mm1_call(x, w1t):
    return pl.pallas_call(
        _mm1_body,
        grid=(_GRID,),
        in_specs=[_row_spec, _w_spec],
        out_specs=_row_spec,
        out_shape=jax.ShapeDtypeStruct((N, D), jnp.float32),
    )(x, w1t)


def _scale_call(h1, degp):
    return pl.pallas_call(
        _scale_body,
        grid=(_GRID,),
        in_specs=[_row_spec,
                  pl.BlockSpec((1, NW, _B), lambda i: (i, 0, 0))],
        out_specs=[_row_spec, _dinv_spec],
        out_shape=[
            jax.ShapeDtypeStruct((N, D), jnp.float32),
            jax.ShapeDtypeStruct((N, 1), jnp.float32),
        ],
    )(h1, degp)


def _mid_call(accp, dinv, b1, w2t):
    return pl.pallas_call(
        _mid_body,
        grid=(_GRID,),
        in_specs=[_acc_spec, _dinv_spec, _bias_spec, _w_spec],
        out_specs=_row_spec,
        out_shape=jax.ShapeDtypeStruct((N, D), jnp.float32),
    )(accp, dinv, b1, w2t)


def _post_call(accp, dinv, b2, wvt, bv, wtt, bt):
    return pl.pallas_call(
        _post_body,
        grid=(_GRID,),
        in_specs=[_acc_spec, _dinv_spec, _bias_spec, _w_spec,
                  _bias_spec, _w_spec, _bias_spec],
        out_specs=[_row_spec, _row_spec, _row_spec],
        out_shape=[
            jax.ShapeDtypeStruct((N, D), jnp.float32),
            jax.ShapeDtypeStruct((N, D), jnp.float32),
            jax.ShapeDtypeStruct((N, D), jnp.float32),
        ],
    )(accp, dinv, b2, wvt, bv, wtt, bt)


@jax.jit
def kernel(x, edge_index, W1, b1, W2, b2, Wv, bv, Wt, bt):
    src = edge_index[0].astype(jnp.int32)
    dst = edge_index[1].astype(jnp.int32)
    eidx = jnp.stack([src.reshape(E // KC, KC), dst.reshape(E // KC, KC)],
                     axis=1)

    degp = _deg_kernel(dst)
    h1 = _mm1_call(x, W1.T)
    h1p, dinv = _scale_call(h1, degp)
    acc1 = _agg_kernel(h1p, eidx)
    h2p = _mid_call(acc1, dinv, b1.reshape(1, D), W2.T)
    acc2 = _agg_kernel(h2p, eidx)
    h, xv, xt = _post_call(acc2, dinv, b2.reshape(1, D), Wv.T,
                           bv.reshape(1, D), Wt.T, bt.reshape(1, D))
    return (h, xv, xt)

# --- scband reference (transcript-rebuilt; emitter-appended) ---
"""Pipeline reference for scband-gcn-29712583754273 (READ-ONLY COPY).

The authoritative reference and input builder live on the scoring server;
editing this copy changes nothing except your own understanding.
"""

import jax, jax.numpy as jnp
import numpy as np

N_NODES = 10000
D = 128
E = 320000

def setup_inputs(seed: int = 0) -> dict:
    key = jax.random.key(seed)
    ks = jax.random.split(key, 12)
    x = jax.random.normal(ks[0], (N_NODES, D), dtype=jnp.float32)
    edge_index = jax.random.randint(ks[1], (2, E), 0, N_NODES, dtype=jnp.int64)
    s = 1.0 / np.sqrt(D)
    W1 = jax.random.uniform(ks[2], (D, D), dtype=jnp.float32, minval=-s, maxval=s)
    b1 = jnp.zeros((D,), dtype=jnp.float32)
    W2 = jax.random.uniform(ks[3], (D, D), dtype=jnp.float32, minval=-s, maxval=s)
    b2 = jnp.zeros((D,), dtype=jnp.float32)
    Wv = jax.random.uniform(ks[4], (D, D), dtype=jnp.float32, minval=-s, maxval=s)
    bv = jax.random.uniform(ks[5], (D,), dtype=jnp.float32, minval=-s, maxval=s)
    Wt = jax.random.uniform(ks[6], (D, D), dtype=jnp.float32, minval=-s, maxval=s)
    bt = jax.random.uniform(ks[7], (D,), dtype=jnp.float32, minval=-s, maxval=s)
    return {"x": x, "edge_index": edge_index, "W1": W1, "b1": b1, "W2": W2, "b2": b2, "Wv": Wv, "bv": bv, "Wt": Wt, "bt": bt}

def _gcn_norm(edge_index, num_nodes):
    # add self loops, symmetric normalization (PyG gcn_norm)
    loop = jnp.arange(num_nodes, dtype=edge_index.dtype)
    src = jnp.concatenate([edge_index[0], loop])
    dst = jnp.concatenate([edge_index[1], loop])
    deg = jnp.zeros((num_nodes,), dtype=jnp.float32).at[dst].add(1.0)
    dinv = jnp.where(deg > 0, 1.0 / jnp.sqrt(deg), 0.0)
    norm = dinv[src] * dinv[dst]
    return src, dst, norm

def _gcn_conv(x, src, dst, norm, W, b, num_nodes):
    h = x @ W.T
    msgs = h[src] * norm[:, None]
    out = jnp.zeros((num_nodes, h.shape[1]), dtype=h.dtype).at[dst].add(msgs)
    return out + b

def reference(x, edge_index, W1, b1, W2, b2, Wv, bv, Wt, bt):
    n = x.shape[0]
    src, dst, norm = _gcn_norm(edge_index, n)
    # layer 1 + relu (dropout inactive in eval)
    h = _gcn_conv(x, src, dst, norm, W1, b1, n)
    h = jax.nn.relu(h)
    # layer 2 (last layer: no relu)
    h = _gcn_conv(h, src, dst, norm, W2, b2, n)
    x_vision = jax.nn.relu(h @ Wv.T + bv)
    x_text = jax.nn.relu(h @ Wt.T + bt)
    return (h, x_vision, x_text)

if __name__ == "__main__":
    import jax
    _d = setup_inputs()
    print(jax.jit(kernel)(*tuple(_d.values())))

</pallas_src>

<mosaic_0001>
#map = affine_map<(d0, d1) -> (0)>
#map1 = affine_map<(d0, d1) -> (0, 0, 0)>
module attributes {stable_mosaic.version = 14 : i64} {
  func.func @_deg_kernel(%arg0: i32, %arg1: i32, %arg2: memref<320000xi32, #tpu.memory_space<hbm>>, %arg3: memref<10x32x1000xf32, #tpu.memory_space<hbm>>, %arg4: memref<10000xi32, #tpu.memory_space<vmem>>, %arg5: memref<10000xf32, #tpu.memory_space<vmem>>) attributes {dimension_semantics = [#tpu.dimension_semantics<core_parallel>, #tpu.dimension_semantics<subcore_parallel>], iteration_bounds = array<i64: 2, 16>, scalar_prefetch = 0 : i64, scratch_operands = 2 : i64, tpu.core_type = #tpu.core_type<sc_vector_subcore>, window_params = [{transform_indices = #map}, {transform_indices = #map1}]} {
    %mul3A = arith.constant 2 : i32
    %mul3A_0 = arith.muli %arg1, %mul3A : i32
    %add3A = arith.addi %mul3A_0, %arg0 : i32
    %broadcast_in_dim3A = arith.constant 0.000000e+00 : f32
    %broadcast_in_dim3A_1 = vector.broadcast %broadcast_in_dim3A : f32 to vector<16xf32>
    %scan3A = arith.constant 0 : i32
    %scan3A_2 = arith.constant 0 : i32
    %scan3A_3 = arith.constant 625 : i32
    %scan3A_4 = arith.addi %scan3A_2, %scan3A_3 : i32
    %scan3A_5 = arith.constant 1 : i32
    scf.for %scan3A_26 = %scan3A_2 to %scan3A_4 step %scan3A_5  : i32 {
      %mul3A_27 = arith.constant 16 : i32
      %mul3A_28 = arith.muli %scan3A_26, %mul3A_27 : i32
      %swap3A = arith.index_cast %mul3A_28 : i32 to index
      %swap3A_29 = tpu.vector_load %arg5[%swap3A] {strides = array<i32>} : memref<10000xf32, #tpu.memory_space<vmem>>, vector<16xf32>,
      tpu.vector_store %arg5[%swap3A], %broadcast_in_dim3A_1 {strides = array<i32>} : memref<10000xf32, #tpu.memory_space<vmem>>, vector<16xf32>,
    }
    %scan3A_6 = arith.constant 625 : i32
    %broadcast_in_dim3A_7 = arith.constant 1.000000e+00 : f32
    %broadcast_in_dim3A_8 = vector.broadcast %broadcast_in_dim3A_7 : f32 to vector<16xf32>
    %mul3A_9 = arith.constant 10000 : i32
    %mul3A_10 = arith.muli %add3A, %mul3A_9 : i32
    "tpu.region"() ({
      %run_scoped3A_26 = tpu.sem_alloc : memref<!tpu.dma_semaphore, #tpu.memory_space<semaphore_mem>>
      %dma_start3A = tpu.memref_slice %arg2[%mul3A_10] : memref<320000xi32, #tpu.memory_space<hbm>> -> memref<10000xi32, #tpu.memory_space<hbm>>
      %dma_start3A_27 = tpu.memref_slice %arg2[%mul3A_10] : memref<320000xi32, #tpu.memory_space<hbm>> -> memref<10000xi32, #tpu.memory_space<hbm>>
      tpu.enqueue_dma source(%dma_start3A_27 : memref<10000xi32, #tpu.memory_space<hbm>>) target(%arg4 : memref<10000xi32, #tpu.memory_space<vmem>>) target_semaphore(%run_scoped3A_26 : memref<!tpu.dma_semaphore, #tpu.memory_space<semaphore_mem>>)
      %dma_wait3A = tpu.memref_slice %arg2[%mul3A_10] : memref<320000xi32, #tpu.memory_space<hbm>> -> memref<10000xi32, #tpu.memory_space<hbm>>
      %dma_wait3A_28 = tpu.memref_slice %arg2[%mul3A_10] : memref<320000xi32, #tpu.memory_space<hbm>> -> memref<10000xi32, #tpu.memory_space<hbm>>
      tpu.wait_dma2 semaphore(%run_scoped3A_26 : memref<!tpu.dma_semaphore, #tpu.memory_space<semaphore_mem>>) src(%dma_wait3A_28 : memref<10000xi32, #tpu.memory_space<hbm>>) dst(%arg4 : memref<10000xi32, #tpu.memory_space<vmem>>)
      tpu.yield
    }) : () -> ()
    %scan3A_11 = arith.constant 0 : i32
    %scan3A_12 = arith.constant 0 : i32
    %scan3A_13 = arith.constant 625 : i32
    %scan3A_14 = arith.addi %scan3A_12, %scan3A_13 : i32
    %scan3A_15 = arith.constant 1 : i32
    scf.for %scan3A_26 = %scan3A_12 to %scan3A_14 step %scan3A_15  : i32 {
      %mul3A_27 = arith.constant 16 : i32
      %mul3A_28 = arith.muli %scan3A_26, %mul3A_27 : i32
      %get3A = arith.index_cast %mul3A_28 : i32 to index
      %get3A_29 = tpu.vector_load %arg4[%get3A] {strides = array<i32>} : memref<10000xi32, #tpu.memory_space<vmem>>, vector<16xi32>,
      tpu.vector_store_idx %arg5[%get3A_29], %broadcast_in_dim3A_8 {add = true} : memref<10000xf32, #tpu.memory_space<vmem>>[vector<16xi32>], vector<16xf32>,
    }
    %scan3A_16 = arith.constant 625 : i32
    %run_scoped3A = arith.constant 0 : i32
    "tpu.region"() ({
      %run_scoped3A_26 = tpu.sem_alloc : memref<!tpu.dma_semaphore, #tpu.memory_space<semaphore_mem>>
      %dma_start3A = arith.constant 0 : i32
      %dma_start3A_27 = tpu.memref_slice %arg5[%dma_start3A] : memref<10000xf32, #tpu.memory_space<vmem>> -> memref<1000xf32, #tpu.memory_space<vmem>>
      %dma_start3A_28 = arith.constant 0 : i32
      %dma_start3A_29 = tpu.memref_slice %arg3[%run_scoped3A, %add3A, %dma_start3A_28] : memref<10x32x1000xf32, #tpu.memory_space<hbm>> -> memref<1x1x1000xf32, #tpu.memory_space<hbm>>
      %dma_start3A_30 = tpu.memref_squeeze %dma_start3A_29 : memref<1x1x1000xf32, #tpu.memory_space<hbm>> -> memref<1000xf32, #tpu.memory_space<hbm>>
      %dma_start3A_31 = arith.constant 0 : i32
      %dma_start3A_32 = tpu.memref_slice %arg3[%run_scoped3A, %add3A, %dma_start3A_31] : memref<10x32x1000xf32, #tpu.memory_space<hbm>> -> memref<1x1x1000xf32, #tpu.memory_space<hbm>>
      %dma_start3A_33 = tpu.memref_squeeze %dma_start3A_32 : memref<1x1x1000xf32, #tpu.memory_space<hbm>> -> memref<1000xf32, #tpu.memory_space<hbm>>
      %dma_start3A_34 = arith.constant 0 : i32
      %dma_start3A_35 = tpu.memref_slice %arg5[%dma_start3A_34] : memref<10000xf32, #tpu.memory_space<vmem>> -> memref<1000xf32, #tpu.memory_space<vmem>>
      tpu.enqueue_dma source(%dma_start3A_35 : memref<1000xf32, #tpu.memory_space<vmem>>) target(%dma_start3A_33 : memref<1000xf32, #tpu.memory_space<hbm>>) target_semaphore(%run_scoped3A_26 : memref<!tpu.dma_semaphore, #tpu.memory_space<semaphore_mem>>)
      %dma_wait3A = arith.constant 0 : i32
      %dma_wait3A_36 = tpu.memref_slice %arg5[%dma_wait3A] : memref<10000xf32, #tpu.memory_space<vmem>> -> memref<1000xf32, #tpu.memory_space<vmem>>
      %dma_wait3A_37 = arith.constant 0 : i32
      %dma_wait3A_38 = tpu.memref_slice %arg3[%run_scoped3A, %add3A, %dma_wait3A_37] : memref<10x32x1000xf32, #tpu.memory_space<hbm>> -> memref<1x1x1000xf32, #tpu.memory_space<hbm>>
      %dma_wait3A_39 = tpu.memref_squeeze %dma_wait3A_38 : memref<1x1x1000xf32, #tpu.memory_space<hbm>> -> memref<1000xf32, #tpu.memory_space<hbm>>
      %dma_wait3A_40 = arith.constant 0 : i32
      %dma_wait3A_41 = tpu.memref_slice %arg3[%run_scoped3A, %add3A, %dma_wait3A_40] : memref<10x32x1000xf32, #tpu.memory_space<hbm>> -> memref<1x1x1000xf32, #tpu.memory_space<hbm>>
      %dma_wait3A_42 = tpu.memref_squeeze %dma_wait3A_41 : memref<1x1x1000xf32, #tpu.memory_space<hbm>> -> memref<1000xf32, #tpu.memory_space<hbm>>
      %dma_wait3A_43 = arith.constant 0 : i32
      %dma_wait3A_44 = tpu.memref_slice %arg5[%dma_wait3A_43] : memref<10000xf32, #tpu.memory_space<vmem>> -> memref<1000xf32, #tpu.memory_space<vmem>>
      tpu.wait_dma2 semaphore(%run_scoped3A_26 : memref<!tpu.dma_semaphore, #tpu.memory_space<semaphore_mem>>) src(%dma_wait3A_44 : memref<1000xf32, #tpu.memory_space<vmem>>) dst(%dma_wait3A_42 : memref<1000xf32, #tpu.memory_space<hbm>>)
      tpu.yield
    }) : () -> ()
    %run_scoped3A_17 = arith.constant 1 : i32
    "tpu.region"() ({
      %run_scoped3A_26 = tpu.sem_alloc : memref<!tpu.dma_semaphore, #tpu.memory_space<semaphore_mem>>
      %dma_start3A = arith.constant 1000 : i32
      %dma_start3A_27 = tpu.memref_slice %arg5[%dma_start3A] : memref<10000xf32, #tpu.memory_space<vmem>> -> memref<1000xf32, #tpu.memory_space<vmem>>
      %dma_start3A_28 = arith.constant 0 : i32
      %dma_start3A_29 = tpu.memref_slice %arg3[%run_scoped3A_17, %add3A, %dma_start3A_28] : memref<10x32x1000xf32, #tpu.memory_space<hbm>> -> memref<1x1x1000xf32, #tpu.memory_space<hbm>>
      %dma_start3A_30 = tpu.memref_squeeze %dma_start3A_29 : memref<1x1x1000xf32, #tpu.memory_space<hbm>> -> memref<1000xf32, #tpu.memory_space<hbm>>
      %dma_start3A_31 = arith.constant 0 : i32
      %dma_start3A_32 = tpu.memref_slice %arg3[%run_scoped3A_17, %add3A, %dma_start3A_31] : memref<10x32x1000xf32, #tpu.memory_space<hbm>> -> memref<1x1x1000xf32, #tpu.memory_space<hbm>>
      %dma_start3A_33 = tpu.memref_squeeze %dma_start3A_32 : memref<1x1x1000xf32, #tpu.memory_space<hbm>> -> memref<1000xf32, #tpu.memory_space<hbm>>
      %dma_start3A_34 = arith.constant 1000 : i32
      %dma_start3A_35 = tpu.memref_slice %arg5[%dma_start3A_34] : memref<10000xf32, #tpu.memory_space<vmem>> -> memref<1000xf32, #tpu.memory_space<vmem>>
      tpu.enqueue_dma source(%dma_start3A_35 : memref<1000xf32, #tpu.memory_space<vmem>>) target(%dma_start3A_33 : memref<1000xf32, #tpu.memory_space<hbm>>) target_semaphore(%run_scoped3A_26 : memref<!tpu.dma_semaphore, #tpu.memory_space<semaphore_mem>>)
      %dma_wait3A = arith.constant 1000 : i32
      %dma_wait3A_36 = tpu.memref_slice %arg5[%dma_wait3A] : memref<10000xf32, #tpu.memory_space<vmem>> -> memref<1000xf32, #tpu.memory_space<vmem>>
      %dma_wait3A_37 = arith.constant 0 : i32
      %dma_wait3A_38 = tpu.memref_slice %arg3[%run_scoped3A_17, %add3A, %dma_wait3A_37] : memref<10x32x1000xf32, #tpu.memory_space<hbm>> -> memref<1x1x1000xf32, #tpu.memory_space<hbm>>
      %dma_wait3A_39 = tpu.memref_squeeze %dma_wait3A_38 : memref<1x1x1000xf32, #tpu.memory_space<hbm>> -> memref<1000xf32, #tpu.memory_space<hbm>>
      %dma_wait3A_40 = arith.constant 0 : i32
      %dma_wait3A_41 = tpu.memref_slice %arg3[%run_scoped3A_17, %add3A, %dma_wait3A_40] : memref<10x32x1000xf32, #tpu.memory_space<hbm>> -> memref<1x1x1000xf32, #tpu.memory_space<hbm>>
      %dma_wait3A_42 = tpu.memref_squeeze %dma_wait3A_41 : memref<1x1x1000xf32, #tpu.memory_space<hbm>> -> memref<1000xf32, #tpu.memory_space<hbm>>
      %dma_wait3A_43 = arith.constant 1000 : i32
      %dma_wait3A_44 = tpu.memref_slice %arg5[%dma_wait3A_43] : memref<10000xf32, #tpu.memory_space<vmem>> -> memref<1000xf32, #tpu.memory_space<vmem>>
      tpu.wait_dma2 semaphore(%run_scoped3A_26 : memref<!tpu.dma_semaphore, #tpu.memory_space<semaphore_mem>>) src(%dma_wait3A_44 : memref<1000xf32, #tpu.memory_space<vmem>>) dst(%dma_wait3A_42 : memref<1000xf32, #tpu.memory_space<hbm>>)
      tpu.yield
    }) : () -> ()
    %run_scoped3A_18 = arith.constant 2 : i32
    "tpu.region"() ({
      %run_scoped3A_26 = tpu.sem_alloc : memref<!tpu.dma_semaphore, #tpu.memory_space<semaphore_mem>>
      %dma_start3A = arith.constant 2000 : i32
      %dma_start3A_27 = tpu.memref_slice %arg5[%dma_start3A] : memref<10000xf32, #tpu.memory_space<vmem>> -> memref<1000xf32, #tpu.memory_space<vmem>>
      %dma_start3A_28 = arith.constant 0 : i32
      %dma_start3A_29 = tpu.memref_slice %arg3[%run_scoped3A_18, %add3A, %dma_start3A_28] : memref<10x32x1000xf32, #tpu.memory_space<hbm>> -> memref<1x1x1000xf32, #tpu.memory_space<hbm>>
      %dma_start3A_30 = tpu.memref_squeeze %dma_start3A_29 : memref<1x1x1000xf32, #tpu.memory_space<hbm>> -> memref<1000xf32, #tpu.memory_space<hbm>>
      %dma_start3A_31 = arith.constant 0 : i32
      %dma_start3A_32 = tpu.memref_slice %arg3[%run_scoped3A_18, %add3A, %dma_start3A_31] : memref<10x32x1000xf32, #tpu.memory_space<hbm>> -> memref<1x1x1000xf32, #tpu.memory_space<hbm>>
      %dma_start3A_33 = tpu.memref_squeeze %dma_start3A_32 : memref<1x1x1000xf32, #tpu.memory_space<hbm>> -> memref<1000xf32, #tpu.memory_space<hbm>>
      %dma_start3A_34 = arith.constant 2000 : i32
      %dma_start3A_35 = tpu.memref_slice %arg5[%dma_start3A_34] : memref<10000xf32, #tpu.memory_space<vmem>> -> memref<1000xf32, #tpu.memory_space<vmem>>
      tpu.enqueue_dma source(%dma_start3A_35 : memref<1000xf32, #tpu.memory_space<vmem>>) target(%dma_start3A_33 : memref<1000xf32, #tpu.memory_space<hbm>>) target_semaphore(%run_scoped3A_26 : memref<!tpu.dma_semaphore, #tpu.memory_space<semaphore_mem>>)
      %dma_wait3A = arith.constant 2000 : i32
      %dma_wait3A_36 = tpu.memref_slice %arg5[%dma_wait3A] : memref<10000xf32, #tpu.memory_space<vmem>> -> memref<1000xf32, #tpu.memory_space<vmem>>
      %dma_wait3A_37 = arith.constant 0 : i32
      %dma_wait3A_38 = tpu.memref_slice %arg3[%run_scoped3A_18, %add3A, %dma_wait3A_37] : memref<10x32x1000xf32, #tpu.memory_space<hbm>> -> memref<1x1x1000xf32, #tpu.memory_space<hbm>>
      %dma_wait3A_39 = tpu.memref_squeeze %dma_wait3A_38 : memref<1x1x1000xf32, #tpu.memory_space<hbm>> -> memref<1000xf32, #tpu.memory_space<hbm>>
      %dma_wait3A_40 = arith.constant 0 : i32
      %dma_wait3A_41 = tpu.memref_slice %arg3[%run_scoped3A_18, %add3A, %dma_wait3A_40] : memref<10x32x1000xf32, #tpu.memory_space<hbm>> -> memref<1x1x1000xf32, #tpu.memory_space<hbm>>
      %dma_wait3A_42 = tpu.memref_squeeze %dma_wait3A_41 : memref<1x1x1000xf32, #tpu.memory_space<hbm>> -> memref<1000xf32, #tpu.memory_space<hbm>>
      %dma_wait3A_43 = arith.constant 2000 : i32
      %dma_wait3A_44 = tpu.memref_slice %arg5[%dma_wait3A_43] : memref<10000xf32, #tpu.memory_space<vmem>> -> memref<1000xf32, #tpu.memory_space<vmem>>
      tpu.wait_dma2 semaphore(%run_scoped3A_26 : memref<!tpu.dma_semaphore, #tpu.memory_space<semaphore_mem>>) src(%dma_wait3A_44 : memref<1000xf32, #tpu.memory_space<vmem>>) dst(%dma_wait3A_42 : memref<1000xf32, #tpu.memory_space<hbm>>)
      tpu.yield
    }) : () -> ()
    %run_scoped3A_19 = arith.constant 3 : i32
    "tpu.region"() ({
      %run_scoped3A_26 = tpu.sem_alloc : memref<!tpu.dma_semaphore, #tpu.memory_space<semaphore_mem>>
      %dma_start3A = arith.constant 3000 : i32
      %dma_start3A_27 = tpu.memref_slice %arg5[%dma_start3A] : memref<10000xf32, #tpu.memory_space<vmem>> -> memref<1000xf32, #tpu.memory_space<vmem>>
      %dma_start3A_28 = arith.constant 0 : i32
      %dma_start3A_29 = tpu.memref_slice %arg3[%run_scoped3A_19, %add3A, %dma_start3A_28] : memref<10x32x1000xf32, #tpu.memory_space<hbm>> -> memref<1x1x1000xf32, #tpu.memory_space<hbm>>
      %dma_start3A_30 = tpu.memref_squeeze %dma_start3A_29 : memref<1x1x1000xf32, #tpu.memory_space<hbm>> -> memref<1000xf32, #tpu.memory_space<hbm>>
      %dma_start3A_31 = arith.constant 0 : i32
      %dma_start3A_32 = tpu.memref_slice %arg3[%run_scoped3A_19, %add3A, %dma_start3A_31] : memref<10x32x1000xf32, #tpu.memory_space<hbm>> -> memref<1x1x1000xf32, #tpu.memory_space<hbm>>
      %dma_start3A_33 = tpu.memref_squeeze %dma_start3A_32 : memref<1x1x1000xf32, #tpu.memory_space<hbm>> -> memref<1000xf32, #tpu.memory_space<hbm>>
      %dma_start3A_34 = arith.constant 3000 : i32
      %dma_start3A_35 = tpu.memref_slice %arg5[%dma_start3A_34] : memref<10000xf32, #tpu.memory_space<vmem>> -> memref<1000xf32, #tpu.memory_space<vmem>>
      tpu.enqueue_dma source(%dma_start3A_35 : memref<1000xf32, #tpu.memory_space<vmem>>) target(%dma_start3A_33 : memref<1000xf32, #tpu.memory_space<hbm>>) target_semaphore(%run_scoped3A_26 : memref<!tpu.dma_semaphore, #tpu.memory_space<semaphore_mem>>)
      %dma_wait3A = arith.constant 3000 : i32
      %dma_wait3A_36 = tpu.memref_slice %arg5[%dma_wait3A] : memref<10000xf32, #tpu.memory_space<vmem>> -> memref<1000xf32, #tpu.memory_space<vmem>>
      %dma_wait3A_37 = arith.constant 0 : i32
      %dma_wait3A_38 = tpu.memref_slice %arg3[%run_scoped3A_19, %add3A, %dma_wait3A_37] : memref<10x32x1000xf32, #tpu.memory_space<hbm>> -> memref<1x1x1000xf32, #tpu.memory_space<hbm>>
      %dma_wait3A_39 = tpu.memref_squeeze %dma_wait3A_38 : memref<1x1x1000xf32, #tpu.memory_space<hbm>> -> memref<1000xf32, #tpu.memory_space<hbm>>
      %dma_wait3A_40 = arith.constant 0 : i32
      %dma_wait3A_41 = tpu.memref_slice %arg3[%run_scoped3A_19, %add3A, %dma_wait3A_40] : memref<10x32x1000xf32, #tpu.memory_space<hbm>> -> memref<1x1x1000xf32, #tpu.memory_space<hbm>>
      %dma_wait3A_42 = tpu.memref_squeeze %dma_wait3A_41 : memref<1x1x1000xf32, #tpu.memory_space<hbm>> -> memref<1000xf32, #tpu.memory_space<hbm>>
      %dma_wait3A_43 = arith.constant 3000 : i32
      %dma_wait3A_44 = tpu.memref_slice %arg5[%dma_wait3A_43] : memref<10000xf32, #tpu.memory_space<vmem>> -> memref<1000xf32, #tpu.memory_space<vmem>>
      tpu.wait_dma2 semaphore(%run_scoped3A_26 : memref<!tpu.dma_semaphore, #tpu.memory_space<semaphore_mem>>) src(%dma_wait3A_44 : memref<1000xf32, #tpu.memory_space<vmem>>) dst(%dma_wait3A_42 : memref<1000xf32, #tpu.memory_space<hbm>>)
      tpu.yield
    }) : () -> ()
    %run_scoped3A_20 = arith.constant 4 : i32
    "tpu.region"() ({
      %run_scoped3A_26 = tpu.sem_alloc : memref<!tpu.dma_semaphore, #tpu.memory_space<semaphore_mem>>
      %dma_start3A = arith.constant 4000 : i32
      %dma_start3A_27 = tpu.memref_slice %arg5[%dma_start3A] : memref<10000xf32, #tpu.memory_space<vmem>> -> memref<1000xf32, #tpu.memory_space<vmem>>
      %dma_start3A_28 = arith.constant 0 : i32
      %dma_start3A_29 = tpu.memref_slice %arg3[%run_scoped3A_20, %add3A, %dma_start3A_28] : memref<10x32x1000xf32, #tpu.memory_space<hbm>> -> memref<1x1x1000xf32, #tpu.memory_space<hbm>>
      %dma_start3A_30 = tpu.memref_squeeze %dma_start3A_29 : memref<1x1x1000xf32, #tpu.memory_space<hbm>> -> memref<1000xf32, #tpu.memory_space<hbm>>
      %dma_start3A_31 = arith.constant 0 : i32
      %dma_start3A_32 = tpu.memref_slice %arg3[%run_scoped3A_20, %add3A, %dma_start3A_31] : memref<10x32x1000xf32, #tpu.memory_space<hbm>> -> memref<1x1x1000xf32, #tpu.memory_space<hbm>>
      %dma_start3A_33 = tpu.memref_squeeze %dma_start3A_32 : memref<1x1x1000xf32, #tpu.memory_space<hbm>> -> memref<1000xf32, #tpu.memory_space<hbm>>
      %dma_start3A_34 = arith.constant 4000 : i32
      %dma_start3A_35 = tpu.memref_slice %arg5[%dma_start3A_34] : memref<10000xf32, #tpu.memory_space<vmem>> -> memref<1000xf32, #tpu.memory_space<vmem>>
      tpu.enqueue_dma source(%dma_start3A_35 : memref<1000xf32, #tpu.memory_space<vmem>>) target(%dma_start3A_33 : memref<1000xf32, #tpu.memory_space<hbm>>) target_semaphore(%run_scoped3A_26 : memref<!tpu.dma_semaphore, #tpu.memory_space<semaphore_mem>>)
      %dma_wait3A = arith.constant 4000 : i32
      %dma_wait3A_36 = tpu.memref_slice %arg5[%dma_wait3A] : memref<10000xf32, #tpu.memory_space<vmem>> -> memref<1000xf32, #tpu.memory_space<vmem>>
      %dma_wait3A_37 = arith.constant 0 : i32
      %dma_wait3A_38 = tpu.memref_slice %arg3[%run_scoped3A_20, %add3A, %dma_wait3A_37] : memref<10x32x1000xf32, #tpu.memory_space<hbm>> -> memref<1x1x1000xf32, #tpu.memory_space<hbm>>
      %dma_wait3A_39 = tpu.memref_squeeze %dma_wait3A_38 : memref<1x1x1000xf32, #tpu.memory_space<hbm>> -> memref<1000xf32, #tpu.memory_space<hbm>>
      %dma_wait3A_40 = arith.constant 0 : i32
      %dma_wait3A_41 = tpu.memref_slice %arg3[%run_scoped3A_20, %add3A, %dma_wait3A_40] : memref<10x32x1000xf32, #tpu.memory_space<hbm>> -> memref<1x1x1000xf32, #tpu.memory_space<hbm>>
      %dma_wait3A_42 = tpu.memref_squeeze %dma_wait3A_41 : memref<1x1x1000xf32, #tpu.memory_space<hbm>> -> memref<1000xf32, #tpu.memory_space<hbm>>
      %dma_wait3A_43 = arith.constant 4000 : i32
      %dma_wait3A_44 = tpu.memref_slice %arg5[%dma_wait3A_43] : memref<10000xf32, #tpu.memory_space<vmem>> -> memref<1000xf32, #tpu.memory_space<vmem>>
      tpu.wait_dma2 semaphore(%run_scoped3A_26 : memref<!tpu.dma_semaphore, #tpu.memory_space<semaphore_mem>>) src(%dma_wait3A_44 : memref<1000xf32, #tpu.memory_space<vmem>>) dst(%dma_wait3A_42 : memref<1000xf32, #tpu.memory_space<hbm>>)
      tpu.yield
    }) : () -> ()
    %run_scoped3A_21 = arith.constant 5 : i32
    "tpu.region"() ({
      %run_scoped3A_26 = tpu.sem_alloc : memref<!tpu.dma_semaphore, #tpu.memory_space<semaphore_mem>>
      %dma_start3A = arith.constant 5000 : i32
      %dma_start3A_27 = tpu.memref_slice %arg5[%dma_start3A] : memref<10000xf32, #tpu.memory_space<vmem>> -> memref<1000xf32, #tpu.memory_space<vmem>>
      %dma_start3A_28 = arith.constant 0 : i32
      %dma_start3A_29 = tpu.memref_slice %arg3[%run_scoped3A_21, %add3A, %dma_start3A_28] : memref<10x32x1000xf32, #tpu.memory_space<hbm>> -> memref<1x1x1000xf32, #tpu.memory_space<hbm>>
      %dma_start3A_30 = tpu.memref_squeeze %dma_start3A_29 : memref<1x1x1000xf32, #tpu.memory_space<hbm>> -> memref<1000xf32, #tpu.memory_space<hbm>>
      %dma_start3A_31 = arith.constant 0 : i32
      %dma_start3A_32 = tpu.memref_slice %arg3[%run_scoped3A_21, %add3A, %dma_start3A_31] : memref<10x32x1000xf32, #tpu.memory_space<hbm>> -> memref<1x1x1000xf32, #tpu.memory_space<hbm>>
      %dma_start3A_33 = tpu.memref_squeeze %dma_start3A_32 : memref<1x1x1000xf32, #tpu.memory_space<hbm>> -> memref<1000xf32, #tpu.memory_space<hbm>>
      %dma_start3A_34 = arith.constant 5000 : i32
      %dma_start3A_35 = tpu.memref_slice %arg5[%dma_start3A_34] : memref<10000xf32, #tpu.memory_space<vmem>> -> memref<1000xf32, #tpu.memory_space<vmem>>
      tpu.enqueue_dma source(%dma_start3A_35 : memref<1000xf32, #tpu.memory_space<vmem>>) target(%dma_start3A_33 : memref<1000xf32, #tpu.memory_space<hbm>>) target_semaphore(%run_scoped3A_26 : memref<!tpu.dma_semaphore, #tpu.memory_space<semaphore_mem>>)
      %dma_wait3A = arith.constant 5000 : i32
      %dma_wait3A_36 = tpu.memref_slice %arg5[%dma_wait3A] : memref<10000xf32, #tpu.memory_space<vmem>> -> memref<1000xf32, #tpu.memory_space<vmem>>
      %dma_wait3A_37 = arith.constant 0 : i32
      %dma_wait3A_38 = tpu.memref_slice %arg3[%run_scoped3A_21, %add3A, %dma_wait3A_37] : memref<10x32x1000xf32, #tpu.memory_space<hbm>> -> memref<1x1x1000xf32, #tpu.memory_space<hbm>>
      %dma_wait3A_39 = tpu.memref_squeeze %dma_wait3A_38 : memref<1x1x1000xf32, #tpu.memory_space<hbm>> -> memref<1000xf32, #tpu.memory_space<hbm>>
      %dma_wait3A_40 = arith.constant 0 : i32
      %dma_wait3A_41 = tpu.memref_slice %arg3[%run_scoped3A_21, %add3A, %dma_wait3A_40] : memref<10x32x1000xf32, #tpu.memory_space<hbm>> -> memref<1x1x1000xf32, #tpu.memory_space<hbm>>
      %dma_wait3A_42 = tpu.memref_squeeze %dma_wait3A_41 : memref<1x1x1000xf32, #tpu.memory_space<hbm>> -> memref<1000xf32, #tpu.memory_space<hbm>>
      %dma_wait3A_43 = arith.constant 5000 : i32
      %dma_wait3A_44 = tpu.memref_slice %arg5[%dma_wait3A_43] : memref<10000xf32, #tpu.memory_space<vmem>> -> memref<1000xf32, #tpu.memory_space<vmem>>
      tpu.wait_dma2 semaphore(%run_scoped3A_26 : memref<!tpu.dma_semaphore, #tpu.memory_space<semaphore_mem>>) src(%dma_wait3A_44 : memref<1000xf32, #tpu.memory_space<vmem>>) dst(%dma_wait3A_42 : memref<1000xf32, #tpu.memory_space<hbm>>)
      tpu.yield
    }) : () -> ()
    %run_scoped3A_22 = arith.constant 6 : i32
    "tpu.region"() ({
      %run_scoped3A_26 = tpu.sem_alloc : memref<!tpu.dma_semaphore, #tpu.memory_space<semaphore_mem>>
      %dma_start3A = arith.constant 6000 : i32
      %dma_start3A_27 = tpu.memref_slice %arg5[%dma_start3A] : memref<10000xf32, #tpu.memory_space<vmem>> -> memref<1000xf32, #tpu.memory_space<vmem>>
      %dma_start3A_28 = arith.constant 0 : i32
      %dma_start3A_29 = tpu.memref_slice %arg3[%run_scoped3A_22, %add3A, %dma_start3A_28] : memref<10x32x1000xf32, #tpu.memory_space<hbm>> -> memref<1x1x1000xf32, #tpu.memory_space<hbm>>
      %dma_start3A_30 = tpu.memref_squeeze %dma_start3A_29 : memref<1x1x1000xf32, #tpu.memory_space<hbm>> -> memref<1000xf32, #tpu.memory_space<hbm>>
      %dma_start3A_31 = arith.constant 0 : i32
      %dma_start3A_32 = tpu.memref_slice %arg3[%run_scoped3A_22, %add3A, %dma_start3A_31] : memref<10x32x1000xf32, #tpu.memory_space<hbm>> -> memref<1x1x1000xf32, #tpu.memory_space<hbm>>
      %dma_start3A_33 = tpu.memref_squeeze %dma_start3A_32 : memref<1x1x1000xf32, #tpu.memory_space<hbm>> -> memref<1000xf32, #tpu.memory_space<hbm>>
      %dma_start3A_34 = arith.constant 6000 : i32
      %dma_start3A_35 = tpu.memref_slice %arg5[%dma_start3A_34] : memref<10000xf32, #tpu.memory_space<vmem>> -> memref<1000xf32, #tpu.memory_space<vmem>>
      tpu.enqueue_dma source(%dma_start3A_35 : memref<1000xf32, #tpu.memory_space<vmem>>) target(%dma_start3A_33 : memref<1000xf32, #tpu.memory_space<hbm>>) target_semaphore(%run_scoped3A_26 : memref<!tpu.dma_semaphore, #tpu.memory_space<semaphore_mem>>)
      %dma_wait3A = arith.constant 6000 : i32
      %dma_wait3A_36 = tpu.memref_slice %arg5[%dma_wait3A] : memref<10000xf32, #tpu.memory_space<vmem>> -> memref<1000xf32, #tpu.memory_space<vmem>>
      %dma_wait3A_37 = arith.constant 0 : i32
      %dma_wait3A_38 = tpu.memref_slice %arg3[%run_scoped3A_22, %add3A, %dma_wait3A_37] : memref<10x32x1000xf32, #tpu.memory_space<hbm>> -> memref<1x1x1000xf32, #tpu.memory_space<hbm>>
      %dma_wait3A_39 = tpu.memref_squeeze %dma_wait3A_38 : memref<1x1x1000xf32, #tpu.memory_space<hbm>> -> memref<1000xf32, #tpu.memory_space<hbm>>
      %dma_wait3A_40 = arith.constant 0 : i32
      %dma_wait3A_41 = tpu.memref_slice %arg3[%run_scoped3A_22, %add3A, %dma_wait3A_40] : memref<10x32x1000xf32, #tpu.memory_space<hbm>> -> memref<1x1x1000xf32, #tpu.memory_space<hbm>>
      %dma_wait3A_42 = tpu.memref_squeeze %dma_wait3A_41 : memref<1x1x1000xf32, #tpu.memory_space<hbm>> -> memref<1000xf32, #tpu.memory_space<hbm>>
      %dma_wait3A_43 = arith.constant 6000 : i32
      %dma_wait3A_44 = tpu.memref_slice %arg5[%dma_wait3A_43] : memref<10000xf32, #tpu.memory_space<vmem>> -> memref<1000xf32, #tpu.memory_space<vmem>>
      tpu.wait_dma2 semaphore(%run_scoped3A_26 : memref<!tpu.dma_semaphore, #tpu.memory_space<semaphore_mem>>) src(%dma_wait3A_44 : memref<1000xf32, #tpu.memory_space<vmem>>) dst(%dma_wait3A_42 : memref<1000xf32, #tpu.memory_space<hbm>>)
      tpu.yield
    }) : () -> ()
    %run_scoped3A_23 = arith.constant 7 : i32
    "tpu.region"() ({
      %run_scoped3A_26 = tpu.sem_alloc : memref<!tpu.dma_semaphore, #tpu.memory_space<semaphore_mem>>
      %dma_start3A = arith.constant 7000 : i32
      %dma_start3A_27 = tpu.memref_slice %arg5[%dma_start3A] : memref<10000xf32, #tpu.memory_space<vmem>> -> memref<1000xf32, #tpu.memory_space<vmem>>
      %dma_start3A_28 = arith.constant 0 : i32
      %dma_start3A_29 = tpu.memref_slice %arg3[%run_scoped3A_23, %add3A, %dma_start3A_28] : memref<10x32x1000xf32, #tpu.memory_space<hbm>> -> memref<1x1x1000xf32, #tpu.memory_space<hbm>>
      %dma_start3A_30 = tpu.memref_squeeze %dma_start3A_29 : memref<1x1x1000xf32, #tpu.memory_space<hbm>> -> memref<1000xf32, #tpu.memory_space<hbm>>
      %dma_start3A_31 = arith.constant 0 : i32
      %dma_start3A_32 = tpu.memref_slice %arg3[%run_scoped3A_23, %add3A, %dma_start3A_31] : memref<10x32x1000xf32, #tpu.memory_space<hbm>> -> memref<1x1x1000xf32, #tpu.memory_space<hbm>>
      %dma_start3A_33 = tpu.memref_squeeze %dma_start3A_32 : memref<1x1x1000xf32, #tpu.memory_space<hbm>> -> memref<1000xf32, #tpu.memory_space<hbm>>
      %dma_start3A_34 = arith.constant 7000 : i32
      %dma_start3A_35 = tpu.memref_slice %arg5[%dma_start3A_34] : memref<10000xf32, #tpu.memory_space<vmem>> -> memref<1000xf32, #tpu.memory_space<vmem>>
      tpu.enqueue_dma source(%dma_start3A_35 : memref<1000xf32, #tpu.memory_space<vmem>>) target(%dma_start3A_33 : memref<1000xf32, #tpu.memory_space<hbm>>) target_semaphore(%run_scoped3A_26 : memref<!tpu.dma_semaphore, #tpu.memory_space<semaphore_mem>>)
      %dma_wait3A = arith.constant 7000 : i32
      %dma_wait3A_36 = tpu.memref_slice %arg5[%dma_wait3A] : memref<10000xf32, #tpu.memory_space<vmem>> -> memref<1000xf32, #tpu.memory_space<vmem>>
      %dma_wait3A_37 = arith.constant 0 : i32
      %dma_wait3A_38 = tpu.memref_slice %arg3[%run_scoped3A_23, %add3A, %dma_wait3A_37] : memref<10x32x1000xf32, #tpu.memory_space<hbm>> -> memref<1x1x1000xf32, #tpu.memory_space<hbm>>
      %dma_wait3A_39 = tpu.memref_squeeze %dma_wait3A_38 : memref<1x1x1000xf32, #tpu.memory_space<hbm>> -> memref<1000xf32, #tpu.memory_space<hbm>>
      %dma_wait3A_40 = arith.constant 0 : i32
      %dma_wait3A_41 = tpu.memref_slice %arg3[%run_scoped3A_23, %add3A, %dma_wait3A_40] : memref<10x32x1000xf32, #tpu.memory_space<hbm>> -> memref<1x1x1000xf32, #tpu.memory_space<hbm>>
      %dma_wait3A_42 = tpu.memref_squeeze %dma_wait3A_41 : memref<1x1x1000xf32, #tpu.memory_space<hbm>> -> memref<1000xf32, #tpu.memory_space<hbm>>
      %dma_wait3A_43 = arith.constant 7000 : i32
      %dma_wait3A_44 = tpu.memref_slice %arg5[%dma_wait3A_43] : memref<10000xf32, #tpu.memory_space<vmem>> -> memref<1000xf32, #tpu.memory_space<vmem>>
      tpu.wait_dma2 semaphore(%run_scoped3A_26 : memref<!tpu.dma_semaphore, #tpu.memory_space<semaphore_mem>>) src(%dma_wait3A_44 : memref<1000xf32, #tpu.memory_space<vmem>>) dst(%dma_wait3A_42 : memref<1000xf32, #tpu.memory_space<hbm>>)
      tpu.yield
    }) : () -> ()
    %run_scoped3A_24 = arith.constant 8 : i32
    "tpu.region"() ({
      %run_scoped3A_26 = tpu.sem_alloc : memref<!tpu.dma_semaphore, #tpu.memory_space<semaphore_mem>>
      %dma_start3A = arith.constant 8000 : i32
      %dma_start3A_27 = tpu.memref_slice %arg5[%dma_start3A] : memref<10000xf32, #tpu.memory_space<vmem>> -> memref<1000xf32, #tpu.memory_space<vmem>>
      %dma_start3A_28 = arith.constant 0 : i32
      %dma_start3A_29 = tpu.memref_slice %arg3[%run_scoped3A_24, %add3A, %dma_start3A_28] : memref<10x32x1000xf32, #tpu.memory_space<hbm>> -> memref<1x1x1000xf32, #tpu.memory_space<hbm>>
      %dma_start3A_30 = tpu.memref_squeeze %dma_start3A_29 : memref<1x1x1000xf32, #tpu.memory_space<hbm>> -> memref<1000xf32, #tpu.memory_space<hbm>>
      %dma_start3A_31 = arith.constant 0 : i32
      %dma_start3A_32 = tpu.memref_slice %arg3[%run_scoped3A_24, %add3A, %dma_start3A_31] : memref<10x32x1000xf32, #tpu.memory_space<hbm>> -> memref<1x1x1000xf32, #tpu.memory_space<hbm>>
      %dma_start3A_33 = tpu.memref_squeeze %dma_start3A_32 : memref<1x1x1000xf32, #tpu.memory_space<hbm>> -> memref<1000xf32, #tpu.memory_space<hbm>>
      %dma_start3A_34 = arith.constant 8000 : i32
      %dma_start3A_35 = tpu.memref_slice %arg5[%dma_start3A_34] : memref<10000xf32, #tpu.memory_space<vmem>> -> memref<1000xf32, #tpu.memory_space<vmem>>
      tpu.enqueue_dma source(%dma_start3A_35 : memref<1000xf32, #tpu.memory_space<vmem>>) target(%dma_start3A_33 : memref<1000xf32, #tpu.memory_space<hbm>>) target_semaphore(%run_scoped3A_26 : memref<!tpu.dma_semaphore, #tpu.memory_space<semaphore_mem>>)
      %dma_wait3A = arith.constant 8000 : i32
      %dma_wait3A_36 = tpu.memref_slice %arg5[%dma_wait3A] : memref<10000xf32, #tpu.memory_space<vmem>> -> memref<1000xf32, #tpu.memory_space<vmem>>
      %dma_wait3A_37 = arith.constant 0 : i32
      %dma_wait3A_38 = tpu.memref_slice %arg3[%run_scoped3A_24, %add3A, %dma_wait3A_37] : memref<10x32x1000xf32, #tpu.memory_space<hbm>> -> memref<1x1x1000xf32, #tpu.memory_space<hbm>>
      %dma_wait3A_39 = tpu.memref_squeeze %dma_wait3A_38 : memref<1x1x1000xf32, #tpu.memory_space<hbm>> -> memref<1000xf32, #tpu.memory_space<hbm>>
      %dma_wait3A_40 = arith.constant 0 : i32
      %dma_wait3A_41 = tpu.memref_slice %arg3[%run_scoped3A_24, %add3A, %dma_wait3A_40] : memref<10x32x1000xf32, #tpu.memory_space<hbm>> -> memref<1x1x1000xf32, #tpu.memory_space<hbm>>
      %dma_wait3A_42 = tpu.memref_squeeze %dma_wait3A_41 : memref<1x1x1000xf32, #tpu.memory_space<hbm>> -> memref<1000xf32, #tpu.memory_space<hbm>>
      %dma_wait3A_43 = arith.constant 8000 : i32
      %dma_wait3A_44 = tpu.memref_slice %arg5[%dma_wait3A_43] : memref<10000xf32, #tpu.memory_space<vmem>> -> memref<1000xf32, #tpu.memory_space<vmem>>
      tpu.wait_dma2 semaphore(%run_scoped3A_26 : memref<!tpu.dma_semaphore, #tpu.memory_space<semaphore_mem>>) src(%dma_wait3A_44 : memref<1000xf32, #tpu.memory_space<vmem>>) dst(%dma_wait3A_42 : memref<1000xf32, #tpu.memory_space<hbm>>)
      tpu.yield
    }) : () -> ()
    %run_scoped3A_25 = arith.constant 9 : i32
    "tpu.region"() ({
      %run_scoped3A_26 = tpu.sem_alloc : memref<!tpu.dma_semaphore, #tpu.memory_space<semaphore_mem>>
      %dma_start3A = arith.constant 9000 : i32
      %dma_start3A_27 = tpu.memref_slice %arg5[%dma_start3A] : memref<10000xf32, #tpu.memory_space<vmem>> -> memref<1000xf32, #tpu.memory_space<vmem>>
      %dma_start3A_28 = arith.constant 0 : i32
      %dma_start3A_29 = tpu.memref_slice %arg3[%run_scoped3A_25, %add3A, %dma_start3A_28] : memref<10x32x1000xf32, #tpu.memory_space<hbm>> -> memref<1x1x1000xf32, #tpu.memory_space<hbm>>
      %dma_start3A_30 = tpu.memref_squeeze %dma_start3A_29 : memref<1x1x1000xf32, #tpu.memory_space<hbm>> -> memref<1000xf32, #tpu.memory_space<hbm>>
      %dma_start3A_31 = arith.constant 0 : i32
      %dma_start3A_32 = tpu.memref_slice %arg3[%run_scoped3A_25, %add3A, %dma_start3A_31] : memref<10x32x1000xf32, #tpu.memory_space<hbm>> -> memref<1x1x1000xf32, #tpu.memory_space<hbm>>
      %dma_start3A_33 = tpu.memref_squeeze %dma_start3A_32 : memref<1x1x1000xf32, #tpu.memory_space<hbm>> -> memref<1000xf32, #tpu.memory_space<hbm>>
      %dma_start3A_34 = arith.constant 9000 : i32
      %dma_start3A_35 = tpu.memref_slice %arg5[%dma_start3A_34] : memref<10000xf32, #tpu.memory_space<vmem>> -> memref<1000xf32, #tpu.memory_space<vmem>>
      tpu.enqueue_dma source(%dma_start3A_35 : memref<1000xf32, #tpu.memory_space<vmem>>) target(%dma_start3A_33 : memref<1000xf32, #tpu.memory_space<hbm>>) target_semaphore(%run_scoped3A_26 : memref<!tpu.dma_semaphore, #tpu.memory_space<semaphore_mem>>)
      %dma_wait3A = arith.constant 9000 : i32
      %dma_wait3A_36 = tpu.memref_slice %arg5[%dma_wait3A] : memref<10000xf32, #tpu.memory_space<vmem>> -> memref<1000xf32, #tpu.memory_space<vmem>>
      %dma_wait3A_37 = arith.constant 0 : i32
      %dma_wait3A_38 = tpu.memref_slice %arg3[%run_scoped3A_25, %add3A, %dma_wait3A_37] : memref<10x32x1000xf32, #tpu.memory_space<hbm>> -> memref<1x1x1000xf32, #tpu.memory_space<hbm>>
      %dma_wait3A_39 = tpu.memref_squeeze %dma_wait3A_38 : memref<1x1x1000xf32, #tpu.memory_space<hbm>> -> memref<1000xf32, #tpu.memory_space<hbm>>
      %dma_wait3A_40 = arith.constant 0 : i32
      %dma_wait3A_41 = tpu.memref_slice %arg3[%run_scoped3A_25, %add3A, %dma_wait3A_40] : memref<10x32x1000xf32, #tpu.memory_space<hbm>> -> memref<1x1x1000xf32, #tpu.memory_space<hbm>>
      %dma_wait3A_42 = tpu.memref_squeeze %dma_wait3A_41 : memref<1x1x1000xf32, #tpu.memory_space<hbm>> -> memref<1000xf32, #tpu.memory_space<hbm>>
      %dma_wait3A_43 = arith.constant 9000 : i32
      %dma_wait3A_44 = tpu.memref_slice %arg5[%dma_wait3A_43] : memref<10000xf32, #tpu.memory_space<vmem>> -> memref<1000xf32, #tpu.memory_space<vmem>>
      tpu.wait_dma2 semaphore(%run_scoped3A_26 : memref<!tpu.dma_semaphore, #tpu.memory_space<semaphore_mem>>) src(%dma_wait3A_44 : memref<1000xf32, #tpu.memory_space<vmem>>) dst(%dma_wait3A_42 : memref<1000xf32, #tpu.memory_space<hbm>>)
      tpu.yield
    }) : () -> ()
    return
  }
}

#map = affine_map<(d0, d1) -> (0, 0)>
#map1 = affine_map<(d0, d1) -> (0, 0, 0)>
module attributes {stable_mosaic.version = 14 : i64} {
  func.func @_agg_kernel(%arg0: i32, %arg1: i32, %arg2: memref<10000x128xf32, #tpu.memory_space<hbm>>, %arg3: memref<4000x2x80xi32, #tpu.memory_space<hbm>>, %arg4: memref<2x10000x128xf32, #tpu.memory_space<hbm>>, %arg5: memref<2x80xi32, #tpu.memory_space<vmem>>, %arg6: memref<2x80xi32, #tpu.memory_space<vmem>>, %arg7: memref<2x80xi32, #tpu.memory_space<vmem>>, %arg8: memref<2x80xi32, #tpu.memory_space<vmem>>, %arg9: memref<4x80x128xf32, #tpu.memory_space<vmem>>, %arg10: memref<10000x128xf32, #tpu.memory_space<vmem_shared>>, %arg11: memref<4x!tpu.dma_semaphore, #tpu.memory_space<semaphore_mem>>, %arg12: memref<4x!tpu.dma_semaphore, #tpu.memory_space<semaphore_mem>>, %arg13: memref<4x!tpu.dma_semaphore, #tpu.memory_space<semaphore_mem>>) attributes {dimension_semantics = [#tpu.dimension_semantics<core_parallel>, #tpu.dimension_semantics<subcore_parallel>], iteration_bounds = array<i64: 2, 16>, scalar_prefetch = 0 : i64, scratch_operands = 9 : i64, tpu.core_type = #tpu.core_type<sc_vector_subcore>, window_params = [{transform_indices = #map}, {transform_indices = #map1}, {transform_indices = #map1}]} {
    %mul3A = arith.constant 2 : i32
    %mul3A_0 = arith.muli %arg1, %mul3A : i32
    %add3A = arith.addi %mul3A_0, %arg0 : i32
    %mul3A_1 = arith.constant 125 : i32
    %mul3A_2 = arith.muli %add3A, %mul3A_1 : i32
    %mul3A_3 = arith.constant 624 : i32
    %mul3A_4 = arith.muli %arg1, %mul3A_3 : i32
    %eq3A = arith.constant 0 : i32
    %eq3A_5 = arith.cmpi eq, %arg0, %eq3A : i32
    %convert_element_type3A = arith.extui %eq3A_5 : i1 to i32
    %cond3A = arith.constant 0 : i32
    %cond3A_6 = arith.cmpi ne, %convert_element_type3A, %cond3A : i32
    scf.if %cond3A_6 {
      %lt3A_445 = arith.constant 15 : i32
      %lt3A_446 = arith.cmpi slt, %arg1, %lt3A_445 : i32
      %convert_element_type3A_447 = arith.extui %lt3A_446 : i1 to i32
      %cond3A_448 = arith.constant 0 : i32
      %cond3A_449 = arith.cmpi ne, %convert_element_type3A_447, %cond3A_448 : i32
      scf.if %cond3A_449 {
        "tpu.region"() ({
          %run_scoped3A = tpu.sem_alloc : memref<!tpu.dma_semaphore, #tpu.memory_space<semaphore_mem>>
          %dma_start3A_455 = arith.constant 0 : i32
          %dma_start3A_456 = tpu.memref_slice %arg10[%mul3A_4, %dma_start3A_455] : memref<10000x128xf32, #tpu.memory_space<vmem_shared>> -> memref<624x128xf32, #tpu.memory_space<vmem_shared>>
          %dma_start3A_457 = arith.constant 0 : i32
          %dma_start3A_458 = tpu.memref_slice %arg2[%mul3A_4, %dma_start3A_457] : memref<10000x128xf32, #tpu.memory_space<hbm>> -> memref<624x128xf32, #tpu.memory_space<hbm>>
          tpu.enqueue_dma source(%dma_start3A_458 : memref<624x128xf32, #tpu.memory_space<hbm>>) target(%dma_start3A_456 : memref<624x128xf32, #tpu.memory_space<vmem_shared>>) target_semaphore(%run_scoped3A : memref<!tpu.dma_semaphore, #tpu.memory_space<semaphore_mem>>)
          %dma_wait3A_459 = arith.constant 0 : i32
          %dma_wait3A_460 = tpu.memref_slice %arg10[%mul3A_4, %dma_wait3A_459] : memref<10000x128xf32, #tpu.memory_space<vmem_shared>> -> memref<624x128xf32, #tpu.memory_space<vmem_shared>>
          %dma_wait3A_461 = arith.constant 0 : i32
          %dma_wait3A_462 = tpu.memref_slice %arg2[%mul3A_4, %dma_wait3A_461] : memref<10000x128xf32, #tpu.memory_space<hbm>> -> memref<624x128xf32, #tpu.memory_space<hbm>>
          tpu.wait_dma2 semaphore(%run_scoped3A : memref<!tpu.dma_semaphore, #tpu.memory_space<semaphore_mem>>) src(%dma_wait3A_462 : memref<624x128xf32, #tpu.memory_space<hbm>>) dst(%dma_wait3A_460 : memref<624x128xf32, #tpu.memory_space<vmem_shared>>)
          tpu.yield
        }) : () -> ()
      } else {
      }
      %eq3A_450 = arith.constant 15 : i32
      %eq3A_451 = arith.cmpi eq, %arg1, %eq3A_450 : i32
      %convert_element_type3A_452 = arith.extui %eq3A_451 : i1 to i32
      %cond3A_453 = arith.constant 0 : i32
      %cond3A_454 = arith.cmpi ne, %convert_element_type3A_452, %cond3A_453 : i32
      scf.if %cond3A_454 {
        "tpu.region"() ({
          %run_scoped3A = tpu.sem_alloc : memref<!tpu.dma_semaphore, #tpu.memory_space<semaphore_mem>>
          %dma_start3A_455 = arith.constant 9360 : i32
          %dma_start3A_456 = arith.constant 0 : i32
          %dma_start3A_457 = tpu.memref_slice %arg10[%dma_start3A_455, %dma_start3A_456] : memref<10000x128xf32, #tpu.memory_space<vmem_shared>> -> memref<640x128xf32, #tpu.memory_space<vmem_shared>>
          %dma_start3A_458 = arith.constant 9360 : i32
          %dma_start3A_459 = arith.constant 0 : i32
          %dma_start3A_460 = tpu.memref_slice %arg2[%dma_start3A_458, %dma_start3A_459] : memref<10000x128xf32, #tpu.memory_space<hbm>> -> memref<640x128xf32, #tpu.memory_space<hbm>>
          tpu.enqueue_dma source(%dma_start3A_460 : memref<640x128xf32, #tpu.memory_space<hbm>>) target(%dma_start3A_457 : memref<640x128xf32, #tpu.memory_space<vmem_shared>>) target_semaphore(%run_scoped3A : memref<!tpu.dma_semaphore, #tpu.memory_space<semaphore_mem>>)
          %dma_wait3A_461 = arith.constant 9360 : i32
          %dma_wait3A_462 = arith.constant 0 : i32
          %dma_wait3A_463 = tpu.memref_slice %arg10[%dma_wait3A_461, %dma_wait3A_462] : memref<10000x128xf32, #tpu.memory_space<vmem_shared>> -> memref<640x128xf32, #tpu.memory_space<vmem_shared>>
          %dma_wait3A_464 = arith.constant 9360 : i32
          %dma_wait3A_465 = arith.constant 0 : i32
          %dma_wait3A_466 = tpu.memref_slice %arg2[%dma_wait3A_464, %dma_wait3A_465] : memref<10000x128xf32, #tpu.memory_space<hbm>> -> memref<640x128xf32, #tpu.memory_space<hbm>>
          tpu.wait_dma2 semaphore(%run_scoped3A : memref<!tpu.dma_semaphore, #tpu.memory_space<semaphore_mem>>) src(%dma_wait3A_466 : memref<640x128xf32, #tpu.memory_space<hbm>>) dst(%dma_wait3A_463 : memref<640x128xf32, #tpu.memory_space<vmem_shared>>)
          tpu.yield
        }) : () -> ()
      } else {
      }
    } else {
    }
    %eq3A_7 = arith.constant 1 : i32
    %eq3A_8 = arith.cmpi eq, %arg0, %eq3A_7 : i32
    %convert_element_type3A_9 = arith.extui %eq3A_8 : i1 to i32
    %cond3A_10 = arith.constant 0 : i32
    %cond3A_11 = arith.cmpi ne, %convert_element_type3A_9, %cond3A_10 : i32
    scf.if %cond3A_11 {
      %broadcast_in_dim3A = arith.constant 0.000000e+00 : f32
      %broadcast_in_dim3A_445 = vector.broadcast %broadcast_in_dim3A : f32 to vector<16xf32>
      %scan3A_446 = arith.constant 0 : i32
      %scan3A_447 = arith.constant 0 : i32
      %scan3A_448 = arith.constant 0 : i32
      %scan3A_449 = arith.constant 640 : i32
      %scan3A_450 = arith.addi %scan3A_448, %scan3A_449 : i32
      %scan3A_451 = arith.constant 1 : i32
      scf.for %scan3A_465 = %scan3A_448 to %scan3A_450 step %scan3A_451  : i32 {
        %jit3A = arith.constant 8 : i32
        %div3A = arith.divsi %scan3A_465, %jit3A : i32
        %sign3A = arith.constant 0 : i32
        %sign3A_466 = arith.cmpi sgt, %scan3A_465, %sign3A : i32
        %sign3A_467 = arith.extui %sign3A_466 : i1 to i32
        %sign3A_468 = arith.constant 0 : i32
        %sign3A_469 = arith.cmpi slt, %scan3A_465, %sign3A_468 : i32
        %sign3A_470 = arith.extui %sign3A_469 : i1 to i32
        %sign3A_471 = arith.subi %sign3A_467, %sign3A_470 : i32
        %sign3A_472 = arith.constant 0 : i32
        %sign3A_473 = arith.cmpi sgt, %jit3A, %sign3A_472 : i32
        %sign3A_474 = arith.extui %sign3A_473 : i1 to i32
        %sign3A_475 = arith.constant 0 : i32
        %sign3A_476 = arith.cmpi slt, %jit3A, %sign3A_475 : i32
        %sign3A_477 = arith.extui %sign3A_476 : i1 to i32
        %sign3A_478 = arith.subi %sign3A_474, %sign3A_477 : i32
        %ne3A = arith.cmpi ne, %sign3A_471, %sign3A_478 : i32
        %rem3A = arith.remsi %scan3A_465, %jit3A : i32
        %ne3A_479 = arith.constant 0 : i32
        %ne3A_480 = arith.cmpi ne, %rem3A, %ne3A_479 : i32
        %and3A = arith.andi %ne3A, %ne3A_480 : i1
        %sub3A = arith.constant 1 : i32
        %sub3A_481 = arith.subi %div3A, %sub3A : i32
        %select_n3A = arith.select %and3A, %sub3A_481, %div3A : i32
        %jit3A_482 = arith.constant 8 : i32
        %eq3A_483 = arith.constant 0 : i32
        %eq3A_484 = arith.cmpi eq, %jit3A_482, %eq3A_483 : i32
        %jit3A_485 = arith.constant 1 : i32
        %select_n3A_486 = arith.select %eq3A_484, %jit3A_485, %jit3A_482 : i32
        %rem3A_487 = arith.remsi %scan3A_465, %select_n3A_486 : i32
        %ne3A_488 = arith.constant 0 : i32
        %ne3A_489 = arith.cmpi ne, %rem3A_487, %ne3A_488 : i32
        %lt3A_490 = arith.constant 0 : i32
        %lt3A_491 = arith.cmpi slt, %rem3A_487, %lt3A_490 : i32
        %lt3A_492 = arith.constant 0 : i32
        %lt3A_493 = arith.cmpi slt, %select_n3A_486, %lt3A_492 : i32
        %ne3A_494 = arith.xori %lt3A_491, %lt3A_493 : i1
        %and3A_495 = arith.andi %ne3A_494, %ne3A_489 : i1
        %add3A_496 = arith.addi %rem3A_487, %select_n3A_486 : i32
        %select_n3A_497 = arith.select %and3A_495, %add3A_496, %rem3A_487 : i32
        %mul3A_498 = arith.constant 16 : i32
        %mul3A_499 = arith.muli %select_n3A_497, %mul3A_498 : i32
        %swap3A = arith.constant 0 : i32
        %swap3A_500 = arith.constant 0 : i32
        %swap3A_501 = tpu.memref_slice %arg9[%scan3A_447, %swap3A, %swap3A_500] : memref<4x80x128xf32, #tpu.memory_space<vmem>> -> memref<1x80x128xf32, #tpu.memory_space<vmem>>
        %swap3A_502 = tpu.memref_squeeze %swap3A_501 : memref<1x80x128xf32, #tpu.memory_space<vmem>> -> memref<80x128xf32, #tpu.memory_space<vmem>>
        %swap3A_503 = arith.index_cast %select_n3A : i32 to index
        %swap3A_504 = arith.index_cast %mul3A_499 : i32 to index
        %swap3A_505 = tpu.vector_load %swap3A_502[%swap3A_503, %swap3A_504] {strides = array<i32>} : memref<80x128xf32, #tpu.memory_space<vmem>>, vector<16xf32>,
        tpu.vector_store %swap3A_502[%swap3A_503, %swap3A_504], %broadcast_in_dim3A_445 {strides = array<i32>} : memref<80x128xf32, #tpu.memory_space<vmem>>, vector<16xf32>,
      }
      %scan3A_452 = arith.constant 640 : i32
      %lt3A_453 = arith.constant 15 : i32
      %lt3A_454 = arith.cmpi slt, %arg1, %lt3A_453 : i32
      %convert_element_type3A_455 = arith.extui %lt3A_454 : i1 to i32
      %cond3A_456 = arith.constant 0 : i32
      %cond3A_457 = arith.constant 0 : i32
      %cond3A_458 = arith.cmpi ne, %convert_element_type3A_455, %cond3A_457 : i32
      scf.if %cond3A_458 {
        %add3A_465 = arith.constant 0 : i32
        %add3A_466 = arith.addi %mul3A_4, %add3A_465 : i32
        "tpu.region"() ({
          %run_scoped3A = tpu.sem_alloc : memref<!tpu.dma_semaphore, #tpu.memory_space<semaphore_mem>>
          %dma_start3A_481 = arith.constant 0 : i32
          %dma_start3A_482 = arith.constant 0 : i32
          %dma_start3A_483 = tpu.memref_slice %arg9[%cond3A_456, %dma_start3A_481, %dma_start3A_482] : memref<4x80x128xf32, #tpu.memory_space<vmem>> -> memref<1x80x128xf32, #tpu.memory_space<vmem>>
          %dma_start3A_484 = tpu.memref_squeeze %dma_start3A_483 : memref<1x80x128xf32, #tpu.memory_space<vmem>> -> memref<80x128xf32, #tpu.memory_space<vmem>>
          %dma_start3A_485 = arith.constant 0 : i32
          %dma_start3A_486 = tpu.memref_slice %arg10[%add3A_466, %dma_start3A_485] : memref<10000x128xf32, #tpu.memory_space<vmem_shared>> -> memref<80x128xf32, #tpu.memory_space<vmem_shared>>
          %dma_start3A_487 = arith.constant 0 : i32
          %dma_start3A_488 = tpu.memref_slice %arg10[%add3A_466, %dma_start3A_487] : memref<10000x128xf32, #tpu.memory_space<vmem_shared>> -> memref<80x128xf32, #tpu.memory_space<vmem_shared>>
          %dma_start3A_489 = arith.constant 0 : i32
          %dma_start3A_490 = arith.constant 0 : i32
          %dma_start3A_491 = tpu.memref_slice %arg9[%cond3A_456, %dma_start3A_489, %dma_start3A_490] : memref<4x80x128xf32, #tpu.memory_space<vmem>> -> memref<1x80x128xf32, #tpu.memory_space<vmem>>
          %dma_start3A_492 = tpu.memref_squeeze %dma_start3A_491 : memref<1x80x128xf32, #tpu.memory_space<vmem>> -> memref<80x128xf32, #tpu.memory_space<vmem>>
          tpu.enqueue_dma source(%dma_start3A_492 : memref<80x128xf32, #tpu.memory_space<vmem>>) target(%dma_start3A_488 : memref<80x128xf32, #tpu.memory_space<vmem_shared>>) target_semaphore(%run_scoped3A : memref<!tpu.dma_semaphore, #tpu.memory_space<semaphore_mem>>)
          %dma_wait3A_493 = arith.constant 0 : i32
          %dma_wait3A_494 = arith.constant 0 : i32
          %dma_wait3A_495 = tpu.memref_slice %arg9[%cond3A_456, %dma_wait3A_493, %dma_wait3A_494] : memref<4x80x128xf32, #tpu.memory_space<vmem>> -> memref<1x80x128xf32, #tpu.memory_space<vmem>>
          %dma_wait3A_496 = tpu.memref_squeeze %dma_wait3A_495 : memref<1x80x128xf32, #tpu.memory_space<vmem>> -> memref<80x128xf32, #tpu.memory_space<vmem>>
          %dma_wait3A_497 = arith.constant 0 : i32
          %dma_wait3A_498 = tpu.memref_slice %arg10[%add3A_466, %dma_wait3A_497] : memref<10000x128xf32, #tpu.memory_space<vmem_shared>> -> memref<80x128xf32, #tpu.memory_space<vmem_shared>>
          %dma_wait3A_499 = arith.constant 0 : i32
          %dma_wait3A_500 = tpu.memref_slice %arg10[%add3A_466, %dma_wait3A_499] : memref<10000x128xf32, #tpu.memory_space<vmem_shared>> -> memref<80x128xf32, #tpu.memory_space<vmem_shared>>
          %dma_wait3A_501 = arith.constant 0 : i32
          %dma_wait3A_502 = arith.constant 0 : i32
          %dma_wait3A_503 = tpu.memref_slice %arg9[%cond3A_456, %dma_wait3A_501, %dma_wait3A_502] : memref<4x80x128xf32, #tpu.memory_space<vmem>> -> memref<1x80x128xf32, #tpu.memory_space<vmem>>
          %dma_wait3A_504 = tpu.memref_squeeze %dma_wait3A_503 : memref<1x80x128xf32, #tpu.memory_space<vmem>> -> memref<80x128xf32, #tpu.memory_space<vmem>>
          tpu.wait_dma2 semaphore(%run_scoped3A : memref<!tpu.dma_semaphore, #tpu.memory_space<semaphore_mem>>) src(%dma_wait3A_504 : memref<80x128xf32, #tpu.memory_space<vmem>>) dst(%dma_wait3A_500 : memref<80x128xf32, #tpu.memory_space<vmem_shared>>)
          tpu.yield
        }) : () -> ()
        %add3A_467 = arith.constant 80 : i32
        %add3A_468 = arith.addi %mul3A_4, %add3A_467 : i32
        "tpu.region"() ({
          %run_scoped3A = tpu.sem_alloc : memref<!tpu.dma_semaphore, #tpu.memory_space<semaphore_mem>>
          %dma_start3A_481 = arith.constant 0 : i32
          %dma_start3A_482 = arith.constant 0 : i32
          %dma_start3A_483 = tpu.memref_slice %arg9[%cond3A_456, %dma_start3A_481, %dma_start3A_482] : memref<4x80x128xf32, #tpu.memory_space<vmem>> -> memref<1x80x128xf32, #tpu.memory_space<vmem>>
          %dma_start3A_484 = tpu.memref_squeeze %dma_start3A_483 : memref<1x80x128xf32, #tpu.memory_space<vmem>> -> memref<80x128xf32, #tpu.memory_space<vmem>>
          %dma_start3A_485 = arith.constant 0 : i32
          %dma_start3A_486 = tpu.memref_slice %arg10[%add3A_468, %dma_start3A_485] : memref<10000x128xf32, #tpu.memory_space<vmem_shared>> -> memref<80x128xf32, #tpu.memory_space<vmem_shared>>
          %dma_start3A_487 = arith.constant 0 : i32
          %dma_start3A_488 = tpu.memref_slice %arg10[%add3A_468, %dma_start3A_487] : memref<10000x128xf32, #tpu.memory_space<vmem_shared>> -> memref<80x128xf32, #tpu.memory_space<vmem_shared>>
          %dma_start3A_489 = arith.constant 0 : i32
          %dma_start3A_490 = arith.constant 0 : i32
          %dma_start3A_491 = tpu.memref_slice %arg9[%cond3A_456, %dma_start3A_489, %dma_start3A_490] : memref<4x80x128xf32, #tpu.memory_space<vmem>> -> memref<1x80x128xf32, #tpu.memory_space<vmem>>
          %dma_start3A_492 = tpu.memref_squeeze %dma_start3A_491 : memref<1x80x128xf32, #tpu.memory_space<vmem>> -> memref<80x128xf32, #tpu.memory_space<vmem>>
          tpu.enqueue_dma source(%dma_start3A_492 : memref<80x128xf32, #tpu.memory_space<vmem>>) target(%dma_start3A_488 : memref<80x128xf32, #tpu.memory_space<vmem_shared>>) target_semaphore(%run_scoped3A : memref<!tpu.dma_semaphore, #tpu.memory_space<semaphore_mem>>)
          %dma_wait3A_493 = arith.constant 0 : i32
          %dma_wait3A_494 = arith.constant 0 : i32
          %dma_wait3A_495 = tpu.memref_slice %arg9[%cond3A_456, %dma_wait3A_493, %dma_wait3A_494] : memref<4x80x128xf32, #tpu.memory_space<vmem>> -> memref<1x80x128xf32, #tpu.memory_space<vmem>>
          %dma_wait3A_496 = tpu.memref_squeeze %dma_wait3A_495 : memref<1x80x128xf32, #tpu.memory_space<vmem>> -> memref<80x128xf32, #tpu.memory_space<vmem>>
          %dma_wait3A_497 = arith.constant 0 : i32
          %dma_wait3A_498 = tpu.memref_slice %arg10[%add3A_468, %dma_wait3A_497] : memref<10000x128xf32, #tpu.memory_space<vmem_shared>> -> memref<80x128xf32, #tpu.memory_space<vmem_shared>>
          %dma_wait3A_499 = arith.constant 0 : i32
          %dma_wait3A_500 = tpu.memref_slice %arg10[%add3A_468, %dma_wait3A_499] : memref<10000x128xf32, #tpu.memory_space<vmem_shared>> -> memref<80x128xf32, #tpu.memory_space<vmem_shared>>
          %dma_wait3A_501 = arith.constant 0 : i32
          %dma_wait3A_502 = arith.constant 0 : i32
          %dma_wait3A_503 = tpu.memref_slice %arg9[%cond3A_456, %dma_wait3A_501, %dma_wait3A_502] : memref<4x80x128xf32, #tpu.memory_space<vmem>> -> memref<1x80x128xf32, #tpu.memory_space<vmem>>
          %dma_wait3A_504 = tpu.memref_squeeze %dma_wait3A_503 : memref<1x80x128xf32, #tpu.memory_space<vmem>> -> memref<80x128xf32, #tpu.memory_space<vmem>>
          tpu.wait_dma2 semaphore(%run_scoped3A : memref<!tpu.dma_semaphore, #tpu.memory_space<semaphore_mem>>) src(%dma_wait3A_504 : memref<80x128xf32, #tpu.memory_space<vmem>>) dst(%dma_wait3A_500 : memref<80x128xf32, #tpu.memory_space<vmem_shared>>)
          tpu.yield
        }) : () -> ()
        %add3A_469 = arith.constant 160 : i32
        %add3A_470 = arith.addi %mul3A_4, %add3A_469 : i32
        "tpu.region"() ({
          %run_scoped3A = tpu.sem_alloc : memref<!tpu.dma_semaphore, #tpu.memory_space<semaphore_mem>>
          %dma_start3A_481 = arith.constant 0 : i32
          %dma_start3A_482 = arith.constant 0 : i32
          %dma_start3A_483 = tpu.memref_slice %arg9[%cond3A_456, %dma_start3A_481, %dma_start3A_482] : memref<4x80x128xf32, #tpu.memory_space<vmem>> -> memref<1x80x128xf32, #tpu.memory_space<vmem>>
          %dma_start3A_484 = tpu.memref_squeeze %dma_start3A_483 : memref<1x80x128xf32, #tpu.memory_space<vmem>> -> memref<80x128xf32, #tpu.memory_space<vmem>>
          %dma_start3A_485 = arith.constant 0 : i32
          %dma_start3A_486 = tpu.memref_slice %arg10[%add3A_470, %dma_start3A_485] : memref<10000x128xf32, #tpu.memory_space<vmem_shared>> -> memref<80x128xf32, #tpu.memory_space<vmem_shared>>
          %dma_start3A_487 = arith.constant 0 : i32
          %dma_start3A_488 = tpu.memref_slice %arg10[%add3A_470, %dma_start3A_487] : memref<10000x128xf32, #tpu.memory_space<vmem_shared>> -> memref<80x128xf32, #tpu.memory_space<vmem_shared>>
          %dma_start3A_489 = arith.constant 0 : i32
          %dma_start3A_490 = arith.constant 0 : i32
          %dma_start3A_491 = tpu.memref_slice %arg9[%cond3A_456, %dma_start3A_489, %dma_start3A_490] : memref<4x80x128xf32, #tpu.memory_space<vmem>> -> memref<1x80x128xf32, #tpu.memory_space<vmem>>
          %dma_start3A_492 = tpu.memref_squeeze %dma_start3A_491 : memref<1x80x128xf32, #tpu.memory_space<vmem>> -> memref<80x128xf32, #tpu.memory_space<vmem>>
          tpu.enqueue_dma source(%dma_start3A_492 : memref<80x128xf32, #tpu.memory_space<vmem>>) target(%dma_start3A_488 : memref<80x128xf32, #tpu.memory_space<vmem_shared>>) target_semaphore(%run_scoped3A : memref<!tpu.dma_semaphore, #tpu.memory_space<semaphore_mem>>)
          %dma_wait3A_493 = arith.constant 0 : i32
          %dma_wait3A_494 = arith.constant 0 : i32
          %dma_wait3A_495 = tpu.memref_slice %arg9[%cond3A_456, %dma_wait3A_493, %dma_wait3A_494] : memref<4x80x128xf32, #tpu.memory_space<vmem>> -> memref<1x80x128xf32, #tpu.memory_space<vmem>>
          %dma_wait3A_496 = tpu.memref_squeeze %dma_wait3A_495 : memref<1x80x128xf32, #tpu.memory_space<vmem>> -> memref<80x128xf32, #tpu.memory_space<vmem>>
          %dma_wait3A_497 = arith.constant 0 : i32
          %dma_wait3A_498 = tpu.memref_slice %arg10[%add3A_470, %dma_wait3A_497] : memref<10000x128xf32, #tpu.memory_space<vmem_shared>> -> memref<80x128xf32, #tpu.memory_space<vmem_shared>>
          %dma_wait3A_499 = arith.constant 0 : i32
          %dma_wait3A_500 = tpu.memref_slice %arg10[%add3A_470, %dma_wait3A_499] : memref<10000x128xf32, #tpu.memory_space<vmem_shared>> -> memref<80x128xf32, #tpu.memory_space<vmem_shared>>
          %dma_wait3A_501 = arith.constant 0 : i32
          %dma_wait3A_502 = arith.constant 0 : i32
          %dma_wait3A_503 = tpu.memref_slice %arg9[%cond3A_456, %dma_wait3A_501, %dma_wait3A_502] : memref<4x80x128xf32, #tpu.memory_space<vmem>> -> memref<1x80x128xf32, #tpu.memory_space<vmem>>
          %dma_wait3A_504 = tpu.memref_squeeze %dma_wait3A_503 : memref<1x80x128xf32, #tpu.memory_space<vmem>> -> memref<80x128xf32, #tpu.memory_space<vmem>>
          tpu.wait_dma2 semaphore(%run_scoped3A : memref<!tpu.dma_semaphore, #tpu.memory_space<semaphore_mem>>) src(%dma_wait3A_504 : memref<80x128xf32, #tpu.memory_space<vmem>>) dst(%dma_wait3A_500 : memref<80x128xf32, #tpu.memory_space<vmem_shared>>)
          tpu.yield
        }) : () -> ()
        %add3A_471 = arith.constant 240 : i32
        %add3A_472 = arith.addi %mul3A_4, %add3A_471 : i32
        "tpu.region"() ({
          %run_scoped3A = tpu.sem_alloc : memref<!tpu.dma_semaphore, #tpu.memory_space<semaphore_mem>>
          %dma_start3A_481 = arith.constant 0 : i32
          %dma_start3A_482 = arith.constant 0 : i32
          %dma_start3A_483 = tpu.memref_slice %arg9[%cond3A_456, %dma_start3A_481, %dma_start3A_482] : memref<4x80x128xf32, #tpu.memory_space<vmem>> -> memref<1x80x128xf32, #tpu.memory_space<vmem>>
          %dma_start3A_484 = tpu.memref_squeeze %dma_start3A_483 : memref<1x80x128xf32, #tpu.memory_space<vmem>> -> memref<80x128xf32, #tpu.memory_space<vmem>>
          %dma_start3A_485 = arith.constant 0 : i32
          %dma_start3A_486 = tpu.memref_slice %arg10[%add3A_472, %dma_start3A_485] : memref<10000x128xf32, #tpu.memory_space<vmem_shared>> -> memref<80x128xf32, #tpu.memory_space<vmem_shared>>
          %dma_start3A_487 = arith.constant 0 : i32
          %dma_start3A_488 = tpu.memref_slice %arg10[%add3A_472, %dma_start3A_487] : memref<10000x128xf32, #tpu.memory_space<vmem_shared>> -> memref<80x128xf32, #tpu.memory_space<vmem_shared>>
          %dma_start3A_489 = arith.constant 0 : i32
          %dma_start3A_490 = arith.constant 0 : i32
          %dma_start3A_491 = tpu.memref_slice %arg9[%cond3A_456, %dma_start3A_489, %dma_start3A_490] : memref<4x80x128xf32, #tpu.memory_space<vmem>> -> memref<1x80x128xf32, #tpu.memory_space<vmem>>
          %dma_start3A_492 = tpu.memref_squeeze %dma_start3A_491 : memref<1x80x128xf32, #tpu.memory_space<vmem>> -> memref<80x128xf32, #tpu.memory_space<vmem>>
          tpu.enqueue_dma source(%dma_start3A_492 : memref<80x128xf32, #tpu.memory_space<vmem>>) target(%dma_start3A_488 : memref<80x128xf32, #tpu.memory_space<vmem_shared>>) target_semaphore(%run_scoped3A : memref<!tpu.dma_semaphore, #tpu.memory_space<semaphore_mem>>)
          %dma_wait3A_493 = arith.constant 0 : i32
          %dma_wait3A_494 = arith.constant 0 : i32
          %dma_wait3A_495 = tpu.memref_slice %arg9[%cond3A_456, %dma_wait3A_493, %dma_wait3A_494] : memref<4x80x128xf32, #tpu.memory_space<vmem>> -> memref<1x80x128xf32, #tpu.memory_space<vmem>>
          %dma_wait3A_496 = tpu.memref_squeeze %dma_wait3A_495 : memref<1x80x128xf32, #tpu.memory_space<vmem>> -> memref<80x128xf32, #tpu.memory_space<vmem>>
          %dma_wait3A_497 = arith.constant 0 : i32
          %dma_wait3A_498 = tpu.memref_slice %arg10[%add3A_472, %dma_wait3A_497] : memref<10000x128xf32, #tpu.memory_space<vmem_shared>> -> memref<80x128xf32, #tpu.memory_space<vmem_shared>>
          %dma_wait3A_499 = arith.constant 0 : i32
          %dma_wait3A_500 = tpu.memref_slice %arg10[%add3A_472, %dma_wait3A_499] : memref<10000x128xf32, #tpu.memory_space<vmem_shared>> -> memref<80x128xf32, #tpu.memory_space<vmem_shared>>
          %dma_wait3A_501 = arith.constant 0 : i32
          %dma_wait3A_502 = arith.constant 0 : i32
          %dma_wait3A_503 = tpu.memref_slice %arg9[%cond3A_456, %dma_wait3A_501, %dma_wait3A_502] : memref<4x80x128xf32, #tpu.memory_space<vmem>> -> memref<1x80x128xf32, #tpu.memory_space<vmem>>
          %dma_wait3A_504 = tpu.memref_squeeze %dma_wait3A_503 : memref<1x80x128xf32, #tpu.memory_space<vmem>> -> memref<80x128xf32, #tpu.memory_space<vmem>>
          tpu.wait_dma2 semaphore(%run_scoped3A : memref<!tpu.dma_semaphore, #tpu.memory_space<semaphore_mem>>) src(%dma_wait3A_504 : memref<80x128xf32, #tpu.memory_space<vmem>>) dst(%dma_wait3A_500 : memref<80x128xf32, #tpu.memory_space<vmem_shared>>)
          tpu.yield
        }) : () -> ()
        %add3A_473 = arith.constant 320 : i32
        %add3A_474 = arith.addi %mul3A_4, %add3A_473 : i32
        "tpu.region"() ({
          %run_scoped3A = tpu.sem_alloc : memref<!tpu.dma_semaphore, #tpu.memory_space<semaphore_mem>>
          %dma_start3A_481 = arith.constant 0 : i32
          %dma_start3A_482 = arith.constant 0 : i32
          %dma_start3A_483 = tpu.memref_slice %arg9[%cond3A_456, %dma_start3A_481, %dma_start3A_482] : memref<4x80x128xf32, #tpu.memory_space<vmem>> -> memref<1x80x128xf32, #tpu.memory_space<vmem>>
          %dma_start3A_484 = tpu.memref_squeeze %dma_start3A_483 : memref<1x80x128xf32, #tpu.memory_space<vmem>> -> memref<80x128xf32, #tpu.memory_space<vmem>>
          %dma_start3A_485 = arith.constant 0 : i32
          %dma_start3A_486 = tpu.memref_slice %arg10[%add3A_474, %dma_start3A_485] : memref<10000x128xf32, #tpu.memory_space<vmem_shared>> -> memref<80x128xf32, #tpu.memory_space<vmem_shared>>
          %dma_start3A_487 = arith.constant 0 : i32
          %dma_start3A_488 = tpu.memref_slice %arg10[%add3A_474, %dma_start3A_487] : memref<10000x128xf32, #tpu.memory_space<vmem_shared>> -> memref<80x128xf32, #tpu.memory_space<vmem_shared>>
          %dma_start3A_489 = arith.constant 0 : i32
          %dma_start3A_490 = arith.constant 0 : i32
          %dma_start3A_491 = tpu.memref_slice %arg9[%cond3A_456, %dma_start3A_489, %dma_start3A_490] : memref<4x80x128xf32, #tpu.memory_space<vmem>> -> memref<1x80x128xf32, #tpu.memory_space<vmem>>
          %dma_start3A_492 = tpu.memref_squeeze %dma_start3A_491 : memref<1x80x128xf32, #tpu.memory_space<vmem>> -> memref<80x128xf32, #tpu.memory_space<vmem>>
          tpu.enqueue_dma source(%dma_start3A_492 : memref<80x128xf32, #tpu.memory_space<vmem>>) target(%dma_start3A_488 : memref<80x128xf32, #tpu.memory_space<vmem_shared>>) target_semaphore(%run_scoped3A : memref<!tpu.dma_semaphore, #tpu.memory_space<semaphore_mem>>)
          %dma_wait3A_493 = arith.constant 0 : i32
          %dma_wait3A_494 = arith.constant 0 : i32
          %dma_wait3A_495 = tpu.memref_slice %arg9[%cond3A_456, %dma_wait3A_493, %dma_wait3A_494] : memref<4x80x128xf32, #tpu.memory_space<vmem>> -> memref<1x80x128xf32, #tpu.memory_space<vmem>>
          %dma_wait3A_496 = tpu.memref_squeeze %dma_wait3A_495 : memref<1x80x128xf32, #tpu.memory_space<vmem>> -> memref<80x128xf32, #tpu.memory_space<vmem>>
          %dma_wait3A_497 = arith.constant 0 : i32
          %dma_wait3A_498 = tpu.memref_slice %arg10[%add3A_474, %dma_wait3A_497] : memref<10000x128xf32, #tpu.memory_space<vmem_shared>> -> memref<80x128xf32, #tpu.memory_space<vmem_shared>>
          %dma_wait3A_499 = arith.constant 0 : i32
          %dma_wait3A_500 = tpu.memref_slice %arg10[%add3A_474, %dma_wait3A_499] : memref<10000x128xf32, #tpu.memory_space<vmem_shared>> -> memref<80x128xf32, #tpu.memory_space<vmem_shared>>
          %dma_wait3A_501 = arith.constant 0 : i32
          %dma_wait3A_502 = arith.constant 0 : i32
          %dma_wait3A_503 = tpu.memref_slice %arg9[%cond3A_456, %dma_wait3A_501, %dma_wait3A_502] : memref<4x80x128xf32, #tpu.memory_space<vmem>> -> memref<1x80x128xf32, #tpu.memory_space<vmem>>
          %dma_wait3A_504 = tpu.memref_squeeze %dma_wait3A_503 : memref<1x80x128xf32, #tpu.memory_space<vmem>> -> memref<80x128xf32, #tpu.memory_space<vmem>>
          tpu.wait_dma2 semaphore(%run_scoped3A : memref<!tpu.dma_semaphore, #tpu.memory_space<semaphore_mem>>) src(%dma_wait3A_504 : memref<80x128xf32, #tpu.memory_space<vmem>>) dst(%dma_wait3A_500 : memref<80x128xf32, #tpu.memory_space<vmem_shared>>)
          tpu.yield
        }) : () -> ()
        %add3A_475 = arith.constant 400 : i32
        %add3A_476 = arith.addi %mul3A_4, %add3A_475 : i32
        "tpu.region"() ({
          %run_scoped3A = tpu.sem_alloc : memref<!tpu.dma_semaphore, #tpu.memory_space<semaphore_mem>>
          %dma_start3A_481 = arith.constant 0 : i32
          %dma_start3A_482 = arith.constant 0 : i32
          %dma_start3A_483 = tpu.memref_slice %arg9[%cond3A_456, %dma_start3A_481, %dma_start3A_482] : memref<4x80x128xf32, #tpu.memory_space<vmem>> -> memref<1x80x128xf32, #tpu.memory_space<vmem>>
          %dma_start3A_484 = tpu.memref_squeeze %dma_start3A_483 : memref<1x80x128xf32, #tpu.memory_space<vmem>> -> memref<80x128xf32, #tpu.memory_space<vmem>>
          %dma_start3A_485 = arith.constant 0 : i32
          %dma_start3A_486 = tpu.memref_slice %arg10[%add3A_476, %dma_start3A_485] : memref<10000x128xf32, #tpu.memory_space<vmem_shared>> -> memref<80x128xf32, #tpu.memory_space<vmem_shared>>
          %dma_start3A_487 = arith.constant 0 : i32
          %dma_start3A_488 = tpu.memref_slice %arg10[%add3A_476, %dma_start3A_487] : memref<10000x128xf32, #tpu.memory_space<vmem_shared>> -> memref<80x128xf32, #tpu.memory_space<vmem_shared>>
          %dma_start3A_489 = arith.constant 0 : i32
          %dma_start3A_490 = arith.constant 0 : i32
          %dma_start3A_491 = tpu.memref_slice %arg9[%cond3A_456, %dma_start3A_489, %dma_start3A_490] : memref<4x80x128xf32, #tpu.memory_space<vmem>> -> memref<1x80x128xf32, #tpu.memory_space<vmem>>
          %dma_start3A_492 = tpu.memref_squeeze %dma_start3A_491 : memref<1x80x128xf32, #tpu.memory_space<vmem>> -> memref<80x128xf32, #tpu.memory_space<vmem>>
          tpu.enqueue_dma source(%dma_start3A_492 : memref<80x128xf32, #tpu.memory_space<vmem>>) target(%dma_start3A_488 : memref<80x128xf32, #tpu.memory_space<vmem_shared>>) target_semaphore(%run_scoped3A : memref<!tpu.dma_semaphore, #tpu.memory_space<semaphore_mem>>)
          %dma_wait3A_493 = arith.constant 0 : i32
          %dma_wait3A_494 = arith.constant 0 : i32
          %dma_wait3A_495 = tpu.memref_slice %arg9[%cond3A_456, %dma_wait3A_493, %dma_wait3A_494] : memref<4x80x128xf32, #tpu.memory_space<vmem>> -> memref<1x80x128xf32, #tpu.memory_space<vmem>>
          %dma_wait3A_496 = tpu.memref_squeeze %dma_wait3A_495 : memref<1x80x128xf32, #tpu.memory_space<vmem>> -> memref<80x128xf32, #tpu.memory_space<vmem>>
          %dma_wait3A_497 = arith.constant 0 : i32
          %dma_wait3A_498 = tpu.memref_slice %arg10[%add3A_476, %dma_wait3A_497] : memref<10000x128xf32, #tpu.memory_space<vmem_shared>> -> memref<80x128xf32, #tpu.memory_space<vmem_shared>>
          %dma_wait3A_499 = arith.constant 0 : i32
          %dma_wait3A_500 = tpu.memref_slice %arg10[%add3A_476, %dma_wait3A_499] : memref<10000x128xf32, #tpu.memory_space<vmem_shared>> -> memref<80x128xf32, #tpu.memory_space<vmem_shared>>
          %dma_wait3A_501 = arith.constant 0 : i32
          %dma_wait3A_502 = arith.constant 0 : i32
          %dma_wait3A_503 = tpu.memref_slice %arg9[%cond3A_456, %dma_wait3A_501, %dma_wait3A_502] : memref<4x80x128xf32, #tpu.memory_space<vmem>> -> memref<1x80x128xf32, #tpu.memory_space<vmem>>
          %dma_wait3A_504 = tpu.memref_squeeze %dma_wait3A_503 : memref<1x80x128xf32, #tpu.memory_space<vmem>> -> memref<80x128xf32, #tpu.memory_space<vmem>>
          tpu.wait_dma2 semaphore(%run_scoped3A : memref<!tpu.dma_semaphore, #tpu.memory_space<semaphore_mem>>) src(%dma_wait3A_504 : memref<80x128xf32, #tpu.memory_space<vmem>>) dst(%dma_wait3A_500 : memref<80x128xf32, #tpu.memory_space<vmem_shared>>)
          tpu.yield
        }) : () -> ()
        %add3A_477 = arith.constant 480 : i32
        %add3A_478 = arith.addi %mul3A_4, %add3A_477 : i32
        "tpu.region"() ({
          %run_scoped3A = tpu.sem_alloc : memref<!tpu.dma_semaphore, #tpu.memory_space<semaphore_mem>>
          %dma_start3A_481 = arith.constant 0 : i32
          %dma_start3A_482 = arith.constant 0 : i32
          %dma_start3A_483 = tpu.memref_slice %arg9[%cond3A_456, %dma_start3A_481, %dma_start3A_482] : memref<4x80x128xf32, #tpu.memory_space<vmem>> -> memref<1x80x128xf32, #tpu.memory_space<vmem>>
          %dma_start3A_484 = tpu.memref_squeeze %dma_start3A_483 : memref<1x80x128xf32, #tpu.memory_space<vmem>> -> memref<80x128xf32, #tpu.memory_space<vmem>>
          %dma_start3A_485 = arith.constant 0 : i32
          %dma_start3A_486 = tpu.memref_slice %arg10[%add3A_478, %dma_start3A_485] : memref<10000x128xf32, #tpu.memory_space<vmem_shared>> -> memref<80x128xf32, #tpu.memory_space<vmem_shared>>
          %dma_start3A_487 = arith.constant 0 : i32
          %dma_start3A_488 = tpu.memref_slice %arg10[%add3A_478, %dma_start3A_487] : memref<10000x128xf32, #tpu.memory_space<vmem_shared>> -> memref<80x128xf32, #tpu.memory_space<vmem_shared>>
          %dma_start3A_489 = arith.constant 0 : i32
          %dma_start3A_490 = arith.constant 0 : i32
          %dma_start3A_491 = tpu.memref_slice %arg9[%cond3A_456, %dma_start3A_489, %dma_start3A_490] : memref<4x80x128xf32, #tpu.memory_space<vmem>> -> memref<1x80x128xf32, #tpu.memory_space<vmem>>
          %dma_start3A_492 = tpu.memref_squeeze %dma_start3A_491 : memref<1x80x128xf32, #tpu.memory_space<vmem>> -> memref<80x128xf32, #tpu.memory_space<vmem>>
          tpu.enqueue_dma source(%dma_start3A_492 : memref<80x128xf32, #tpu.memory_space<vmem>>) target(%dma_start3A_488 : memref<80x128xf32, #tpu.memory_space<vmem_shared>>) target_semaphore(%run_scoped3A : memref<!tpu.dma_semaphore, #tpu.memory_space<semaphore_mem>>)
          %dma_wait3A_493 = arith.constant 0 : i32
          %dma_wait3A_494 = arith.constant 0 : i32
          %dma_wait3A_495 = tpu.memref_slice %arg9[%cond3A_456, %dma_wait3A_493, %dma_wait3A_494] : memref<4x80x128xf32, #tpu.memory_space<vmem>> -> memref<1x80x128xf32, #tpu.memory_space<vmem>>
          %dma_wait3A_496 = tpu.memref_squeeze %dma_wait3A_495 : memref<1x80x128xf32, #tpu.memory_space<vmem>> -> memref<80x128xf32, #tpu.memory_space<vmem>>
          %dma_wait3A_497 = arith.constant 0 : i32
          %dma_wait3A_498 = tpu.memref_slice %arg10[%add3A_478, %dma_wait3A_497] : memref<10000x128xf32, #tpu.memory_space<vmem_shared>> -> memref<80x128xf32, #tpu.memory_space<vmem_shared>>
          %dma_wait3A_499 = arith.constant 0 : i32
          %dma_wait3A_500 = tpu.memref_slice %arg10[%add3A_478, %dma_wait3A_499] : memref<10000x128xf32, #tpu.memory_space<vmem_shared>> -> memref<80x128xf32, #tpu.memory_space<vmem_shared>>
          %dma_wait3A_501 = arith.constant 0 : i32
          %dma_wait3A_502 = arith.constant 0 : i32
          %dma_wait3A_503 = tpu.memref_slice %arg9[%cond3A_456, %dma_wait3A_501, %dma_wait3A_502] : memref<4x80x128xf32, #tpu.memory_space<vmem>> -> memref<1x80x128xf32, #tpu.memory_space<vmem>>
          %dma_wait3A_504 = tpu.memref_squeeze %dma_wait3A_503 : memref<1x80x128xf32, #tpu.memory_space<vmem>> -> memref<80x128xf32, #tpu.memory_space<vmem>>
          tpu.wait_dma2 semaphore(%run_scoped3A : memref<!tpu.dma_semaphore, #tpu.memory_space<semaphore_mem>>) src(%dma_wait3A_504 : memref<80x128xf32, #tpu.memory_space<vmem>>) dst(%dma_wait3A_500 : memref<80x128xf32, #tpu.memory_space<vmem_shared>>)
          tpu.yield
        }) : () -> ()
        %add3A_479 = arith.constant 560 : i32
        %add3A_480 = arith.addi %mul3A_4, %add3A_479 : i32
        "tpu.region"() ({
          %run_scoped3A = tpu.sem_alloc : memref<!tpu.dma_semaphore, #tpu.memory_space<semaphore_mem>>
          %dma_start3A_481 = arith.constant 0 : i32
          %dma_start3A_482 = arith.constant 0 : i32
          %dma_start3A_483 = tpu.memref_slice %arg9[%cond3A_456, %dma_start3A_481, %dma_start3A_482] : memref<4x80x128xf32, #tpu.memory_space<vmem>> -> memref<1x80x128xf32, #tpu.memory_space<vmem>>
          %dma_start3A_484 = tpu.memref_squeeze %dma_start3A_483 : memref<1x80x128xf32, #tpu.memory_space<vmem>> -> memref<80x128xf32, #tpu.memory_space<vmem>>
          %dma_start3A_485 = arith.constant 0 : i32
          %dma_start3A_486 = arith.constant 0 : i32
          %dma_start3A_487 = tpu.memref_slice %dma_start3A_484[%dma_start3A_485, %dma_start3A_486] : memref<80x128xf32, #tpu.memory_space<vmem>> -> memref<64x128xf32, #tpu.memory_space<vmem>>
          %dma_start3A_488 = arith.constant 0 : i32
          %dma_start3A_489 = tpu.memref_slice %arg10[%add3A_480, %dma_start3A_488] : memref<10000x128xf32, #tpu.memory_space<vmem_shared>> -> memref<64x128xf32, #tpu.memory_space<vmem_shared>>
          %dma_start3A_490 = arith.constant 0 : i32
          %dma_start3A_491 = tpu.memref_slice %arg10[%add3A_480, %dma_start3A_490] : memref<10000x128xf32, #tpu.memory_space<vmem_shared>> -> memref<64x128xf32, #tpu.memory_space<vmem_shared>>
          %dma_start3A_492 = arith.constant 0 : i32
          %dma_start3A_493 = arith.constant 0 : i32
          %dma_start3A_494 = tpu.memref_slice %arg9[%cond3A_456, %dma_start3A_492, %dma_start3A_493] : memref<4x80x128xf32, #tpu.memory_space<vmem>> -> memref<1x80x128xf32, #tpu.memory_space<vmem>>
          %dma_start3A_495 = tpu.memref_squeeze %dma_start3A_494 : memref<1x80x128xf32, #tpu.memory_space<vmem>> -> memref<80x128xf32, #tpu.memory_space<vmem>>
          %dma_start3A_496 = arith.constant 0 : i32
          %dma_start3A_497 = arith.constant 0 : i32
          %dma_start3A_498 = tpu.memref_slice %dma_start3A_495[%dma_start3A_496, %dma_start3A_497] : memref<80x128xf32, #tpu.memory_space<vmem>> -> memref<64x128xf32, #tpu.memory_space<vmem>>
          tpu.enqueue_dma source(%dma_start3A_498 : memref<64x128xf32, #tpu.memory_space<vmem>>) target(%dma_start3A_491 : memref<64x128xf32, #tpu.memory_space<vmem_shared>>) target_semaphore(%run_scoped3A : memref<!tpu.dma_semaphore, #tpu.memory_space<semaphore_mem>>)
          %dma_wait3A_499 = arith.constant 0 : i32
          %dma_wait3A_500 = arith.constant 0 : i32
          %dma_wait3A_501 = tpu.memref_slice %arg9[%cond3A_456, %dma_wait3A_499, %dma_wait3A_500] : memref<4x80x128xf32, #tpu.memory_space<vmem>> -> memref<1x80x128xf32, #tpu.memory_space<vmem>>
          %dma_wait3A_502 = tpu.memref_squeeze %dma_wait3A_501 : memref<1x80x128xf32, #tpu.memory_space<vmem>> -> memref<80x128xf32, #tpu.memory_space<vmem>>
          %dma_wait3A_503 = arith.constant 0 : i32
          %dma_wait3A_504 = arith.constant 0 : i32
          %dma_wait3A_505 = tpu.memref_slice %dma_wait3A_502[%dma_wait3A_503, %dma_wait3A_504] : memref<80x128xf32, #tpu.memory_space<vmem>> -> memref<64x128xf32, #tpu.memory_space<vmem>>
          %dma_wait3A_506 = arith.constant 0 : i32
          %dma_wait3A_507 = tpu.memref_slice %arg10[%add3A_480, %dma_wait3A_506] : memref<10000x128xf32, #tpu.memory_space<vmem_shared>> -> memref<64x128xf32, #tpu.memory_space<vmem_shared>>
          %dma_wait3A_508 = arith.constant 0 : i32
          %dma_wait3A_509 = tpu.memref_slice %arg10[%add3A_480, %dma_wait3A_508] : memref<10000x128xf32, #tpu.memory_space<vmem_shared>> -> memref<64x128xf32, #tpu.memory_space<vmem_shared>>
          %dma_wait3A_510 = arith.constant 0 : i32
          %dma_wait3A_511 = arith.constant 0 : i32
          %dma_wait3A_512 = tpu.memref_slice %arg9[%cond3A_456, %dma_wait3A_510, %dma_wait3A_511] : memref<4x80x128xf32, #tpu.memory_space<vmem>> -> memref<1x80x128xf32, #tpu.memory_space<vmem>>
          %dma_wait3A_513 = tpu.memref_squeeze %dma_wait3A_512 : memref<1x80x128xf32, #tpu.memory_space<vmem>> -> memref<80x128xf32, #tpu.memory_space<vmem>>
          %dma_wait3A_514 = arith.constant 0 : i32
          %dma_wait3A_515 = arith.constant 0 : i32
          %dma_wait3A_516 = tpu.memref_slice %dma_wait3A_513[%dma_wait3A_514, %dma_wait3A_515] : memref<80x128xf32, #tpu.memory_space<vmem>> -> memref<64x128xf32, #tpu.memory_space<vmem>>
          tpu.wait_dma2 semaphore(%run_scoped3A : memref<!tpu.dma_semaphore, #tpu.memory_space<semaphore_mem>>) src(%dma_wait3A_516 : memref<64x128xf32, #tpu.memory_space<vmem>>) dst(%dma_wait3A_509 : memref<64x128xf32, #tpu.memory_space<vmem_shared>>)
          tpu.yield
        }) : () -> ()
      } else {
      }
      %eq3A_459 = arith.constant 15 : i32
      %eq3A_460 = arith.cmpi eq, %arg1, %eq3A_459 : i32
      %convert_element_type3A_461 = arith.extui %eq3A_460 : i1 to i32
      %cond3A_462 = arith.constant 0 : i32
      %cond3A_463 = arith.constant 0 : i32
      %cond3A_464 = arith.cmpi ne, %convert_element_type3A_461, %cond3A_463 : i32
      scf.if %cond3A_464 {
        "tpu.region"() ({
          %run_scoped3A = tpu.sem_alloc : memref<!tpu.dma_semaphore, #tpu.memory_space<semaphore_mem>>
          %dma_start3A_465 = arith.constant 0 : i32
          %dma_start3A_466 = arith.constant 0 : i32
          %dma_start3A_467 = tpu.memref_slice %arg9[%cond3A_462, %dma_start3A_465, %dma_start3A_466] : memref<4x80x128xf32, #tpu.memory_space<vmem>> -> memref<1x80x128xf32, #tpu.memory_space<vmem>>
          %dma_start3A_468 = tpu.memref_squeeze %dma_start3A_467 : memref<1x80x128xf32, #tpu.memory_space<vmem>> -> memref<80x128xf32, #tpu.memory_space<vmem>>
          %dma_start3A_469 = arith.constant 9360 : i32
          %dma_start3A_470 = arith.constant 0 : i32
          %dma_start3A_471 = tpu.memref_slice %arg10[%dma_start3A_469, %dma_start3A_470] : memref<10000x128xf32, #tpu.memory_space<vmem_shared>> -> memref<80x128xf32, #tpu.memory_space<vmem_shared>>
          %dma_start3A_472 = arith.constant 9360 : i32
          %dma_start3A_473 = arith.constant 0 : i32
          %dma_start3A_474 = tpu.memref_slice %arg10[%dma_start3A_472, %dma_start3A_473] : memref<10000x128xf32, #tpu.memory_space<vmem_shared>> -> memref<80x128xf32, #tpu.memory_space<vmem_shared>>
          %dma_start3A_475 = arith.constant 0 : i32
          %dma_start3A_476 = arith.constant 0 : i32
          %dma_start3A_477 = tpu.memref_slice %arg9[%cond3A_462, %dma_start3A_475, %dma_start3A_476] : memref<4x80x128xf32, #tpu.memory_space<vmem>> -> memref<1x80x128xf32, #tpu.memory_space<vmem>>
          %dma_start3A_478 = tpu.memref_squeeze %dma_start3A_477 : memref<1x80x128xf32, #tpu.memory_space<vmem>> -> memref<80x128xf32, #tpu.memory_space<vmem>>
          tpu.enqueue_dma source(%dma_start3A_478 : memref<80x128xf32, #tpu.memory_space<vmem>>) target(%dma_start3A_474 : memref<80x128xf32, #tpu.memory_space<vmem_shared>>) target_semaphore(%run_scoped3A : memref<!tpu.dma_semaphore, #tpu.memory_space<semaphore_mem>>)
          %dma_wait3A_479 = arith.constant 0 : i32
          %dma_wait3A_480 = arith.constant 0 : i32
          %dma_wait3A_481 = tpu.memref_slice %arg9[%cond3A_462, %dma_wait3A_479, %dma_wait3A_480] : memref<4x80x128xf32, #tpu.memory_space<vmem>> -> memref<1x80x128xf32, #tpu.memory_space<vmem>>
          %dma_wait3A_482 = tpu.memref_squeeze %dma_wait3A_481 : memref<1x80x128xf32, #tpu.memory_space<vmem>> -> memref<80x128xf32, #tpu.memory_space<vmem>>
          %dma_wait3A_483 = arith.constant 9360 : i32
          %dma_wait3A_484 = arith.constant 0 : i32
          %dma_wait3A_485 = tpu.memref_slice %arg10[%dma_wait3A_483, %dma_wait3A_484] : memref<10000x128xf32, #tpu.memory_space<vmem_shared>> -> memref<80x128xf32, #tpu.memory_space<vmem_shared>>
          %dma_wait3A_486 = arith.constant 9360 : i32
          %dma_wait3A_487 = arith.constant 0 : i32
          %dma_wait3A_488 = tpu.memref_slice %arg10[%dma_wait3A_486, %dma_wait3A_487] : memref<10000x128xf32, #tpu.memory_space<vmem_shared>> -> memref<80x128xf32, #tpu.memory_space<vmem_shared>>
          %dma_wait3A_489 = arith.constant 0 : i32
          %dma_wait3A_490 = arith.constant 0 : i32
          %dma_wait3A_491 = tpu.memref_slice %arg9[%cond3A_462, %dma_wait3A_489, %dma_wait3A_490] : memref<4x80x128xf32, #tpu.memory_space<vmem>> -> memref<1x80x128xf32, #tpu.memory_space<vmem>>
          %dma_wait3A_492 = tpu.memref_squeeze %dma_wait3A_491 : memref<1x80x128xf32, #tpu.memory_space<vmem>> -> memref<80x128xf32, #tpu.memory_space<vmem>>
          tpu.wait_dma2 semaphore(%run_scoped3A : memref<!tpu.dma_semaphore, #tpu.memory_space<semaphore_mem>>) src(%dma_wait3A_492 : memref<80x128xf32, #tpu.memory_space<vmem>>) dst(%dma_wait3A_488 : memref<80x128xf32, #tpu.memory_space<vmem_shared>>)
          tpu.yield
        }) : () -> ()
        "tpu.region"() ({
          %run_scoped3A = tpu.sem_alloc : memref<!tpu.dma_semaphore, #tpu.memory_space<semaphore_mem>>
          %dma_start3A_465 = arith.constant 0 : i32
          %dma_start3A_466 = arith.constant 0 : i32
          %dma_start3A_467 = tpu.memref_slice %arg9[%cond3A_462, %dma_start3A_465, %dma_start3A_466] : memref<4x80x128xf32, #tpu.memory_space<vmem>> -> memref<1x80x128xf32, #tpu.memory_space<vmem>>
          %dma_start3A_468 = tpu.memref_squeeze %dma_start3A_467 : memref<1x80x128xf32, #tpu.memory_space<vmem>> -> memref<80x128xf32, #tpu.memory_space<vmem>>
          %dma_start3A_469 = arith.constant 9440 : i32
          %dma_start3A_470 = arith.constant 0 : i32
          %dma_start3A_471 = tpu.memref_slice %arg10[%dma_start3A_469, %dma_start3A_470] : memref<10000x128xf32, #tpu.memory_space<vmem_shared>> -> memref<80x128xf32, #tpu.memory_space<vmem_shared>>
          %dma_start3A_472 = arith.constant 9440 : i32
          %dma_start3A_473 = arith.constant 0 : i32
          %dma_start3A_474 = tpu.memref_slice %arg10[%dma_start3A_472, %dma_start3A_473] : memref<10000x128xf32, #tpu.memory_space<vmem_shared>> -> memref<80x128xf32, #tpu.memory_space<vmem_shared>>
          %dma_start3A_475 = arith.constant 0 : i32
          %dma_start3A_476 = arith.constant 0 : i32
          %dma_start3A_477 = tpu.memref_slice %arg9[%cond3A_462, %dma_start3A_475, %dma_start3A_476] : memref<4x80x128xf32, #tpu.memory_space<vmem>> -> memref<1x80x128xf32, #tpu.memory_space<vmem>>
          %dma_start3A_478 = tpu.memref_squeeze %dma_start3A_477 : memref<1x80x128xf32, #tpu.memory_space<vmem>> -> memref<80x128xf32, #tpu.memory_space<vmem>>
          tpu.enqueue_dma source(%dma_start3A_478 : memref<80x128xf32, #tpu.memory_space<vmem>>) target(%dma_start3A_474 : memref<80x128xf32, #tpu.memory_space<vmem_shared>>) target_semaphore(%run_scoped3A : memref<!tpu.dma_semaphore, #tpu.memory_space<semaphore_mem>>)
          %dma_wait3A_479 = arith.constant 0 : i32
          %dma_wait3A_480 = arith.constant 0 : i32
          %dma_wait3A_481 = tpu.memref_slice %arg9[%cond3A_462, %dma_wait3A_479, %dma_wait3A_480] : memref<4x80x128xf32, #tpu.memory_space<vmem>> -> memref<1x80x128xf32, #tpu.memory_space<vmem>>
          %dma_wait3A_482 = tpu.memref_squeeze %dma_wait3A_481 : memref<1x80x128xf32, #tpu.memory_space<vmem>> -> memref<80x128xf32, #tpu.memory_space<vmem>>
          %dma_wait3A_483 = arith.constant 9440 : i32
          %dma_wait3A_484 = arith.constant 0 : i32
          %dma_wait3A_485 = tpu.memref_slice %arg10[%dma_wait3A_483, %dma_wait3A_484] : memref<10000x128xf32, #tpu.memory_space<vmem_shared>> -> memref<80x128xf32, #tpu.memory_space<vmem_shared>>
          %dma_wait3A_486 = arith.constant 9440 : i32
          %dma_wait3A_487 = arith.constant 0 : i32
          %dma_wait3A_488 = tpu.memref_slice %arg10[%dma_wait3A_486, %dma_wait3A_487] : memref<10000x128xf32, #tpu.memory_space<vmem_shared>> -> memref<80x128xf32, #tpu.memory_space<vmem_shared>>
          %dma_wait3A_489 = arith.constant 0 : i32
          %dma_wait3A_490 = arith.constant 0 : i32
          %dma_wait3A_491 = tpu.memref_slice %arg9[%cond3A_462, %dma_wait3A_489, %dma_wait3A_490] : memref<4x80x128xf32, #tpu.memory_space<vmem>> -> memref<1x80x128xf32, #tpu.memory_space<vmem>>
          %dma_wait3A_492 = tpu.memref_squeeze %dma_wait3A_491 : memref<1x80x128xf32, #tpu.memory_space<vmem>> -> memref<80x128xf32, #tpu.memory_space<vmem>>
          tpu.wait_dma2 semaphore(%run_scoped3A : memref<!tpu.dma_semaphore, #tpu.memory_space<semaphore_mem>>) src(%dma_wait3A_492 : memref<80x128xf32, #tpu.memory_space<vmem>>) dst(%dma_wait3A_488 : memref<80x128xf32, #tpu.memory_space<vmem_shared>>)
          tpu.yield
        }) : () -> ()
        "tpu.region"() ({
          %run_scoped3A = tpu.sem_alloc : memref<!tpu.dma_semaphore, #tpu.memory_space<semaphore_mem>>
          %dma_start3A_465 = arith.constant 0 : i32
          %dma_start3A_466 = arith.constant 0 : i32
          %dma_start3A_467 = tpu.memref_slice %arg9[%cond3A_462, %dma_start3A_465, %dma_start3A_466] : memref<4x80x128xf32, #tpu.memory_space<vmem>> -> memref<1x80x128xf32, #tpu.memory_space<vmem>>
          %dma_start3A_468 = tpu.memref_squeeze %dma_start3A_467 : memref<1x80x128xf32, #tpu.memory_space<vmem>> -> memref<80x128xf32, #tpu.memory_space<vmem>>
          %dma_start3A_469 = arith.constant 9520 : i32
          %dma_start3A_470 = arith.constant 0 : i32
          %dma_start3A_471 = tpu.memref_slice %arg10[%dma_start3A_469, %dma_start3A_470] : memref<10000x128xf32, #tpu.memory_space<vmem_shared>> -> memref<80x128xf32, #tpu.memory_space<vmem_shared>>
          %dma_start3A_472 = arith.constant 9520 : i32
          %dma_start3A_473 = arith.constant 0 : i32
          %dma_start3A_474 = tpu.memref_slice %arg10[%dma_start3A_472, %dma_start3A_473] : memref<10000x128xf32, #tpu.memory_space<vmem_shared>> -> memref<80x128xf32, #tpu.memory_space<vmem_shared>>
          %dma_start3A_475 = arith.constant 0 : i32
          %dma_start3A_476 = arith.constant 0 : i32
          %dma_start3A_477 = tpu.memref_slice %arg9[%cond3A_462, %dma_start3A_475, %dma_start3A_476] : memref<4x80x128xf32, #tpu.memory_space<vmem>> -> memref<1x80x128xf32, #tpu.memory_space<vmem>>
          %dma_start3A_478 = tpu.memref_squeeze %dma_start3A_477 : memref<1x80x128xf32, #tpu.memory_space<vmem>> -> memref<80x128xf32, #tpu.memory_space<vmem>>
          tpu.enqueue_dma source(%dma_start3A_478 : memref<80x128xf32, #tpu.memory_space<vmem>>) target(%dma_start3A_474 : memref<80x128xf32, #tpu.memory_space<vmem_shared>>) target_semaphore(%run_scoped3A : memref<!tpu.dma_semaphore, #tpu.memory_space<semaphore_mem>>)
          %dma_wait3A_479 = arith.constant 0 : i32
          %dma_wait3A_480 = arith.constant 0 : i32
          %dma_wait3A_481 = tpu.memref_slice %arg9[%cond3A_462, %dma_wait3A_479, %dma_wait3A_480] : memref<4x80x128xf32, #tpu.memory_space<vmem>> -> memref<1x80x128xf32, #tpu.memory_space<vmem>>
          %dma_wait3A_482 = tpu.memref_squeeze %dma_wait3A_481 : memref<1x80x128xf32, #tpu.memory_space<vmem>> -> memref<80x128xf32, #tpu.memory_space<vmem>>
          %dma_wait3A_483 = arith.constant 9520 : i32
          %dma_wait3A_484 = arith.constant 0 : i32
          %dma_wait3A_485 = tpu.memref_slice %arg10[%dma_wait3A_483, %dma_wait3A_484] : memref<10000x128xf32, #tpu.memory_space<vmem_shared>> -> memref<80x128xf32, #tpu.memory_space<vmem_shared>>
          %dma_wait3A_486 = arith.constant 9520 : i32
          %dma_wait3A_487 = arith.constant 0 : i32
          %dma_wait3A_488 = tpu.memref_slice %arg10[%dma_wait3A_486, %dma_wait3A_487] : memref<10000x128xf32, #tpu.memory_space<vmem_shared>> -> memref<80x128xf32, #tpu.memory_space<vmem_shared>>
          %dma_wait3A_489 = arith.constant 0 : i32
          %dma_wait3A_490 = arith.constant 0 : i32
          %dma_wait3A_491 = tpu.memref_slice %arg9[%cond3A_462, %dma_wait3A_489, %dma_wait3A_490] : memref<4x80x128xf32, #tpu.memory_space<vmem>> -> memref<1x80x128xf32, #tpu.memory_space<vmem>>
          %dma_wait3A_492 = tpu.memref_squeeze %dma_wait3A_491 : memref<1x80x128xf32, #tpu.memory_space<vmem>> -> memref<80x128xf32, #tpu.memory_space<vmem>>
          tpu.wait_dma2 semaphore(%run_scoped3A : memref<!tpu.dma_semaphore, #tpu.memory_space<semaphore_mem>>) src(%dma_wait3A_492 : memref<80x128xf32, #tpu.memory_space<vmem>>) dst(%dma_wait3A_488 : memref<80x128xf32, #tpu.memory_space<vmem_shared>>)
          tpu.yield
        }) : () -> ()
        "tpu.region"() ({
          %run_scoped3A = tpu.sem_alloc : memref<!tpu.dma_semaphore, #tpu.memory_space<semaphore_mem>>
          %dma_start3A_465 = arith.constant 0 : i32
          %dma_start3A_466 = arith.constant 0 : i32
          %dma_start3A_467 = tpu.memref_slice %arg9[%cond3A_462, %dma_start3A_465, %dma_start3A_466] : memref<4x80x128xf32, #tpu.memory_space<vmem>> -> memref<1x80x128xf32, #tpu.memory_space<vmem>>
          %dma_start3A_468 = tpu.memref_squeeze %dma_start3A_467 : memref<1x80x128xf32, #tpu.memory_space<vmem>> -> memref<80x128xf32, #tpu.memory_space<vmem>>
          %dma_start3A_469 = arith.constant 9600 : i32
          %dma_start3A_470 = arith.constant 0 : i32
          %dma_start3A_471 = tpu.memref_slice %arg10[%dma_start3A_469, %dma_start3A_470] : memref<10000x128xf32, #tpu.memory_space<vmem_shared>> -> memref<80x128xf32, #tpu.memory_space<vmem_shared>>
          %dma_start3A_472 = arith.constant 9600 : i32
          %dma_start3A_473 = arith.constant 0 : i32
          %dma_start3A_474 = tpu.memref_slice %arg10[%dma_start3A_472, %dma_start3A_473] : memref<10000x128xf32, #tpu.memory_space<vmem_shared>> -> memref<80x128xf32, #tpu.memory_space<vmem_shared>>
          %dma_start3A_475 = arith.constant 0 : i32
          %dma_start3A_476 = arith.constant 0 : i32
          %dma_start3A_477 = tpu.memref_slice %arg9[%cond3A_462, %dma_start3A_475, %dma_start3A_476] : memref<4x80x128xf32, #tpu.memory_space<vmem>> -> memref<1x80x128xf32, #tpu.memory_space<vmem>>
          %dma_start3A_478 = tpu.memref_squeeze %dma_start3A_477 : memref<1x80x128xf32, #tpu.memory_space<vmem>> -> memref<80x128xf32, #tpu.memory_space<vmem>>
          tpu.enqueue_dma source(%dma_start3A_478 : memref<80x128xf32, #tpu.memory_space<vmem>>) target(%dma_start3A_474 : memref<80x128xf32, #tpu.memory_space<vmem_shared>>) target_semaphore(%run_scoped3A : memref<!tpu.dma_semaphore, #tpu.memory_space<semaphore_mem>>)
          %dma_wait3A_479 = arith.constant 0 : i32
          %dma_wait3A_480 = arith.constant 0 : i32
          %dma_wait3A_481 = tpu.memref_slice %arg9[%cond3A_462, %dma_wait3A_479, %dma_wait3A_480] : memref<4x80x128xf32, #tpu.memory_space<vmem>> -> memref<1x80x128xf32, #tpu.memory_space<vmem>>
          %dma_wait3A_482 = tpu.memref_squeeze %dma_wait3A_481 : memref<1x80x128xf32, #tpu.memory_space<vmem>> -> memref<80x128xf32, #tpu.memory_space<vmem>>
          %dma_wait3A_483 = arith.constant 9600 : i32
          %dma_wait3A_484 = arith.constant 0 : i32
          %dma_wait3A_485 = tpu.memref_slice %arg10[%dma_wait3A_483, %dma_wait3A_484] : memref<10000x128xf32, #tpu.memory_space<vmem_shared>> -> memref<80x128xf32, #tpu.memory_space<vmem_shared>>
          %dma_wait3A_486 = arith.constant 9600 : i32
          %dma_wait3A_487 = arith.constant 0 : i32
          %dma_wait3A_488 = tpu.memref_slice %arg10[%dma_wait3A_486, %dma_wait3A_487] : memref<10000x128xf32, #tpu.memory_space<vmem_shared>> -> memref<80x128xf32, #tpu.memory_space<vmem_shared>>
          %dma_wait3A_489 = arith.constant 0 : i32
          %dma_wait3A_490 = arith.constant 0 : i32
          %dma_wait3A_491 = tpu.memref_slice %arg9[%cond3A_462, %dma_wait3A_489, %dma_wait3A_490] : memref<4x80x128xf32, #tpu.memory_space<vmem>> -> memref<1x80x128xf32, #tpu.memory_space<vmem>>
          %dma_wait3A_492 = tpu.memref_squeeze %dma_wait3A_491 : memref<1x80x128xf32, #tpu.memory_space<vmem>> -> memref<80x128xf32, #tpu.memory_space<vmem>>
          tpu.wait_dma2 semaphore(%run_scoped3A : memref<!tpu.dma_semaphore, #tpu.memory_space<semaphore_mem>>) src(%dma_wait3A_492 : memref<80x128xf32, #tpu.memory_space<vmem>>) dst(%dma_wait3A_488 : memref<80x128xf32, #tpu.memory_space<vmem_shared>>)
          tpu.yield
        }) : () -> ()
        "tpu.region"() ({
          %run_scoped3A = tpu.sem_alloc : memref<!tpu.dma_semaphore, #tpu.memory_space<semaphore_mem>>
          %dma_start3A_465 = arith.constant 0 : i32
          %dma_start3A_466 = arith.constant 0 : i32
          %dma_start3A_467 = tpu.memref_slice %arg9[%cond3A_462, %dma_start3A_465, %dma_start3A_466] : memref<4x80x128xf32, #tpu.memory_space<vmem>> -> memref<1x80x128xf32, #tpu.memory_space<vmem>>
          %dma_start3A_468 = tpu.memref_squeeze %dma_start3A_467 : memref<1x80x128xf32, #tpu.memory_space<vmem>> -> memref<80x128xf32, #tpu.memory_space<vmem>>
          %dma_start3A_469 = arith.constant 9680 : i32
          %dma_start3A_470 = arith.constant 0 : i32
          %dma_start3A_471 = tpu.memref_slice %arg10[%dma_start3A_469, %dma_start3A_470] : memref<10000x128xf32, #tpu.memory_space<vmem_shared>> -> memref<80x128xf32, #tpu.memory_space<vmem_shared>>
          %dma_start3A_472 = arith.constant 9680 : i32
          %dma_start3A_473 = arith.constant 0 : i32
          %dma_start3A_474 = tpu.memref_slice %arg10[%dma_start3A_472, %dma_start3A_473] : memref<10000x128xf32, #tpu.memory_space<vmem_shared>> -> memref<80x128xf32, #tpu.memory_space<vmem_shared>>
          %dma_start3A_475 = arith.constant 0 : i32
          %dma_start3A_476 = arith.constant 0 : i32
          %dma_start3A_477 = tpu.memref_slice %arg9[%cond3A_462, %dma_start3A_475, %dma_start3A_476] : memref<4x80x128xf32, #tpu.memory_space<vmem>> -> memref<1x80x128xf32, #tpu.memory_space<vmem>>
          %dma_start3A_478 = tpu.memref_squeeze %dma_start3A_477 : memref<1x80x128xf32, #tpu.memory_space<vmem>> -> memref<80x128xf32, #tpu.memory_space<vmem>>
          tpu.enqueue_dma source(%dma_start3A_478 : memref<80x128xf32, #tpu.memory_space<vmem>>) target(%dma_start3A_474 : memref<80x128xf32, #tpu.memory_space<vmem_shared>>) target_semaphore(%run_scoped3A : memref<!tpu.dma_semaphore, #tpu.memory_space<semaphore_mem>>)
          %dma_wait3A_479 = arith.constant 0 : i32
          %dma_wait3A_480 = arith.constant 0 : i32
          %dma_wait3A_481 = tpu.memref_slice %arg9[%cond3A_462, %dma_wait3A_479, %dma_wait3A_480] : memref<4x80x128xf32, #tpu.memory_space<vmem>> -> memref<1x80x128xf32, #tpu.memory_space<vmem>>
          %dma_wait3A_482 = tpu.memref_squeeze %dma_wait3A_481 : memref<1x80x128xf32, #tpu.memory_space<vmem>> -> memref<80x128xf32, #tpu.memory_space<vmem>>
          %dma_wait3A_483 = arith.constant 9680 : i32
          %dma_wait3A_484 = arith.constant 0 : i32
          %dma_wait3A_485 = tpu.memref_slice %arg10[%dma_wait3A_483, %dma_wait3A_484] : memref<10000x128xf32, #tpu.memory_space<vmem_shared>> -> memref<80x128xf32, #tpu.memory_space<vmem_shared>>
          %dma_wait3A_486 = arith.constant 9680 : i32
          %dma_wait3A_487 = arith.constant 0 : i32
          %dma_wait3A_488 = tpu.memref_slice %arg10[%dma_wait3A_486, %dma_wait3A_487] : memref<10000x128xf32, #tpu.memory_space<vmem_shared>> -> memref<80x128xf32, #tpu.memory_space<vmem_shared>>
          %dma_wait3A_489 = arith.constant 0 : i32
          %dma_wait3A_490 = arith.constant 0 : i32
          %dma_wait3A_491 = tpu.memref_slice %arg9[%cond3A_462, %dma_wait3A_489, %dma_wait3A_490] : memref<4x80x128xf32, #tpu.memory_space<vmem>> -> memref<1x80x128xf32, #tpu.memory_space<vmem>>
          %dma_wait3A_492 = tpu.memref_squeeze %dma_wait3A_491 : memref<1x80x128xf32, #tpu.memory_space<vmem>> -> memref<80x128xf32, #tpu.memory_space<vmem>>
          tpu.wait_dma2 semaphore(%run_scoped3A : memref<!tpu.dma_semaphore, #tpu.memory_space<semaphore_mem>>) src(%dma_wait3A_492 : memref<80x128xf32, #tpu.memory_space<vmem>>) dst(%dma_wait3A_488 : memref<80x128xf32, #tpu.memory_space<vmem_shared>>)
          tpu.yield
        }) : () -> ()
        "tpu.region"() ({
          %run_scoped3A = tpu.sem_alloc : memref<!tpu.dma_semaphore, #tpu.memory_space<semaphore_mem>>
          %dma_start3A_465 = arith.constant 0 : i32
          %dma_start3A_466 = arith.constant 0 : i32
          %dma_start3A_467 = tpu.memref_slice %arg9[%cond3A_462, %dma_start3A_465, %dma_start3A_466] : memref<4x80x128xf32, #tpu.memory_space<vmem>> -> memref<1x80x128xf32, #tpu.memory_space<vmem>>
          %dma_start3A_468 = tpu.memref_squeeze %dma_start3A_467 : memref<1x80x128xf32, #tpu.memory_space<vmem>> -> memref<80x128xf32, #tpu.memory_space<vmem>>
          %dma_start3A_469 = arith.constant 9760 : i32
          %dma_start3A_470 = arith.constant 0 : i32
          %dma_start3A_471 = tpu.memref_slice %arg10[%dma_start3A_469, %dma_start3A_470] : memref<10000x128xf32, #tpu.memory_space<vmem_shared>> -> memref<80x128xf32, #tpu.memory_space<vmem_shared>>
          %dma_start3A_472 = arith.constant 9760 : i32
          %dma_start3A_473 = arith.constant 0 : i32
          %dma_start3A_474 = tpu.memref_slice %arg10[%dma_start3A_472, %dma_start3A_473] : memref<10000x128xf32, #tpu.memory_space<vmem_shared>> -> memref<80x128xf32, #tpu.memory_space<vmem_shared>>
          %dma_start3A_475 = arith.constant 0 : i32
          %dma_start3A_476 = arith.constant 0 : i32
          %dma_start3A_477 = tpu.memref_slice %arg9[%cond3A_462, %dma_start3A_475, %dma_start3A_476] : memref<4x80x128xf32, #tpu.memory_space<vmem>> -> memref<1x80x128xf32, #tpu.memory_space<vmem>>
          %dma_start3A_478 = tpu.memref_squeeze %dma_start3A_477 : memref<1x80x128xf32, #tpu.memory_space<vmem>> -> memref<80x128xf32, #tpu.memory_space<vmem>>
          tpu.enqueue_dma source(%dma_start3A_478 : memref<80x128xf32, #tpu.memory_space<vmem>>) target(%dma_start3A_474 : memref<80x128xf32, #tpu.memory_space<vmem_shared>>) target_semaphore(%run_scoped3A : memref<!tpu.dma_semaphore, #tpu.memory_space<semaphore_mem>>)
          %dma_wait3A_479 = arith.constant 0 : i32
          %dma_wait3A_480 = arith.constant 0 : i32
          %dma_wait3A_481 = tpu.memref_slice %arg9[%cond3A_462, %dma_wait3A_479, %dma_wait3A_480] : memref<4x80x128xf32, #tpu.memory_space<vmem>> -> memref<1x80x128xf32, #tpu.memory_space<vmem>>
          %dma_wait3A_482 = tpu.memref_squeeze %dma_wait3A_481 : memref<1x80x128xf32, #tpu.memory_space<vmem>> -> memref<80x128xf32, #tpu.memory_space<vmem>>
          %dma_wait3A_483 = arith.constant 9760 : i32
          %dma_wait3A_484 = arith.constant 0 : i32
          %dma_wait3A_485 = tpu.memref_slice %arg10[%dma_wait3A_483, %dma_wait3A_484] : memref<10000x128xf32, #tpu.memory_space<vmem_shared>> -> memref<80x128xf32, #tpu.memory_space<vmem_shared>>
          %dma_wait3A_486 = arith.constant 9760 : i32
          %dma_wait3A_487 = arith.constant 0 : i32
          %dma_wait3A_488 = tpu.memref_slice %arg10[%dma_wait3A_486, %dma_wait3A_487] : memref<10000x128xf32, #tpu.memory_space<vmem_shared>> -> memref<80x128xf32, #tpu.memory_space<vmem_shared>>
          %dma_wait3A_489 = arith.constant 0 : i32
          %dma_wait3A_490 = arith.constant 0 : i32
          %dma_wait3A_491 = tpu.memref_slice %arg9[%cond3A_462, %dma_wait3A_489, %dma_wait3A_490] : memref<4x80x128xf32, #tpu.memory_space<vmem>> -> memref<1x80x128xf32, #tpu.memory_space<vmem>>
          %dma_wait3A_492 = tpu.memref_squeeze %dma_wait3A_491 : memref<1x80x128xf32, #tpu.memory_space<vmem>> -> memref<80x128xf32, #tpu.memory_space<vmem>>
          tpu.wait_dma2 semaphore(%run_scoped3A : memref<!tpu.dma_semaphore, #tpu.memory_space<semaphore_mem>>) src(%dma_wait3A_492 : memref<80x128xf32, #tpu.memory_space<vmem>>) dst(%dma_wait3A_488 : memref<80x128xf32, #tpu.memory_space<vmem_shared>>)
          tpu.yield
        }) : () -> ()
        "tpu.region"() ({
          %run_scoped3A = tpu.sem_alloc : memref<!tpu.dma_semaphore, #tpu.memory_space<semaphore_mem>>
          %dma_start3A_465 = arith.constant 0 : i32
          %dma_start3A_466 = arith.constant 0 : i32
          %dma_start3A_467 = tpu.memref_slice %arg9[%cond3A_462, %dma_start3A_465, %dma_start3A_466] : memref<4x80x128xf32, #tpu.memory_space<vmem>> -> memref<1x80x128xf32, #tpu.memory_space<vmem>>
          %dma_start3A_468 = tpu.memref_squeeze %dma_start3A_467 : memref<1x80x128xf32, #tpu.memory_space<vmem>> -> memref<80x128xf32, #tpu.memory_space<vmem>>
          %dma_start3A_469 = arith.constant 9840 : i32
          %dma_start3A_470 = arith.constant 0 : i32
          %dma_start3A_471 = tpu.memref_slice %arg10[%dma_start3A_469, %dma_start3A_470] : memref<10000x128xf32, #tpu.memory_space<vmem_shared>> -> memref<80x128xf32, #tpu.memory_space<vmem_shared>>
          %dma_start3A_472 = arith.constant 9840 : i32
          %dma_start3A_473 = arith.constant 0 : i32
          %dma_start3A_474 = tpu.memref_slice %arg10[%dma_start3A_472, %dma_start3A_473] : memref<10000x128xf32, #tpu.memory_space<vmem_shared>> -> memref<80x128xf32, #tpu.memory_space<vmem_shared>>
          %dma_start3A_475 = arith.constant 0 : i32
          %dma_start3A_476 = arith.constant 0 : i32
          %dma_start3A_477 = tpu.memref_slice %arg9[%cond3A_462, %dma_start3A_475, %dma_start3A_476] : memref<4x80x128xf32, #tpu.memory_space<vmem>> -> memref<1x80x128xf32, #tpu.memory_space<vmem>>
          %dma_start3A_478 = tpu.memref_squeeze %dma_start3A_477 : memref<1x80x128xf32, #tpu.memory_space<vmem>> -> memref<80x128xf32, #tpu.memory_space<vmem>>
          tpu.enqueue_dma source(%dma_start3A_478 : memref<80x128xf32, #tpu.memory_space<vmem>>) target(%dma_start3A_474 : memref<80x128xf32, #tpu.memory_space<vmem_shared>>) target_semaphore(%run_scoped3A : memref<!tpu.dma_semaphore, #tpu.memory_space<semaphore_mem>>)
          %dma_wait3A_479 = arith.constant 0 : i32
          %dma_wait3A_480 = arith.constant 0 : i32
          %dma_wait3A_481 = tpu.memref_slice %arg9[%cond3A_462, %dma_wait3A_479, %dma_wait3A_480] : memref<4x80x128xf32, #tpu.memory_space<vmem>> -> memref<1x80x128xf32, #tpu.memory_space<vmem>>
          %dma_wait3A_482 = tpu.memref_squeeze %dma_wait3A_481 : memref<1x80x128xf32, #tpu.memory_space<vmem>> -> memref<80x128xf32, #tpu.memory_space<vmem>>
          %dma_wait3A_483 = arith.constant 9840 : i32
          %dma_wait3A_484 = arith.constant 0 : i32
          %dma_wait3A_485 = tpu.memref_slice %arg10[%dma_wait3A_483, %dma_wait3A_484] : memref<10000x128xf32, #tpu.memory_space<vmem_shared>> -> memref<80x128xf32, #tpu.memory_space<vmem_shared>>
          %dma_wait3A_486 = arith.constant 9840 : i32
          %dma_wait3A_487 = arith.constant 0 : i32
          %dma_wait3A_488 = tpu.memref_slice %arg10[%dma_wait3A_486, %dma_wait3A_487] : memref<10000x128xf32, #tpu.memory_space<vmem_shared>> -> memref<80x128xf32, #tpu.memory_space<vmem_shared>>
          %dma_wait3A_489 = arith.constant 0 : i32
          %dma_wait3A_490 = arith.constant 0 : i32
          %dma_wait3A_491 = tpu.memref_slice %arg9[%cond3A_462, %dma_wait3A_489, %dma_wait3A_490] : memref<4x80x128xf32, #tpu.memory_space<vmem>> -> memref<1x80x128xf32, #tpu.memory_space<vmem>>
          %dma_wait3A_492 = tpu.memref_squeeze %dma_wait3A_491 : memref<1x80x128xf32, #tpu.memory_space<vmem>> -> memref<80x128xf32, #tpu.memory_space<vmem>>
          tpu.wait_dma2 semaphore(%run_scoped3A : memref<!tpu.dma_semaphore, #tpu.memory_space<semaphore_mem>>) src(%dma_wait3A_492 : memref<80x128xf32, #tpu.memory_space<vmem>>) dst(%dma_wait3A_488 : memref<80x128xf32, #tpu.memory_space<vmem_shared>>)
          tpu.yield
        }) : () -> ()
        "tpu.region"() ({
          %run_scoped3A = tpu.sem_alloc : memref<!tpu.dma_semaphore, #tpu.memory_space<semaphore_mem>>
          %dma_start3A_465 = arith.constant 0 : i32
          %dma_start3A_466 = arith.constant 0 : i32
          %dma_start3A_467 = tpu.memref_slice %arg9[%cond3A_462, %dma_start3A_465, %dma_start3A_466] : memref<4x80x128xf32, #tpu.memory_space<vmem>> -> memref<1x80x128xf32, #tpu.memory_space<vmem>>
          %dma_start3A_468 = tpu.memref_squeeze %dma_start3A_467 : memref<1x80x128xf32, #tpu.memory_space<vmem>> -> memref<80x128xf32, #tpu.memory_space<vmem>>
          %dma_start3A_469 = arith.constant 9920 : i32
          %dma_start3A_470 = arith.constant 0 : i32
          %dma_start3A_471 = tpu.memref_slice %arg10[%dma_start3A_469, %dma_start3A_470] : memref<10000x128xf32, #tpu.memory_space<vmem_shared>> -> memref<80x128xf32, #tpu.memory_space<vmem_shared>>
          %dma_start3A_472 = arith.constant 9920 : i32
          %dma_start3A_473 = arith.constant 0 : i32
          %dma_start3A_474 = tpu.memref_slice %arg10[%dma_start3A_472, %dma_start3A_473] : memref<10000x128xf32, #tpu.memory_space<vmem_shared>> -> memref<80x128xf32, #tpu.memory_space<vmem_shared>>
          %dma_start3A_475 = arith.constant 0 : i32
          %dma_start3A_476 = arith.constant 0 : i32
          %dma_start3A_477 = tpu.memref_slice %arg9[%cond3A_462, %dma_start3A_475, %dma_start3A_476] : memref<4x80x128xf32, #tpu.memory_space<vmem>> -> memref<1x80x128xf32, #tpu.memory_space<vmem>>
          %dma_start3A_478 = tpu.memref_squeeze %dma_start3A_477 : memref<1x80x128xf32, #tpu.memory_space<vmem>> -> memref<80x128xf32, #tpu.memory_space<vmem>>
          tpu.enqueue_dma source(%dma_start3A_478 : memref<80x128xf32, #tpu.memory_space<vmem>>) target(%dma_start3A_474 : memref<80x128xf32, #tpu.memory_space<vmem_shared>>) target_semaphore(%run_scoped3A : memref<!tpu.dma_semaphore, #tpu.memory_space<semaphore_mem>>)
          %dma_wait3A_479 = arith.constant 0 : i32
          %dma_wait3A_480 = arith.constant 0 : i32
          %dma_wait3A_481 = tpu.memref_slice %arg9[%cond3A_462, %dma_wait3A_479, %dma_wait3A_480] : memref<4x80x128xf32, #tpu.memory_space<vmem>> -> memref<1x80x128xf32, #tpu.memory_space<vmem>>
          %dma_wait3A_482 = tpu.memref_squeeze %dma_wait3A_481 : memref<1x80x128xf32, #tpu.memory_space<vmem>> -> memref<80x128xf32, #tpu.memory_space<vmem>>
          %dma_wait3A_483 = arith.constant 9920 : i32
          %dma_wait3A_484 = arith.constant 0 : i32
          %dma_wait3A_485 = tpu.memref_slice %arg10[%dma_wait3A_483, %dma_wait3A_484] : memref<10000x128xf32, #tpu.memory_space<vmem_shared>> -> memref<80x128xf32, #tpu.memory_space<vmem_shared>>
          %dma_wait3A_486 = arith.constant 9920 : i32
          %dma_wait3A_487 = arith.constant 0 : i32
          %dma_wait3A_488 = tpu.memref_slice %arg10[%dma_wait3A_486, %dma_wait3A_487] : memref<10000x128xf32, #tpu.memory_space<vmem_shared>> -> memref<80x128xf32, #tpu.memory_space<vmem_shared>>
          %dma_wait3A_489 = arith.constant 0 : i32
          %dma_wait3A_490 = arith.constant 0 : i32
          %dma_wait3A_491 = tpu.memref_slice %arg9[%cond3A_462, %dma_wait3A_489, %dma_wait3A_490] : memref<4x80x128xf32, #tpu.memory_space<vmem>> -> memref<1x80x128xf32, #tpu.memory_space<vmem>>
          %dma_wait3A_492 = tpu.memref_squeeze %dma_wait3A_491 : memref<1x80x128xf32, #tpu.memory_space<vmem>> -> memref<80x128xf32, #tpu.memory_space<vmem>>
          tpu.wait_dma2 semaphore(%run_scoped3A : memref<!tpu.dma_semaphore, #tpu.memory_space<semaphore_mem>>) src(%dma_wait3A_492 : memref<80x128xf32, #tpu.memory_space<vmem>>) dst(%dma_wait3A_488 : memref<80x128xf32, #tpu.memory_space<vmem_shared>>)
          tpu.yield
        }) : () -> ()
      } else {
      }
    } else {
    }
    %barrier3A = arith.constant 0 : index
    tpu.barrier barrier_id(%barrier3A)
    %add3A_12 = arith.constant 0 : i32
    %add3A_13 = arith.addi %mul3A_2, %add3A_12 : i32
    %dma_start3A = arith.constant 0 : i32
    %dma_start3A_14 = arith.constant 0 : i32
    %dma_start3A_15 = arith.constant 0 : i32
    %dma_start3A_16 = tpu.memref_slice %arg3[%add3A_13, %dma_start3A_14, %dma_start3A_15] : memref<4000x2x80xi32, #tpu.memory_space<hbm>> -> memref<1x2x80xi32, #tpu.memory_space<hbm>>
    %dma_start3A_17 = tpu.memref_squeeze %dma_start3A_16 : memref<1x2x80xi32, #tpu.memory_space<hbm>> -> memref<2x80xi32, #tpu.memory_space<hbm>>
    %dma_start3A_18 = tpu.memref_slice %arg11[%dma_start3A] : memref<4x!tpu.dma_semaphore, #tpu.memory_space<semaphore_mem>> -> memref<1x!tpu.dma_semaphore, #tpu.memory_space<semaphore_mem>>
    %dma_start3A_19 = tpu.memref_squeeze %dma_start3A_18 : memref<1x!tpu.dma_semaphore, #tpu.memory_space<semaphore_mem>> -> memref<!tpu.dma_semaphore, #tpu.memory_space<semaphore_mem>>
    %dma_start3A_20 = arith.constant 0 : i32
    %dma_start3A_21 = arith.constant 0 : i32
    %dma_start3A_22 = tpu.memref_slice %arg3[%add3A_13, %dma_start3A_20, %dma_start3A_21] : memref<4000x2x80xi32, #tpu.memory_space<hbm>> -> memref<1x2x80xi32, #tpu.memory_space<hbm>>
    %dma_start3A_23 = tpu.memref_squeeze %dma_start3A_22 : memref<1x2x80xi32, #tpu.memory_space<hbm>> -> memref<2x80xi32, #tpu.memory_space<hbm>>
    tpu.enqueue_dma source(%dma_start3A_23 : memref<2x80xi32, #tpu.memory_space<hbm>>) target(%arg5 : memref<2x80xi32, #tpu.memory_space<vmem>>) target_semaphore(%dma_start3A_19 : memref<!tpu.dma_semaphore, #tpu.memory_space<semaphore_mem>>)
    %add3A_24 = arith.constant 1 : i32
    %add3A_25 = arith.addi %mul3A_2, %add3A_24 : i32
    %dma_start3A_26 = arith.constant 1 : i32
    %dma_start3A_27 = arith.constant 0 : i32
    %dma_start3A_28 = arith.constant 0 : i32
    %dma_start3A_29 = tpu.memref_slice %arg3[%add3A_25, %dma_start3A_27, %dma_start3A_28] : memref<4000x2x80xi32, #tpu.memory_space<hbm>> -> memref<1x2x80xi32, #tpu.memory_space<hbm>>
    %dma_start3A_30 = tpu.memref_squeeze %dma_start3A_29 : memref<1x2x80xi32, #tpu.memory_space<hbm>> -> memref<2x80xi32, #tpu.memory_space<hbm>>
    %dma_start3A_31 = tpu.memref_slice %arg11[%dma_start3A_26] : memref<4x!tpu.dma_semaphore, #tpu.memory_space<semaphore_mem>> -> memref<1x!tpu.dma_semaphore, #tpu.memory_space<semaphore_mem>>
    %dma_start3A_32 = tpu.memref_squeeze %dma_start3A_31 : memref<1x!tpu.dma_semaphore, #tpu.memory_space<semaphore_mem>> -> memref<!tpu.dma_semaphore, #tpu.memory_space<semaphore_mem>>
    %dma_start3A_33 = arith.constant 0 : i32
    %dma_start3A_34 = arith.constant 0 : i32
    %dma_start3A_35 = tpu.memref_slice %arg3[%add3A_25, %dma_start3A_33, %dma_start3A_34] : memref<4000x2x80xi32, #tpu.memory_space<hbm>> -> memref<1x2x80xi32, #tpu.memory_space<hbm>>
    %dma_start3A_36 = tpu.memref_squeeze %dma_start3A_35 : memref<1x2x80xi32, #tpu.memory_space<hbm>> -> memref<2x80xi32, #tpu.memory_space<hbm>>
    tpu.enqueue_dma source(%dma_start3A_36 : memref<2x80xi32, #tpu.memory_space<hbm>>) target(%arg6 : memref<2x80xi32, #tpu.memory_space<vmem>>) target_semaphore(%dma_start3A_32 : memref<!tpu.dma_semaphore, #tpu.memory_space<semaphore_mem>>)
    %dma_wait3A = arith.constant 0 : i32
    %dma_wait3A_37 = arith.constant 0 : i32
    %dma_wait3A_38 = arith.constant 0 : i32
    %dma_wait3A_39 = tpu.memref_slice %arg3[%mul3A_2, %dma_wait3A_37, %dma_wait3A_38] : memref<4000x2x80xi32, #tpu.memory_space<hbm>> -> memref<1x2x80xi32, #tpu.memory_space<hbm>>
    %dma_wait3A_40 = tpu.memref_squeeze %dma_wait3A_39 : memref<1x2x80xi32, #tpu.memory_space<hbm>> -> memref<2x80xi32, #tpu.memory_space<hbm>>
    %dma_wait3A_41 = tpu.memref_slice %arg11[%dma_wait3A] : memref<4x!tpu.dma_semaphore, #tpu.memory_space<semaphore_mem>> -> memref<1x!tpu.dma_semaphore, #tpu.memory_space<semaphore_mem>>
    %dma_wait3A_42 = tpu.memref_squeeze %dma_wait3A_41 : memref<1x!tpu.dma_semaphore, #tpu.memory_space<semaphore_mem>> -> memref<!tpu.dma_semaphore, #tpu.memory_space<semaphore_mem>>
    %dma_wait3A_43 = arith.constant 0 : i32
    %dma_wait3A_44 = arith.constant 0 : i32
    %dma_wait3A_45 = tpu.memref_slice %arg3[%mul3A_2, %dma_wait3A_43, %dma_wait3A_44] : memref<4000x2x80xi32, #tpu.memory_space<hbm>> -> memref<1x2x80xi32, #tpu.memory_space<hbm>>
    %dma_wait3A_46 = tpu.memref_squeeze %dma_wait3A_45 : memref<1x2x80xi32, #tpu.memory_space<hbm>> -> memref<2x80xi32, #tpu.memory_space<hbm>>
    tpu.wait_dma2 semaphore(%dma_wait3A_42 : memref<!tpu.dma_semaphore, #tpu.memory_space<semaphore_mem>>) src(%dma_wait3A_46 : memref<2x80xi32, #tpu.memory_space<hbm>>) dst(%arg5 : memref<2x80xi32, #tpu.memory_space<vmem>>)
    %dma_start3A_47 = arith.constant 0 : i32
    %dma_start3A_48 = arith.constant 0 : i32
    %dma_start3A_49 = arith.constant 0 : i32
    %dma_start3A_50 = arith.constant 0 : i32
    %dma_start3A_51 = arith.constant 0 : i32
    %dma_start3A_52 = tpu.memref_slice %arg9[%dma_start3A_48, %dma_start3A_50, %dma_start3A_51] : memref<4x80x128xf32, #tpu.memory_space<vmem>> -> memref<1x80x128xf32, #tpu.memory_space<vmem>>
    %dma_start3A_53 = tpu.memref_squeeze %dma_start3A_52 : memref<1x80x128xf32, #tpu.memory_space<vmem>> -> memref<80x128xf32, #tpu.memory_space<vmem>>
    %dma_start3A_54 = arith.constant 0 : i32
    %dma_start3A_55 = tpu.memref_slice %arg5[%dma_start3A_47, %dma_start3A_54] : memref<2x80xi32, #tpu.memory_space<vmem>> -> memref<1x80xi32, #tpu.memory_space<vmem>>
    %dma_start3A_56 = tpu.memref_squeeze %dma_start3A_55 : memref<1x80xi32, #tpu.memory_space<vmem>> -> memref<80xi32, #tpu.memory_space<vmem>>
    %dma_start3A_57 = arith.constant 0 : i32
    %dma_start3A_58 = arith.constant 0 : i32
    %dma_start3A_59 = tpu.memref_slice %arg2[%dma_start3A_57, %dma_start3A_58] : memref<10000x128xf32, #tpu.memory_space<hbm>> -> memref<10000x128xf32, #tpu.memory_space<hbm>>
    %dma_start3A_60 = tpu.memref_slice %arg12[%dma_start3A_49] : memref<4x!tpu.dma_semaphore, #tpu.memory_space<semaphore_mem>> -> memref<1x!tpu.dma_semaphore, #tpu.memory_space<semaphore_mem>>
    %dma_start3A_61 = tpu.memref_squeeze %dma_start3A_60 : memref<1x!tpu.dma_semaphore, #tpu.memory_space<semaphore_mem>> -> memref<!tpu.dma_semaphore, #tpu.memory_space<semaphore_mem>>
    tpu.enqueue_indirect_dma source(%dma_start3A_59 : memref<10000x128xf32, #tpu.memory_space<hbm>>) target(%dma_start3A_53 : memref<80x128xf32, #tpu.memory_space<vmem>>) offsets(%dma_start3A_56 : memref<80xi32, #tpu.memory_space<vmem>>) semaphore(%dma_start3A_61 : memref<!tpu.dma_semaphore, #tpu.memory_space<semaphore_mem>>)
    %add3A_62 = arith.constant 2 : i32
    %add3A_63 = arith.addi %mul3A_2, %add3A_62 : i32
    %dma_start3A_64 = arith.constant 2 : i32
    %dma_start3A_65 = arith.constant 0 : i32
    %dma_start3A_66 = arith.constant 0 : i32
    %dma_start3A_67 = tpu.memref_slice %arg3[%add3A_63, %dma_start3A_65, %dma_start3A_66] : memref<4000x2x80xi32, #tpu.memory_space<hbm>> -> memref<1x2x80xi32, #tpu.memory_space<hbm>>
    %dma_start3A_68 = tpu.memref_squeeze %dma_start3A_67 : memref<1x2x80xi32, #tpu.memory_space<hbm>> -> memref<2x80xi32, #tpu.memory_space<hbm>>
    %dma_start3A_69 = tpu.memref_slice %arg11[%dma_start3A_64] : memref<4x!tpu.dma_semaphore, #tpu.memory_space<semaphore_mem>> -> memref<1x!tpu.dma_semaphore, #tpu.memory_space<semaphore_mem>>
    %dma_start3A_70 = tpu.memref_squeeze %dma_start3A_69 : memref<1x!tpu.dma_semaphore, #tpu.memory_space<semaphore_mem>> -> memref<!tpu.dma_semaphore, #tpu.memory_space<semaphore_mem>>
    %dma_start3A_71 = arith.constant 0 : i32
    %dma_start3A_72 = arith.constant 0 : i32
    %dma_start3A_73 = tpu.memref_slice %arg3[%add3A_63, %dma_start3A_71, %dma_start3A_72] : memref<4000x2x80xi32, #tpu.memory_space<hbm>> -> memref<1x2x80xi32, #tpu.memory_space<hbm>>
    %dma_start3A_74 = tpu.memref_squeeze %dma_start3A_73 : memref<1x2x80xi32, #tpu.memory_space<hbm>> -> memref<2x80xi32, #tpu.memory_space<hbm>>
    tpu.enqueue_dma source(%dma_start3A_74 : memref<2x80xi32, #tpu.memory_space<hbm>>) target(%arg7 : memref<2x80xi32, #tpu.memory_space<vmem>>) target_semaphore(%dma_start3A_70 : memref<!tpu.dma_semaphore, #tpu.memory_space<semaphore_mem>>)
    %dma_wait3A_75 = arith.constant 1 : i32
    %dma_wait3A_76 = arith.constant 0 : i32
    %dma_wait3A_77 = arith.constant 0 : i32
    %dma_wait3A_78 = tpu.memref_slice %arg3[%mul3A_2, %dma_wait3A_76, %dma_wait3A_77] : memref<4000x2x80xi32, #tpu.memory_space<hbm>> -> memref<1x2x80xi32, #tpu.memory_space<hbm>>
    %dma_wait3A_79 = tpu.memref_squeeze %dma_wait3A_78 : memref<1x2x80xi32, #tpu.memory_space<hbm>> -> memref<2x80xi32, #tpu.memory_space<hbm>>
    %dma_wait3A_80 = tpu.memref_slice %arg11[%dma_wait3A_75] : memref<4x!tpu.dma_semaphore, #tpu.memory_space<semaphore_mem>> -> memref<1x!tpu.dma_semaphore, #tpu.memory_space<semaphore_mem>>
    %dma_wait3A_81 = tpu.memref_squeeze %dma_wait3A_80 : memref<1x!tpu.dma_semaphore, #tpu.memory_space<semaphore_mem>> -> memref<!tpu.dma_semaphore, #tpu.memory_space<semaphore_mem>>
    %dma_wait3A_82 = arith.constant 0 : i32
    %dma_wait3A_83 = arith.constant 0 : i32
    %dma_wait3A_84 = tpu.memref_slice %arg3[%mul3A_2, %dma_wait3A_82, %dma_wait3A_83] : memref<4000x2x80xi32, #tpu.memory_space<hbm>> -> memref<1x2x80xi32, #tpu.memory_space<hbm>>
    %dma_wait3A_85 = tpu.memref_squeeze %dma_wait3A_84 : memref<1x2x80xi32, #tpu.memory_space<hbm>> -> memref<2x80xi32, #tpu.memory_space<hbm>>
    tpu.wait_dma2 semaphore(%dma_wait3A_81 : memref<!tpu.dma_semaphore, #tpu.memory_space<semaphore_mem>>) src(%dma_wait3A_85 : memref<2x80xi32, #tpu.memory_space<hbm>>) dst(%arg6 : memref<2x80xi32, #tpu.memory_space<vmem>>)
    %dma_start3A_86 = arith.constant 0 : i32
    %dma_start3A_87 = arith.constant 1 : i32
    %dma_start3A_88 = arith.constant 1 : i32
    %dma_start3A_89 = arith.constant 0 : i32
    %dma_start3A_90 = arith.constant 0 : i32
    %dma_start3A_91 = tpu.memref_slice %arg9[%dma_start3A_87, %dma_start3A_89, %dma_start3A_90] : memref<4x80x128xf32, #tpu.memory_space<vmem>> -> memref<1x80x128xf32, #tpu.memory_space<vmem>>
    %dma_start3A_92 = tpu.memref_squeeze %dma_start3A_91 : memref<1x80x128xf32, #tpu.memory_space<vmem>> -> memref<80x128xf32, #tpu.memory_space<vmem>>
    %dma_start3A_93 = arith.constant 0 : i32
    %dma_start3A_94 = tpu.memref_slice %arg6[%dma_start3A_86, %dma_start3A_93] : memref<2x80xi32, #tpu.memory_space<vmem>> -> memref<1x80xi32, #tpu.memory_space<vmem>>
    %dma_start3A_95 = tpu.memref_squeeze %dma_start3A_94 : memref<1x80xi32, #tpu.memory_space<vmem>> -> memref<80xi32, #tpu.memory_space<vmem>>
    %dma_start3A_96 = arith.constant 0 : i32
    %dma_start3A_97 = arith.constant 0 : i32
    %dma_start3A_98 = tpu.memref_slice %arg2[%dma_start3A_96, %dma_start3A_97] : memref<10000x128xf32, #tpu.memory_space<hbm>> -> memref<10000x128xf32, #tpu.memory_space<hbm>>
    %dma_start3A_99 = tpu.memref_slice %arg12[%dma_start3A_88] : memref<4x!tpu.dma_semaphore, #tpu.memory_space<semaphore_mem>> -> memref<1x!tpu.dma_semaphore, #tpu.memory_space<semaphore_mem>>
    %dma_start3A_100 = tpu.memref_squeeze %dma_start3A_99 : memref<1x!tpu.dma_semaphore, #tpu.memory_space<semaphore_mem>> -> memref<!tpu.dma_semaphore, #tpu.memory_space<semaphore_mem>>
    tpu.enqueue_indirect_dma source(%dma_start3A_98 : memref<10000x128xf32, #tpu.memory_space<hbm>>) target(%dma_start3A_92 : memref<80x128xf32, #tpu.memory_space<vmem>>) offsets(%dma_start3A_95 : memref<80xi32, #tpu.memory_space<vmem>>) semaphore(%dma_start3A_100 : memref<!tpu.dma_semaphore, #tpu.memory_space<semaphore_mem>>)
    %dma_wait3A_101 = arith.constant 0 : i32
    %dma_wait3A_102 = arith.constant 0 : i32
    %dma_wait3A_103 = arith.constant 0 : i32
    %dma_wait3A_104 = arith.constant 0 : i32
    %dma_wait3A_105 = arith.constant 0 : i32
    %dma_wait3A_106 = tpu.memref_slice %arg9[%dma_wait3A_102, %dma_wait3A_104, %dma_wait3A_105] : memref<4x80x128xf32, #tpu.memory_space<vmem>> -> memref<1x80x128xf32, #tpu.memory_space<vmem>>
    %dma_wait3A_107 = tpu.memref_squeeze %dma_wait3A_106 : memref<1x80x128xf32, #tpu.memory_space<vmem>> -> memref<80x128xf32, #tpu.memory_space<vmem>>
    %dma_wait3A_108 = arith.constant 0 : i32
    %dma_wait3A_109 = tpu.memref_slice %arg5[%dma_wait3A_101, %dma_wait3A_108] : memref<2x80xi32, #tpu.memory_space<vmem>> -> memref<1x80xi32, #tpu.memory_space<vmem>>
    %dma_wait3A_110 = tpu.memref_squeeze %dma_wait3A_109 : memref<1x80xi32, #tpu.memory_space<vmem>> -> memref<80xi32, #tpu.memory_space<vmem>>
    %dma_wait3A_111 = arith.constant 0 : i32
    %dma_wait3A_112 = arith.constant 0 : i32
    %dma_wait3A_113 = tpu.memref_slice %arg2[%dma_wait3A_111, %dma_wait3A_112] : memref<10000x128xf32, #tpu.memory_space<hbm>> -> memref<10000x128xf32, #tpu.memory_space<hbm>>
    %dma_wait3A_114 = tpu.memref_slice %arg12[%dma_wait3A_103] : memref<4x!tpu.dma_semaphore, #tpu.memory_space<semaphore_mem>> -> memref<1x!tpu.dma_semaphore, #tpu.memory_space<semaphore_mem>>
    %dma_wait3A_115 = tpu.memref_squeeze %dma_wait3A_114 : memref<1x!tpu.dma_semaphore, #tpu.memory_space<semaphore_mem>> -> memref<!tpu.dma_semaphore, #tpu.memory_space<semaphore_mem>>
    tpu.wait_indirect_dma semaphore(%dma_wait3A_115 : memref<!tpu.dma_semaphore, #tpu.memory_space<semaphore_mem>>) src(%dma_wait3A_113 : memref<10000x128xf32, #tpu.memory_space<hbm>>) dst(%dma_wait3A_107 : memref<80x128xf32, #tpu.memory_space<vmem>>)
    %dma_start3A_116 = arith.constant 0 : i32
    %dma_start3A_117 = arith.constant 1 : i32
    %dma_start3A_118 = arith.constant 0 : i32
    %dma_start3A_119 = arith.constant 0 : i32
    %dma_start3A_120 = arith.constant 0 : i32
    %dma_start3A_121 = tpu.memref_slice %arg9[%dma_start3A_116, %dma_start3A_119, %dma_start3A_120] : memref<4x80x128xf32, #tpu.memory_space<vmem>> -> memref<1x80x128xf32, #tpu.memory_space<vmem>>
    %dma_start3A_122 = tpu.memref_squeeze %dma_start3A_121 : memref<1x80x128xf32, #tpu.memory_space<vmem>> -> memref<80x128xf32, #tpu.memory_space<vmem>>
    %dma_start3A_123 = arith.constant 0 : i32
    %dma_start3A_124 = tpu.memref_slice %arg5[%dma_start3A_117, %dma_start3A_123] : memref<2x80xi32, #tpu.memory_space<vmem>> -> memref<1x80xi32, #tpu.memory_space<vmem>>
    %dma_start3A_125 = tpu.memref_squeeze %dma_start3A_124 : memref<1x80xi32, #tpu.memory_space<vmem>> -> memref<80xi32, #tpu.memory_space<vmem>>
    %dma_start3A_126 = arith.constant 0 : i32
    %dma_start3A_127 = arith.constant 0 : i32
    %dma_start3A_128 = tpu.memref_slice %arg10[%dma_start3A_126, %dma_start3A_127] : memref<10000x128xf32, #tpu.memory_space<vmem_shared>> -> memref<10000x128xf32, #tpu.memory_space<vmem_shared>>
    %dma_start3A_129 = tpu.memref_slice %arg13[%dma_start3A_118] : memref<4x!tpu.dma_semaphore, #tpu.memory_space<semaphore_mem>> -> memref<1x!tpu.dma_semaphore, #tpu.memory_space<semaphore_mem>>
    %dma_start3A_130 = tpu.memref_squeeze %dma_start3A_129 : memref<1x!tpu.dma_semaphore, #tpu.memory_space<semaphore_mem>> -> memref<!tpu.dma_semaphore, #tpu.memory_space<semaphore_mem>>
    tpu.enqueue_indirect_dma source(%dma_start3A_122 : memref<80x128xf32, #tpu.memory_space<vmem>>) target(%dma_start3A_128 : memref<10000x128xf32, #tpu.memory_space<vmem_shared>>) offsets(%dma_start3A_125 : memref<80xi32, #tpu.memory_space<vmem>>) semaphore(%dma_start3A_130 : memref<!tpu.dma_semaphore, #tpu.memory_space<semaphore_mem>>) {add = true}
    %add3A_131 = arith.constant 3 : i32
    %add3A_132 = arith.addi %mul3A_2, %add3A_131 : i32
    %dma_start3A_133 = arith.constant 3 : i32
    %dma_start3A_134 = arith.constant 0 : i32
    %dma_start3A_135 = arith.constant 0 : i32
    %dma_start3A_136 = tpu.memref_slice %arg3[%add3A_132, %dma_start3A_134, %dma_start3A_135] : memref<4000x2x80xi32, #tpu.memory_space<hbm>> -> memref<1x2x80xi32, #tpu.memory_space<hbm>>
    %dma_start3A_137 = tpu.memref_squeeze %dma_start3A_136 : memref<1x2x80xi32, #tpu.memory_space<hbm>> -> memref<2x80xi32, #tpu.memory_space<hbm>>
    %dma_start3A_138 = tpu.memref_slice %arg11[%dma_start3A_133] : memref<4x!tpu.dma_semaphore, #tpu.memory_space<semaphore_mem>> -> memref<1x!tpu.dma_semaphore, #tpu.memory_space<semaphore_mem>>
    %dma_start3A_139 = tpu.memref_squeeze %dma_start3A_138 : memref<1x!tpu.dma_semaphore, #tpu.memory_space<semaphore_mem>> -> memref<!tpu.dma_semaphore, #tpu.memory_space<semaphore_mem>>
    %dma_start3A_140 = arith.constant 0 : i32
    %dma_start3A_141 = arith.constant 0 : i32
    %dma_start3A_142 = tpu.memref_slice %arg3[%add3A_132, %dma_start3A_140, %dma_start3A_141] : memref<4000x2x80xi32, #tpu.memory_space<hbm>> -> memref<1x2x80xi32, #tpu.memory_space<hbm>>
    %dma_start3A_143 = tpu.memref_squeeze %dma_start3A_142 : memref<1x2x80xi32, #tpu.memory_space<hbm>> -> memref<2x80xi32, #tpu.memory_space<hbm>>
    tpu.enqueue_dma source(%dma_start3A_143 : memref<2x80xi32, #tpu.memory_space<hbm>>) target(%arg8 : memref<2x80xi32, #tpu.memory_space<vmem>>) target_semaphore(%dma_start3A_139 : memref<!tpu.dma_semaphore, #tpu.memory_space<semaphore_mem>>)
    %dma_wait3A_144 = arith.constant 2 : i32
    %dma_wait3A_145 = arith.constant 0 : i32
    %dma_wait3A_146 = arith.constant 0 : i32
    %dma_wait3A_147 = tpu.memref_slice %arg3[%mul3A_2, %dma_wait3A_145, %dma_wait3A_146] : memref<4000x2x80xi32, #tpu.memory_space<hbm>> -> memref<1x2x80xi32, #tpu.memory_space<hbm>>
    %dma_wait3A_148 = tpu.memref_squeeze %dma_wait3A_147 : memref<1x2x80xi32, #tpu.memory_space<hbm>> -> memref<2x80xi32, #tpu.memory_space<hbm>>
    %dma_wait3A_149 = tpu.memref_slice %arg11[%dma_wait3A_144] : memref<4x!tpu.dma_semaphore, #tpu.memory_space<semaphore_mem>> -> memref<1x!tpu.dma_semaphore, #tpu.memory_space<semaphore_mem>>
    %dma_wait3A_150 = tpu.memref_squeeze %dma_wait3A_149 : memref<1x!tpu.dma_semaphore, #tpu.memory_space<semaphore_mem>> -> memref<!tpu.dma_semaphore, #tpu.memory_space<semaphore_mem>>
    %dma_wait3A_151 = arith.constant 0 : i32
    %dma_wait3A_152 = arith.constant 0 : i32
    %dma_wait3A_153 = tpu.memref_slice %arg3[%mul3A_2, %dma_wait3A_151, %dma_wait3A_152] : memref<4000x2x80xi32, #tpu.memory_space<hbm>> -> memref<1x2x80xi32, #tpu.memory_space<hbm>>
    %dma_wait3A_154 = tpu.memref_squeeze %dma_wait3A_153 : memref<1x2x80xi32, #tpu.memory_space<hbm>> -> memref<2x80xi32, #tpu.memory_space<hbm>>
    tpu.wait_dma2 semaphore(%dma_wait3A_150 : memref<!tpu.dma_semaphore, #tpu.memory_space<semaphore_mem>>) src(%dma_wait3A_154 : memref<2x80xi32, #tpu.memory_space<hbm>>) dst(%arg7 : memref<2x80xi32, #tpu.memory_space<vmem>>)
    %dma_start3A_155 = arith.constant 0 : i32
    %dma_start3A_156 = arith.constant 2 : i32
    %dma_start3A_157 = arith.constant 2 : i32
    %dma_start3A_158 = arith.constant 0 : i32
    %dma_start3A_159 = arith.constant 0 : i32
    %dma_start3A_160 = tpu.memref_slice %arg9[%dma_start3A_156, %dma_start3A_158, %dma_start3A_159] : memref<4x80x128xf32, #tpu.memory_space<vmem>> -> memref<1x80x128xf32, #tpu.memory_space<vmem>>
    %dma_start3A_161 = tpu.memref_squeeze %dma_start3A_160 : memref<1x80x128xf32, #tpu.memory_space<vmem>> -> memref<80x128xf32, #tpu.memory_space<vmem>>
    %dma_start3A_162 = arith.constant 0 : i32
    %dma_start3A_163 = tpu.memref_slice %arg7[%dma_start3A_155, %dma_start3A_162] : memref<2x80xi32, #tpu.memory_space<vmem>> -> memref<1x80xi32, #tpu.memory_space<vmem>>
    %dma_start3A_164 = tpu.memref_squeeze %dma_start3A_163 : memref<1x80xi32, #tpu.memory_space<vmem>> -> memref<80xi32, #tpu.memory_space<vmem>>
    %dma_start3A_165 = arith.constant 0 : i32
    %dma_start3A_166 = arith.constant 0 : i32
    %dma_start3A_167 = tpu.memref_slice %arg2[%dma_start3A_165, %dma_start3A_166] : memref<10000x128xf32, #tpu.memory_space<hbm>> -> memref<10000x128xf32, #tpu.memory_space<hbm>>
    %dma_start3A_168 = tpu.memref_slice %arg12[%dma_start3A_157] : memref<4x!tpu.dma_semaphore, #tpu.memory_space<semaphore_mem>> -> memref<1x!tpu.dma_semaphore, #tpu.memory_space<semaphore_mem>>
    %dma_start3A_169 = tpu.memref_squeeze %dma_start3A_168 : memref<1x!tpu.dma_semaphore, #tpu.memory_space<semaphore_mem>> -> memref<!tpu.dma_semaphore, #tpu.memory_space<semaphore_mem>>
    tpu.enqueue_indirect_dma source(%dma_start3A_167 : memref<10000x128xf32, #tpu.memory_space<hbm>>) target(%dma_start3A_161 : memref<80x128xf32, #tpu.memory_space<vmem>>) offsets(%dma_start3A_164 : memref<80xi32, #tpu.memory_space<vmem>>) semaphore(%dma_start3A_169 : memref<!tpu.dma_semaphore, #tpu.memory_space<semaphore_mem>>)
    %dma_wait3A_170 = arith.constant 0 : i32
    %dma_wait3A_171 = arith.constant 1 : i32
    %dma_wait3A_172 = arith.constant 1 : i32
    %dma_wait3A_173 = arith.constant 0 : i32
    %dma_wait3A_174 = arith.constant 0 : i32
    %dma_wait3A_175 = tpu.memref_slice %arg9[%dma_wait3A_171, %dma_wait3A_173, %dma_wait3A_174] : memref<4x80x128xf32, #tpu.memory_space<vmem>> -> memref<1x80x128xf32, #tpu.memory_space<vmem>>
    %dma_wait3A_176 = tpu.memref_squeeze %dma_wait3A_175 : memref<1x80x128xf32, #tpu.memory_space<vmem>> -> memref<80x128xf32, #tpu.memory_space<vmem>>
    %dma_wait3A_177 = arith.constant 0 : i32
    %dma_wait3A_178 = tpu.memref_slice %arg6[%dma_wait3A_170, %dma_wait3A_177] : memref<2x80xi32, #tpu.memory_space<vmem>> -> memref<1x80xi32, #tpu.memory_space<vmem>>
    %dma_wait3A_179 = tpu.memref_squeeze %dma_wait3A_178 : memref<1x80xi32, #tpu.memory_space<vmem>> -> memref<80xi32, #tpu.memory_space<vmem>>
    %dma_wait3A_180 = arith.constant 0 : i32
    %dma_wait3A_181 = arith.constant 0 : i32
    %dma_wait3A_182 = tpu.memref_slice %arg2[%dma_wait3A_180, %dma_wait3A_181] : memref<10000x128xf32, #tpu.memory_space<hbm>> -> memref<10000x128xf32, #tpu.memory_space<hbm>>
    %dma_wait3A_183 = tpu.memref_slice %arg12[%dma_wait3A_172] : memref<4x!tpu.dma_semaphore, #tpu.memory_space<semaphore_mem>> -> memref<1x!tpu.dma_semaphore, #tpu.memory_space<semaphore_mem>>
    %dma_wait3A_184 = tpu.memref_squeeze %dma_wait3A_183 : memref<1x!tpu.dma_semaphore, #tpu.memory_space<semaphore_mem>> -> memref<!tpu.dma_semaphore, #tpu.memory_space<semaphore_mem>>
    tpu.wait_indirect_dma semaphore(%dma_wait3A_184 : memref<!tpu.dma_semaphore, #tpu.memory_space<semaphore_mem>>) src(%dma_wait3A_182 : memref<10000x128xf32, #tpu.memory_space<hbm>>) dst(%dma_wait3A_176 : memref<80x128xf32, #tpu.memory_space<vmem>>)
    %dma_start3A_185 = arith.constant 1 : i32
    %dma_start3A_186 = arith.constant 1 : i32
    %dma_start3A_187 = arith.constant 1 : i32
    %dma_start3A_188 = arith.constant 0 : i32
    %dma_start3A_189 = arith.constant 0 : i32
    %dma_start3A_190 = tpu.memref_slice %arg9[%dma_start3A_185, %dma_start3A_188, %dma_start3A_189] : memref<4x80x128xf32, #tpu.memory_space<vmem>> -> memref<1x80x128xf32, #tpu.memory_space<vmem>>
    %dma_start3A_191 = tpu.memref_squeeze %dma_start3A_190 : memref<1x80x128xf32, #tpu.memory_space<vmem>> -> memref<80x128xf32, #tpu.memory_space<vmem>>
    %dma_start3A_192 = arith.constant 0 : i32
    %dma_start3A_193 = tpu.memref_slice %arg6[%dma_start3A_186, %dma_start3A_192] : memref<2x80xi32, #tpu.memory_space<vmem>> -> memref<1x80xi32, #tpu.memory_space<vmem>>
    %dma_start3A_194 = tpu.memref_squeeze %dma_start3A_193 : memref<1x80xi32, #tpu.memory_space<vmem>> -> memref<80xi32, #tpu.memory_space<vmem>>
    %dma_start3A_195 = arith.constant 0 : i32
    %dma_start3A_196 = arith.constant 0 : i32
    %dma_start3A_197 = tpu.memref_slice %arg10[%dma_start3A_195, %dma_start3A_196] : memref<10000x128xf32, #tpu.memory_space<vmem_shared>> -> memref<10000x128xf32, #tpu.memory_space<vmem_shared>>
    %dma_start3A_198 = tpu.memref_slice %arg13[%dma_start3A_187] : memref<4x!tpu.dma_semaphore, #tpu.memory_space<semaphore_mem>> -> memref<1x!tpu.dma_semaphore, #tpu.memory_space<semaphore_mem>>
    %dma_start3A_199 = tpu.memref_squeeze %dma_start3A_198 : memref<1x!tpu.dma_semaphore, #tpu.memory_space<semaphore_mem>> -> memref<!tpu.dma_semaphore, #tpu.memory_space<semaphore_mem>>
    tpu.enqueue_indirect_dma source(%dma_start3A_191 : memref<80x128xf32, #tpu.memory_space<vmem>>) target(%dma_start3A_197 : memref<10000x128xf32, #tpu.memory_space<vmem_shared>>) offsets(%dma_start3A_194 : memref<80xi32, #tpu.memory_space<vmem>>) semaphore(%dma_start3A_199 : memref<!tpu.dma_semaphore, #tpu.memory_space<semaphore_mem>>) {add = true}
    %scan3A = arith.constant 0 : i32
    %scan3A_200 = arith.constant 0 : i32
    %scan3A_201 = arith.constant 30 : i32
    %scan3A_202 = arith.addi %scan3A_200, %scan3A_201 : i32
    %scan3A_203 = arith.constant 1 : i32
    scf.for %scan3A_445 = %scan3A_200 to %scan3A_202 step %scan3A_203  : i32 {
      %mul3A_446 = arith.constant 4 : i32
      %mul3A_447 = arith.muli %scan3A_445, %mul3A_446 : i32
      %add3A_448 = arith.constant 2 : i32
      %add3A_449 = arith.addi %add3A_448, %mul3A_447 : i32
      %add3A_450 = arith.constant 0 : i32
      %add3A_451 = arith.addi %add3A_449, %add3A_450 : i32
      %dma_wait3A_452 = arith.constant 0 : i32
      %dma_wait3A_453 = arith.constant 1 : i32
      %dma_wait3A_454 = arith.constant 0 : i32
      %dma_wait3A_455 = arith.constant 0 : i32
      %dma_wait3A_456 = arith.constant 0 : i32
      %dma_wait3A_457 = tpu.memref_slice %arg9[%dma_wait3A_452, %dma_wait3A_455, %dma_wait3A_456] : memref<4x80x128xf32, #tpu.memory_space<vmem>> -> memref<1x80x128xf32, #tpu.memory_space<vmem>>
      %dma_wait3A_458 = tpu.memref_squeeze %dma_wait3A_457 : memref<1x80x128xf32, #tpu.memory_space<vmem>> -> memref<80x128xf32, #tpu.memory_space<vmem>>
      %dma_wait3A_459 = arith.constant 0 : i32
      %dma_wait3A_460 = tpu.memref_slice %arg5[%dma_wait3A_453, %dma_wait3A_459] : memref<2x80xi32, #tpu.memory_space<vmem>> -> memref<1x80xi32, #tpu.memory_space<vmem>>
      %dma_wait3A_461 = tpu.memref_squeeze %dma_wait3A_460 : memref<1x80xi32, #tpu.memory_space<vmem>> -> memref<80xi32, #tpu.memory_space<vmem>>
      %dma_wait3A_462 = arith.constant 0 : i32
      %dma_wait3A_463 = arith.constant 0 : i32
      %dma_wait3A_464 = tpu.memref_slice %arg10[%dma_wait3A_462, %dma_wait3A_463] : memref<10000x128xf32, #tpu.memory_space<vmem_shared>> -> memref<10000x128xf32, #tpu.memory_space<vmem_shared>>
      %dma_wait3A_465 = tpu.memref_slice %arg13[%dma_wait3A_454] : memref<4x!tpu.dma_semaphore, #tpu.memory_space<semaphore_mem>> -> memref<1x!tpu.dma_semaphore, #tpu.memory_space<semaphore_mem>>
      %dma_wait3A_466 = tpu.memref_squeeze %dma_wait3A_465 : memref<1x!tpu.dma_semaphore, #tpu.memory_space<semaphore_mem>> -> memref<!tpu.dma_semaphore, #tpu.memory_space<semaphore_mem>>
      tpu.wait_indirect_dma semaphore(%dma_wait3A_466 : memref<!tpu.dma_semaphore, #tpu.memory_space<semaphore_mem>>) src(%dma_wait3A_458 : memref<80x128xf32, #tpu.memory_space<vmem>>) dst(%dma_wait3A_464 : memref<10000x128xf32, #tpu.memory_space<vmem_shared>>)
      %add3A_467 = arith.constant 2 : i32
      %add3A_468 = arith.addi %add3A_451, %add3A_467 : i32
      %add3A_469 = arith.addi %mul3A_2, %add3A_468 : i32
      %dma_start3A_470 = arith.constant 0 : i32
      %dma_start3A_471 = arith.constant 0 : i32
      %dma_start3A_472 = arith.constant 0 : i32
      %dma_start3A_473 = tpu.memref_slice %arg3[%add3A_469, %dma_start3A_471, %dma_start3A_472] : memref<4000x2x80xi32, #tpu.memory_space<hbm>> -> memref<1x2x80xi32, #tpu.memory_space<hbm>>
      %dma_start3A_474 = tpu.memref_squeeze %dma_start3A_473 : memref<1x2x80xi32, #tpu.memory_space<hbm>> -> memref<2x80xi32, #tpu.memory_space<hbm>>
      %dma_start3A_475 = tpu.memref_slice %arg11[%dma_start3A_470] : memref<4x!tpu.dma_semaphore, #tpu.memory_space<semaphore_mem>> -> memref<1x!tpu.dma_semaphore, #tpu.memory_space<semaphore_mem>>
      %dma_start3A_476 = tpu.memref_squeeze %dma_start3A_475 : memref<1x!tpu.dma_semaphore, #tpu.memory_space<semaphore_mem>> -> memref<!tpu.dma_semaphore, #tpu.memory_space<semaphore_mem>>
      %dma_start3A_477 = arith.constant 0 : i32
      %dma_start3A_478 = arith.constant 0 : i32
      %dma_start3A_479 = tpu.memref_slice %arg3[%add3A_469, %dma_start3A_477, %dma_start3A_478] : memref<4000x2x80xi32, #tpu.memory_space<hbm>> -> memref<1x2x80xi32, #tpu.memory_space<hbm>>
      %dma_start3A_480 = tpu.memref_squeeze %dma_start3A_479 : memref<1x2x80xi32, #tpu.memory_space<hbm>> -> memref<2x80xi32, #tpu.memory_space<hbm>>
      tpu.enqueue_dma source(%dma_start3A_480 : memref<2x80xi32, #tpu.memory_space<hbm>>) target(%arg5 : memref<2x80xi32, #tpu.memory_space<vmem>>) target_semaphore(%dma_start3A_476 : memref<!tpu.dma_semaphore, #tpu.memory_space<semaphore_mem>>)
      %dma_wait3A_481 = arith.constant 3 : i32
      %dma_wait3A_482 = arith.constant 0 : i32
      %dma_wait3A_483 = arith.constant 0 : i32
      %dma_wait3A_484 = tpu.memref_slice %arg3[%mul3A_2, %dma_wait3A_482, %dma_wait3A_483] : memref<4000x2x80xi32, #tpu.memory_space<hbm>> -> memref<1x2x80xi32, #tpu.memory_space<hbm>>
      %dma_wait3A_485 = tpu.memref_squeeze %dma_wait3A_484 : memref<1x2x80xi32, #tpu.memory_space<hbm>> -> memref<2x80xi32, #tpu.memory_space<hbm>>
      %dma_wait3A_486 = tpu.memref_slice %arg11[%dma_wait3A_481] : memref<4x!tpu.dma_semaphore, #tpu.memory_space<semaphore_mem>> -> memref<1x!tpu.dma_semaphore, #tpu.memory_space<semaphore_mem>>
      %dma_wait3A_487 = tpu.memref_squeeze %dma_wait3A_486 : memref<1x!tpu.dma_semaphore, #tpu.memory_space<semaphore_mem>> -> memref<!tpu.dma_semaphore, #tpu.memory_space<semaphore_mem>>
      %dma_wait3A_488 = arith.constant 0 : i32
      %dma_wait3A_489 = arith.constant 0 : i32
      %dma_wait3A_490 = tpu.memref_slice %arg3[%mul3A_2, %dma_wait3A_488, %dma_wait3A_489] : memref<4000x2x80xi32, #tpu.memory_space<hbm>> -> memref<1x2x80xi32, #tpu.memory_space<hbm>>
      %dma_wait3A_491 = tpu.memref_squeeze %dma_wait3A_490 : memref<1x2x80xi32, #tpu.memory_space<hbm>> -> memref<2x80xi32, #tpu.memory_space<hbm>>
      tpu.wait_dma2 semaphore(%dma_wait3A_487 : memref<!tpu.dma_semaphore, #tpu.memory_space<semaphore_mem>>) src(%dma_wait3A_491 : memref<2x80xi32, #tpu.memory_space<hbm>>) dst(%arg8 : memref<2x80xi32, #tpu.memory_space<vmem>>)
      %dma_start3A_492 = arith.constant 0 : i32
      %dma_start3A_493 = arith.constant 3 : i32
      %dma_start3A_494 = arith.constant 3 : i32
      %dma_start3A_495 = arith.constant 0 : i32
      %dma_start3A_496 = arith.constant 0 : i32
      %dma_start3A_497 = tpu.memref_slice %arg9[%dma_start3A_493, %dma_start3A_495, %dma_start3A_496] : memref<4x80x128xf32, #tpu.memory_space<vmem>> -> memref<1x80x128xf32, #tpu.memory_space<vmem>>
      %dma_start3A_498 = tpu.memref_squeeze %dma_start3A_497 : memref<1x80x128xf32, #tpu.memory_space<vmem>> -> memref<80x128xf32, #tpu.memory_space<vmem>>
      %dma_start3A_499 = arith.constant 0 : i32
      %dma_start3A_500 = tpu.memref_slice %arg8[%dma_start3A_492, %dma_start3A_499] : memref<2x80xi32, #tpu.memory_space<vmem>> -> memref<1x80xi32, #tpu.memory_space<vmem>>
      %dma_start3A_501 = tpu.memref_squeeze %dma_start3A_500 : memref<1x80xi32, #tpu.memory_space<vmem>> -> memref<80xi32, #tpu.memory_space<vmem>>
      %dma_start3A_502 = arith.constant 0 : i32
      %dma_start3A_503 = arith.constant 0 : i32
      %dma_start3A_504 = tpu.memref_slice %arg2[%dma_start3A_502, %dma_start3A_503] : memref<10000x128xf32, #tpu.memory_space<hbm>> -> memref<10000x128xf32, #tpu.memory_space<hbm>>
      %dma_start3A_505 = tpu.memref_slice %arg12[%dma_start3A_494] : memref<4x!tpu.dma_semaphore, #tpu.memory_space<semaphore_mem>> -> memref<1x!tpu.dma_semaphore, #tpu.memory_space<semaphore_mem>>
      %dma_start3A_506 = tpu.memref_squeeze %dma_start3A_505 : memref<1x!tpu.dma_semaphore, #tpu.memory_space<semaphore_mem>> -> memref<!tpu.dma_semaphore, #tpu.memory_space<semaphore_mem>>
      tpu.enqueue_indirect_dma source(%dma_start3A_504 : memref<10000x128xf32, #tpu.memory_space<hbm>>) target(%dma_start3A_498 : memref<80x128xf32, #tpu.memory_space<vmem>>) offsets(%dma_start3A_501 : memref<80xi32, #tpu.memory_space<vmem>>) semaphore(%dma_start3A_506 : memref<!tpu.dma_semaphore, #tpu.memory_space<semaphore_mem>>)
      %dma_wait3A_507 = arith.constant 0 : i32
      %dma_wait3A_508 = arith.constant 2 : i32
      %dma_wait3A_509 = arith.constant 2 : i32
      %dma_wait3A_510 = arith.constant 0 : i32
      %dma_wait3A_511 = arith.constant 0 : i32
      %dma_wait3A_512 = tpu.memref_slice %arg9[%dma_wait3A_508, %dma_wait3A_510, %dma_wait3A_511] : memref<4x80x128xf32, #tpu.memory_space<vmem>> -> memref<1x80x128xf32, #tpu.memory_space<vmem>>
      %dma_wait3A_513 = tpu.memref_squeeze %dma_wait3A_512 : memref<1x80x128xf32, #tpu.memory_space<vmem>> -> memref<80x128xf32, #tpu.memory_space<vmem>>
      %dma_wait3A_514 = arith.constant 0 : i32
      %dma_wait3A_515 = tpu.memref_slice %arg7[%dma_wait3A_507, %dma_wait3A_514] : memref<2x80xi32, #tpu.memory_space<vmem>> -> memref<1x80xi32, #tpu.memory_space<vmem>>
      %dma_wait3A_516 = tpu.memref_squeeze %dma_wait3A_515 : memref<1x80xi32, #tpu.memory_space<vmem>> -> memref<80xi32, #tpu.memory_space<vmem>>
      %dma_wait3A_517 = arith.constant 0 : i32
      %dma_wait3A_518 = arith.constant 0 : i32
      %dma_wait3A_519 = tpu.memref_slice %arg2[%dma_wait3A_517, %dma_wait3A_518] : memref<10000x128xf32, #tpu.memory_space<hbm>> -> memref<10000x128xf32, #tpu.memory_space<hbm>>
      %dma_wait3A_520 = tpu.memref_slice %arg12[%dma_wait3A_509] : memref<4x!tpu.dma_semaphore, #tpu.memory_space<semaphore_mem>> -> memref<1x!tpu.dma_semaphore, #tpu.memory_space<semaphore_mem>>
      %dma_wait3A_521 = tpu.memref_squeeze %dma_wait3A_520 : memref<1x!tpu.dma_semaphore, #tpu.memory_space<semaphore_mem>> -> memref<!tpu.dma_semaphore, #tpu.memory_space<semaphore_mem>>
      tpu.wait_indirect_dma semaphore(%dma_wait3A_521 : memref<!tpu.dma_semaphore, #tpu.memory_space<semaphore_mem>>) src(%dma_wait3A_519 : memref<10000x128xf32, #tpu.memory_space<hbm>>) dst(%dma_wait3A_513 : memref<80x128xf32, #tpu.memory_space<vmem>>)
      %dma_start3A_522 = arith.constant 2 : i32
      %dma_start3A_523 = arith.constant 1 : i32
      %dma_start3A_524 = arith.constant 2 : i32
      %dma_start3A_525 = arith.constant 0 : i32
      %dma_start3A_526 = arith.constant 0 : i32
      %dma_start3A_527 = tpu.memref_slice %arg9[%dma_start3A_522, %dma_start3A_525, %dma_start3A_526] : memref<4x80x128xf32, #tpu.memory_space<vmem>> -> memref<1x80x128xf32, #tpu.memory_space<vmem>>
      %dma_start3A_528 = tpu.memref_squeeze %dma_start3A_527 : memref<1x80x128xf32, #tpu.memory_space<vmem>> -> memref<80x128xf32, #tpu.memory_space<vmem>>
      %dma_start3A_529 = arith.constant 0 : i32
      %dma_start3A_530 = tpu.memref_slice %arg7[%dma_start3A_523, %dma_start3A_529] : memref<2x80xi32, #tpu.memory_space<vmem>> -> memref<1x80xi32, #tpu.memory_space<vmem>>
      %dma_start3A_531 = tpu.memref_squeeze %dma_start3A_530 : memref<1x80xi32, #tpu.memory_space<vmem>> -> memref<80xi32, #tpu.memory_space<vmem>>
      %dma_start3A_532 = arith.constant 0 : i32
      %dma_start3A_533 = arith.constant 0 : i32
      %dma_start3A_534 = tpu.memref_slice %arg10[%dma_start3A_532, %dma_start3A_533] : memref<10000x128xf32, #tpu.memory_space<vmem_shared>> -> memref<10000x128xf32, #tpu.memory_space<vmem_shared>>
      %dma_start3A_535 = tpu.memref_slice %arg13[%dma_start3A_524] : memref<4x!tpu.dma_semaphore, #tpu.memory_space<semaphore_mem>> -> memref<1x!tpu.dma_semaphore, #tpu.memory_space<semaphore_mem>>
      %dma_start3A_536 = tpu.memref_squeeze %dma_start3A_535 : memref<1x!tpu.dma_semaphore, #tpu.memory_space<semaphore_mem>> -> memref<!tpu.dma_semaphore, #tpu.memory_space<semaphore_mem>>
      tpu.enqueue_indirect_dma source(%dma_start3A_528 : memref<80x128xf32, #tpu.memory_space<vmem>>) target(%dma_start3A_534 : memref<10000x128xf32, #tpu.memory_space<vmem_shared>>) offsets(%dma_start3A_531 : memref<80xi32, #tpu.memory_space<vmem>>) semaphore(%dma_start3A_536 : memref<!tpu.dma_semaphore, #tpu.memory_space<semaphore_mem>>) {add = true}
      %mul3A_537 = arith.constant 4 : i32
      %mul3A_538 = arith.muli %scan3A_445, %mul3A_537 : i32
      %add3A_539 = arith.constant 2 : i32
      %add3A_540 = arith.addi %add3A_539, %mul3A_538 : i32
      %add3A_541 = arith.constant 1 : i32
      %add3A_542 = arith.addi %add3A_540, %add3A_541 : i32
      %dma_wait3A_543 = arith.constant 1 : i32
      %dma_wait3A_544 = arith.constant 1 : i32
      %dma_wait3A_545 = arith.constant 1 : i32
      %dma_wait3A_546 = arith.constant 0 : i32
      %dma_wait3A_547 = arith.constant 0 : i32
      %dma_wait3A_548 = tpu.memref_slice %arg9[%dma_wait3A_543, %dma_wait3A_546, %dma_wait3A_547] : memref<4x80x128xf32, #tpu.memory_space<vmem>> -> memref<1x80x128xf32, #tpu.memory_space<vmem>>
      %dma_wait3A_549 = tpu.memref_squeeze %dma_wait3A_548 : memref<1x80x128xf32, #tpu.memory_space<vmem>> -> memref<80x128xf32, #tpu.memory_space<vmem>>
      %dma_wait3A_550 = arith.constant 0 : i32
      %dma_wait3A_551 = tpu.memref_slice %arg6[%dma_wait3A_544, %dma_wait3A_550] : memref<2x80xi32, #tpu.memory_space<vmem>> -> memref<1x80xi32, #tpu.memory_space<vmem>>
      %dma_wait3A_552 = tpu.memref_squeeze %dma_wait3A_551 : memref<1x80xi32, #tpu.memory_space<vmem>> -> memref<80xi32, #tpu.memory_space<vmem>>
      %dma_wait3A_553 = arith.constant 0 : i32
      %dma_wait3A_554 = arith.constant 0 : i32
      %dma_wait3A_555 = tpu.memref_slice %arg10[%dma_wait3A_553, %dma_wait3A_554] : memref<10000x128xf32, #tpu.memory_space<vmem_shared>> -> memref<10000x128xf32, #tpu.memory_space<vmem_shared>>
      %dma_wait3A_556 = tpu.memref_slice %arg13[%dma_wait3A_545] : memref<4x!tpu.dma_semaphore, #tpu.memory_space<semaphore_mem>> -> memref<1x!tpu.dma_semaphore, #tpu.memory_space<semaphore_mem>>
      %dma_wait3A_557 = tpu.memref_squeeze %dma_wait3A_556 : memref<1x!tpu.dma_semaphore, #tpu.memory_space<semaphore_mem>> -> memref<!tpu.dma_semaphore, #tpu.memory_space<semaphore_mem>>
      tpu.wait_indirect_dma semaphore(%dma_wait3A_557 : memref<!tpu.dma_semaphore, #tpu.memory_space<semaphore_mem>>) src(%dma_wait3A_549 : memref<80x128xf32, #tpu.memory_space<vmem>>) dst(%dma_wait3A_555 : memref<10000x128xf32, #tpu.memory_space<vmem_shared>>)
      %add3A_558 = arith.constant 2 : i32
      %add3A_559 = arith.addi %add3A_542, %add3A_558 : i32
      %add3A_560 = arith.addi %mul3A_2, %add3A_559 : i32
      %dma_start3A_561 = arith.constant 1 : i32
      %dma_start3A_562 = arith.constant 0 : i32
      %dma_start3A_563 = arith.constant 0 : i32
      %dma_start3A_564 = tpu.memref_slice %arg3[%add3A_560, %dma_start3A_562, %dma_start3A_563] : memref<4000x2x80xi32, #tpu.memory_space<hbm>> -> memref<1x2x80xi32, #tpu.memory_space<hbm>>
      %dma_start3A_565 = tpu.memref_squeeze %dma_start3A_564 : memref<1x2x80xi32, #tpu.memory_space<hbm>> -> memref<2x80xi32, #tpu.memory_space<hbm>>
      %dma_start3A_566 = tpu.memref_slice %arg11[%dma_start3A_561] : memref<4x!tpu.dma_semaphore, #tpu.memory_space<semaphore_mem>> -> memref<1x!tpu.dma_semaphore, #tpu.memory_space<semaphore_mem>>
      %dma_start3A_567 = tpu.memref_squeeze %dma_start3A_566 : memref<1x!tpu.dma_semaphore, #tpu.memory_space<semaphore_mem>> -> memref<!tpu.dma_semaphore, #tpu.memory_space<semaphore_mem>>
      %dma_start3A_568 = arith.constant 0 : i32
      %dma_start3A_569 = arith.constant 0 : i32
      %dma_start3A_570 = tpu.memref_slice %arg3[%add3A_560, %dma_start3A_568, %dma_start3A_569] : memref<4000x2x80xi32, #tpu.memory_space<hbm>> -> memref<1x2x80xi32, #tpu.memory_space<hbm>>
      %dma_start3A_571 = tpu.memref_squeeze %dma_start3A_570 : memref<1x2x80xi32, #tpu.memory_space<hbm>> -> memref<2x80xi32, #tpu.memory_space<hbm>>
      tpu.enqueue_dma source(%dma_start3A_571 : memref<2x80xi32, #tpu.memory_space<hbm>>) target(%arg6 : memref<2x80xi32, #tpu.memory_space<vmem>>) target_semaphore(%dma_start3A_567 : memref<!tpu.dma_semaphore, #tpu.memory_space<semaphore_mem>>)
      %dma_wait3A_572 = arith.constant 0 : i32
      %dma_wait3A_573 = arith.constant 0 : i32
      %dma_wait3A_574 = arith.constant 0 : i32
      %dma_wait3A_575 = tpu.memref_slice %arg3[%mul3A_2, %dma_wait3A_573, %dma_wait3A_574] : memref<4000x2x80xi32, #tpu.memory_space<hbm>> -> memref<1x2x80xi32, #tpu.memory_space<hbm>>
      %dma_wait3A_576 = tpu.memref_squeeze %dma_wait3A_575 : memref<1x2x80xi32, #tpu.memory_space<hbm>> -> memref<2x80xi32, #tpu.memory_space<hbm>>
      %dma_wait3A_577 = tpu.memref_slice %arg11[%dma_wait3A_572] : memref<4x!tpu.dma_semaphore, #tpu.memory_space<semaphore_mem>> -> memref<1x!tpu.dma_semaphore, #tpu.memory_space<semaphore_mem>>
      %dma_wait3A_578 = tpu.memref_squeeze %dma_wait3A_577 : memref<1x!tpu.dma_semaphore, #tpu.memory_space<semaphore_mem>> -> memref<!tpu.dma_semaphore, #tpu.memory_space<semaphore_mem>>
      %dma_wait3A_579 = arith.constant 0 : i32
      %dma_wait3A_580 = arith.constant 0 : i32
      %dma_wait3A_581 = tpu.memref_slice %arg3[%mul3A_2, %dma_wait3A_579, %dma_wait3A_580] : memref<4000x2x80xi32, #tpu.memory_space<hbm>> -> memref<1x2x80xi32, #tpu.memory_space<hbm>>
      %dma_wait3A_582 = tpu.memref_squeeze %dma_wait3A_581 : memref<1x2x80xi32, #tpu.memory_space<hbm>> -> memref<2x80xi32, #tpu.memory_space<hbm>>
      tpu.wait_dma2 semaphore(%dma_wait3A_578 : memref<!tpu.dma_semaphore, #tpu.memory_space<semaphore_mem>>) src(%dma_wait3A_582 : memref<2x80xi32, #tpu.memory_space<hbm>>) dst(%arg5 : memref<2x80xi32, #tpu.memory_space<vmem>>)
      %dma_start3A_583 = arith.constant 0 : i32
      %dma_start3A_584 = arith.constant 0 : i32
      %dma_start3A_585 = arith.constant 0 : i32
      %dma_start3A_586 = arith.constant 0 : i32
      %dma_start3A_587 = arith.constant 0 : i32
      %dma_start3A_588 = tpu.memref_slice %arg9[%dma_start3A_584, %dma_start3A_586, %dma_start3A_587] : memref<4x80x128xf32, #tpu.memory_space<vmem>> -> memref<1x80x128xf32, #tpu.memory_space<vmem>>
      %dma_start3A_589 = tpu.memref_squeeze %dma_start3A_588 : memref<1x80x128xf32, #tpu.memory_space<vmem>> -> memref<80x128xf32, #tpu.memory_space<vmem>>
      %dma_start3A_590 = arith.constant 0 : i32
      %dma_start3A_591 = tpu.memref_slice %arg5[%dma_start3A_583, %dma_start3A_590] : memref<2x80xi32, #tpu.memory_space<vmem>> -> memref<1x80xi32, #tpu.memory_space<vmem>>
      %dma_start3A_592 = tpu.memref_squeeze %dma_start3A_591 : memref<1x80xi32, #tpu.memory_space<vmem>> -> memref<80xi32, #tpu.memory_space<vmem>>
      %dma_start3A_593 = arith.constant 0 : i32
      %dma_start3A_594 = arith.constant 0 : i32
      %dma_start3A_595 = tpu.memref_slice %arg2[%dma_start3A_593, %dma_start3A_594] : memref<10000x128xf32, #tpu.memory_space<hbm>> -> memref<10000x128xf32, #tpu.memory_space<hbm>>
      %dma_start3A_596 = tpu.memref_slice %arg12[%dma_start3A_585] : memref<4x!tpu.dma_semaphore, #tpu.memory_space<semaphore_mem>> -> memref<1x!tpu.dma_semaphore, #tpu.memory_space<semaphore_mem>>
      %dma_start3A_597 = tpu.memref_squeeze %dma_start3A_596 : memref<1x!tpu.dma_semaphore, #tpu.memory_space<semaphore_mem>> -> memref<!tpu.dma_semaphore, #tpu.memory_space<semaphore_mem>>
      tpu.enqueue_indirect_dma source(%dma_start3A_595 : memref<10000x128xf32, #tpu.memory_space<hbm>>) target(%dma_start3A_589 : memref<80x128xf32, #tpu.memory_space<vmem>>) offsets(%dma_start3A_592 : memref<80xi32, #tpu.memory_space<vmem>>) semaphore(%dma_start3A_597 : memref<!tpu.dma_semaphore, #tpu.memory_space<semaphore_mem>>)
      %dma_wait3A_598 = arith.constant 0 : i32
      %dma_wait3A_599 = arith.constant 3 : i32
      %dma_wait3A_600 = arith.constant 3 : i32
      %dma_wait3A_601 = arith.constant 0 : i32
      %dma_wait3A_602 = arith.constant 0 : i32
      %dma_wait3A_603 = tpu.memref_slice %arg9[%dma_wait3A_599, %dma_wait3A_601, %dma_wait3A_602] : memref<4x80x128xf32, #tpu.memory_space<vmem>> -> memref<1x80x128xf32, #tpu.memory_space<vmem>>
      %dma_wait3A_604 = tpu.memref_squeeze %dma_wait3A_603 : memref<1x80x128xf32, #tpu.memory_space<vmem>> -> memref<80x128xf32, #tpu.memory_space<vmem>>
      %dma_wait3A_605 = arith.constant 0 : i32
      %dma_wait3A_606 = tpu.memref_slice %arg8[%dma_wait3A_598, %dma_wait3A_605] : memref<2x80xi32, #tpu.memory_space<vmem>> -> memref<1x80xi32, #tpu.memory_space<vmem>>
      %dma_wait3A_607 = tpu.memref_squeeze %dma_wait3A_606 : memref<1x80xi32, #tpu.memory_space<vmem>> -> memref<80xi32, #tpu.memory_space<vmem>>
      %dma_wait3A_608 = arith.constant 0 : i32
      %dma_wait3A_609 = arith.constant 0 : i32
      %dma_wait3A_610 = tpu.memref_slice %arg2[%dma_wait3A_608, %dma_wait3A_609] : memref<10000x128xf32, #tpu.memory_space<hbm>> -> memref<10000x128xf32, #tpu.memory_space<hbm>>
      %dma_wait3A_611 = tpu.memref_slice %arg12[%dma_wait3A_600] : memref<4x!tpu.dma_semaphore, #tpu.memory_space<semaphore_mem>> -> memref<1x!tpu.dma_semaphore, #tpu.memory_space<semaphore_mem>>
      %dma_wait3A_612 = tpu.memref_squeeze %dma_wait3A_611 : memref<1x!tpu.dma_semaphore, #tpu.memory_space<semaphore_mem>> -> memref<!tpu.dma_semaphore, #tpu.memory_space<semaphore_mem>>
      tpu.wait_indirect_dma semaphore(%dma_wait3A_612 : memref<!tpu.dma_semaphore, #tpu.memory_space<semaphore_mem>>) src(%dma_wait3A_610 : memref<10000x128xf32, #tpu.memory_space<hbm>>) dst(%dma_wait3A_604 : memref<80x128xf32, #tpu.memory_space<vmem>>)
      %dma_start3A_613 = arith.constant 3 : i32
      %dma_start3A_614 = arith.constant 1 : i32
      %dma_start3A_615 = arith.constant 3 : i32
      %dma_start3A_616 = arith.constant 0 : i32
      %dma_start3A_617 = arith.constant 0 : i32
      %dma_start3A_618 = tpu.memref_slice %arg9[%dma_start3A_613, %dma_start3A_616, %dma_start3A_617] : memref<4x80x128xf32, #tpu.memory_space<vmem>> -> memref<1x80x128xf32, #tpu.memory_space<vmem>>
      %dma_start3A_619 = tpu.memref_squeeze %dma_start3A_618 : memref<1x80x128xf32, #tpu.memory_space<vmem>> -> memref<80x128xf32, #tpu.memory_space<vmem>>
      %dma_start3A_620 = arith.constant 0 : i32
      %dma_start3A_621 = tpu.memref_slice %arg8[%dma_start3A_614, %dma_start3A_620] : memref<2x80xi32, #tpu.memory_space<vmem>> -> memref<1x80xi32, #tpu.memory_space<vmem>>
      %dma_start3A_622 = tpu.memref_squeeze %dma_start3A_621 : memref<1x80xi32, #tpu.memory_space<vmem>> -> memref<80xi32, #tpu.memory_space<vmem>>
      %dma_start3A_623 = arith.constant 0 : i32
      %dma_start3A_624 = arith.constant 0 : i32
      %dma_start3A_625 = tpu.memref_slice %arg10[%dma_start3A_623, %dma_start3A_624] : memref<10000x128xf32, #tpu.memory_space<vmem_shared>> -> memref<10000x128xf32, #tpu.memory_space<vmem_shared>>
      %dma_start3A_626 = tpu.memref_slice %arg13[%dma_start3A_615] : memref<4x!tpu.dma_semaphore, #tpu.memory_space<semaphore_mem>> -> memref<1x!tpu.dma_semaphore, #tpu.memory_space<semaphore_mem>>
      %dma_start3A_627 = tpu.memref_squeeze %dma_start3A_626 : memref<1x!tpu.dma_semaphore, #tpu.memory_space<semaphore_mem>> -> memref<!tpu.dma_semaphore, #tpu.memory_space<semaphore_mem>>
      tpu.enqueue_indirect_dma source(%dma_start3A_619 : memref<80x128xf32, #tpu.memory_space<vmem>>) target(%dma_start3A_625 : memref<10000x128xf32, #tpu.memory_space<vmem_shared>>) offsets(%dma_start3A_622 : memref<80xi32, #tpu.memory_space<vmem>>) semaphore(%dma_start3A_627 : memref<!tpu.dma_semaphore, #tpu.memory_space<semaphore_mem>>) {add = true}
      %mul3A_628 = arith.constant 4 : i32
      %mul3A_629 = arith.muli %scan3A_445, %mul3A_628 : i32
      %add3A_630 = arith.constant 2 : i32
      %add3A_631 = arith.addi %add3A_630, %mul3A_629 : i32
      %add3A_632 = arith.constant 2 : i32
      %add3A_633 = arith.addi %add3A_631, %add3A_632 : i32
      %dma_wait3A_634 = arith.constant 2 : i32
      %dma_wait3A_635 = arith.constant 1 : i32
      %dma_wait3A_636 = arith.constant 2 : i32
      %dma_wait3A_637 = arith.constant 0 : i32
      %dma_wait3A_638 = arith.constant 0 : i32
      %dma_wait3A_639 = tpu.memref_slice %arg9[%dma_wait3A_634, %dma_wait3A_637, %dma_wait3A_638] : memref<4x80x128xf32, #tpu.memory_space<vmem>> -> memref<1x80x128xf32, #tpu.memory_space<vmem>>
      %dma_wait3A_640 = tpu.memref_squeeze %dma_wait3A_639 : memref<1x80x128xf32, #tpu.memory_space<vmem>> -> memref<80x128xf32, #tpu.memory_space<vmem>>
      %dma_wait3A_641 = arith.constant 0 : i32
      %dma_wait3A_642 = tpu.memref_slice %arg7[%dma_wait3A_635, %dma_wait3A_641] : memref<2x80xi32, #tpu.memory_space<vmem>> -> memref<1x80xi32, #tpu.memory_space<vmem>>
      %dma_wait3A_643 = tpu.memref_squeeze %dma_wait3A_642 : memref<1x80xi32, #tpu.memory_space<vmem>> -> memref<80xi32, #tpu.memory_space<vmem>>
      %dma_wait3A_644 = arith.constant 0 : i32
      %dma_wait3A_645 = arith.constant 0 : i32
      %dma_wait3A_646 = tpu.memref_slice %arg10[%dma_wait3A_644, %dma_wait3A_645] : memref<10000x128xf32, #tpu.memory_space<vmem_shared>> -> memref<10000x128xf32, #tpu.memory_space<vmem_shared>>
      %dma_wait3A_647 = tpu.memref_slice %arg13[%dma_wait3A_636] : memref<4x!tpu.dma_semaphore, #tpu.memory_space<semaphore_mem>> -> memref<1x!tpu.dma_semaphore, #tpu.memory_space<semaphore_mem>>
      %dma_wait3A_648 = tpu.memref_squeeze %dma_wait3A_647 : memref<1x!tpu.dma_semaphore, #tpu.memory_space<semaphore_mem>> -> memref<!tpu.dma_semaphore, #tpu.memory_space<semaphore_mem>>
      tpu.wait_indirect_dma semaphore(%dma_wait3A_648 : memref<!tpu.dma_semaphore, #tpu.memory_space<semaphore_mem>>) src(%dma_wait3A_640 : memref<80x128xf32, #tpu.memory_space<vmem>>) dst(%dma_wait3A_646 : memref<10000x128xf32, #tpu.memory_space<vmem_shared>>)
      %add3A_649 = arith.constant 2 : i32
      %add3A_650 = arith.addi %add3A_633, %add3A_649 : i32
      %add3A_651 = arith.addi %mul3A_2, %add3A_650 : i32
      %dma_start3A_652 = arith.constant 2 : i32
      %dma_start3A_653 = arith.constant 0 : i32
      %dma_start3A_654 = arith.constant 0 : i32
      %dma_start3A_655 = tpu.memref_slice %arg3[%add3A_651, %dma_start3A_653, %dma_start3A_654] : memref<4000x2x80xi32, #tpu.memory_space<hbm>> -> memref<1x2x80xi32, #tpu.memory_space<hbm>>
      %dma_start3A_656 = tpu.memref_squeeze %dma_start3A_655 : memref<1x2x80xi32, #tpu.memory_space<hbm>> -> memref<2x80xi32, #tpu.memory_space<hbm>>
      %dma_start3A_657 = tpu.memref_slice %arg11[%dma_start3A_652] : memref<4x!tpu.dma_semaphore, #tpu.memory_space<semaphore_mem>> -> memref<1x!tpu.dma_semaphore, #tpu.memory_space<semaphore_mem>>
      %dma_start3A_658 = tpu.memref_squeeze %dma_start3A_657 : memref<1x!tpu.dma_semaphore, #tpu.memory_space<semaphore_mem>> -> memref<!tpu.dma_semaphore, #tpu.memory_space<semaphore_mem>>
      %dma_start3A_659 = arith.constant 0 : i32
      %dma_start3A_660 = arith.constant 0 : i32
      %dma_start3A_661 = tpu.memref_slice %arg3[%add3A_651, %dma_start3A_659, %dma_start3A_660] : memref<4000x2x80xi32, #tpu.memory_space<hbm>> -> memref<1x2x80xi32, #tpu.memory_space<hbm>>
      %dma_start3A_662 = tpu.memref_squeeze %dma_start3A_661 : memref<1x2x80xi32, #tpu.memory_space<hbm>> -> memref<2x80xi32, #tpu.memory_space<hbm>>
      tpu.enqueue_dma source(%dma_start3A_662 : memref<2x80xi32, #tpu.memory_space<hbm>>) target(%arg7 : memref<2x80xi32, #tpu.memory_space<vmem>>) target_semaphore(%dma_start3A_658 : memref<!tpu.dma_semaphore, #tpu.memory_space<semaphore_mem>>)
      %dma_wait3A_663 = arith.constant 1 : i32
      %dma_wait3A_664 = arith.constant 0 : i32
      %dma_wait3A_665 = arith.constant 0 : i32
      %dma_wait3A_666 = tpu.memref_slice %arg3[%mul3A_2, %dma_wait3A_664, %dma_wait3A_665] : memref<4000x2x80xi32, #tpu.memory_space<hbm>> -> memref<1x2x80xi32, #tpu.memory_space<hbm>>
      %dma_wait3A_667 = tpu.memref_squeeze %dma_wait3A_666 : memref<1x2x80xi32, #tpu.memory_space<hbm>> -> memref<2x80xi32, #tpu.memory_space<hbm>>
      %dma_wait3A_668 = tpu.memref_slice %arg11[%dma_wait3A_663] : memref<4x!tpu.dma_semaphore, #tpu.memory_space<semaphore_mem>> -> memref<1x!tpu.dma_semaphore, #tpu.memory_space<semaphore_mem>>
      %dma_wait3A_669 = tpu.memref_squeeze %dma_wait3A_668 : memref<1x!tpu.dma_semaphore, #tpu.memory_space<semaphore_mem>> -> memref<!tpu.dma_semaphore, #tpu.memory_space<semaphore_mem>>
      %dma_wait3A_670 = arith.constant 0 : i32
      %dma_wait3A_671 = arith.constant 0 : i32
      %dma_wait3A_672 = tpu.memref_slice %arg3[%mul3A_2, %dma_wait3A_670, %dma_wait3A_671] : memref<4000x2x80xi32, #tpu.memory_space<hbm>> -> memref<1x2x80xi32, #tpu.memory_space<hbm>>
      %dma_wait3A_673 = tpu.memref_squeeze %dma_wait3A_672 : memref<1x2x80xi32, #tpu.memory_space<hbm>> -> memref<2x80xi32, #tpu.memory_space<hbm>>
      tpu.wait_dma2 semaphore(%dma_wait3A_669 : memref<!tpu.dma_semaphore, #tpu.memory_space<semaphore_mem>>) src(%dma_wait3A_673 : memref<2x80xi32, #tpu.memory_space<hbm>>) dst(%arg6 : memref<2x80xi32, #tpu.memory_space<vmem>>)
      %dma_start3A_674 = arith.constant 0 : i32
      %dma_start3A_675 = arith.constant 1 : i32
      %dma_start3A_676 = arith.constant 1 : i32
      %dma_start3A_677 = arith.constant 0 : i32
      %dma_start3A_678 = arith.constant 0 : i32
      %dma_start3A_679 = tpu.memref_slice %arg9[%dma_start3A_675, %dma_start3A_677, %dma_start3A_678] : memref<4x80x128xf32, #tpu.memory_space<vmem>> -> memref<1x80x128xf32, #tpu.memory_space<vmem>>
      %dma_start3A_680 = tpu.memref_squeeze %dma_start3A_679 : memref<1x80x128xf32, #tpu.memory_space<vmem>> -> memref<80x128xf32, #tpu.memory_space<vmem>>
      %dma_start3A_681 = arith.constant 0 : i32
      %dma_start3A_682 = tpu.memref_slice %arg6[%dma_start3A_674, %dma_start3A_681] : memref<2x80xi32, #tpu.memory_space<vmem>> -> memref<1x80xi32, #tpu.memory_space<vmem>>
      %dma_start3A_683 = tpu.memref_squeeze %dma_start3A_682 : memref<1x80xi32, #tpu.memory_space<vmem>> -> memref<80xi32, #tpu.memory_space<vmem>>
      %dma_start3A_684 = arith.constant 0 : i32
      %dma_start3A_685 = arith.constant 0 : i32
      %dma_start3A_686 = tpu.memref_slice %arg2[%dma_start3A_684, %dma_start3A_685] : memref<10000x128xf32, #tpu.memory_space<hbm>> -> memref<10000x128xf32, #tpu.memory_space<hbm>>
      %dma_start3A_687 = tpu.memref_slice %arg12[%dma_start3A_676] : memref<4x!tpu.dma_semaphore, #tpu.memory_space<semaphore_mem>> -> memref<1x!tpu.dma_semaphore, #tpu.memory_space<semaphore_mem>>
      %dma_start3A_688 = tpu.memref_squeeze %dma_start3A_687 : memref<1x!tpu.dma_semaphore, #tpu.memory_space<semaphore_mem>> -> memref<!tpu.dma_semaphore, #tpu.memory_space<semaphore_mem>>
      tpu.enqueue_indirect_dma source(%dma_start3A_686 : memref<10000x128xf32, #tpu.memory_space<hbm>>) target(%dma_start3A_680 : memref<80x128xf32, #tpu.memory_space<vmem>>) offsets(%dma_start3A_683 : memref<80xi32, #tpu.memory_space<vmem>>) semaphore(%dma_start3A_688 : memref<!tpu.dma_semaphore, #tpu.memory_space<semaphore_mem>>)
      %dma_wait3A_689 = arith.constant 0 : i32
      %dma_wait3A_690 = arith.constant 0 : i32
      %dma_wait3A_691 = arith.constant 0 : i32
      %dma_wait3A_692 = arith.constant 0 : i32
      %dma_wait3A_693 = arith.constant 0 : i32
      %dma_wait3A_694 = tpu.memref_slice %arg9[%dma_wait3A_690, %dma_wait3A_692, %dma_wait3A_693] : memref<4x80x128xf32, #tpu.memory_space<vmem>> -> memref<1x80x128xf32, #tpu.memory_space<vmem>>
      %dma_wait3A_695 = tpu.memref_squeeze %dma_wait3A_694 : memref<1x80x128xf32, #tpu.memory_space<vmem>> -> memref<80x128xf32, #tpu.memory_space<vmem>>
      %dma_wait3A_696 = arith.constant 0 : i32
      %dma_wait3A_697 = tpu.memref_slice %arg5[%dma_wait3A_689, %dma_wait3A_696] : memref<2x80xi32, #tpu.memory_space<vmem>> -> memref<1x80xi32, #tpu.memory_space<vmem>>
      %dma_wait3A_698 = tpu.memref_squeeze %dma_wait3A_697 : memref<1x80xi32, #tpu.memory_space<vmem>> -> memref<80xi32, #tpu.memory_space<vmem>>
      %dma_wait3A_699 = arith.constant 0 : i32
      %dma_wait3A_700 = arith.constant 0 : i32
      %dma_wait3A_701 = tpu.memref_slice %arg2[%dma_wait3A_699, %dma_wait3A_700] : memref<10000x128xf32, #tpu.memory_space<hbm>> -> memref<10000x128xf32, #tpu.memory_space<hbm>>
      %dma_wait3A_702 = tpu.memref_slice %arg12[%dma_wait3A_691] : memref<4x!tpu.dma_semaphore, #tpu.memory_space<semaphore_mem>> -> memref<1x!tpu.dma_semaphore, #tpu.memory_space<semaphore_mem>>
      %dma_wait3A_703 = tpu.memref_squeeze %dma_wait3A_702 : memref<1x!tpu.dma_semaphore, #tpu.memory_space<semaphore_mem>> -> memref<!tpu.dma_semaphore, #tpu.memory_space<semaphore_mem>>
      tpu.wait_indirect_dma semaphore(%dma_wait3A_703 : memref<!tpu.dma_semaphore, #tpu.memory_space<semaphore_mem>>) src(%dma_wait3A_701 : memref<10000x128xf32, #tpu.memory_space<hbm>>) dst(%dma_wait3A_695 : memref<80x128xf32, #tpu.memory_space<vmem>>)
      %dma_start3A_704 = arith.constant 0 : i32
      %dma_start3A_705 = arith.constant 1 : i32
      %dma_start3A_706 = arith.constant 0 : i32
      %dma_start3A_707 = arith.constant 0 : i32
      %dma_start3A_708 = arith.constant 0 : i32
      %dma_start3A_709 = tpu.memref_slice %arg9[%dma_start3A_704, %dma_start3A_707, %dma_start3A_708] : memref<4x80x128xf32, #tpu.memory_space<vmem>> -> memref<1x80x128xf32, #tpu.memory_space<vmem>>
      %dma_start3A_710 = tpu.memref_squeeze %dma_start3A_709 : memref<1x80x128xf32, #tpu.memory_space<vmem>> -> memref<80x128xf32, #tpu.memory_space<vmem>>
      %dma_start3A_711 = arith.constant 0 : i32
      %dma_start3A_712 = tpu.memref_slice %arg5[%dma_start3A_705, %dma_start3A_711] : memref<2x80xi32, #tpu.memory_space<vmem>> -> memref<1x80xi32, #tpu.memory_space<vmem>>
      %dma_start3A_713 = tpu.memref_squeeze %dma_start3A_712 : memref<1x80xi32, #tpu.memory_space<vmem>> -> memref<80xi32, #tpu.memory_space<vmem>>
      %dma_start3A_714 = arith.constant 0 : i32
      %dma_start3A_715 = arith.constant 0 : i32
      %dma_start3A_716 = tpu.memref_slice %arg10[%dma_start3A_714, %dma_start3A_715] : memref<10000x128xf32, #tpu.memory_space<vmem_shared>> -> memref<10000x128xf32, #tpu.memory_space<vmem_shared>>
      %dma_start3A_717 = tpu.memref_slice %arg13[%dma_start3A_706] : memref<4x!tpu.dma_semaphore, #tpu.memory_space<semaphore_mem>> -> memref<1x!tpu.dma_semaphore, #tpu.memory_space<semaphore_mem>>
      %dma_start3A_718 = tpu.memref_squeeze %dma_start3A_717 : memref<1x!tpu.dma_semaphore, #tpu.memory_space<semaphore_mem>> -> memref<!tpu.dma_semaphore, #tpu.memory_space<semaphore_mem>>
      tpu.enqueue_indirect_dma source(%dma_start3A_710 : memref<80x128xf32, #tpu.memory_space<vmem>>) target(%dma_start3A_716 : memref<10000x128xf32, #tpu.memory_space<vmem_shared>>) offsets(%dma_start3A_713 : memref<80xi32, #tpu.memory_space<vmem>>) semaphore(%dma_start3A_718 : memref<!tpu.dma_semaphore, #tpu.memory_space<semaphore_mem>>) {add = true}
      %mul3A_719 = arith.constant 4 : i32
      %mul3A_720 = arith.muli %scan3A_445, %mul3A_719 : i32
      %add3A_721 = arith.constant 2 : i32
      %add3A_722 = arith.addi %add3A_721, %mul3A_720 : i32
      %add3A_723 = arith.constant 3 : i32
      %add3A_724 = arith.addi %add3A_722, %add3A_723 : i32
      %dma_wait3A_725 = arith.constant 3 : i32
      %dma_wait3A_726 = arith.constant 1 : i32
      %dma_wait3A_727 = arith.constant 3 : i32
      %dma_wait3A_728 = arith.constant 0 : i32
      %dma_wait3A_729 = arith.constant 0 : i32
      %dma_wait3A_730 = tpu.memref_slice %arg9[%dma_wait3A_725, %dma_wait3A_728, %dma_wait3A_729] : memref<4x80x128xf32, #tpu.memory_space<vmem>> -> memref<1x80x128xf32, #tpu.memory_space<vmem>>
      %dma_wait3A_731 = tpu.memref_squeeze %dma_wait3A_730 : memref<1x80x128xf32, #tpu.memory_space<vmem>> -> memref<80x128xf32, #tpu.memory_space<vmem>>
      %dma_wait3A_732 = arith.constant 0 : i32
      %dma_wait3A_733 = tpu.memref_slice %arg8[%dma_wait3A_726, %dma_wait3A_732] : memref<2x80xi32, #tpu.memory_space<vmem>> -> memref<1x80xi32, #tpu.memory_space<vmem>>
      %dma_wait3A_734 = tpu.memref_squeeze %dma_wait3A_733 : memref<1x80xi32, #tpu.memory_space<vmem>> -> memref<80xi32, #tpu.memory_space<vmem>>
      %dma_wait3A_735 = arith.constant 0 : i32
      %dma_wait3A_736 = arith.constant 0 : i32
      %dma_wait3A_737 = tpu.memref_slice %arg10[%dma_wait3A_735, %dma_wait3A_736] : memref<10000x128xf32, #tpu.memory_space<vmem_shared>> -> memref<10000x128xf32, #tpu.memory_space<vmem_shared>>
      %dma_wait3A_738 = tpu.memref_slice %arg13[%dma_wait3A_727] : memref<4x!tpu.dma_semaphore, #tpu.memory_space<semaphore_mem>> -> memref<1x!tpu.dma_semaphore, #tpu.memory_space<semaphore_mem>>
      %dma_wait3A_739 = tpu.memref_squeeze %dma_wait3A_738 : memref<1x!tpu.dma_semaphore, #tpu.memory_space<semaphore_mem>> -> memref<!tpu.dma_semaphore, #tpu.memory_space<semaphore_mem>>
      tpu.wait_indirect_dma semaphore(%dma_wait3A_739 : memref<!tpu.dma_semaphore, #tpu.memory_space<semaphore_mem>>) src(%dma_wait3A_731 : memref<80x128xf32, #tpu.memory_space<vmem>>) dst(%dma_wait3A_737 : memref<10000x128xf32, #tpu.memory_space<vmem_shared>>)
      %add3A_740 = arith.constant 2 : i32
      %add3A_741 = arith.addi %add3A_724, %add3A_740 : i32
      %add3A_742 = arith.addi %mul3A_2, %add3A_741 : i32
      %dma_start3A_743 = arith.constant 3 : i32
      %dma_start3A_744 = arith.constant 0 : i32
      %dma_start3A_745 = arith.constant 0 : i32
      %dma_start3A_746 = tpu.memref_slice %arg3[%add3A_742, %dma_start3A_744, %dma_start3A_745] : memref<4000x2x80xi32, #tpu.memory_space<hbm>> -> memref<1x2x80xi32, #tpu.memory_space<hbm>>
      %dma_start3A_747 = tpu.memref_squeeze %dma_start3A_746 : memref<1x2x80xi32, #tpu.memory_space<hbm>> -> memref<2x80xi32, #tpu.memory_space<hbm>>
      %dma_start3A_748 = tpu.memref_slice %arg11[%dma_start3A_743] : memref<4x!tpu.dma_semaphore, #tpu.memory_space<semaphore_mem>> -> memref<1x!tpu.dma_semaphore, #tpu.memory_space<semaphore_mem>>
      %dma_start3A_749 = tpu.memref_squeeze %dma_start3A_748 : memref<1x!tpu.dma_semaphore, #tpu.memory_space<semaphore_mem>> -> memref<!tpu.dma_semaphore, #tpu.memory_space<semaphore_mem>>
      %dma_start3A_750 = arith.constant 0 : i32
      %dma_start3A_751 = arith.constant 0 : i32
      %dma_start3A_752 = tpu.memref_slice %arg3[%add3A_742, %dma_start3A_750, %dma_start3A_751] : memref<4000x2x80xi32, #tpu.memory_space<hbm>> -> memref<1x2x80xi32, #tpu.memory_space<hbm>>
      %dma_start3A_753 = tpu.memref_squeeze %dma_start3A_752 : memref<1x2x80xi32, #tpu.memory_space<hbm>> -> memref<2x80xi32, #tpu.memory_space<hbm>>
      tpu.enqueue_dma source(%dma_start3A_753 : memref<2x80xi32, #tpu.memory_space<hbm>>) target(%arg8 : memref<2x80xi32, #tpu.memory_space<vmem>>) target_semaphore(%dma_start3A_749 : memref<!tpu.dma_semaphore, #tpu.memory_space<semaphore_mem>>)
      %dma_wait3A_754 = arith.constant 2 : i32
      %dma_wait3A_755 = arith.constant 0 : i32
      %dma_wait3A_756 = arith.constant 0 : i32
      %dma_wait3A_757 = tpu.memref_slice %arg3[%mul3A_2, %dma_wait3A_755, %dma_wait3A_756] : memref<4000x2x80xi32, #tpu.memory_space<hbm>> -> memref<1x2x80xi32, #tpu.memory_space<hbm>>
      %dma_wait3A_758 = tpu.memref_squeeze %dma_wait3A_757 : memref<1x2x80xi32, #tpu.memory_space<hbm>> -> memref<2x80xi32, #tpu.memory_space<hbm>>
      %dma_wait3A_759 = tpu.memref_slice %arg11[%dma_wait3A_754] : memref<4x!tpu.dma_semaphore, #tpu.memory_space<semaphore_mem>> -> memref<1x!tpu.dma_semaphore, #tpu.memory_space<semaphore_mem>>
      %dma_wait3A_760 = tpu.memref_squeeze %dma_wait3A_759 : memref<1x!tpu.dma_semaphore, #tpu.memory_space<semaphore_mem>> -> memref<!tpu.dma_semaphore, #tpu.memory_space<semaphore_mem>>
      %dma_wait3A_761 = arith.constant 0 : i32
      %dma_wait3A_762 = arith.constant 0 : i32
      %dma_wait3A_763 = tpu.memref_slice %arg3[%mul3A_2, %dma_wait3A_761, %dma_wait3A_762] : memref<4000x2x80xi32, #tpu.memory_space<hbm>> -> memref<1x2x80xi32, #tpu.memory_space<hbm>>
      %dma_wait3A_764 = tpu.memref_squeeze %dma_wait3A_763 : memref<1x2x80xi32, #tpu.memory_space<hbm>> -> memref<2x80xi32, #tpu.memory_space<hbm>>
      tpu.wait_dma2 semaphore(%dma_wait3A_760 : memref<!tpu.dma_semaphore, #tpu.memory_space<semaphore_mem>>) src(%dma_wait3A_764 : memref<2x80xi32, #tpu.memory_space<hbm>>) dst(%arg7 : memref<2x80xi32, #tpu.memory_space<vmem>>)
      %dma_start3A_765 = arith.constant 0 : i32
      %dma_start3A_766 = arith.constant 2 : i32
      %dma_start3A_767 = arith.constant 2 : i32
      %dma_start3A_768 = arith.constant 0 : i32
      %dma_start3A_769 = arith.constant 0 : i32
      %dma_start3A_770 = tpu.memref_slice %arg9[%dma_start3A_766, %dma_start3A_768, %dma_start3A_769] : memref<4x80x128xf32, #tpu.memory_space<vmem>> -> memref<1x80x128xf32, #tpu.memory_space<vmem>>
      %dma_start3A_771 = tpu.memref_squeeze %dma_start3A_770 : memref<1x80x128xf32, #tpu.memory_space<vmem>> -> memref<80x128xf32, #tpu.memory_space<vmem>>
      %dma_start3A_772 = arith.constant 0 : i32
      %dma_start3A_773 = tpu.memref_slice %arg7[%dma_start3A_765, %dma_start3A_772] : memref<2x80xi32, #tpu.memory_space<vmem>> -> memref<1x80xi32, #tpu.memory_space<vmem>>
      %dma_start3A_774 = tpu.memref_squeeze %dma_start3A_773 : memref<1x80xi32, #tpu.memory_space<vmem>> -> memref<80xi32, #tpu.memory_space<vmem>>
      %dma_start3A_775 = arith.constant 0 : i32
      %dma_start3A_776 = arith.constant 0 : i32
      %dma_start3A_777 = tpu.memref_slice %arg2[%dma_start3A_775, %dma_start3A_776] : memref<10000x128xf32, #tpu.memory_space<hbm>> -> memref<10000x128xf32, #tpu.memory_space<hbm>>
      %dma_start3A_778 = tpu.memref_slice %arg12[%dma_start3A_767] : memref<4x!tpu.dma_semaphore, #tpu.memory_space<semaphore_mem>> -> memref<1x!tpu.dma_semaphore, #tpu.memory_space<semaphore_mem>>
      %dma_start3A_779 = tpu.memref_squeeze %dma_start3A_778 : memref<1x!tpu.dma_semaphore, #tpu.memory_space<semaphore_mem>> -> memref<!tpu.dma_semaphore, #tpu.memory_space<semaphore_mem>>
      tpu.enqueue_indirect_dma source(%dma_start3A_777 : memref<10000x128xf32, #tpu.memory_space<hbm>>) target(%dma_start3A_771 : memref<80x128xf32, #tpu.memory_space<vmem>>) offsets(%dma_start3A_774 : memref<80xi32, #tpu.memory_space<vmem>>) semaphore(%dma_start3A_779 : memref<!tpu.dma_semaphore, #tpu.memory_space<semaphore_mem>>)
      %dma_wait3A_780 = arith.constant 0 : i32
      %dma_wait3A_781 = arith.constant 1 : i32
      %dma_wait3A_782 = arith.constant 1 : i32
      %dma_wait3A_783 = arith.constant 0 : i32
      %dma_wait3A_784 = arith.constant 0 : i32
      %dma_wait3A_785 = tpu.memref_slice %arg9[%dma_wait3A_781, %dma_wait3A_783, %dma_wait3A_784] : memref<4x80x128xf32, #tpu.memory_space<vmem>> -> memref<1x80x128xf32, #tpu.memory_space<vmem>>
      %dma_wait3A_786 = tpu.memref_squeeze %dma_wait3A_785 : memref<1x80x128xf32, #tpu.memory_space<vmem>> -> memref<80x128xf32, #tpu.memory_space<vmem>>
      %dma_wait3A_787 = arith.constant 0 : i32
      %dma_wait3A_788 = tpu.memref_slice %arg6[%dma_wait3A_780, %dma_wait3A_787] : memref<2x80xi32, #tpu.memory_space<vmem>> -> memref<1x80xi32, #tpu.memory_space<vmem>>
      %dma_wait3A_789 = tpu.memref_squeeze %dma_wait3A_788 : memref<1x80xi32, #tpu.memory_space<vmem>> -> memref<80xi32, #tpu.memory_space<vmem>>
      %dma_wait3A_790 = arith.constant 0 : i32
      %dma_wait3A_791 = arith.constant 0 : i32
      %dma_wait3A_792 = tpu.memref_slice %arg2[%dma_wait3A_790, %dma_wait3A_791] : memref<10000x128xf32, #tpu.memory_space<hbm>> -> memref<10000x128xf32, #tpu.memory_space<hbm>>
      %dma_wait3A_793 = tpu.memref_slice %arg12[%dma_wait3A_782] : memref<4x!tpu.dma_semaphore, #tpu.memory_space<semaphore_mem>> -> memref<1x!tpu.dma_semaphore, #tpu.memory_space<semaphore_mem>>
      %dma_wait3A_794 = tpu.memref_squeeze %dma_wait3A_793 : memref<1x!tpu.dma_semaphore, #tpu.memory_space<semaphore_mem>> -> memref<!tpu.dma_semaphore, #tpu.memory_space<semaphore_mem>>
      tpu.wait_indirect_dma semaphore(%dma_wait3A_794 : memref<!tpu.dma_semaphore, #tpu.memory_space<semaphore_mem>>) src(%dma_wait3A_792 : memref<10000x128xf32, #tpu.memory_space<hbm>>) dst(%dma_wait3A_786 : memref<80x128xf32, #tpu.memory_space<vmem>>)
      %dma_start3A_795 = arith.constant 1 : i32
      %dma_start3A_796 = arith.constant 1 : i32
      %dma_start3A_797 = arith.constant 1 : i32
      %dma_start3A_798 = arith.constant 0 : i32
      %dma_start3A_799 = arith.constant 0 : i32
      %dma_start3A_800 = tpu.memref_slice %arg9[%dma_start3A_795, %dma_start3A_798, %dma_start3A_799] : memref<4x80x128xf32, #tpu.memory_space<vmem>> -> memref<1x80x128xf32, #tpu.memory_space<vmem>>
      %dma_start3A_801 = tpu.memref_squeeze %dma_start3A_800 : memref<1x80x128xf32, #tpu.memory_space<vmem>> -> memref<80x128xf32, #tpu.memory_space<vmem>>
      %dma_start3A_802 = arith.constant 0 : i32
      %dma_start3A_803 = tpu.memref_slice %arg6[%dma_start3A_796, %dma_start3A_802] : memref<2x80xi32, #tpu.memory_space<vmem>> -> memref<1x80xi32, #tpu.memory_space<vmem>>
      %dma_start3A_804 = tpu.memref_squeeze %dma_start3A_803 : memref<1x80xi32, #tpu.memory_space<vmem>> -> memref<80xi32, #tpu.memory_space<vmem>>
      %dma_start3A_805 = arith.constant 0 : i32
      %dma_start3A_806 = arith.constant 0 : i32
      %dma_start3A_807 = tpu.memref_slice %arg10[%dma_start3A_805, %dma_start3A_806] : memref<10000x128xf32, #tpu.memory_space<vmem_shared>> -> memref<10000x128xf32, #tpu.memory_space<vmem_shared>>
      %dma_start3A_808 = tpu.memref_slice %arg13[%dma_start3A_797] : memref<4x!tpu.dma_semaphore, #tpu.memory_space<semaphore_mem>> -> memref<1x!tpu.dma_semaphore, #tpu.memory_space<semaphore_mem>>
      %dma_start3A_809 = tpu.memref_squeeze %dma_start3A_808 : memref<1x!tpu.dma_semaphore, #tpu.memory_space<semaphore_mem>> -> memref<!tpu.dma_semaphore, #tpu.memory_space<semaphore_mem>>
      tpu.enqueue_indirect_dma source(%dma_start3A_801 : memref<80x128xf32, #tpu.memory_space<vmem>>) target(%dma_start3A_807 : memref<10000x128xf32, #tpu.memory_space<vmem_shared>>) offsets(%dma_start3A_804 : memref<80xi32, #tpu.memory_space<vmem>>) semaphore(%dma_start3A_809 : memref<!tpu.dma_semaphore, #tpu.memory_space<semaphore_mem>>) {add = true}
    }
    %scan3A_204 = arith.constant 30 : i32
    %dma_wait3A_205 = arith.constant 0 : i32
    %dma_wait3A_206 = arith.constant 1 : i32
    %dma_wait3A_207 = arith.constant 0 : i32
    %dma_wait3A_208 = arith.constant 0 : i32
    %dma_wait3A_209 = arith.constant 0 : i32
    %dma_wait3A_210 = tpu.memref_slice %arg9[%dma_wait3A_205, %dma_wait3A_208, %dma_wait3A_209] : memref<4x80x128xf32, #tpu.memory_space<vmem>> -> memref<1x80x128xf32, #tpu.memory_space<vmem>>
    %dma_wait3A_211 = tpu.memref_squeeze %dma_wait3A_210 : memref<1x80x128xf32, #tpu.memory_space<vmem>> -> memref<80x128xf32, #tpu.memory_space<vmem>>
    %dma_wait3A_212 = arith.constant 0 : i32
    %dma_wait3A_213 = tpu.memref_slice %arg5[%dma_wait3A_206, %dma_wait3A_212] : memref<2x80xi32, #tpu.memory_space<vmem>> -> memref<1x80xi32, #tpu.memory_space<vmem>>
    %dma_wait3A_214 = tpu.memref_squeeze %dma_wait3A_213 : memref<1x80xi32, #tpu.memory_space<vmem>> -> memref<80xi32, #tpu.memory_space<vmem>>
    %dma_wait3A_215 = arith.constant 0 : i32
    %dma_wait3A_216 = arith.constant 0 : i32
    %dma_wait3A_217 = tpu.memref_slice %arg10[%dma_wait3A_215, %dma_wait3A_216] : memref<10000x128xf32, #tpu.memory_space<vmem_shared>> -> memref<10000x128xf32, #tpu.memory_space<vmem_shared>>
    %dma_wait3A_218 = tpu.memref_slice %arg13[%dma_wait3A_207] : memref<4x!tpu.dma_semaphore, #tpu.memory_space<semaphore_mem>> -> memref<1x!tpu.dma_semaphore, #tpu.memory_space<semaphore_mem>>
    %dma_wait3A_219 = tpu.memref_squeeze %dma_wait3A_218 : memref<1x!tpu.dma_semaphore, #tpu.memory_space<semaphore_mem>> -> memref<!tpu.dma_semaphore, #tpu.memory_space<semaphore_mem>>
    tpu.wait_indirect_dma semaphore(%dma_wait3A_219 : memref<!tpu.dma_semaphore, #tpu.memory_space<semaphore_mem>>) src(%dma_wait3A_211 : memref<80x128xf32, #tpu.memory_space<vmem>>) dst(%dma_wait3A_217 : memref<10000x128xf32, #tpu.memory_space<vmem_shared>>)
    %add3A_220 = arith.constant 124 : i32
    %add3A_221 = arith.addi %mul3A_2, %add3A_220 : i32
    %dma_start3A_222 = arith.constant 0 : i32
    %dma_start3A_223 = arith.constant 0 : i32
    %dma_start3A_224 = arith.constant 0 : i32
    %dma_start3A_225 = tpu.memref_slice %arg3[%add3A_221, %dma_start3A_223, %dma_start3A_224] : memref<4000x2x80xi32, #tpu.memory_space<hbm>> -> memref<1x2x80xi32, #tpu.memory_space<hbm>>
    %dma_start3A_226 = tpu.memref_squeeze %dma_start3A_225 : memref<1x2x80xi32, #tpu.memory_space<hbm>> -> memref<2x80xi32, #tpu.memory_space<hbm>>
    %dma_start3A_227 = tpu.memref_slice %arg11[%dma_start3A_222] : memref<4x!tpu.dma_semaphore, #tpu.memory_space<semaphore_mem>> -> memref<1x!tpu.dma_semaphore, #tpu.memory_space<semaphore_mem>>
    %dma_start3A_228 = tpu.memref_squeeze %dma_start3A_227 : memref<1x!tpu.dma_semaphore, #tpu.memory_space<semaphore_mem>> -> memref<!tpu.dma_semaphore, #tpu.memory_space<semaphore_mem>>
    %dma_start3A_229 = arith.constant 0 : i32
    %dma_start3A_230 = arith.constant 0 : i32
    %dma_start3A_231 = tpu.memref_slice %arg3[%add3A_221, %dma_start3A_229, %dma_start3A_230] : memref<4000x2x80xi32, #tpu.memory_space<hbm>> -> memref<1x2x80xi32, #tpu.memory_space<hbm>>
    %dma_start3A_232 = tpu.memref_squeeze %dma_start3A_231 : memref<1x2x80xi32, #tpu.memory_space<hbm>> -> memref<2x80xi32, #tpu.memory_space<hbm>>
    tpu.enqueue_dma source(%dma_start3A_232 : memref<2x80xi32, #tpu.memory_space<hbm>>) target(%arg5 : memref<2x80xi32, #tpu.memory_space<vmem>>) target_semaphore(%dma_start3A_228 : memref<!tpu.dma_semaphore, #tpu.memory_space<semaphore_mem>>)
    %dma_wait3A_233 = arith.constant 3 : i32
    %dma_wait3A_234 = arith.constant 0 : i32
    %dma_wait3A_235 = arith.constant 0 : i32
    %dma_wait3A_236 = tpu.memref_slice %arg3[%mul3A_2, %dma_wait3A_234, %dma_wait3A_235] : memref<4000x2x80xi32, #tpu.memory_space<hbm>> -> memref<1x2x80xi32, #tpu.memory_space<hbm>>
    %dma_wait3A_237 = tpu.memref_squeeze %dma_wait3A_236 : memref<1x2x80xi32, #tpu.memory_space<hbm>> -> memref<2x80xi32, #tpu.memory_space<hbm>>
    %dma_wait3A_238 = tpu.memref_slice %arg11[%dma_wait3A_233] : memref<4x!tpu.dma_semaphore, #tpu.memory_space<semaphore_mem>> -> memref<1x!tpu.dma_semaphore, #tpu.memory_space<semaphore_mem>>
    %dma_wait3A_239 = tpu.memref_squeeze %dma_wait3A_238 : memref<1x!tpu.dma_semaphore, #tpu.memory_space<semaphore_mem>> -> memref<!tpu.dma_semaphore, #tpu.memory_space<semaphore_mem>>
    %dma_wait3A_240 = arith.constant 0 : i32
    %dma_wait3A_241 = arith.constant 0 : i32
    %dma_wait3A_242 = tpu.memref_slice %arg3[%mul3A_2, %dma_wait3A_240, %dma_wait3A_241] : memref<4000x2x80xi32, #tpu.memory_space<hbm>> -> memref<1x2x80xi32, #tpu.memory_space<hbm>>
    %dma_wait3A_243 = tpu.memref_squeeze %dma_wait3A_242 : memref<1x2x80xi32, #tpu.memory_space<hbm>> -> memref<2x80xi32, #tpu.memory_space<hbm>>
    tpu.wait_dma2 semaphore(%dma_wait3A_239 : memref<!tpu.dma_semaphore, #tpu.memory_space<semaphore_mem>>) src(%dma_wait3A_243 : memref<2x80xi32, #tpu.memory_space<hbm>>) dst(%arg8 : memref<2x80xi32, #tpu.memory_space<vmem>>)
    %dma_start3A_244 = arith.constant 0 : i32
    %dma_start3A_245 = arith.constant 3 : i32
    %dma_start3A_246 = arith.constant 3 : i32
    %dma_start3A_247 = arith.constant 0 : i32
    %dma_start3A_248 = arith.constant 0 : i32
    %dma_start3A_249 = tpu.memref_slice %arg9[%dma_start3A_245, %dma_start3A_247, %dma_start3A_248] : memref<4x80x128xf32, #tpu.memory_space<vmem>> -> memref<1x80x128xf32, #tpu.memory_space<vmem>>
    %dma_start3A_250 = tpu.memref_squeeze %dma_start3A_249 : memref<1x80x128xf32, #tpu.memory_space<vmem>> -> memref<80x128xf32, #tpu.memory_space<vmem>>
    %dma_start3A_251 = arith.constant 0 : i32
    %dma_start3A_252 = tpu.memref_slice %arg8[%dma_start3A_244, %dma_start3A_251] : memref<2x80xi32, #tpu.memory_space<vmem>> -> memref<1x80xi32, #tpu.memory_space<vmem>>
    %dma_start3A_253 = tpu.memref_squeeze %dma_start3A_252 : memref<1x80xi32, #tpu.memory_space<vmem>> -> memref<80xi32, #tpu.memory_space<vmem>>
    %dma_start3A_254 = arith.constant 0 : i32
    %dma_start3A_255 = arith.constant 0 : i32
    %dma_start3A_256 = tpu.memref_slice %arg2[%dma_start3A_254, %dma_start3A_255] : memref<10000x128xf32, #tpu.memory_space<hbm>> -> memref<10000x128xf32, #tpu.memory_space<hbm>>
    %dma_start3A_257 = tpu.memref_slice %arg12[%dma_start3A_246] : memref<4x!tpu.dma_semaphore, #tpu.memory_space<semaphore_mem>> -> memref<1x!tpu.dma_semaphore, #tpu.memory_space<semaphore_mem>>
    %dma_start3A_258 = tpu.memref_squeeze %dma_start3A_257 : memref<1x!tpu.dma_semaphore, #tpu.memory_space<semaphore_mem>> -> memref<!tpu.dma_semaphore, #tpu.memory_space<semaphore_mem>>
    tpu.enqueue_indirect_dma source(%dma_start3A_256 : memref<10000x128xf32, #tpu.memory_space<hbm>>) target(%dma_start3A_250 : memref<80x128xf32, #tpu.memory_space<vmem>>) offsets(%dma_start3A_253 : memref<80xi32, #tpu.memory_space<vmem>>) semaphore(%dma_start3A_258 : memref<!tpu.dma_semaphore, #tpu.memory_space<semaphore_mem>>)
    %dma_wait3A_259 = arith.constant 0 : i32
    %dma_wait3A_260 = arith.constant 2 : i32
    %dma_wait3A_261 = arith.constant 2 : i32
    %dma_wait3A_262 = arith.constant 0 : i32
    %dma_wait3A_263 = arith.constant 0 : i32
    %dma_wait3A_264 = tpu.memref_slice %arg9[%dma_wait3A_260, %dma_wait3A_262, %dma_wait3A_263] : memref<4x80x128xf32, #tpu.memory_space<vmem>> -> memref<1x80x128xf32, #tpu.memory_space<vmem>>
    %dma_wait3A_265 = tpu.memref_squeeze %dma_wait3A_264 : memref<1x80x128xf32, #tpu.memory_space<vmem>> -> memref<80x128xf32, #tpu.memory_space<vmem>>
    %dma_wait3A_266 = arith.constant 0 : i32
    %dma_wait3A_267 = tpu.memref_slice %arg7[%dma_wait3A_259, %dma_wait3A_266] : memref<2x80xi32, #tpu.memory_space<vmem>> -> memref<1x80xi32, #tpu.memory_space<vmem>>
    %dma_wait3A_268 = tpu.memref_squeeze %dma_wait3A_267 : memref<1x80xi32, #tpu.memory_space<vmem>> -> memref<80xi32, #tpu.memory_space<vmem>>
    %dma_wait3A_269 = arith.constant 0 : i32
    %dma_wait3A_270 = arith.constant 0 : i32
    %dma_wait3A_271 = tpu.memref_slice %arg2[%dma_wait3A_269, %dma_wait3A_270] : memref<10000x128xf32, #tpu.memory_space<hbm>> -> memref<10000x128xf32, #tpu.memory_space<hbm>>
    %dma_wait3A_272 = tpu.memref_slice %arg12[%dma_wait3A_261] : memref<4x!tpu.dma_semaphore, #tpu.memory_space<semaphore_mem>> -> memref<1x!tpu.dma_semaphore, #tpu.memory_space<semaphore_mem>>
    %dma_wait3A_273 = tpu.memref_squeeze %dma_wait3A_272 : memref<1x!tpu.dma_semaphore, #tpu.memory_space<semaphore_mem>> -> memref<!tpu.dma_semaphore, #tpu.memory_space<semaphore_mem>>
    tpu.wait_indirect_dma semaphore(%dma_wait3A_273 : memref<!tpu.dma_semaphore, #tpu.memory_space<semaphore_mem>>) src(%dma_wait3A_271 : memref<10000x128xf32, #tpu.memory_space<hbm>>) dst(%dma_wait3A_265 : memref<80x128xf32, #tpu.memory_space<vmem>>)
    %dma_start3A_274 = arith.constant 2 : i32
    %dma_start3A_275 = arith.constant 1 : i32
    %dma_start3A_276 = arith.constant 2 : i32
    %dma_start3A_277 = arith.constant 0 : i32
    %dma_start3A_278 = arith.constant 0 : i32
    %dma_start3A_279 = tpu.memref_slice %arg9[%dma_start3A_274, %dma_start3A_277, %dma_start3A_278] : memref<4x80x128xf32, #tpu.memory_space<vmem>> -> memref<1x80x128xf32, #tpu.memory_space<vmem>>
    %dma_start3A_280 = tpu.memref_squeeze %dma_start3A_279 : memref<1x80x128xf32, #tpu.memory_space<vmem>> -> memref<80x128xf32, #tpu.memory_space<vmem>>
    %dma_start3A_281 = arith.constant 0 : i32
    %dma_start3A_282 = tpu.memref_slice %arg7[%dma_start3A_275, %dma_start3A_281] : memref<2x80xi32, #tpu.memory_space<vmem>> -> memref<1x80xi32, #tpu.memory_space<vmem>>
    %dma_start3A_283 = tpu.memref_squeeze %dma_start3A_282 : memref<1x80xi32, #tpu.memory_space<vmem>> -> memref<80xi32, #tpu.memory_space<vmem>>
    %dma_start3A_284 = arith.constant 0 : i32
    %dma_start3A_285 = arith.constant 0 : i32
    %dma_start3A_286 = tpu.memref_slice %arg10[%dma_start3A_284, %dma_start3A_285] : memref<10000x128xf32, #tpu.memory_space<vmem_shared>> -> memref<10000x128xf32, #tpu.memory_space<vmem_shared>>
    %dma_start3A_287 = tpu.memref_slice %arg13[%dma_start3A_276] : memref<4x!tpu.dma_semaphore, #tpu.memory_space<semaphore_mem>> -> memref<1x!tpu.dma_semaphore, #tpu.memory_space<semaphore_mem>>
    %dma_start3A_288 = tpu.memref_squeeze %dma_start3A_287 : memref<1x!tpu.dma_semaphore, #tpu.memory_space<semaphore_mem>> -> memref<!tpu.dma_semaphore, #tpu.memory_space<semaphore_mem>>
    tpu.enqueue_indirect_dma source(%dma_start3A_280 : memref<80x128xf32, #tpu.memory_space<vmem>>) target(%dma_start3A_286 : memref<10000x128xf32, #tpu.memory_space<vmem_shared>>) offsets(%dma_start3A_283 : memref<80xi32, #tpu.memory_space<vmem>>) semaphore(%dma_start3A_288 : memref<!tpu.dma_semaphore, #tpu.memory_space<semaphore_mem>>) {add = true}
    %dma_wait3A_289 = arith.constant 1 : i32
    %dma_wait3A_290 = arith.constant 1 : i32
    %dma_wait3A_291 = arith.constant 1 : i32
    %dma_wait3A_292 = arith.constant 0 : i32
    %dma_wait3A_293 = arith.constant 0 : i32
    %dma_wait3A_294 = tpu.memref_slice %arg9[%dma_wait3A_289, %dma_wait3A_292, %dma_wait3A_293] : memref<4x80x128xf32, #tpu.memory_space<vmem>> -> memref<1x80x128xf32, #tpu.memory_space<vmem>>
    %dma_wait3A_295 = tpu.memref_squeeze %dma_wait3A_294 : memref<1x80x128xf32, #tpu.memory_space<vmem>> -> memref<80x128xf32, #tpu.memory_space<vmem>>
    %dma_wait3A_296 = arith.constant 0 : i32
    %dma_wait3A_297 = tpu.memref_slice %arg6[%dma_wait3A_290, %dma_wait3A_296] : memref<2x80xi32, #tpu.memory_space<vmem>> -> memref<1x80xi32, #tpu.memory_space<vmem>>
    %dma_wait3A_298 = tpu.memref_squeeze %dma_wait3A_297 : memref<1x80xi32, #tpu.memory_space<vmem>> -> memref<80xi32, #tpu.memory_space<vmem>>
    %dma_wait3A_299 = arith.constant 0 : i32
    %dma_wait3A_300 = arith.constant 0 : i32
    %dma_wait3A_301 = tpu.memref_slice %arg10[%dma_wait3A_299, %dma_wait3A_300] : memref<10000x128xf32, #tpu.memory_space<vmem_shared>> -> memref<10000x128xf32, #tpu.memory_space<vmem_shared>>
    %dma_wait3A_302 = tpu.memref_slice %arg13[%dma_wait3A_291] : memref<4x!tpu.dma_semaphore, #tpu.memory_space<semaphore_mem>> -> memref<1x!tpu.dma_semaphore, #tpu.memory_space<semaphore_mem>>
    %dma_wait3A_303 = tpu.memref_squeeze %dma_wait3A_302 : memref<1x!tpu.dma_semaphore, #tpu.memory_space<semaphore_mem>> -> memref<!tpu.dma_semaphore, #tpu.memory_space<semaphore_mem>>
    tpu.wait_indirect_dma semaphore(%dma_wait3A_303 : memref<!tpu.dma_semaphore, #tpu.memory_space<semaphore_mem>>) src(%dma_wait3A_295 : memref<80x128xf32, #tpu.memory_space<vmem>>) dst(%dma_wait3A_301 : memref<10000x128xf32, #tpu.memory_space<vmem_shared>>)
    %dma_wait3A_304 = arith.constant 0 : i32
    %dma_wait3A_305 = arith.constant 0 : i32
    %dma_wait3A_306 = arith.constant 0 : i32
    %dma_wait3A_307 = tpu.memref_slice %arg3[%mul3A_2, %dma_wait3A_305, %dma_wait3A_306] : memref<4000x2x80xi32, #tpu.memory_space<hbm>> -> memref<1x2x80xi32, #tpu.memory_space<hbm>>
    %dma_wait3A_308 = tpu.memref_squeeze %dma_wait3A_307 : memref<1x2x80xi32, #tpu.memory_space<hbm>> -> memref<2x80xi32, #tpu.memory_space<hbm>>
    %dma_wait3A_309 = tpu.memref_slice %arg11[%dma_wait3A_304] : memref<4x!tpu.dma_semaphore, #tpu.memory_space<semaphore_mem>> -> memref<1x!tpu.dma_semaphore, #tpu.memory_space<semaphore_mem>>
    %dma_wait3A_310 = tpu.memref_squeeze %dma_wait3A_309 : memref<1x!tpu.dma_semaphore, #tpu.memory_space<semaphore_mem>> -> memref<!tpu.dma_semaphore, #tpu.memory_space<semaphore_mem>>
    %dma_wait3A_311 = arith.constant 0 : i32
    %dma_wait3A_312 = arith.constant 0 : i32
    %dma_wait3A_313 = tpu.memref_slice %arg3[%mul3A_2, %dma_wait3A_311, %dma_wait3A_312] : memref<4000x2x80xi32, #tpu.memory_space<hbm>> -> memref<1x2x80xi32, #tpu.memory_space<hbm>>
    %dma_wait3A_314 = tpu.memref_squeeze %dma_wait3A_313 : memref<1x2x80xi32, #tpu.memory_space<hbm>> -> memref<2x80xi32, #tpu.memory_space<hbm>>
    tpu.wait_dma2 semaphore(%dma_wait3A_310 : memref<!tpu.dma_semaphore, #tpu.memory_space<semaphore_mem>>) src(%dma_wait3A_314 : memref<2x80xi32, #tpu.memory_space<hbm>>) dst(%arg5 : memref<2x80xi32, #tpu.memory_space<vmem>>)
    %dma_start3A_315 = arith.constant 0 : i32
    %dma_start3A_316 = arith.constant 0 : i32
    %dma_start3A_317 = arith.constant 0 : i32
    %dma_start3A_318 = arith.constant 0 : i32
    %dma_start3A_319 = arith.constant 0 : i32
    %dma_start3A_320 = tpu.memref_slice %arg9[%dma_start3A_316, %dma_start3A_318, %dma_start3A_319] : memref<4x80x128xf32, #tpu.memory_space<vmem>> -> memref<1x80x128xf32, #tpu.memory_space<vmem>>
    %dma_start3A_321 = tpu.memref_squeeze %dma_start3A_320 : memref<1x80x128xf32, #tpu.memory_space<vmem>> -> memref<80x128xf32, #tpu.memory_space<vmem>>
    %dma_start3A_322 = arith.constant 0 : i32
    %dma_start3A_323 = tpu.memref_slice %arg5[%dma_start3A_315, %dma_start3A_322] : memref<2x80xi32, #tpu.memory_space<vmem>> -> memref<1x80xi32, #tpu.memory_space<vmem>>
    %dma_start3A_324 = tpu.memref_squeeze %dma_start3A_323 : memref<1x80xi32, #tpu.memory_space<vmem>> -> memref<80xi32, #tpu.memory_space<vmem>>
    %dma_start3A_325 = arith.constant 0 : i32
    %dma_start3A_326 = arith.constant 0 : i32
    %dma_start3A_327 = tpu.memref_slice %arg2[%dma_start3A_325, %dma_start3A_326] : memref<10000x128xf32, #tpu.memory_space<hbm>> -> memref<10000x128xf32, #tpu.memory_space<hbm>>
    %dma_start3A_328 = tpu.memref_slice %arg12[%dma_start3A_317] : memref<4x!tpu.dma_semaphore, #tpu.memory_space<semaphore_mem>> -> memref<1x!tpu.dma_semaphore, #tpu.memory_space<semaphore_mem>>
    %dma_start3A_329 = tpu.memref_squeeze %dma_start3A_328 : memref<1x!tpu.dma_semaphore, #tpu.memory_space<semaphore_mem>> -> memref<!tpu.dma_semaphore, #tpu.memory_space<semaphore_mem>>
    tpu.enqueue_indirect_dma source(%dma_start3A_327 : memref<10000x128xf32, #tpu.memory_space<hbm>>) target(%dma_start3A_321 : memref<80x128xf32, #tpu.memory_space<vmem>>) offsets(%dma_start3A_324 : memref<80xi32, #tpu.memory_space<vmem>>) semaphore(%dma_start3A_329 : memref<!tpu.dma_semaphore, #tpu.memory_space<semaphore_mem>>)
    %dma_wait3A_330 = arith.constant 0 : i32
    %dma_wait3A_331 = arith.constant 3 : i32
    %dma_wait3A_332 = arith.constant 3 : i32
    %dma_wait3A_333 = arith.constant 0 : i32
    %dma_wait3A_334 = arith.constant 0 : i32
    %dma_wait3A_335 = tpu.memref_slice %arg9[%dma_wait3A_331, %dma_wait3A_333, %dma_wait3A_334] : memref<4x80x128xf32, #tpu.memory_space<vmem>> -> memref<1x80x128xf32, #tpu.memory_space<vmem>>
    %dma_wait3A_336 = tpu.memref_squeeze %dma_wait3A_335 : memref<1x80x128xf32, #tpu.memory_space<vmem>> -> memref<80x128xf32, #tpu.memory_space<vmem>>
    %dma_wait3A_337 = arith.constant 0 : i32
    %dma_wait3A_338 = tpu.memref_slice %arg8[%dma_wait3A_330, %dma_wait3A_337] : memref<2x80xi32, #tpu.memory_space<vmem>> -> memref<1x80xi32, #tpu.memory_space<vmem>>
    %dma_wait3A_339 = tpu.memref_squeeze %dma_wait3A_338 : memref<1x80xi32, #tpu.memory_space<vmem>> -> memref<80xi32, #tpu.memory_space<vmem>>
    %dma_wait3A_340 = arith.constant 0 : i32
    %dma_wait3A_341 = arith.constant 0 : i32
    %dma_wait3A_342 = tpu.memref_slice %arg2[%dma_wait3A_340, %dma_wait3A_341] : memref<10000x128xf32, #tpu.memory_space<hbm>> -> memref<10000x128xf32, #tpu.memory_space<hbm>>
    %dma_wait3A_343 = tpu.memref_slice %arg12[%dma_wait3A_332] : memref<4x!tpu.dma_semaphore, #tpu.memory_space<semaphore_mem>> -> memref<1x!tpu.dma_semaphore, #tpu.memory_space<semaphore_mem>>
    %dma_wait3A_344 = tpu.memref_squeeze %dma_wait3A_343 : memref<1x!tpu.dma_semaphore, #tpu.memory_space<semaphore_mem>> -> memref<!tpu.dma_semaphore, #tpu.memory_space<semaphore_mem>>
    tpu.wait_indirect_dma semaphore(%dma_wait3A_344 : memref<!tpu.dma_semaphore, #tpu.memory_space<semaphore_mem>>) src(%dma_wait3A_342 : memref<10000x128xf32, #tpu.memory_space<hbm>>) dst(%dma_wait3A_336 : memref<80x128xf32, #tpu.memory_space<vmem>>)
    %dma_start3A_345 = arith.constant 3 : i32
    %dma_start3A_346 = arith.constant 1 : i32
    %dma_start3A_347 = arith.constant 3 : i32
    %dma_start3A_348 = arith.constant 0 : i32
    %dma_start3A_349 = arith.constant 0 : i32
    %dma_start3A_350 = tpu.memref_slice %arg9[%dma_start3A_345, %dma_start3A_348, %dma_start3A_349] : memref<4x80x128xf32, #tpu.memory_space<vmem>> -> memref<1x80x128xf32, #tpu.memory_space<vmem>>
    %dma_start3A_351 = tpu.memref_squeeze %dma_start3A_350 : memref<1x80x128xf32, #tpu.memory_space<vmem>> -> memref<80x128xf32, #tpu.memory_space<vmem>>
    %dma_start3A_352 = arith.constant 0 : i32
    %dma_start3A_353 = tpu.memref_slice %arg8[%dma_start3A_346, %dma_start3A_352] : memref<2x80xi32, #tpu.memory_space<vmem>> -> memref<1x80xi32, #tpu.memory_space<vmem>>
    %dma_start3A_354 = tpu.memref_squeeze %dma_start3A_353 : memref<1x80xi32, #tpu.memory_space<vmem>> -> memref<80xi32, #tpu.memory_space<vmem>>
    %dma_start3A_355 = arith.constant 0 : i32
    %dma_start3A_356 = arith.constant 0 : i32
    %dma_start3A_357 = tpu.memref_slice %arg10[%dma_start3A_355, %dma_start3A_356] : memref<10000x128xf32, #tpu.memory_space<vmem_shared>> -> memref<10000x128xf32, #tpu.memory_space<vmem_shared>>
    %dma_start3A_358 = tpu.memref_slice %arg13[%dma_start3A_347] : memref<4x!tpu.dma_semaphore, #tpu.memory_space<semaphore_mem>> -> memref<1x!tpu.dma_semaphore, #tpu.memory_space<semaphore_mem>>
    %dma_start3A_359 = tpu.memref_squeeze %dma_start3A_358 : memref<1x!tpu.dma_semaphore, #tpu.memory_space<semaphore_mem>> -> memref<!tpu.dma_semaphore, #tpu.memory_space<semaphore_mem>>
    tpu.enqueue_indirect_dma source(%dma_start3A_351 : memref<80x128xf32, #tpu.memory_space<vmem>>) target(%dma_start3A_357 : memref<10000x128xf32, #tpu.memory_space<vmem_shared>>) offsets(%dma_start3A_354 : memref<80xi32, #tpu.memory_space<vmem>>) semaphore(%dma_start3A_359 : memref<!tpu.dma_semaphore, #tpu.memory_space<semaphore_mem>>) {add = true}
    %dma_wait3A_360 = arith.constant 2 : i32
    %dma_wait3A_361 = arith.constant 1 : i32
    %dma_wait3A_362 = arith.constant 2 : i32
    %dma_wait3A_363 = arith.constant 0 : i32
    %dma_wait3A_364 = arith.constant 0 : i32
    %dma_wait3A_365 = tpu.memref_slice %arg9[%dma_wait3A_360, %dma_wait3A_363, %dma_wait3A_364] : memref<4x80x128xf32, #tpu.memory_space<vmem>> -> memref<1x80x128xf32, #tpu.memory_space<vmem>>
    %dma_wait3A_366 = tpu.memref_squeeze %dma_wait3A_365 : memref<1x80x128xf32, #tpu.memory_space<vmem>> -> memref<80x128xf32, #tpu.memory_space<vmem>>
    %dma_wait3A_367 = arith.constant 0 : i32
    %dma_wait3A_368 = tpu.memref_slice %arg7[%dma_wait3A_361, %dma_wait3A_367] : memref<2x80xi32, #tpu.memory_space<vmem>> -> memref<1x80xi32, #tpu.memory_space<vmem>>
    %dma_wait3A_369 = tpu.memref_squeeze %dma_wait3A_368 : memref<1x80xi32, #tpu.memory_space<vmem>> -> memref<80xi32, #tpu.memory_space<vmem>>
    %dma_wait3A_370 = arith.constant 0 : i32
    %dma_wait3A_371 = arith.constant 0 : i32
    %dma_wait3A_372 = tpu.memref_slice %arg10[%dma_wait3A_370, %dma_wait3A_371] : memref<10000x128xf32, #tpu.memory_space<vmem_shared>> -> memref<10000x128xf32, #tpu.memory_space<vmem_shared>>
    %dma_wait3A_373 = tpu.memref_slice %arg13[%dma_wait3A_362] : memref<4x!tpu.dma_semaphore, #tpu.memory_space<semaphore_mem>> -> memref<1x!tpu.dma_semaphore, #tpu.memory_space<semaphore_mem>>
    %dma_wait3A_374 = tpu.memref_squeeze %dma_wait3A_373 : memref<1x!tpu.dma_semaphore, #tpu.memory_space<semaphore_mem>> -> memref<!tpu.dma_semaphore, #tpu.memory_space<semaphore_mem>>
    tpu.wait_indirect_dma semaphore(%dma_wait3A_374 : memref<!tpu.dma_semaphore, #tpu.memory_space<semaphore_mem>>) src(%dma_wait3A_366 : memref<80x128xf32, #tpu.memory_space<vmem>>) dst(%dma_wait3A_372 : memref<10000x128xf32, #tpu.memory_space<vmem_shared>>)
    %dma_wait3A_375 = arith.constant 0 : i32
    %dma_wait3A_376 = arith.constant 0 : i32
    %dma_wait3A_377 = arith.constant 0 : i32
    %dma_wait3A_378 = arith.constant 0 : i32
    %dma_wait3A_379 = arith.constant 0 : i32
    %dma_wait3A_380 = tpu.memref_slice %arg9[%dma_wait3A_376, %dma_wait3A_378, %dma_wait3A_379] : memref<4x80x128xf32, #tpu.memory_space<vmem>> -> memref<1x80x128xf32, #tpu.memory_space<vmem>>
    %dma_wait3A_381 = tpu.memref_squeeze %dma_wait3A_380 : memref<1x80x128xf32, #tpu.memory_space<vmem>> -> memref<80x128xf32, #tpu.memory_space<vmem>>
    %dma_wait3A_382 = arith.constant 0 : i32
    %dma_wait3A_383 = tpu.memref_slice %arg5[%dma_wait3A_375, %dma_wait3A_382] : memref<2x80xi32, #tpu.memory_space<vmem>> -> memref<1x80xi32, #tpu.memory_space<vmem>>
    %dma_wait3A_384 = tpu.memref_squeeze %dma_wait3A_383 : memref<1x80xi32, #tpu.memory_space<vmem>> -> memref<80xi32, #tpu.memory_space<vmem>>
    %dma_wait3A_385 = arith.constant 0 : i32
    %dma_wait3A_386 = arith.constant 0 : i32
    %dma_wait3A_387 = tpu.memref_slice %arg2[%dma_wait3A_385, %dma_wait3A_386] : memref<10000x128xf32, #tpu.memory_space<hbm>> -> memref<10000x128xf32, #tpu.memory_space<hbm>>
    %dma_wait3A_388 = tpu.memref_slice %arg12[%dma_wait3A_377] : memref<4x!tpu.dma_semaphore, #tpu.memory_space<semaphore_mem>> -> memref<1x!tpu.dma_semaphore, #tpu.memory_space<semaphore_mem>>
    %dma_wait3A_389 = tpu.memref_squeeze %dma_wait3A_388 : memref<1x!tpu.dma_semaphore, #tpu.memory_space<semaphore_mem>> -> memref<!tpu.dma_semaphore, #tpu.memory_space<semaphore_mem>>
    tpu.wait_indirect_dma semaphore(%dma_wait3A_389 : memref<!tpu.dma_semaphore, #tpu.memory_space<semaphore_mem>>) src(%dma_wait3A_387 : memref<10000x128xf32, #tpu.memory_space<hbm>>) dst(%dma_wait3A_381 : memref<80x128xf32, #tpu.memory_space<vmem>>)
    %dma_start3A_390 = arith.constant 0 : i32
    %dma_start3A_391 = arith.constant 1 : i32
    %dma_start3A_392 = arith.constant 0 : i32
    %dma_start3A_393 = arith.constant 0 : i32
    %dma_start3A_394 = arith.constant 0 : i32
    %dma_start3A_395 = tpu.memref_slice %arg9[%dma_start3A_390, %dma_start3A_393, %dma_start3A_394] : memref<4x80x128xf32, #tpu.memory_space<vmem>> -> memref<1x80x128xf32, #tpu.memory_space<vmem>>
    %dma_start3A_396 = tpu.memref_squeeze %dma_start3A_395 : memref<1x80x128xf32, #tpu.memory_space<vmem>> -> memref<80x128xf32, #tpu.memory_space<vmem>>
    %dma_start3A_397 = arith.constant 0 : i32
    %dma_start3A_398 = tpu.memref_slice %arg5[%dma_start3A_391, %dma_start3A_397] : memref<2x80xi32, #tpu.memory_space<vmem>> -> memref<1x80xi32, #tpu.memory_space<vmem>>
    %dma_start3A_399 = tpu.memref_squeeze %dma_start3A_398 : memref<1x80xi32, #tpu.memory_space<vmem>> -> memref<80xi32, #tpu.memory_space<vmem>>
    %dma_start3A_400 = arith.constant 0 : i32
    %dma_start3A_401 = arith.constant 0 : i32
    %dma_start3A_402 = tpu.memref_slice %arg10[%dma_start3A_400, %dma_start3A_401] : memref<10000x128xf32, #tpu.memory_space<vmem_shared>> -> memref<10000x128xf32, #tpu.memory_space<vmem_shared>>
    %dma_start3A_403 = tpu.memref_slice %arg13[%dma_start3A_392] : memref<4x!tpu.dma_semaphore, #tpu.memory_space<semaphore_mem>> -> memref<1x!tpu.dma_semaphore, #tpu.memory_space<semaphore_mem>>
    %dma_start3A_404 = tpu.memref_squeeze %dma_start3A_403 : memref<1x!tpu.dma_semaphore, #tpu.memory_space<semaphore_mem>> -> memref<!tpu.dma_semaphore, #tpu.memory_space<semaphore_mem>>
    tpu.enqueue_indirect_dma source(%dma_start3A_396 : memref<80x128xf32, #tpu.memory_space<vmem>>) target(%dma_start3A_402 : memref<10000x128xf32, #tpu.memory_space<vmem_shared>>) offsets(%dma_start3A_399 : memref<80xi32, #tpu.memory_space<vmem>>) semaphore(%dma_start3A_404 : memref<!tpu.dma_semaphore, #tpu.memory_space<semaphore_mem>>) {add = true}
    %dma_wait3A_405 = arith.constant 3 : i32
    %dma_wait3A_406 = arith.constant 1 : i32
    %dma_wait3A_407 = arith.constant 3 : i32
    %dma_wait3A_408 = arith.constant 0 : i32
    %dma_wait3A_409 = arith.constant 0 : i32
    %dma_wait3A_410 = tpu.memref_slice %arg9[%dma_wait3A_405, %dma_wait3A_408, %dma_wait3A_409] : memref<4x80x128xf32, #tpu.memory_space<vmem>> -> memref<1x80x128xf32, #tpu.memory_space<vmem>>
    %dma_wait3A_411 = tpu.memref_squeeze %dma_wait3A_410 : memref<1x80x128xf32, #tpu.memory_space<vmem>> -> memref<80x128xf32, #tpu.memory_space<vmem>>
    %dma_wait3A_412 = arith.constant 0 : i32
    %dma_wait3A_413 = tpu.memref_slice %arg8[%dma_wait3A_406, %dma_wait3A_412] : memref<2x80xi32, #tpu.memory_space<vmem>> -> memref<1x80xi32, #tpu.memory_space<vmem>>
    %dma_wait3A_414 = tpu.memref_squeeze %dma_wait3A_413 : memref<1x80xi32, #tpu.memory_space<vmem>> -> memref<80xi32, #tpu.memory_space<vmem>>
    %dma_wait3A_415 = arith.constant 0 : i32
    %dma_wait3A_416 = arith.constant 0 : i32
    %dma_wait3A_417 = tpu.memref_slice %arg10[%dma_wait3A_415, %dma_wait3A_416] : memref<10000x128xf32, #tpu.memory_space<vmem_shared>> -> memref<10000x128xf32, #tpu.memory_space<vmem_shared>>
    %dma_wait3A_418 = tpu.memref_slice %arg13[%dma_wait3A_407] : memref<4x!tpu.dma_semaphore, #tpu.memory_space<semaphore_mem>> -> memref<1x!tpu.dma_semaphore, #tpu.memory_space<semaphore_mem>>
    %dma_wait3A_419 = tpu.memref_squeeze %dma_wait3A_418 : memref<1x!tpu.dma_semaphore, #tpu.memory_space<semaphore_mem>> -> memref<!tpu.dma_semaphore, #tpu.memory_space<semaphore_mem>>
    tpu.wait_indirect_dma semaphore(%dma_wait3A_419 : memref<!tpu.dma_semaphore, #tpu.memory_space<semaphore_mem>>) src(%dma_wait3A_411 : memref<80x128xf32, #tpu.memory_space<vmem>>) dst(%dma_wait3A_417 : memref<10000x128xf32, #tpu.memory_space<vmem_shared>>)
    %dma_wait3A_420 = arith.constant 0 : i32
    %dma_wait3A_421 = arith.constant 1 : i32
    %dma_wait3A_422 = arith.constant 0 : i32
    %dma_wait3A_423 = arith.constant 0 : i32
    %dma_wait3A_424 = arith.constant 0 : i32
    %dma_wait3A_425 = tpu.memref_slice %arg9[%dma_wait3A_420, %dma_wait3A_423, %dma_wait3A_424] : memref<4x80x128xf32, #tpu.memory_space<vmem>> -> memref<1x80x128xf32, #tpu.memory_space<vmem>>
    %dma_wait3A_426 = tpu.memref_squeeze %dma_wait3A_425 : memref<1x80x128xf32, #tpu.memory_space<vmem>> -> memref<80x128xf32, #tpu.memory_space<vmem>>
    %dma_wait3A_427 = arith.constant 0 : i32
    %dma_wait3A_428 = tpu.memref_slice %arg5[%dma_wait3A_421, %dma_wait3A_427] : memref<2x80xi32, #tpu.memory_space<vmem>> -> memref<1x80xi32, #tpu.memory_space<vmem>>
    %dma_wait3A_429 = tpu.memref_squeeze %dma_wait3A_428 : memref<1x80xi32, #tpu.memory_space<vmem>> -> memref<80xi32, #tpu.memory_space<vmem>>
    %dma_wait3A_430 = arith.constant 0 : i32
    %dma_wait3A_431 = arith.constant 0 : i32
    %dma_wait3A_432 = tpu.memref_slice %arg10[%dma_wait3A_430, %dma_wait3A_431] : memref<10000x128xf32, #tpu.memory_space<vmem_shared>> -> memref<10000x128xf32, #tpu.memory_space<vmem_shared>>
    %dma_wait3A_433 = tpu.memref_slice %arg13[%dma_wait3A_422] : memref<4x!tpu.dma_semaphore, #tpu.memory_space<semaphore_mem>> -> memref<1x!tpu.dma_semaphore, #tpu.memory_space<semaphore_mem>>
    %dma_wait3A_434 = tpu.memref_squeeze %dma_wait3A_433 : memref<1x!tpu.dma_semaphore, #tpu.memory_space<semaphore_mem>> -> memref<!tpu.dma_semaphore, #tpu.memory_space<semaphore_mem>>
    tpu.wait_indirect_dma semaphore(%dma_wait3A_434 : memref<!tpu.dma_semaphore, #tpu.memory_space<semaphore_mem>>) src(%dma_wait3A_426 : memref<80x128xf32, #tpu.memory_space<vmem>>) dst(%dma_wait3A_432 : memref<10000x128xf32, #tpu.memory_space<vmem_shared>>)
    %barrier3A_435 = arith.constant 0 : index
    tpu.barrier barrier_id(%barrier3A_435)
    %lt3A = arith.constant 15 : i32
    %lt3A_436 = arith.cmpi slt, %arg1, %lt3A : i32
    %convert_element_type3A_437 = arith.extui %lt3A_436 : i1 to i32
    %cond3A_438 = arith.constant 0 : i32
    %cond3A_439 = arith.cmpi ne, %convert_element_type3A_437, %cond3A_438 : i32
    scf.if %cond3A_439 {
      "tpu.region"() ({
        %run_scoped3A = tpu.sem_alloc : memref<!tpu.dma_semaphore, #tpu.memory_space<semaphore_mem>>
        %dma_start3A_445 = arith.constant 0 : i32
        %dma_start3A_446 = tpu.memref_slice %arg4[%arg0, %mul3A_4, %dma_start3A_445] : memref<2x10000x128xf32, #tpu.memory_space<hbm>> -> memref<1x624x128xf32, #tpu.memory_space<hbm>>
        %dma_start3A_447 = tpu.memref_squeeze %dma_start3A_446 : memref<1x624x128xf32, #tpu.memory_space<hbm>> -> memref<624x128xf32, #tpu.memory_space<hbm>>
        %dma_start3A_448 = arith.constant 0 : i32
        %dma_start3A_449 = tpu.memref_slice %arg10[%mul3A_4, %dma_start3A_448] : memref<10000x128xf32, #tpu.memory_space<vmem_shared>> -> memref<624x128xf32, #tpu.memory_space<vmem_shared>>
        tpu.enqueue_dma source(%dma_start3A_449 : memref<624x128xf32, #tpu.memory_space<vmem_shared>>) target(%dma_start3A_447 : memref<624x128xf32, #tpu.memory_space<hbm>>) target_semaphore(%run_scoped3A : memref<!tpu.dma_semaphore, #tpu.memory_space<semaphore_mem>>)
        %dma_wait3A_450 = arith.constant 0 : i32
        %dma_wait3A_451 = tpu.memref_slice %arg4[%arg0, %mul3A_4, %dma_wait3A_450] : memref<2x10000x128xf32, #tpu.memory_space<hbm>> -> memref<1x624x128xf32, #tpu.memory_space<hbm>>
        %dma_wait3A_452 = tpu.memref_squeeze %dma_wait3A_451 : memref<1x624x128xf32, #tpu.memory_space<hbm>> -> memref<624x128xf32, #tpu.memory_space<hbm>>
        %dma_wait3A_453 = arith.constant 0 : i32
        %dma_wait3A_454 = tpu.memref_slice %arg10[%mul3A_4, %dma_wait3A_453] : memref<10000x128xf32, #tpu.memory_space<vmem_shared>> -> memref<624x128xf32, #tpu.memory_space<vmem_shared>>
        tpu.wait_dma2 semaphore(%run_scoped3A : memref<!tpu.dma_semaphore, #tpu.memory_space<semaphore_mem>>) src(%dma_wait3A_454 : memref<624x128xf32, #tpu.memory_space<vmem_shared>>) dst(%dma_wait3A_452 : memref<624x128xf32, #tpu.memory_space<hbm>>)
        tpu.yield
      }) : () -> ()
    } else {
    }
    %eq3A_440 = arith.constant 15 : i32
    %eq3A_441 = arith.cmpi eq, %arg1, %eq3A_440 : i32
    %convert_element_type3A_442 = arith.extui %eq3A_441 : i1 to i32
    %cond3A_443 = arith.constant 0 : i32
    %cond3A_444 = arith.cmpi ne, %convert_element_type3A_442, %cond3A_443 : i32
    scf.if %cond3A_444 {
      "tpu.region"() ({
        %run_scoped3A = tpu.sem_alloc : memref<!tpu.dma_semaphore, #tpu.memory_space<semaphore_mem>>
        %dma_start3A_445 = arith.constant 9360 : i32
        %dma_start3A_446 = arith.constant 0 : i32
        %dma_start3A_447 = tpu.memref_slice %arg4[%arg0, %dma_start3A_445, %dma_start3A_446] : memref<2x10000x128xf32, #tpu.memory_space<hbm>> -> memref<1x640x128xf32, #tpu.memory_space<hbm>>
        %dma_start3A_448 = tpu.memref_squeeze %dma_start3A_447 : memref<1x640x128xf32, #tpu.memory_space<hbm>> -> memref<640x128xf32, #tpu.memory_space<hbm>>
        %dma_start3A_449 = arith.constant 9360 : i32
        %dma_start3A_450 = arith.constant 0 : i32
        %dma_start3A_451 = tpu.memref_slice %arg10[%dma_start3A_449, %dma_start3A_450] : memref<10000x128xf32, #tpu.memory_space<vmem_shared>> -> memref<640x128xf32, #tpu.memory_space<vmem_shared>>
        tpu.enqueue_dma source(%dma_start3A_451 : memref<640x128xf32, #tpu.memory_space<vmem_shared>>) target(%dma_start3A_448 : memref<640x128xf32, #tpu.memory_space<hbm>>) target_semaphore(%run_scoped3A : memref<!tpu.dma_semaphore, #tpu.memory_space<semaphore_mem>>)
        %dma_wait3A_452 = arith.constant 9360 : i32
        %dma_wait3A_453 = arith.constant 0 : i32
        %dma_wait3A_454 = tpu.memref_slice %arg4[%arg0, %dma_wait3A_452, %dma_wait3A_453] : memref<2x10000x128xf32, #tpu.memory_space<hbm>> -> memref<1x640x128xf32, #tpu.memory_space<hbm>>
        %dma_wait3A_455 = tpu.memref_squeeze %dma_wait3A_454 : memref<1x640x128xf32, #tpu.memory_space<hbm>> -> memref<640x128xf32, #tpu.memory_space<hbm>>
        %dma_wait3A_456 = arith.constant 9360 : i32
        %dma_wait3A_457 = arith.constant 0 : i32
        %dma_wait3A_458 = tpu.memref_slice %arg10[%dma_wait3A_456, %dma_wait3A_457] : memref<10000x128xf32, #tpu.memory_space<vmem_shared>> -> memref<640x128xf32, #tpu.memory_space<vmem_shared>>
        tpu.wait_dma2 semaphore(%run_scoped3A : memref<!tpu.dma_semaphore, #tpu.memory_space<semaphore_mem>>) src(%dma_wait3A_458 : memref<640x128xf32, #tpu.memory_space<vmem_shared>>) dst(%dma_wait3A_455 : memref<640x128xf32, #tpu.memory_space<hbm>>)
        tpu.yield
      }) : () -> ()
    } else {
    }
    return
  }
}

#map = affine_map<(d0, d1) -> (0, 0)>
#map1 = affine_map<(d0, d1) -> (0, 0, 0)>
module attributes {stable_mosaic.version = 14 : i64} {
  func.func @_agg_kernel(%arg0: i32, %arg1: i32, %arg2: memref<10000x128xf32, #tpu.memory_space<hbm>>, %arg3: memref<4000x2x80xi32, #tpu.memory_space<hbm>>, %arg4: memref<2x10000x128xf32, #tpu.memory_space<hbm>>, %arg5: memref<2x80xi32, #tpu.memory_space<vmem>>, %arg6: memref<2x80xi32, #tpu.memory_space<vmem>>, %arg7: memref<2x80xi32, #tpu.memory_space<vmem>>, %arg8: memref<2x80xi32, #tpu.memory_space<vmem>>, %arg9: memref<4x80x128xf32, #tpu.memory_space<vmem>>, %arg10: memref<10000x128xf32, #tpu.memory_space<vmem_shared>>, %arg11: memref<4x!tpu.dma_semaphore, #tpu.memory_space<semaphore_mem>>, %arg12: memref<4x!tpu.dma_semaphore, #tpu.memory_space<semaphore_mem>>, %arg13: memref<4x!tpu.dma_semaphore, #tpu.memory_space<semaphore_mem>>) attributes {dimension_semantics = [#tpu.dimension_semantics<core_parallel>, #tpu.dimension_semantics<subcore_parallel>], iteration_bounds = array<i64: 2, 16>, scalar_prefetch = 0 : i64, scratch_operands = 9 : i64, tpu.core_type = #tpu.core_type<sc_vector_subcore>, window_params = [{transform_indices = #map}, {transform_indices = #map1}, {transform_indices = #map1}]} {
    %mul3A = arith.constant 2 : i32
    %mul3A_0 = arith.muli %arg1, %mul3A : i32
    %add3A = arith.addi %mul3A_0, %arg0 : i32
    %mul3A_1 = arith.constant 125 : i32
    %mul3A_2 = arith.muli %add3A, %mul3A_1 : i32
    %mul3A_3 = arith.constant 624 : i32
    %mul3A_4 = arith.muli %arg1, %mul3A_3 : i32
    %eq3A = arith.constant 0 : i32
    %eq3A_5 = arith.cmpi eq, %arg0, %eq3A : i32
    %convert_element_type3A = arith.extui %eq3A_5 : i1 to i32
    %cond3A = arith.constant 0 : i32
    %cond3A_6 = arith.cmpi ne, %convert_element_type3A, %cond3A : i32
    scf.if %cond3A_6 {
      %lt3A_445 = arith.constant 15 : i32
      %lt3A_446 = arith.cmpi slt, %arg1, %lt3A_445 : i32
      %convert_element_type3A_447 = arith.extui %lt3A_446 : i1 to i32
      %cond3A_448 = arith.constant 0 : i32
      %cond3A_449 = arith.cmpi ne, %convert_element_type3A_447, %cond3A_448 : i32
      scf.if %cond3A_449 {
        "tpu.region"() ({
          %run_scoped3A = tpu.sem_alloc : memref<!tpu.dma_semaphore, #tpu.memory_space<semaphore_mem>>
          %dma_start3A_455 = arith.constant 0 : i32
          %dma_start3A_456 = tpu.memref_slice %arg10[%mul3A_4, %dma_start3A_455] : memref<10000x128xf32, #tpu.memory_space<vmem_shared>> -> memref<624x128xf32, #tpu.memory_space<vmem_shared>>
          %dma_start3A_457 = arith.constant 0 : i32
          %dma_start3A_458 = tpu.memref_slice %arg2[%mul3A_4, %dma_start3A_457] : memref<10000x128xf32, #tpu.memory_space<hbm>> -> memref<624x128xf32, #tpu.memory_space<hbm>>
          tpu.enqueue_dma source(%dma_start3A_458 : memref<624x128xf32, #tpu.memory_space<hbm>>) target(%dma_start3A_456 : memref<624x128xf32, #tpu.memory_space<vmem_shared>>) target_semaphore(%run_scoped3A : memref<!tpu.dma_semaphore, #tpu.memory_space<semaphore_mem>>)
          %dma_wait3A_459 = arith.constant 0 : i32
          %dma_wait3A_460 = tpu.memref_slice %arg10[%mul3A_4, %dma_wait3A_459] : memref<10000x128xf32, #tpu.memory_space<vmem_shared>> -> memref<624x128xf32, #tpu.memory_space<vmem_shared>>
          %dma_wait3A_461 = arith.constant 0 : i32
          %dma_wait3A_462 = tpu.memref_slice %arg2[%mul3A_4, %dma_wait3A_461] : memref<10000x128xf32, #tpu.memory_space<hbm>> -> memref<624x128xf32, #tpu.memory_space<hbm>>
          tpu.wait_dma2 semaphore(%run_scoped3A : memref<!tpu.dma_semaphore, #tpu.memory_space<semaphore_mem>>) src(%dma_wait3A_462 : memref<624x128xf32, #tpu.memory_space<hbm>>) dst(%dma_wait3A_460 : memref<624x128xf32, #tpu.memory_space<vmem_shared>>)
          tpu.yield
        }) : () -> ()
      } else {
      }
      %eq3A_450 = arith.constant 15 : i32
      %eq3A_451 = arith.cmpi eq, %arg1, %eq3A_450 : i32
      %convert_element_type3A_452 = arith.extui %eq3A_451 : i1 to i32
      %cond3A_453 = arith.constant 0 : i32
      %cond3A_454 = arith.cmpi ne, %convert_element_type3A_452, %cond3A_453 : i32
      scf.if %cond3A_454 {
        "tpu.region"() ({
          %run_scoped3A = tpu.sem_alloc : memref<!tpu.dma_semaphore, #tpu.memory_space<semaphore_mem>>
          %dma_start3A_455 = arith.constant 9360 : i32
          %dma_start3A_456 = arith.constant 0 : i32
          %dma_start3A_457 = tpu.memref_slice %arg10[%dma_start3A_455, %dma_start3A_456] : memref<10000x128xf32, #tpu.memory_space<vmem_shared>> -> memref<640x128xf32, #tpu.memory_space<vmem_shared>>
          %dma_start3A_458 = arith.constant 9360 : i32
          %dma_start3A_459 = arith.constant 0 : i32
          %dma_start3A_460 = tpu.memref_slice %arg2[%dma_start3A_458, %dma_start3A_459] : memref<10000x128xf32, #tpu.memory_space<hbm>> -> memref<640x128xf32, #tpu.memory_space<hbm>>
          tpu.enqueue_dma source(%dma_start3A_460 : memref<640x128xf32, #tpu.memory_space<hbm>>) target(%dma_start3A_457 : memref<640x128xf32, #tpu.memory_space<vmem_shared>>) target_semaphore(%run_scoped3A : memref<!tpu.dma_semaphore, #tpu.memory_space<semaphore_mem>>)
          %dma_wait3A_461 = arith.constant 9360 : i32
          %dma_wait3A_462 = arith.constant 0 : i32
          %dma_wait3A_463 = tpu.memref_slice %arg10[%dma_wait3A_461, %dma_wait3A_462] : memref<10000x128xf32, #tpu.memory_space<vmem_shared>> -> memref<640x128xf32, #tpu.memory_space<vmem_shared>>
          %dma_wait3A_464 = arith.constant 9360 : i32
          %dma_wait3A_465 = arith.constant 0 : i32
          %dma_wait3A_466 = tpu.memref_slice %arg2[%dma_wait3A_464, %dma_wait3A_465] : memref<10000x128xf32, #tpu.memory_space<hbm>> -> memref<640x128xf32, #tpu.memory_space<hbm>>
          tpu.wait_dma2 semaphore(%run_scoped3A : memref<!tpu.dma_semaphore, #tpu.memory_space<semaphore_mem>>) src(%dma_wait3A_466 : memref<640x128xf32, #tpu.memory_space<hbm>>) dst(%dma_wait3A_463 : memref<640x128xf32, #tpu.memory_space<vmem_shared>>)
          tpu.yield
        }) : () -> ()
      } else {
      }
    } else {
    }
    %eq3A_7 = arith.constant 1 : i32
    %eq3A_8 = arith.cmpi eq, %arg0, %eq3A_7 : i32
    %convert_element_type3A_9 = arith.extui %eq3A_8 : i1 to i32
    %cond3A_10 = arith.constant 0 : i32
    %cond3A_11 = arith.cmpi ne, %convert_element_type3A_9, %cond3A_10 : i32
    scf.if %cond3A_11 {
      %broadcast_in_dim3A = arith.constant 0.000000e+00 : f32
      %broadcast_in_dim3A_445 = vector.broadcast %broadcast_in_dim3A : f32 to vector<16xf32>
      %scan3A_446 = arith.constant 0 : i32
      %scan3A_447 = arith.constant 0 : i32
      %scan3A_448 = arith.constant 0 : i32
      %scan3A_449 = arith.constant 640 : i32
      %scan3A_450 = arith.addi %scan3A_448, %scan3A_449 : i32
      %scan3A_451 = arith.constant 1 : i32
      scf.for %scan3A_465 = %scan3A_448 to %scan3A_450 step %scan3A_451  : i32 {
        %jit3A = arith.constant 8 : i32
        %div3A = arith.divsi %scan3A_465, %jit3A : i32
        %sign3A = arith.constant 0 : i32
        %sign3A_466 = arith.cmpi sgt, %scan3A_465, %sign3A : i32
        %sign3A_467 = arith.extui %sign3A_466 : i1 to i32
        %sign3A_468 = arith.constant 0 : i32
        %sign3A_469 = arith.cmpi slt, %scan3A_465, %sign3A_468 : i32
        %sign3A_470 = arith.extui %sign3A_469 : i1 to i32
        %sign3A_471 = arith.subi %sign3A_467, %sign3A_470 : i32
        %sign3A_472 = arith.constant 0 : i32
        %sign3A_473 = arith.cmpi sgt, %jit3A, %sign3A_472 : i32
        %sign3A_474 = arith.extui %sign3A_473 : i1 to i32
        %sign3A_475 = arith.constant 0 : i32
        %sign3A_476 = arith.cmpi slt, %jit3A, %sign3A_475 : i32
        %sign3A_477 = arith.extui %sign3A_476 : i1 to i32
        %sign3A_478 = arith.subi %sign3A_474, %sign3A_477 : i32
        %ne3A = arith.cmpi ne, %sign3A_471, %sign3A_478 : i32
        %rem3A = arith.remsi %scan3A_465, %jit3A : i32
        %ne3A_479 = arith.constant 0 : i32
        %ne3A_480 = arith.cmpi ne, %rem3A, %ne3A_479 : i32
        %and3A = arith.andi %ne3A, %ne3A_480 : i1
        %sub3A = arith.constant 1 : i32
        %sub3A_481 = arith.subi %div3A, %sub3A : i32
        %select_n3A = arith.select %and3A, %sub3A_481, %div3A : i32
        %jit3A_482 = arith.constant 8 : i32
        %eq3A_483 = arith.constant 0 : i32
        %eq3A_484 = arith.cmpi eq, %jit3A_482, %eq3A_483 : i32
        %jit3A_485 = arith.constant 1 : i32
        %select_n3A_486 = arith.select %eq3A_484, %jit3A_485, %jit3A_482 : i32
        %rem3A_487 = arith.remsi %scan3A_465, %select_n3A_486 : i32
        %ne3A_488 = arith.constant 0 : i32
        %ne3A_489 = arith.cmpi ne, %rem3A_487, %ne3A_488 : i32
        %lt3A_490 = arith.constant 0 : i32
        %lt3A_491 = arith.cmpi slt, %rem3A_487, %lt3A_490 : i32
        %lt3A_492 = arith.constant 0 : i32
        %lt3A_493 = arith.cmpi slt, %select_n3A_486, %lt3A_492 : i32
        %ne3A_494 = arith.xori %lt3A_491, %lt3A_493 : i1
        %and3A_495 = arith.andi %ne3A_494, %ne3A_489 : i1
        %add3A_496 = arith.addi %rem3A_487, %select_n3A_486 : i32
        %select_n3A_497 = arith.select %and3A_495, %add3A_496, %rem3A_487 : i32
        %mul3A_498 = arith.constant 16 : i32
        %mul3A_499 = arith.muli %select_n3A_497, %mul3A_498 : i32
        %swap3A = arith.constant 0 : i32
        %swap3A_500 = arith.constant 0 : i32
        %swap3A_501 = tpu.memref_slice %arg9[%scan3A_447, %swap3A, %swap3A_500] : memref<4x80x128xf32, #tpu.memory_space<vmem>> -> memref<1x80x128xf32, #tpu.memory_space<vmem>>
        %swap3A_502 = tpu.memref_squeeze %swap3A_501 : memref<1x80x128xf32, #tpu.memory_space<vmem>> -> memref<80x128xf32, #tpu.memory_space<vmem>>
        %swap3A_503 = arith.index_cast %select_n3A : i32 to index
        %swap3A_504 = arith.index_cast %mul3A_499 : i32 to index
        %swap3A_505 = tpu.vector_load %swap3A_502[%swap3A_503, %swap3A_504] {strides = array<i32>} : memref<80x128xf32, #tpu.memory_space<vmem>>, vector<16xf32>,
        tpu.vector_store %swap3A_502[%swap3A_503, %swap3A_504], %broadcast_in_dim3A_445 {strides = array<i32>} : memref<80x128xf32, #tpu.memory_space<vmem>>, vector<16xf32>,
      }
      %scan3A_452 = arith.constant 640 : i32
      %lt3A_453 = arith.constant 15 : i32
      %lt3A_454 = arith.cmpi slt, %arg1, %lt3A_453 : i32
      %convert_element_type3A_455 = arith.extui %lt3A_454 : i1 to i32
      %cond3A_456 = arith.constant 0 : i32
      %cond3A_457 = arith.constant 0 : i32
      %cond3A_458 = arith.cmpi ne, %convert_element_type3A_455, %cond3A_457 : i32
      scf.if %cond3A_458 {
        %add3A_465 = arith.constant 0 : i32
        %add3A_466 = arith.addi %mul3A_4, %add3A_465 : i32
        "tpu.region"() ({
          %run_scoped3A = tpu.sem_alloc : memref<!tpu.dma_semaphore, #tpu.memory_space<semaphore_mem>>
          %dma_start3A_481 = arith.constant 0 : i32
          %dma_start3A_482 = arith.constant 0 : i32
          %dma_start3A_483 = tpu.memref_slice %arg9[%cond3A_456, %dma_start3A_481, %dma_start3A_482] : memref<4x80x128xf32, #tpu.memory_space<vmem>> -> memref<1x80x128xf32, #tpu.memory_space<vmem>>
          %dma_start3A_484 = tpu.memref_squeeze %dma_start3A_483 : memref<1x80x128xf32, #tpu.memory_space<vmem>> -> memref<80x128xf32, #tpu.memory_space<vmem>>
          %dma_start3A_485 = arith.constant 0 : i32
          %dma_start3A_486 = tpu.memref_slice %arg10[%add3A_466, %dma_start3A_485] : memref<10000x128xf32, #tpu.memory_space<vmem_shared>> -> memref<80x128xf32, #tpu.memory_space<vmem_shared>>
          %dma_start3A_487 = arith.constant 0 : i32
          %dma_start3A_488 = tpu.memref_slice %arg10[%add3A_466, %dma_start3A_487] : memref<10000x128xf32, #tpu.memory_space<vmem_shared>> -> memref<80x128xf32, #tpu.memory_space<vmem_shared>>
          %dma_start3A_489 = arith.constant 0 : i32
          %dma_start3A_490 = arith.constant 0 : i32
          %dma_start3A_491 = tpu.memref_slice %arg9[%cond3A_456, %dma_start3A_489, %dma_start3A_490] : memref<4x80x128xf32, #tpu.memory_space<vmem>> -> memref<1x80x128xf32, #tpu.memory_space<vmem>>
          %dma_start3A_492 = tpu.memref_squeeze %dma_start3A_491 : memref<1x80x128xf32, #tpu.memory_space<vmem>> -> memref<80x128xf32, #tpu.memory_space<vmem>>
          tpu.enqueue_dma source(%dma_start3A_492 : memref<80x128xf32, #tpu.memory_space<vmem>>) target(%dma_start3A_488 : memref<80x128xf32, #tpu.memory_space<vmem_shared>>) target_semaphore(%run_scoped3A : memref<!tpu.dma_semaphore, #tpu.memory_space<semaphore_mem>>)
          %dma_wait3A_493 = arith.constant 0 : i32
          %dma_wait3A_494 = arith.constant 0 : i32
          %dma_wait3A_495 = tpu.memref_slice %arg9[%cond3A_456, %dma_wait3A_493, %dma_wait3A_494] : memref<4x80x128xf32, #tpu.memory_space<vmem>> -> memref<1x80x128xf32, #tpu.memory_space<vmem>>
          %dma_wait3A_496 = tpu.memref_squeeze %dma_wait3A_495 : memref<1x80x128xf32, #tpu.memory_space<vmem>> -> memref<80x128xf32, #tpu.memory_space<vmem>>
          %dma_wait3A_497 = arith.constant 0 : i32
          %dma_wait3A_498 = tpu.memref_slice %arg10[%add3A_466, %dma_wait3A_497] : memref<10000x128xf32, #tpu.memory_space<vmem_shared>> -> memref<80x128xf32, #tpu.memory_space<vmem_shared>>
          %dma_wait3A_499 = arith.constant 0 : i32
          %dma_wait3A_500 = tpu.memref_slice %arg10[%add3A_466, %dma_wait3A_499] : memref<10000x128xf32, #tpu.memory_space<vmem_shared>> -> memref<80x128xf32, #tpu.memory_space<vmem_shared>>
          %dma_wait3A_501 = arith.constant 0 : i32
          %dma_wait3A_502 = arith.constant 0 : i32
          %dma_wait3A_503 = tpu.memref_slice %arg9[%cond3A_456, %dma_wait3A_501, %dma_wait3A_502] : memref<4x80x128xf32, #tpu.memory_space<vmem>> -> memref<1x80x128xf32, #tpu.memory_space<vmem>>
          %dma_wait3A_504 = tpu.memref_squeeze %dma_wait3A_503 : memref<1x80x128xf32, #tpu.memory_space<vmem>> -> memref<80x128xf32, #tpu.memory_space<vmem>>
          tpu.wait_dma2 semaphore(%run_scoped3A : memref<!tpu.dma_semaphore, #tpu.memory_space<semaphore_mem>>) src(%dma_wait3A_504 : memref<80x128xf32, #tpu.memory_space<vmem>>) dst(%dma_wait3A_500 : memref<80x128xf32, #tpu.memory_space<vmem_shared>>)
          tpu.yield
        }) : () -> ()
        %add3A_467 = arith.constant 80 : i32
        %add3A_468 = arith.addi %mul3A_4, %add3A_467 : i32
        "tpu.region"() ({
          %run_scoped3A = tpu.sem_alloc : memref<!tpu.dma_semaphore, #tpu.memory_space<semaphore_mem>>
          %dma_start3A_481 = arith.constant 0 : i32
          %dma_start3A_482 = arith.constant 0 : i32
          %dma_start3A_483 = tpu.memref_slice %arg9[%cond3A_456, %dma_start3A_481, %dma_start3A_482] : memref<4x80x128xf32, #tpu.memory_space<vmem>> -> memref<1x80x128xf32, #tpu.memory_space<vmem>>
          %dma_start3A_484 = tpu.memref_squeeze %dma_start3A_483 : memref<1x80x128xf32, #tpu.memory_space<vmem>> -> memref<80x128xf32, #tpu.memory_space<vmem>>
          %dma_start3A_485 = arith.constant 0 : i32
          %dma_start3A_486 = tpu.memref_slice %arg10[%add3A_468, %dma_start3A_485] : memref<10000x128xf32, #tpu.memory_space<vmem_shared>> -> memref<80x128xf32, #tpu.memory_space<vmem_shared>>
          %dma_start3A_487 = arith.constant 0 : i32
          %dma_start3A_488 = tpu.memref_slice %arg10[%add3A_468, %dma_start3A_487] : memref<10000x128xf32, #tpu.memory_space<vmem_shared>> -> memref<80x128xf32, #tpu.memory_space<vmem_shared>>
          %dma_start3A_489 = arith.constant 0 : i32
          %dma_start3A_490 = arith.constant 0 : i32
          %dma_start3A_491 = tpu.memref_slice %arg9[%cond3A_456, %dma_start3A_489, %dma_start3A_490] : memref<4x80x128xf32, #tpu.memory_space<vmem>> -> memref<1x80x128xf32, #tpu.memory_space<vmem>>
          %dma_start3A_492 = tpu.memref_squeeze %dma_start3A_491 : memref<1x80x128xf32, #tpu.memory_space<vmem>> -> memref<80x128xf32, #tpu.memory_space<vmem>>
          tpu.enqueue_dma source(%dma_start3A_492 : memref<80x128xf32, #tpu.memory_space<vmem>>) target(%dma_start3A_488 : memref<80x128xf32, #tpu.memory_space<vmem_shared>>) target_semaphore(%run_scoped3A : memref<!tpu.dma_semaphore, #tpu.memory_space<semaphore_mem>>)
          %dma_wait3A_493 = arith.constant 0 : i32
          %dma_wait3A_494 = arith.constant 0 : i32
          %dma_wait3A_495 = tpu.memref_slice %arg9[%cond3A_456, %dma_wait3A_493, %dma_wait3A_494] : memref<4x80x128xf32, #tpu.memory_space<vmem>> -> memref<1x80x128xf32, #tpu.memory_space<vmem>>
          %dma_wait3A_496 = tpu.memref_squeeze %dma_wait3A_495 : memref<1x80x128xf32, #tpu.memory_space<vmem>> -> memref<80x128xf32, #tpu.memory_space<vmem>>
          %dma_wait3A_497 = arith.constant 0 : i32
          %dma_wait3A_498 = tpu.memref_slice %arg10[%add3A_468, %dma_wait3A_497] : memref<10000x128xf32, #tpu.memory_space<vmem_shared>> -> memref<80x128xf32, #tpu.memory_space<vmem_shared>>
          %dma_wait3A_499 = arith.constant 0 : i32
          %dma_wait3A_500 = tpu.memref_slice %arg10[%add3A_468, %dma_wait3A_499] : memref<10000x128xf32, #tpu.memory_space<vmem_shared>> -> memref<80x128xf32, #tpu.memory_space<vmem_shared>>
          %dma_wait3A_501 = arith.constant 0 : i32
          %dma_wait3A_502 = arith.constant 0 : i32
          %dma_wait3A_503 = tpu.memref_slice %arg9[%cond3A_456, %dma_wait3A_501, %dma_wait3A_502] : memref<4x80x128xf32, #tpu.memory_space<vmem>> -> memref<1x80x128xf32, #tpu.memory_space<vmem>>
          %dma_wait3A_504 = tpu.memref_squeeze %dma_wait3A_503 : memref<1x80x128xf32, #tpu.memory_space<vmem>> -> memref<80x128xf32, #tpu.memory_space<vmem>>
          tpu.wait_dma2 semaphore(%run_scoped3A : memref<!tpu.dma_semaphore, #tpu.memory_space<semaphore_mem>>) src(%dma_wait3A_504 : memref<80x128xf32, #tpu.memory_space<vmem>>) dst(%dma_wait3A_500 : memref<80x128xf32, #tpu.memory_space<vmem_shared>>)
          tpu.yield
        }) : () -> ()
        %add3A_469 = arith.constant 160 : i32
        %add3A_470 = arith.addi %mul3A_4, %add3A_469 : i32
        "tpu.region"() ({
          %run_scoped3A = tpu.sem_alloc : memref<!tpu.dma_semaphore, #tpu.memory_space<semaphore_mem>>
          %dma_start3A_481 = arith.constant 0 : i32
          %dma_start3A_482 = arith.constant 0 : i32
          %dma_start3A_483 = tpu.memref_slice %arg9[%cond3A_456, %dma_start3A_481, %dma_start3A_482] : memref<4x80x128xf32, #tpu.memory_space<vmem>> -> memref<1x80x128xf32, #tpu.memory_space<vmem>>
          %dma_start3A_484 = tpu.memref_squeeze %dma_start3A_483 : memref<1x80x128xf32, #tpu.memory_space<vmem>> -> memref<80x128xf32, #tpu.memory_space<vmem>>
          %dma_start3A_485 = arith.constant 0 : i32
          %dma_start3A_486 = tpu.memref_slice %arg10[%add3A_470, %dma_start3A_485] : memref<10000x128xf32, #tpu.memory_space<vmem_shared>> -> memref<80x128xf32, #tpu.memory_space<vmem_shared>>
          %dma_start3A_487 = arith.constant 0 : i32
          %dma_start3A_488 = tpu.memref_slice %arg10[%add3A_470, %dma_start3A_487] : memref<10000x128xf32, #tpu.memory_space<vmem_shared>> -> memref<80x128xf32, #tpu.memory_space<vmem_shared>>
          %dma_start3A_489 = arith.constant 0 : i32
          %dma_start3A_490 = arith.constant 0 : i32
          %dma_start3A_491 = tpu.memref_slice %arg9[%cond3A_456, %dma_start3A_489, %dma_start3A_490] : memref<4x80x128xf32, #tpu.memory_space<vmem>> -> memref<1x80x128xf32, #tpu.memory_space<vmem>>
          %dma_start3A_492 = tpu.memref_squeeze %dma_start3A_491 : memref<1x80x128xf32, #tpu.memory_space<vmem>> -> memref<80x128xf32, #tpu.memory_space<vmem>>
          tpu.enqueue_dma source(%dma_start3A_492 : memref<80x128xf32, #tpu.memory_space<vmem>>) target(%dma_start3A_488 : memref<80x128xf32, #tpu.memory_space<vmem_shared>>) target_semaphore(%run_scoped3A : memref<!tpu.dma_semaphore, #tpu.memory_space<semaphore_mem>>)
          %dma_wait3A_493 = arith.constant 0 : i32
          %dma_wait3A_494 = arith.constant 0 : i32
          %dma_wait3A_495 = tpu.memref_slice %arg9[%cond3A_456, %dma_wait3A_493, %dma_wait3A_494] : memref<4x80x128xf32, #tpu.memory_space<vmem>> -> memref<1x80x128xf32, #tpu.memory_space<vmem>>
          %dma_wait3A_496 = tpu.memref_squeeze %dma_wait3A_495 : memref<1x80x128xf32, #tpu.memory_space<vmem>> -> memref<80x128xf32, #tpu.memory_space<vmem>>
          %dma_wait3A_497 = arith.constant 0 : i32
          %dma_wait3A_498 = tpu.memref_slice %arg10[%add3A_470, %dma_wait3A_497] : memref<10000x128xf32, #tpu.memory_space<vmem_shared>> -> memref<80x128xf32, #tpu.memory_space<vmem_shared>>
          %dma_wait3A_499 = arith.constant 0 : i32
          %dma_wait3A_500 = tpu.memref_slice %arg10[%add3A_470, %dma_wait3A_499] : memref<10000x128xf32, #tpu.memory_space<vmem_shared>> -> memref<80x128xf32, #tpu.memory_space<vmem_shared>>
          %dma_wait3A_501 = arith.constant 0 : i32
          %dma_wait3A_502 = arith.constant 0 : i32
          %dma_wait3A_503 = tpu.memref_slice %arg9[%cond3A_456, %dma_wait3A_501, %dma_wait3A_502] : memref<4x80x128xf32, #tpu.memory_space<vmem>> -> memref<1x80x128xf32, #tpu.memory_space<vmem>>
          %dma_wait3A_504 = tpu.memref_squeeze %dma_wait3A_503 : memref<1x80x128xf32, #tpu.memory_space<vmem>> -> memref<80x128xf32, #tpu.memory_space<vmem>>
          tpu.wait_dma2 semaphore(%run_scoped3A : memref<!tpu.dma_semaphore, #tpu.memory_space<semaphore_mem>>) src(%dma_wait3A_504 : memref<80x128xf32, #tpu.memory_space<vmem>>) dst(%dma_wait3A_500 : memref<80x128xf32, #tpu.memory_space<vmem_shared>>)
          tpu.yield
        }) : () -> ()
        %add3A_471 = arith.constant 240 : i32
        %add3A_472 = arith.addi %mul3A_4, %add3A_471 : i32
        "tpu.region"() ({
          %run_scoped3A = tpu.sem_alloc : memref<!tpu.dma_semaphore, #tpu.memory_space<semaphore_mem>>
          %dma_start3A_481 = arith.constant 0 : i32
          %dma_start3A_482 = arith.constant 0 : i32
          %dma_start3A_483 = tpu.memref_slice %arg9[%cond3A_456, %dma_start3A_481, %dma_start3A_482] : memref<4x80x128xf32, #tpu.memory_space<vmem>> -> memref<1x80x128xf32, #tpu.memory_space<vmem>>
          %dma_start3A_484 = tpu.memref_squeeze %dma_start3A_483 : memref<1x80x128xf32, #tpu.memory_space<vmem>> -> memref<80x128xf32, #tpu.memory_space<vmem>>
          %dma_start3A_485 = arith.constant 0 : i32
          %dma_start3A_486 = tpu.memref_slice %arg10[%add3A_472, %dma_start3A_485] : memref<10000x128xf32, #tpu.memory_space<vmem_shared>> -> memref<80x128xf32, #tpu.memory_space<vmem_shared>>
          %dma_start3A_487 = arith.constant 0 : i32
          %dma_start3A_488 = tpu.memref_slice %arg10[%add3A_472, %dma_start3A_487] : memref<10000x128xf32, #tpu.memory_space<vmem_shared>> -> memref<80x128xf32, #tpu.memory_space<vmem_shared>>
          %dma_start3A_489 = arith.constant 0 : i32
          %dma_start3A_490 = arith.constant 0 : i32
          %dma_start3A_491 = tpu.memref_slice %arg9[%cond3A_456, %dma_start3A_489, %dma_start3A_490] : memref<4x80x128xf32, #tpu.memory_space<vmem>> -> memref<1x80x128xf32, #tpu.memory_space<vmem>>
          %dma_start3A_492 = tpu.memref_squeeze %dma_start3A_491 : memref<1x80x128xf32, #tpu.memory_space<vmem>> -> memref<80x128xf32, #tpu.memory_space<vmem>>
          tpu.enqueue_dma source(%dma_start3A_492 : memref<80x128xf32, #tpu.memory_space<vmem>>) target(%dma_start3A_488 : memref<80x128xf32, #tpu.memory_space<vmem_shared>>) target_semaphore(%run_scoped3A : memref<!tpu.dma_semaphore, #tpu.memory_space<semaphore_mem>>)
          %dma_wait3A_493 = arith.constant 0 : i32
          %dma_wait3A_494 = arith.constant 0 : i32
          %dma_wait3A_495 = tpu.memref_slice %arg9[%cond3A_456, %dma_wait3A_493, %dma_wait3A_494] : memref<4x80x128xf32, #tpu.memory_space<vmem>> -> memref<1x80x128xf32, #tpu.memory_space<vmem>>
          %dma_wait3A_496 = tpu.memref_squeeze %dma_wait3A_495 : memref<1x80x128xf32, #tpu.memory_space<vmem>> -> memref<80x128xf32, #tpu.memory_space<vmem>>
          %dma_wait3A_497 = arith.constant 0 : i32
          %dma_wait3A_498 = tpu.memref_slice %arg10[%add3A_472, %dma_wait3A_497] : memref<10000x128xf32, #tpu.memory_space<vmem_shared>> -> memref<80x128xf32, #tpu.memory_space<vmem_shared>>
          %dma_wait3A_499 = arith.constant 0 : i32
          %dma_wait3A_500 = tpu.memref_slice %arg10[%add3A_472, %dma_wait3A_499] : memref<10000x128xf32, #tpu.memory_space<vmem_shared>> -> memref<80x128xf32, #tpu.memory_space<vmem_shared>>
          %dma_wait3A_501 = arith.constant 0 : i32
          %dma_wait3A_502 = arith.constant 0 : i32
          %dma_wait3A_503 = tpu.memref_slice %arg9[%cond3A_456, %dma_wait3A_501, %dma_wait3A_502] : memref<4x80x128xf32, #tpu.memory_space<vmem>> -> memref<1x80x128xf32, #tpu.memory_space<vmem>>
          %dma_wait3A_504 = tpu.memref_squeeze %dma_wait3A_503 : memref<1x80x128xf32, #tpu.memory_space<vmem>> -> memref<80x128xf32, #tpu.memory_space<vmem>>
          tpu.wait_dma2 semaphore(%run_scoped3A : memref<!tpu.dma_semaphore, #tpu.memory_space<semaphore_mem>>) src(%dma_wait3A_504 : memref<80x128xf32, #tpu.memory_space<vmem>>) dst(%dma_wait3A_500 : memref<80x128xf32, #tpu.memory_space<vmem_shared>>)
          tpu.yield
        }) : () -> ()
        %add3A_473 = arith.constant 320 : i32
        %add3A_474 = arith.addi %mul3A_4, %add3A_473 : i32
        "tpu.region"() ({
          %run_scoped3A = tpu.sem_alloc : memref<!tpu.dma_semaphore, #tpu.memory_space<semaphore_mem>>
          %dma_start3A_481 = arith.constant 0 : i32
          %dma_start3A_482 = arith.constant 0 : i32
          %dma_start3A_483 = tpu.memref_slice %arg9[%cond3A_456, %dma_start3A_481, %dma_start3A_482] : memref<4x80x128xf32, #tpu.memory_space<vmem>> -> memref<1x80x128xf32, #tpu.memory_space<vmem>>
          %dma_start3A_484 = tpu.memref_squeeze %dma_start3A_483 : memref<1x80x128xf32, #tpu.memory_space<vmem>> -> memref<80x128xf32, #tpu.memory_space<vmem>>
          %dma_start3A_485 = arith.constant 0 : i32
          %dma_start3A_486 = tpu.memref_slice %arg10[%add3A_474, %dma_start3A_485] : memref<10000x128xf32, #tpu.memory_space<vmem_shared>> -> memref<80x128xf32, #tpu.memory_space<vmem_shared>>
          %dma_start3A_487 = arith.constant 0 : i32
          %dma_start3A_488 = tpu.memref_slice %arg10[%add3A_474, %dma_start3A_487] : memref<10000x128xf32, #tpu.memory_space<vmem_shared>> -> memref<80x128xf32, #tpu.memory_space<vmem_shared>>
          %dma_start3A_489 = arith.constant 0 : i32
          %dma_start3A_490 = arith.constant 0 : i32
          %dma_start3A_491 = tpu.memref_slice %arg9[%cond3A_456, %dma_start3A_489, %dma_start3A_490] : memref<4x80x128xf32, #tpu.memory_space<vmem>> -> memref<1x80x128xf32, #tpu.memory_space<vmem>>
          %dma_start3A_492 = tpu.memref_squeeze %dma_start3A_491 : memref<1x80x128xf32, #tpu.memory_space<vmem>> -> memref<80x128xf32, #tpu.memory_space<vmem>>
          tpu.enqueue_dma source(%dma_start3A_492 : memref<80x128xf32, #tpu.memory_space<vmem>>) target(%dma_start3A_488 : memref<80x128xf32, #tpu.memory_space<vmem_shared>>) target_semaphore(%run_scoped3A : memref<!tpu.dma_semaphore, #tpu.memory_space<semaphore_mem>>)
          %dma_wait3A_493 = arith.constant 0 : i32
          %dma_wait3A_494 = arith.constant 0 : i32
          %dma_wait3A_495 = tpu.memref_slice %arg9[%cond3A_456, %dma_wait3A_493, %dma_wait3A_494] : memref<4x80x128xf32, #tpu.memory_space<vmem>> -> memref<1x80x128xf32, #tpu.memory_space<vmem>>
          %dma_wait3A_496 = tpu.memref_squeeze %dma_wait3A_495 : memref<1x80x128xf32, #tpu.memory_space<vmem>> -> memref<80x128xf32, #tpu.memory_space<vmem>>
          %dma_wait3A_497 = arith.constant 0 : i32
          %dma_wait3A_498 = tpu.memref_slice %arg10[%add3A_474, %dma_wait3A_497] : memref<10000x128xf32, #tpu.memory_space<vmem_shared>> -> memref<80x128xf32, #tpu.memory_space<vmem_shared>>
          %dma_wait3A_499 = arith.constant 0 : i32
          %dma_wait3A_500 = tpu.memref_slice %arg10[%add3A_474, %dma_wait3A_499] : memref<10000x128xf32, #tpu.memory_space<vmem_shared>> -> memref<80x128xf32, #tpu.memory_space<vmem_shared>>
          %dma_wait3A_501 = arith.constant 0 : i32
          %dma_wait3A_502 = arith.constant 0 : i32
          %dma_wait3A_503 = tpu.memref_slice %arg9[%cond3A_456, %dma_wait3A_501, %dma_wait3A_502] : memref<4x80x128xf32, #tpu.memory_space<vmem>> -> memref<1x80x128xf32, #tpu.memory_space<vmem>>
          %dma_wait3A_504 = tpu.memref_squeeze %dma_wait3A_503 : memref<1x80x128xf32, #tpu.memory_space<vmem>> -> memref<80x128xf32, #tpu.memory_space<vmem>>
          tpu.wait_dma2 semaphore(%run_scoped3A : memref<!tpu.dma_semaphore, #tpu.memory_space<semaphore_mem>>) src(%dma_wait3A_504 : memref<80x128xf32, #tpu.memory_space<vmem>>) dst(%dma_wait3A_500 : memref<80x128xf32, #tpu.memory_space<vmem_shared>>)
          tpu.yield
        }) : () -> ()
        %add3A_475 = arith.constant 400 : i32
        %add3A_476 = arith.addi %mul3A_4, %add3A_475 : i32
        "tpu.region"() ({
          %run_scoped3A = tpu.sem_alloc : memref<!tpu.dma_semaphore, #tpu.memory_space<semaphore_mem>>
          %dma_start3A_481 = arith.constant 0 : i32
          %dma_start3A_482 = arith.constant 0 : i32
          %dma_start3A_483 = tpu.memref_slice %arg9[%cond3A_456, %dma_start3A_481, %dma_start3A_482] : memref<4x80x128xf32, #tpu.memory_space<vmem>> -> memref<1x80x128xf32, #tpu.memory_space<vmem>>
          %dma_start3A_484 = tpu.memref_squeeze %dma_start3A_483 : memref<1x80x128xf32, #tpu.memory_space<vmem>> -> memref<80x128xf32, #tpu.memory_space<vmem>>
          %dma_start3A_485 = arith.constant 0 : i32
          %dma_start3A_486 = tpu.memref_slice %arg10[%add3A_476, %dma_start3A_485] : memref<10000x128xf32, #tpu.memory_space<vmem_shared>> -> memref<80x128xf32, #tpu.memory_space<vmem_shared>>
          %dma_start3A_487 = arith.constant 0 : i32
          %dma_start3A_488 = tpu.memref_slice %arg10[%add3A_476, %dma_start3A_487] : memref<10000x128xf32, #tpu.memory_space<vmem_shared>> -> memref<80x128xf32, #tpu.memory_space<vmem_shared>>
          %dma_start3A_489 = arith.constant 0 : i32
          %dma_start3A_490 = arith.constant 0 : i32
          %dma_start3A_491 = tpu.memref_slice %arg9[%cond3A_456, %dma_start3A_489, %dma_start3A_490] : memref<4x80x128xf32, #tpu.memory_space<vmem>> -> memref<1x80x128xf32, #tpu.memory_space<vmem>>
          %dma_start3A_492 = tpu.memref_squeeze %dma_start3A_491 : memref<1x80x128xf32, #tpu.memory_space<vmem>> -> memref<80x128xf32, #tpu.memory_space<vmem>>
          tpu.enqueue_dma source(%dma_start3A_492 : memref<80x128xf32, #tpu.memory_space<vmem>>) target(%dma_start3A_488 : memref<80x128xf32, #tpu.memory_space<vmem_shared>>) target_semaphore(%run_scoped3A : memref<!tpu.dma_semaphore, #tpu.memory_space<semaphore_mem>>)
          %dma_wait3A_493 = arith.constant 0 : i32
          %dma_wait3A_494 = arith.constant 0 : i32
          %dma_wait3A_495 = tpu.memref_slice %arg9[%cond3A_456, %dma_wait3A_493, %dma_wait3A_494] : memref<4x80x128xf32, #tpu.memory_space<vmem>> -> memref<1x80x128xf32, #tpu.memory_space<vmem>>
          %dma_wait3A_496 = tpu.memref_squeeze %dma_wait3A_495 : memref<1x80x128xf32, #tpu.memory_space<vmem>> -> memref<80x128xf32, #tpu.memory_space<vmem>>
          %dma_wait3A_497 = arith.constant 0 : i32
          %dma_wait3A_498 = tpu.memref_slice %arg10[%add3A_476, %dma_wait3A_497] : memref<10000x128xf32, #tpu.memory_space<vmem_shared>> -> memref<80x128xf32, #tpu.memory_space<vmem_shared>>
          %dma_wait3A_499 = arith.constant 0 : i32
          %dma_wait3A_500 = tpu.memref_slice %arg10[%add3A_476, %dma_wait3A_499] : memref<10000x128xf32, #tpu.memory_space<vmem_shared>> -> memref<80x128xf32, #tpu.memory_space<vmem_shared>>
          %dma_wait3A_501 = arith.constant 0 : i32
          %dma_wait3A_502 = arith.constant 0 : i32
          %dma_wait3A_503 = tpu.memref_slice %arg9[%cond3A_456, %dma_wait3A_501, %dma_wait3A_502] : memref<4x80x128xf32, #tpu.memory_space<vmem>> -> memref<1x80x128xf32, #tpu.memory_space<vmem>>
          %dma_wait3A_504 = tpu.memref_squeeze %dma_wait3A_503 : memref<1x80x128xf32, #tpu.memory_space<vmem>> -> memref<80x128xf32, #tpu.memory_space<vmem>>
          tpu.wait_dma2 semaphore(%run_scoped3A : memref<!tpu.dma_semaphore, #tpu.memory_space<semaphore_mem>>) src(%dma_wait3A_504 : memref<80x128xf32, #tpu.memory_space<vmem>>) dst(%dma_wait3A_500 : memref<80x128xf32, #tpu.memory_space<vmem_shared>>)
          tpu.yield
        }) : () -> ()
        %add3A_477 = arith.constant 480 : i32
        %add3A_478 = arith.addi %mul3A_4, %add3A_477 : i32
        "tpu.region"() ({
          %run_scoped3A = tpu.sem_alloc : memref<!tpu.dma_semaphore, #tpu.memory_space<semaphore_mem>>
          %dma_start3A_481 = arith.constant 0 : i32
          %dma_start3A_482 = arith.constant 0 : i32
          %dma_start3A_483 = tpu.memref_slice %arg9[%cond3A_456, %dma_start3A_481, %dma_start3A_482] : memref<4x80x128xf32, #tpu.memory_space<vmem>> -> memref<1x80x128xf32, #tpu.memory_space<vmem>>
          %dma_start3A_484 = tpu.memref_squeeze %dma_start3A_483 : memref<1x80x128xf32, #tpu.memory_space<vmem>> -> memref<80x128xf32, #tpu.memory_space<vmem>>
          %dma_start3A_485 = arith.constant 0 : i32
          %dma_start3A_486 = tpu.memref_slice %arg10[%add3A_478, %dma_start3A_485] : memref<10000x128xf32, #tpu.memory_space<vmem_shared>> -> memref<80x128xf32, #tpu.memory_space<vmem_shared>>
          %dma_start3A_487 = arith.constant 0 : i32
          %dma_start3A_488 = tpu.memref_slice %arg10[%add3A_478, %dma_start3A_487] : memref<10000x128xf32, #tpu.memory_space<vmem_shared>> -> memref<80x128xf32, #tpu.memory_space<vmem_shared>>
          %dma_start3A_489 = arith.constant 0 : i32
          %dma_start3A_490 = arith.constant 0 : i32
          %dma_start3A_491 = tpu.memref_slice %arg9[%cond3A_456, %dma_start3A_489, %dma_start3A_490] : memref<4x80x128xf32, #tpu.memory_space<vmem>> -> memref<1x80x128xf32, #tpu.memory_space<vmem>>
          %dma_start3A_492 = tpu.memref_squeeze %dma_start3A_491 : memref<1x80x128xf32, #tpu.memory_space<vmem>> -> memref<80x128xf32, #tpu.memory_space<vmem>>
          tpu.enqueue_dma source(%dma_start3A_492 : memref<80x128xf32, #tpu.memory_space<vmem>>) target(%dma_start3A_488 : memref<80x128xf32, #tpu.memory_space<vmem_shared>>) target_semaphore(%run_scoped3A : memref<!tpu.dma_semaphore, #tpu.memory_space<semaphore_mem>>)
          %dma_wait3A_493 = arith.constant 0 : i32
          %dma_wait3A_494 = arith.constant 0 : i32
          %dma_wait3A_495 = tpu.memref_slice %arg9[%cond3A_456, %dma_wait3A_493, %dma_wait3A_494] : memref<4x80x128xf32, #tpu.memory_space<vmem>> -> memref<1x80x128xf32, #tpu.memory_space<vmem>>
          %dma_wait3A_496 = tpu.memref_squeeze %dma_wait3A_495 : memref<1x80x128xf32, #tpu.memory_space<vmem>> -> memref<80x128xf32, #tpu.memory_space<vmem>>
          %dma_wait3A_497 = arith.constant 0 : i32
          %dma_wait3A_498 = tpu.memref_slice %arg10[%add3A_478, %dma_wait3A_497] : memref<10000x128xf32, #tpu.memory_space<vmem_shared>> -> memref<80x128xf32, #tpu.memory_space<vmem_shared>>
          %dma_wait3A_499 = arith.constant 0 : i32
          %dma_wait3A_500 = tpu.memref_slice %arg10[%add3A_478, %dma_wait3A_499] : memref<10000x128xf32, #tpu.memory_space<vmem_shared>> -> memref<80x128xf32, #tpu.memory_space<vmem_shared>>
          %dma_wait3A_501 = arith.constant 0 : i32
          %dma_wait3A_502 = arith.constant 0 : i32
          %dma_wait3A_503 = tpu.memref_slice %arg9[%cond3A_456, %dma_wait3A_501, %dma_wait3A_502] : memref<4x80x128xf32, #tpu.memory_space<vmem>> -> memref<1x80x128xf32, #tpu.memory_space<vmem>>
          %dma_wait3A_504 = tpu.memref_squeeze %dma_wait3A_503 : memref<1x80x128xf32, #tpu.memory_space<vmem>> -> memref<80x128xf32, #tpu.memory_space<vmem>>
          tpu.wait_dma2 semaphore(%run_scoped3A : memref<!tpu.dma_semaphore, #tpu.memory_space<semaphore_mem>>) src(%dma_wait3A_504 : memref<80x128xf32, #tpu.memory_space<vmem>>) dst(%dma_wait3A_500 : memref<80x128xf32, #tpu.memory_space<vmem_shared>>)
          tpu.yield
        }) : () -> ()
        %add3A_479 = arith.constant 560 : i32
        %add3A_480 = arith.addi %mul3A_4, %add3A_479 : i32
        "tpu.region"() ({
          %run_scoped3A = tpu.sem_alloc : memref<!tpu.dma_semaphore, #tpu.memory_space<semaphore_mem>>
          %dma_start3A_481 = arith.constant 0 : i32
          %dma_start3A_482 = arith.constant 0 : i32
          %dma_start3A_483 = tpu.memref_slice %arg9[%cond3A_456, %dma_start3A_481, %dma_start3A_482] : memref<4x80x128xf32, #tpu.memory_space<vmem>> -> memref<1x80x128xf32, #tpu.memory_space<vmem>>
          %dma_start3A_484 = tpu.memref_squeeze %dma_start3A_483 : memref<1x80x128xf32, #tpu.memory_space<vmem>> -> memref<80x128xf32, #tpu.memory_space<vmem>>
          %dma_start3A_485 = arith.constant 0 : i32
          %dma_start3A_486 = arith.constant 0 : i32
          %dma_start3A_487 = tpu.memref_slice %dma_start3A_484[%dma_start3A_485, %dma_start3A_486] : memref<80x128xf32, #tpu.memory_space<vmem>> -> memref<64x128xf32, #tpu.memory_space<vmem>>
          %dma_start3A_488 = arith.constant 0 : i32
          %dma_start3A_489 = tpu.memref_slice %arg10[%add3A_480, %dma_start3A_488] : memref<10000x128xf32, #tpu.memory_space<vmem_shared>> -> memref<64x128xf32, #tpu.memory_space<vmem_shared>>
          %dma_start3A_490 = arith.constant 0 : i32
          %dma_start3A_491 = tpu.memref_slice %arg10[%add3A_480, %dma_start3A_490] : memref<10000x128xf32, #tpu.memory_space<vmem_shared>> -> memref<64x128xf32, #tpu.memory_space<vmem_shared>>
          %dma_start3A_492 = arith.constant 0 : i32
          %dma_start3A_493 = arith.constant 0 : i32
          %dma_start3A_494 = tpu.memref_slice %arg9[%cond3A_456, %dma_start3A_492, %dma_start3A_493] : memref<4x80x128xf32, #tpu.memory_space<vmem>> -> memref<1x80x128xf32, #tpu.memory_space<vmem>>
          %dma_start3A_495 = tpu.memref_squeeze %dma_start3A_494 : memref<1x80x128xf32, #tpu.memory_space<vmem>> -> memref<80x128xf32, #tpu.memory_space<vmem>>
          %dma_start3A_496 = arith.constant 0 : i32
          %dma_start3A_497 = arith.constant 0 : i32
          %dma_start3A_498 = tpu.memref_slice %dma_start3A_495[%dma_start3A_496, %dma_start3A_497] : memref<80x128xf32, #tpu.memory_space<vmem>> -> memref<64x128xf32, #tpu.memory_space<vmem>>
          tpu.enqueue_dma source(%dma_start3A_498 : memref<64x128xf32, #tpu.memory_space<vmem>>) target(%dma_start3A_491 : memref<64x128xf32, #tpu.memory_space<vmem_shared>>) target_semaphore(%run_scoped3A : memref<!tpu.dma_semaphore, #tpu.memory_space<semaphore_mem>>)
          %dma_wait3A_499 = arith.constant 0 : i32
          %dma_wait3A_500 = arith.constant 0 : i32
          %dma_wait3A_501 = tpu.memref_slice %arg9[%cond3A_456, %dma_wait3A_499, %dma_wait3A_500] : memref<4x80x128xf32, #tpu.memory_space<vmem>> -> memref<1x80x128xf32, #tpu.memory_space<vmem>>
          %dma_wait3A_502 = tpu.memref_squeeze %dma_wait3A_501 : memref<1x80x128xf32, #tpu.memory_space<vmem>> -> memref<80x128xf32, #tpu.memory_space<vmem>>
          %dma_wait3A_503 = arith.constant 0 : i32
          %dma_wait3A_504 = arith.constant 0 : i32
          %dma_wait3A_505 = tpu.memref_slice %dma_wait3A_502[%dma_wait3A_503, %dma_wait3A_504] : memref<80x128xf32, #tpu.memory_space<vmem>> -> memref<64x128xf32, #tpu.memory_space<vmem>>
          %dma_wait3A_506 = arith.constant 0 : i32
          %dma_wait3A_507 = tpu.memref_slice %arg10[%add3A_480, %dma_wait3A_506] : memref<10000x128xf32, #tpu.memory_space<vmem_shared>> -> memref<64x128xf32, #tpu.memory_space<vmem_shared>>
          %dma_wait3A_508 = arith.constant 0 : i32
          %dma_wait3A_509 = tpu.memref_slice %arg10[%add3A_480, %dma_wait3A_508] : memref<10000x128xf32, #tpu.memory_space<vmem_shared>> -> memref<64x128xf32, #tpu.memory_space<vmem_shared>>
          %dma_wait3A_510 = arith.constant 0 : i32
          %dma_wait3A_511 = arith.constant 0 : i32
          %dma_wait3A_512 = tpu.memref_slice %arg9[%cond3A_456, %dma_wait3A_510, %dma_wait3A_511] : memref<4x80x128xf32, #tpu.memory_space<vmem>> -> memref<1x80x128xf32, #tpu.memory_space<vmem>>
          %dma_wait3A_513 = tpu.memref_squeeze %dma_wait3A_512 : memref<1x80x128xf32, #tpu.memory_space<vmem>> -> memref<80x128xf32, #tpu.memory_space<vmem>>
          %dma_wait3A_514 = arith.constant 0 : i32
          %dma_wait3A_515 = arith.constant 0 : i32
          %dma_wait3A_516 = tpu.memref_slice %dma_wait3A_513[%dma_wait3A_514, %dma_wait3A_515] : memref<80x128xf32, #tpu.memory_space<vmem>> -> memref<64x128xf32, #tpu.memory_space<vmem>>
          tpu.wait_dma2 semaphore(%run_scoped3A : memref<!tpu.dma_semaphore, #tpu.memory_space<semaphore_mem>>) src(%dma_wait3A_516 : memref<64x128xf32, #tpu.memory_space<vmem>>) dst(%dma_wait3A_509 : memref<64x128xf32, #tpu.memory_space<vmem_shared>>)
          tpu.yield
        }) : () -> ()
      } else {
      }
      %eq3A_459 = arith.constant 15 : i32
      %eq3A_460 = arith.cmpi eq, %arg1, %eq3A_459 : i32
      %convert_element_type3A_461 = arith.extui %eq3A_460 : i1 to i32
      %cond3A_462 = arith.constant 0 : i32
      %cond3A_463 = arith.constant 0 : i32
      %cond3A_464 = arith.cmpi ne, %convert_element_type3A_461, %cond3A_463 : i32
      scf.if %cond3A_464 {
        "tpu.region"() ({
          %run_scoped3A = tpu.sem_alloc : memref<!tpu.dma_semaphore, #tpu.memory_space<semaphore_mem>>
          %dma_start3A_465 = arith.constant 0 : i32
          %dma_start3A_466 = arith.constant 0 : i32
          %dma_start3A_467 = tpu.memref_slice %arg9[%cond3A_462, %dma_start3A_465, %dma_start3A_466] : memref<4x80x128xf32, #tpu.memory_space<vmem>> -> memref<1x80x128xf32, #tpu.memory_space<vmem>>
          %dma_start3A_468 = tpu.memref_squeeze %dma_start3A_467 : memref<1x80x128xf32, #tpu.memory_space<vmem>> -> memref<80x128xf32, #tpu.memory_space<vmem>>
          %dma_start3A_469 = arith.constant 9360 : i32
          %dma_start3A_470 = arith.constant 0 : i32
          %dma_start3A_471 = tpu.memref_slice %arg10[%dma_start3A_469, %dma_start3A_470] : memref<10000x128xf32, #tpu.memory_space<vmem_shared>> -> memref<80x128xf32, #tpu.memory_space<vmem_shared>>
          %dma_start3A_472 = arith.constant 9360 : i32
          %dma_start3A_473 = arith.constant 0 : i32
          %dma_start3A_474 = tpu.memref_slice %arg10[%dma_start3A_472, %dma_start3A_473] : memref<10000x128xf32, #tpu.memory_space<vmem_shared>> -> memref<80x128xf32, #tpu.memory_space<vmem_shared>>
          %dma_start3A_475 = arith.constant 0 : i32
          %dma_start3A_476 = arith.constant 0 : i32
          %dma_start3A_477 = tpu.memref_slice %arg9[%cond3A_462, %dma_start3A_475, %dma_start3A_476] : memref<4x80x128xf32, #tpu.memory_space<vmem>> -> memref<1x80x128xf32, #tpu.memory_space<vmem>>
          %dma_start3A_478 = tpu.memref_squeeze %dma_start3A_477 : memref<1x80x128xf32, #tpu.memory_space<vmem>> -> memref<80x128xf32, #tpu.memory_space<vmem>>
          tpu.enqueue_dma source(%dma_start3A_478 : memref<80x128xf32, #tpu.memory_space<vmem>>) target(%dma_start3A_474 : memref<80x128xf32, #tpu.memory_space<vmem_shared>>) target_semaphore(%run_scoped3A : memref<!tpu.dma_semaphore, #tpu.memory_space<semaphore_mem>>)
          %dma_wait3A_479 = arith.constant 0 : i32
          %dma_wait3A_480 = arith.constant 0 : i32
          %dma_wait3A_481 = tpu.memref_slice %arg9[%cond3A_462, %dma_wait3A_479, %dma_wait3A_480] : memref<4x80x128xf32, #tpu.memory_space<vmem>> -> memref<1x80x128xf32, #tpu.memory_space<vmem>>
          %dma_wait3A_482 = tpu.memref_squeeze %dma_wait3A_481 : memref<1x80x128xf32, #tpu.memory_space<vmem>> -> memref<80x128xf32, #tpu.memory_space<vmem>>
          %dma_wait3A_483 = arith.constant 9360 : i32
          %dma_wait3A_484 = arith.constant 0 : i32
          %dma_wait3A_485 = tpu.memref_slice %arg10[%dma_wait3A_483, %dma_wait3A_484] : memref<10000x128xf32, #tpu.memory_space<vmem_shared>> -> memref<80x128xf32, #tpu.memory_space<vmem_shared>>
          %dma_wait3A_486 = arith.constant 9360 : i32
          %dma_wait3A_487 = arith.constant 0 : i32
          %dma_wait3A_488 = tpu.memref_slice %arg10[%dma_wait3A_486, %dma_wait3A_487] : memref<10000x128xf32, #tpu.memory_space<vmem_shared>> -> memref<80x128xf32, #tpu.memory_space<vmem_shared>>
          %dma_wait3A_489 = arith.constant 0 : i32
          %dma_wait3A_490 = arith.constant 0 : i32
          %dma_wait3A_491 = tpu.memref_slice %arg9[%cond3A_462, %dma_wait3A_489, %dma_wait3A_490] : memref<4x80x128xf32, #tpu.memory_space<vmem>> -> memref<1x80x128xf32, #tpu.memory_space<vmem>>
          %dma_wait3A_492 = tpu.memref_squeeze %dma_wait3A_491 : memref<1x80x128xf32, #tpu.memory_space<vmem>> -> memref<80x128xf32, #tpu.memory_space<vmem>>
          tpu.wait_dma2 semaphore(%run_scoped3A : memref<!tpu.dma_semaphore, #tpu.memory_space<semaphore_mem>>) src(%dma_wait3A_492 : memref<80x128xf32, #tpu.memory_space<vmem>>) dst(%dma_wait3A_488 : memref<80x128xf32, #tpu.memory_space<vmem_shared>>)
          tpu.yield
        }) : () -> ()
        "tpu.region"() ({
          %run_scoped3A = tpu.sem_alloc : memref<!tpu.dma_semaphore, #tpu.memory_space<semaphore_mem>>
          %dma_start3A_465 = arith.constant 0 : i32
          %dma_start3A_466 = arith.constant 0 : i32
          %dma_start3A_467 = tpu.memref_slice %arg9[%cond3A_462, %dma_start3A_465, %dma_start3A_466] : memref<4x80x128xf32, #tpu.memory_space<vmem>> -> memref<1x80x128xf32, #tpu.memory_space<vmem>>
          %dma_start3A_468 = tpu.memref_squeeze %dma_start3A_467 : memref<1x80x128xf32, #tpu.memory_space<vmem>> -> memref<80x128xf32, #tpu.memory_space<vmem>>
          %dma_start3A_469 = arith.constant 9440 : i32
          %dma_start3A_470 = arith.constant 0 : i32
          %dma_start3A_471 = tpu.memref_slice %arg10[%dma_start3A_469, %dma_start3A_470] : memref<10000x128xf32, #tpu.memory_space<vmem_shared>> -> memref<80x128xf32, #tpu.memory_space<vmem_shared>>
          %dma_start3A_472 = arith.constant 9440 : i32
          %dma_start3A_473 = arith.constant 0 : i32
          %dma_start3A_474 = tpu.memref_slice %arg10[%dma_start3A_472, %dma_start3A_473] : memref<10000x128xf32, #tpu.memory_space<vmem_shared>> -> memref<80x128xf32, #tpu.memory_space<vmem_shared>>
          %dma_start3A_475 = arith.constant 0 : i32
          %dma_start3A_476 = arith.constant 0 : i32
          %dma_start3A_477 = tpu.memref_slice %arg9[%cond3A_462, %dma_start3A_475, %dma_start3A_476] : memref<4x80x128xf32, #tpu.memory_space<vmem>> -> memref<1x80x128xf32, #tpu.memory_space<vmem>>
          %dma_start3A_478 = tpu.memref_squeeze %dma_start3A_477 : memref<1x80x128xf32, #tpu.memory_space<vmem>> -> memref<80x128xf32, #tpu.memory_space<vmem>>
          tpu.enqueue_dma source(%dma_start3A_478 : memref<80x128xf32, #tpu.memory_space<vmem>>) target(%dma_start3A_474 : memref<80x128xf32, #tpu.memory_space<vmem_shared>>) target_semaphore(%run_scoped3A : memref<!tpu.dma_semaphore, #tpu.memory_space<semaphore_mem>>)
          %dma_wait3A_479 = arith.constant 0 : i32
          %dma_wait3A_480 = arith.constant 0 : i32
          %dma_wait3A_481 = tpu.memref_slice %arg9[%cond3A_462, %dma_wait3A_479, %dma_wait3A_480] : memref<4x80x128xf32, #tpu.memory_space<vmem>> -> memref<1x80x128xf32, #tpu.memory_space<vmem>>
          %dma_wait3A_482 = tpu.memref_squeeze %dma_wait3A_481 : memref<1x80x128xf32, #tpu.memory_space<vmem>> -> memref<80x128xf32, #tpu.memory_space<vmem>>
          %dma_wait3A_483 = arith.constant 9440 : i32
          %dma_wait3A_484 = arith.constant 0 : i32
          %dma_wait3A_485 = tpu.memref_slice %arg10[%dma_wait3A_483, %dma_wait3A_484] : memref<10000x128xf32, #tpu.memory_space<vmem_shared>> -> memref<80x128xf32, #tpu.memory_space<vmem_shared>>
          %dma_wait3A_486 = arith.constant 9440 : i32
          %dma_wait3A_487 = arith.constant 0 : i32
          %dma_wait3A_488 = tpu.memref_slice %arg10[%dma_wait3A_486, %dma_wait3A_487] : memref<10000x128xf32, #tpu.memory_space<vmem_shared>> -> memref<80x128xf32, #tpu.memory_space<vmem_shared>>
          %dma_wait3A_489 = arith.constant 0 : i32
          %dma_wait3A_490 = arith.constant 0 : i32
          %dma_wait3A_491 = tpu.memref_slice %arg9[%cond3A_462, %dma_wait3A_489, %dma_wait3A_490] : memref<4x80x128xf32, #tpu.memory_space<vmem>> -> memref<1x80x128xf32, #tpu.memory_space<vmem>>
          %dma_wait3A_492 = tpu.memref_squeeze %dma_wait3A_491 : memref<1x80x128xf32, #tpu.memory_space<vmem>> -> memref<80x128xf32, #tpu.memory_space<vmem>>
          tpu.wait_dma2 semaphore(%run_scoped3A : memref<!tpu.dma_semaphore, #tpu.memory_space<semaphore_mem>>) src(%dma_wait3A_492 : memref<80x128xf32, #tpu.memory_space<vmem>>) dst(%dma_wait3A_488 : memref<80x128xf32, #tpu.memory_space<vmem_shared>>)
          tpu.yield
        }) : () -> ()
        "tpu.region"() ({
          %run_scoped3A = tpu.sem_alloc : memref<!tpu.dma_semaphore, #tpu.memory_space<semaphore_mem>>
          %dma_start3A_465 = arith.constant 0 : i32
          %dma_start3A_466 = arith.constant 0 : i32
          %dma_start3A_467 = tpu.memref_slice %arg9[%cond3A_462, %dma_start3A_465, %dma_start3A_466] : memref<4x80x128xf32, #tpu.memory_space<vmem>> -> memref<1x80x128xf32, #tpu.memory_space<vmem>>
          %dma_start3A_468 = tpu.memref_squeeze %dma_start3A_467 : memref<1x80x128xf32, #tpu.memory_space<vmem>> -> memref<80x128xf32, #tpu.memory_space<vmem>>
          %dma_start3A_469 = arith.constant 9520 : i32
          %dma_start3A_470 = arith.constant 0 : i32
          %dma_start3A_471 = tpu.memref_slice %arg10[%dma_start3A_469, %dma_start3A_470] : memref<10000x128xf32, #tpu.memory_space<vmem_shared>> -> memref<80x128xf32, #tpu.memory_space<vmem_shared>>
          %dma_start3A_472 = arith.constant 9520 : i32
          %dma_start3A_473 = arith.constant 0 : i32
          %dma_start3A_474 = tpu.memref_slice %arg10[%dma_start3A_472, %dma_start3A_473] : memref<10000x128xf32, #tpu.memory_space<vmem_shared>> -> memref<80x128xf32, #tpu.memory_space<vmem_shared>>
          %dma_start3A_475 = arith.constant 0 : i32
          %dma_start3A_476 = arith.constant 0 : i32
          %dma_start3A_477 = tpu.memref_slice %arg9[%cond3A_462, %dma_start3A_475, %dma_start3A_476] : memref<4x80x128xf32, #tpu.memory_space<vmem>> -> memref<1x80x128xf32, #tpu.memory_space<vmem>>
          %dma_start3A_478 = tpu.memref_squeeze %dma_start3A_477 : memref<1x80x128xf32, #tpu.memory_space<vmem>> -> memref<80x128xf32, #tpu.memory_space<vmem>>
          tpu.enqueue_dma source(%dma_start3A_478 : memref<80x128xf32, #tpu.memory_space<vmem>>) target(%dma_start3A_474 : memref<80x128xf32, #tpu.memory_space<vmem_shared>>) target_semaphore(%run_scoped3A : memref<!tpu.dma_semaphore, #tpu.memory_space<semaphore_mem>>)
          %dma_wait3A_479 = arith.constant 0 : i32
          %dma_wait3A_480 = arith.constant 0 : i32
          %dma_wait3A_481 = tpu.memref_slice %arg9[%cond3A_462, %dma_wait3A_479, %dma_wait3A_480] : memref<4x80x128xf32, #tpu.memory_space<vmem>> -> memref<1x80x128xf32, #tpu.memory_space<vmem>>
          %dma_wait3A_482 = tpu.memref_squeeze %dma_wait3A_481 : memref<1x80x128xf32, #tpu.memory_space<vmem>> -> memref<80x128xf32, #tpu.memory_space<vmem>>
          %dma_wait3A_483 = arith.constant 9520 : i32
          %dma_wait3A_484 = arith.constant 0 : i32
          %dma_wait3A_485 = tpu.memref_slice %arg10[%dma_wait3A_483, %dma_wait3A_484] : memref<10000x128xf32, #tpu.memory_space<vmem_shared>> -> memref<80x128xf32, #tpu.memory_space<vmem_shared>>
          %dma_wait3A_486 = arith.constant 9520 : i32
          %dma_wait3A_487 = arith.constant 0 : i32
          %dma_wait3A_488 = tpu.memref_slice %arg10[%dma_wait3A_486, %dma_wait3A_487] : memref<10000x128xf32, #tpu.memory_space<vmem_shared>> -> memref<80x128xf32, #tpu.memory_space<vmem_shared>>
          %dma_wait3A_489 = arith.constant 0 : i32
          %dma_wait3A_490 = arith.constant 0 : i32
          %dma_wait3A_491 = tpu.memref_slice %arg9[%cond3A_462, %dma_wait3A_489, %dma_wait3A_490] : memref<4x80x128xf32, #tpu.memory_space<vmem>> -> memref<1x80x128xf32, #tpu.memory_space<vmem>>
          %dma_wait3A_492 = tpu.memref_squeeze %dma_wait3A_491 : memref<1x80x128xf32, #tpu.memory_space<vmem>> -> memref<80x128xf32, #tpu.memory_space<vmem>>
          tpu.wait_dma2 semaphore(%run_scoped3A : memref<!tpu.dma_semaphore, #tpu.memory_space<semaphore_mem>>) src(%dma_wait3A_492 : memref<80x128xf32, #tpu.memory_space<vmem>>) dst(%dma_wait3A_488 : memref<80x128xf32, #tpu.memory_space<vmem_shared>>)
          tpu.yield
        }) : () -> ()
        "tpu.region"() ({
          %run_scoped3A = tpu.sem_alloc : memref<!tpu.dma_semaphore, #tpu.memory_space<semaphore_mem>>
          %dma_start3A_465 = arith.constant 0 : i32
          %dma_start3A_466 = arith.constant 0 : i32
          %dma_start3A_467 = tpu.memref_slice %arg9[%cond3A_462, %dma_start3A_465, %dma_start3A_466] : memref<4x80x128xf32, #tpu.memory_space<vmem>> -> memref<1x80x128xf32, #tpu.memory_space<vmem>>
          %dma_start3A_468 = tpu.memref_squeeze %dma_start3A_467 : memref<1x80x128xf32, #tpu.memory_space<vmem>> -> memref<80x128xf32, #tpu.memory_space<vmem>>
          %dma_start3A_469 = arith.constant 9600 : i32
          %dma_start3A_470 = arith.constant 0 : i32
          %dma_start3A_471 = tpu.memref_slice %arg10[%dma_start3A_469, %dma_start3A_470] : memref<10000x128xf32, #tpu.memory_space<vmem_shared>> -> memref<80x128xf32, #tpu.memory_space<vmem_shared>>
          %dma_start3A_472 = arith.constant 9600 : i32
          %dma_start3A_473 = arith.constant 0 : i32
          %dma_start3A_474 = tpu.memref_slice %arg10[%dma_start3A_472, %dma_start3A_473] : memref<10000x128xf32, #tpu.memory_space<vmem_shared>> -> memref<80x128xf32, #tpu.memory_space<vmem_shared>>
          %dma_start3A_475 = arith.constant 0 : i32
          %dma_start3A_476 = arith.constant 0 : i32
          %dma_start3A_477 = tpu.memref_slice %arg9[%cond3A_462, %dma_start3A_475, %dma_start3A_476] : memref<4x80x128xf32, #tpu.memory_space<vmem>> -> memref<1x80x128xf32, #tpu.memory_space<vmem>>
          %dma_start3A_478 = tpu.memref_squeeze %dma_start3A_477 : memref<1x80x128xf32, #tpu.memory_space<vmem>> -> memref<80x128xf32, #tpu.memory_space<vmem>>
          tpu.enqueue_dma source(%dma_start3A_478 : memref<80x128xf32, #tpu.memory_space<vmem>>) target(%dma_start3A_474 : memref<80x128xf32, #tpu.memory_space<vmem_shared>>) target_semaphore(%run_scoped3A : memref<!tpu.dma_semaphore, #tpu.memory_space<semaphore_mem>>)
          %dma_wait3A_479 = arith.constant 0 : i32
          %dma_wait3A_480 = arith.constant 0 : i32
          %dma_wait3A_481 = tpu.memref_slice %arg9[%cond3A_462, %dma_wait3A_479, %dma_wait3A_480] : memref<4x80x128xf32, #tpu.memory_space<vmem>> -> memref<1x80x128xf32, #tpu.memory_space<vmem>>
          %dma_wait3A_482 = tpu.memref_squeeze %dma_wait3A_481 : memref<1x80x128xf32, #tpu.memory_space<vmem>> -> memref<80x128xf32, #tpu.memory_space<vmem>>
          %dma_wait3A_483 = arith.constant 9600 : i32
          %dma_wait3A_484 = arith.constant 0 : i32
          %dma_wait3A_485 = tpu.memref_slice %arg10[%dma_wait3A_483, %dma_wait3A_484] : memref<10000x128xf32, #tpu.memory_space<vmem_shared>> -> memref<80x128xf32, #tpu.memory_space<vmem_shared>>
          %dma_wait3A_486 = arith.constant 9600 : i32
          %dma_wait3A_487 = arith.constant 0 : i32
          %dma_wait3A_488 = tpu.memref_slice %arg10[%dma_wait3A_486, %dma_wait3A_487] : memref<10000x128xf32, #tpu.memory_space<vmem_shared>> -> memref<80x128xf32, #tpu.memory_space<vmem_shared>>
          %dma_wait3A_489 = arith.constant 0 : i32
          %dma_wait3A_490 = arith.constant 0 : i32
          %dma_wait3A_491 = tpu.memref_slice %arg9[%cond3A_462, %dma_wait3A_489, %dma_wait3A_490] : memref<4x80x128xf32, #tpu.memory_space<vmem>> -> memref<1x80x128xf32, #tpu.memory_space<vmem>>
          %dma_wait3A_492 = tpu.memref_squeeze %dma_wait3A_491 : memref<1x80x128xf32, #tpu.memory_space<vmem>> -> memref<80x128xf32, #tpu.memory_space<vmem>>
          tpu.wait_dma2 semaphore(%run_scoped3A : memref<!tpu.dma_semaphore, #tpu.memory_space<semaphore_mem>>) src(%dma_wait3A_492 : memref<80x128xf32, #tpu.memory_space<vmem>>) dst(%dma_wait3A_488 : memref<80x128xf32, #tpu.memory_space<vmem_shared>>)
          tpu.yield
        }) : () -> ()
        "tpu.region"() ({
          %run_scoped3A = tpu.sem_alloc : memref<!tpu.dma_semaphore, #tpu.memory_space<semaphore_mem>>
          %dma_start3A_465 = arith.constant 0 : i32
          %dma_start3A_466 = arith.constant 0 : i32
          %dma_start3A_467 = tpu.memref_slice %arg9[%cond3A_462, %dma_start3A_465, %dma_start3A_466] : memref<4x80x128xf32, #tpu.memory_space<vmem>> -> memref<1x80x128xf32, #tpu.memory_space<vmem>>
          %dma_start3A_468 = tpu.memref_squeeze %dma_start3A_467 : memref<1x80x128xf32, #tpu.memory_space<vmem>> -> memref<80x128xf32, #tpu.memory_space<vmem>>
          %dma_start3A_469 = arith.constant 9680 : i32
          %dma_start3A_470 = arith.constant 0 : i32
          %dma_start3A_471 = tpu.memref_slice %arg10[%dma_start3A_469, %dma_start3A_470] : memref<10000x128xf32, #tpu.memory_space<vmem_shared>> -> memref<80x128xf32, #tpu.memory_space<vmem_shared>>
          %dma_start3A_472 = arith.constant 9680 : i32
          %dma_start3A_473 = arith.constant 0 : i32
          %dma_start3A_474 = tpu.memref_slice %arg10[%dma_start3A_472, %dma_start3A_473] : memref<10000x128xf32, #tpu.memory_space<vmem_shared>> -> memref<80x128xf32, #tpu.memory_space<vmem_shared>>
          %dma_start3A_475 = arith.constant 0 : i32
          %dma_start3A_476 = arith.constant 0 : i32
          %dma_start3A_477 = tpu.memref_slice %arg9[%cond3A_462, %dma_start3A_475, %dma_start3A_476] : memref<4x80x128xf32, #tpu.memory_space<vmem>> -> memref<1x80x128xf32, #tpu.memory_space<vmem>>
          %dma_start3A_478 = tpu.memref_squeeze %dma_start3A_477 : memref<1x80x128xf32, #tpu.memory_space<vmem>> -> memref<80x128xf32, #tpu.memory_space<vmem>>
          tpu.enqueue_dma source(%dma_start3A_478 : memref<80x128xf32, #tpu.memory_space<vmem>>) target(%dma_start3A_474 : memref<80x128xf32, #tpu.memory_space<vmem_shared>>) target_semaphore(%run_scoped3A : memref<!tpu.dma_semaphore, #tpu.memory_space<semaphore_mem>>)
          %dma_wait3A_479 = arith.constant 0 : i32
          %dma_wait3A_480 = arith.constant 0 : i32
          %dma_wait3A_481 = tpu.memref_slice %arg9[%cond3A_462, %dma_wait3A_479, %dma_wait3A_480] : memref<4x80x128xf32, #tpu.memory_space<vmem>> -> memref<1x80x128xf32, #tpu.memory_space<vmem>>
          %dma_wait3A_482 = tpu.memref_squeeze %dma_wait3A_481 : memref<1x80x128xf32, #tpu.memory_space<vmem>> -> memref<80x128xf32, #tpu.memory_space<vmem>>
          %dma_wait3A_483 = arith.constant 9680 : i32
          %dma_wait3A_484 = arith.constant 0 : i32
          %dma_wait3A_485 = tpu.memref_slice %arg10[%dma_wait3A_483, %dma_wait3A_484] : memref<10000x128xf32, #tpu.memory_space<vmem_shared>> -> memref<80x128xf32, #tpu.memory_space<vmem_shared>>
          %dma_wait3A_486 = arith.constant 9680 : i32
          %dma_wait3A_487 = arith.constant 0 : i32
          %dma_wait3A_488 = tpu.memref_slice %arg10[%dma_wait3A_486, %dma_wait3A_487] : memref<10000x128xf32, #tpu.memory_space<vmem_shared>> -> memref<80x128xf32, #tpu.memory_space<vmem_shared>>
          %dma_wait3A_489 = arith.constant 0 : i32
          %dma_wait3A_490 = arith.constant 0 : i32
          %dma_wait3A_491 = tpu.memref_slice %arg9[%cond3A_462, %dma_wait3A_489, %dma_wait3A_490] : memref<4x80x128xf32, #tpu.memory_space<vmem>> -> memref<1x80x128xf32, #tpu.memory_space<vmem>>
          %dma_wait3A_492 = tpu.memref_squeeze %dma_wait3A_491 : memref<1x80x128xf32, #tpu.memory_space<vmem>> -> memref<80x128xf32, #tpu.memory_space<vmem>>
          tpu.wait_dma2 semaphore(%run_scoped3A : memref<!tpu.dma_semaphore, #tpu.memory_space<semaphore_mem>>) src(%dma_wait3A_492 : memref<80x128xf32, #tpu.memory_space<vmem>>) dst(%dma_wait3A_488 : memref<80x128xf32, #tpu.memory_space<vmem_shared>>)
          tpu.yield
        }) : () -> ()
        "tpu.region"() ({
          %run_scoped3A = tpu.sem_alloc : memref<!tpu.dma_semaphore, #tpu.memory_space<semaphore_mem>>
          %dma_start3A_465 = arith.constant 0 : i32
          %dma_start3A_466 = arith.constant 0 : i32
          %dma_start3A_467 = tpu.memref_slice %arg9[%cond3A_462, %dma_start3A_465, %dma_start3A_466] : memref<4x80x128xf32, #tpu.memory_space<vmem>> -> memref<1x80x128xf32, #tpu.memory_space<vmem>>
          %dma_start3A_468 = tpu.memref_squeeze %dma_start3A_467 : memref<1x80x128xf32, #tpu.memory_space<vmem>> -> memref<80x128xf32, #tpu.memory_space<vmem>>
          %dma_start3A_469 = arith.constant 9760 : i32
          %dma_start3A_470 = arith.constant 0 : i32
          %dma_start3A_471 = tpu.memref_slice %arg10[%dma_start3A_469, %dma_start3A_470] : memref<10000x128xf32, #tpu.memory_space<vmem_shared>> -> memref<80x128xf32, #tpu.memory_space<vmem_shared>>
          %dma_start3A_472 = arith.constant 9760 : i32
          %dma_start3A_473 = arith.constant 0 : i32
          %dma_start3A_474 = tpu.memref_slice %arg10[%dma_start3A_472, %dma_start3A_473] : memref<10000x128xf32, #tpu.memory_space<vmem_shared>> -> memref<80x128xf32, #tpu.memory_space<vmem_shared>>
          %dma_start3A_475 = arith.constant 0 : i32
          %dma_start3A_476 = arith.constant 0 : i32
          %dma_start3A_477 = tpu.memref_slice %arg9[%cond3A_462, %dma_start3A_475, %dma_start3A_476] : memref<4x80x128xf32, #tpu.memory_space<vmem>> -> memref<1x80x128xf32, #tpu.memory_space<vmem>>
          %dma_start3A_478 = tpu.memref_squeeze %dma_start3A_477 : memref<1x80x128xf32, #tpu.memory_space<vmem>> -> memref<80x128xf32, #tpu.memory_space<vmem>>
          tpu.enqueue_dma source(%dma_start3A_478 : memref<80x128xf32, #tpu.memory_space<vmem>>) target(%dma_start3A_474 : memref<80x128xf32, #tpu.memory_space<vmem_shared>>) target_semaphore(%run_scoped3A : memref<!tpu.dma_semaphore, #tpu.memory_space<semaphore_mem>>)
          %dma_wait3A_479 = arith.constant 0 : i32
          %dma_wait3A_480 = arith.constant 0 : i32
          %dma_wait3A_481 = tpu.memref_slice %arg9[%cond3A_462, %dma_wait3A_479, %dma_wait3A_480] : memref<4x80x128xf32, #tpu.memory_space<vmem>> -> memref<1x80x128xf32, #tpu.memory_space<vmem>>
          %dma_wait3A_482 = tpu.memref_squeeze %dma_wait3A_481 : memref<1x80x128xf32, #tpu.memory_space<vmem>> -> memref<80x128xf32, #tpu.memory_space<vmem>>
          %dma_wait3A_483 = arith.constant 9760 : i32
          %dma_wait3A_484 = arith.constant 0 : i32
          %dma_wait3A_485 = tpu.memref_slice %arg10[%dma_wait3A_483, %dma_wait3A_484] : memref<10000x128xf32, #tpu.memory_space<vmem_shared>> -> memref<80x128xf32, #tpu.memory_space<vmem_shared>>
          %dma_wait3A_486 = arith.constant 9760 : i32
          %dma_wait3A_487 = arith.constant 0 : i32
          %dma_wait3A_488 = tpu.memref_slice %arg10[%dma_wait3A_486, %dma_wait3A_487] : memref<10000x128xf32, #tpu.memory_space<vmem_shared>> -> memref<80x128xf32, #tpu.memory_space<vmem_shared>>
          %dma_wait3A_489 = arith.constant 0 : i32
          %dma_wait3A_490 = arith.constant 0 : i32
          %dma_wait3A_491 = tpu.memref_slice %arg9[%cond3A_462, %dma_wait3A_489, %dma_wait3A_490] : memref<4x80x128xf32, #tpu.memory_space<vmem>> -> memref<1x80x128xf32, #tpu.memory_space<vmem>>
          %dma_wait3A_492 = tpu.memref_squeeze %dma_wait3A_491 : memref<1x80x128xf32, #tpu.memory_space<vmem>> -> memref<80x128xf32, #tpu.memory_space<vmem>>
          tpu.wait_dma2 semaphore(%run_scoped3A : memref<!tpu.dma_semaphore, #tpu.memory_space<semaphore_mem>>) src(%dma_wait3A_492 : memref<80x128xf32, #tpu.memory_space<vmem>>) dst(%dma_wait3A_488 : memref<80x128xf32, #tpu.memory_space<vmem_shared>>)
          tpu.yield
        }) : () -> ()
        "tpu.region"() ({
          %run_scoped3A = tpu.sem_alloc : memref<!tpu.dma_semaphore, #tpu.memory_space<semaphore_mem>>
          %dma_start3A_465 = arith.constant 0 : i32
          %dma_start3A_466 = arith.constant 0 : i32
          %dma_start3A_467 = tpu.memref_slice %arg9[%cond3A_462, %dma_start3A_465, %dma_start3A_466] : memref<4x80x128xf32, #tpu.memory_space<vmem>> -> memref<1x80x128xf32, #tpu.memory_space<vmem>>
          %dma_start3A_468 = tpu.memref_squeeze %dma_start3A_467 : memref<1x80x128xf32, #tpu.memory_space<vmem>> -> memref<80x128xf32, #tpu.memory_space<vmem>>
          %dma_start3A_469 = arith.constant 9840 : i32
          %dma_start3A_470 = arith.constant 0 : i32
          %dma_start3A_471 = tpu.memref_slice %arg10[%dma_start3A_469, %dma_start3A_470] : memref<10000x128xf32, #tpu.memory_space<vmem_shared>> -> memref<80x128xf32, #tpu.memory_space<vmem_shared>>
          %dma_start3A_472 = arith.constant 9840 : i32
          %dma_start3A_473 = arith.constant 0 : i32
          %dma_start3A_474 = tpu.memref_slice %arg10[%dma_start3A_472, %dma_start3A_473] : memref<10000x128xf32, #tpu.memory_space<vmem_shared>> -> memref<80x128xf32, #tpu.memory_space<vmem_shared>>
          %dma_start3A_475 = arith.constant 0 : i32
          %dma_start3A_476 = arith.constant 0 : i32
          %dma_start3A_477 = tpu.memref_slice %arg9[%cond3A_462, %dma_start3A_475, %dma_start3A_476] : memref<4x80x128xf32, #tpu.memory_space<vmem>> -> memref<1x80x128xf32, #tpu.memory_space<vmem>>
          %dma_start3A_478 = tpu.memref_squeeze %dma_start3A_477 : memref<1x80x128xf32, #tpu.memory_space<vmem>> -> memref<80x128xf32, #tpu.memory_space<vmem>>
          tpu.enqueue_dma source(%dma_start3A_478 : memref<80x128xf32, #tpu.memory_space<vmem>>) target(%dma_start3A_474 : memref<80x128xf32, #tpu.memory_space<vmem_shared>>) target_semaphore(%run_scoped3A : memref<!tpu.dma_semaphore, #tpu.memory_space<semaphore_mem>>)
          %dma_wait3A_479 = arith.constant 0 : i32
          %dma_wait3A_480 = arith.constant 0 : i32
          %dma_wait3A_481 = tpu.memref_slice %arg9[%cond3A_462, %dma_wait3A_479, %dma_wait3A_480] : memref<4x80x128xf32, #tpu.memory_space<vmem>> -> memref<1x80x128xf32, #tpu.memory_space<vmem>>
          %dma_wait3A_482 = tpu.memref_squeeze %dma_wait3A_481 : memref<1x80x128xf32, #tpu.memory_space<vmem>> -> memref<80x128xf32, #tpu.memory_space<vmem>>
          %dma_wait3A_483 = arith.constant 9840 : i32
          %dma_wait3A_484 = arith.constant 0 : i32
          %dma_wait3A_485 = tpu.memref_slice %arg10[%dma_wait3A_483, %dma_wait3A_484] : memref<10000x128xf32, #tpu.memory_space<vmem_shared>> -> memref<80x128xf32, #tpu.memory_space<vmem_shared>>
          %dma_wait3A_486 = arith.constant 9840 : i32
          %dma_wait3A_487 = arith.constant 0 : i32
          %dma_wait3A_488 = tpu.memref_slice %arg10[%dma_wait3A_486, %dma_wait3A_487] : memref<10000x128xf32, #tpu.memory_space<vmem_shared>> -> memref<80x128xf32, #tpu.memory_space<vmem_shared>>
          %dma_wait3A_489 = arith.constant 0 : i32
          %dma_wait3A_490 = arith.constant 0 : i32
          %dma_wait3A_491 = tpu.memref_slice %arg9[%cond3A_462, %dma_wait3A_489, %dma_wait3A_490] : memref<4x80x128xf32, #tpu.memory_space<vmem>> -> memref<1x80x128xf32, #tpu.memory_space<vmem>>
          %dma_wait3A_492 = tpu.memref_squeeze %dma_wait3A_491 : memref<1x80x128xf32, #tpu.memory_space<vmem>> -> memref<80x128xf32, #tpu.memory_space<vmem>>
          tpu.wait_dma2 semaphore(%run_scoped3A : memref<!tpu.dma_semaphore, #tpu.memory_space<semaphore_mem>>) src(%dma_wait3A_492 : memref<80x128xf32, #tpu.memory_space<vmem>>) dst(%dma_wait3A_488 : memref<80x128xf32, #tpu.memory_space<vmem_shared>>)
          tpu.yield
        }) : () -> ()
        "tpu.region"() ({
          %run_scoped3A = tpu.sem_alloc : memref<!tpu.dma_semaphore, #tpu.memory_space<semaphore_mem>>
          %dma_start3A_465 = arith.constant 0 : i32
          %dma_start3A_466 = arith.constant 0 : i32
          %dma_start3A_467 = tpu.memref_slice %arg9[%cond3A_462, %dma_start3A_465, %dma_start3A_466] : memref<4x80x128xf32, #tpu.memory_space<vmem>> -> memref<1x80x128xf32, #tpu.memory_space<vmem>>
          %dma_start3A_468 = tpu.memref_squeeze %dma_start3A_467 : memref<1x80x128xf32, #tpu.memory_space<vmem>> -> memref<80x128xf32, #tpu.memory_space<vmem>>
          %dma_start3A_469 = arith.constant 9920 : i32
          %dma_start3A_470 = arith.constant 0 : i32
          %dma_start3A_471 = tpu.memref_slice %arg10[%dma_start3A_469, %dma_start3A_470] : memref<10000x128xf32, #tpu.memory_space<vmem_shared>> -> memref<80x128xf32, #tpu.memory_space<vmem_shared>>
          %dma_start3A_472 = arith.constant 9920 : i32
          %dma_start3A_473 = arith.constant 0 : i32
          %dma_start3A_474 = tpu.memref_slice %arg10[%dma_start3A_472, %dma_start3A_473] : memref<10000x128xf32, #tpu.memory_space<vmem_shared>> -> memref<80x128xf32, #tpu.memory_space<vmem_shared>>
          %dma_start3A_475 = arith.constant 0 : i32
          %dma_start3A_476 = arith.constant 0 : i32
          %dma_start3A_477 = tpu.memref_slice %arg9[%cond3A_462, %dma_start3A_475, %dma_start3A_476] : memref<4x80x128xf32, #tpu.memory_space<vmem>> -> memref<1x80x128xf32, #tpu.memory_space<vmem>>
          %dma_start3A_478 = tpu.memref_squeeze %dma_start3A_477 : memref<1x80x128xf32, #tpu.memory_space<vmem>> -> memref<80x128xf32, #tpu.memory_space<vmem>>
          tpu.enqueue_dma source(%dma_start3A_478 : memref<80x128xf32, #tpu.memory_space<vmem>>) target(%dma_start3A_474 : memref<80x128xf32, #tpu.memory_space<vmem_shared>>) target_semaphore(%run_scoped3A : memref<!tpu.dma_semaphore, #tpu.memory_space<semaphore_mem>>)
          %dma_wait3A_479 = arith.constant 0 : i32
          %dma_wait3A_480 = arith.constant 0 : i32
          %dma_wait3A_481 = tpu.memref_slice %arg9[%cond3A_462, %dma_wait3A_479, %dma_wait3A_480] : memref<4x80x128xf32, #tpu.memory_space<vmem>> -> memref<1x80x128xf32, #tpu.memory_space<vmem>>
          %dma_wait3A_482 = tpu.memref_squeeze %dma_wait3A_481 : memref<1x80x128xf32, #tpu.memory_space<vmem>> -> memref<80x128xf32, #tpu.memory_space<vmem>>
          %dma_wait3A_483 = arith.constant 9920 : i32
          %dma_wait3A_484 = arith.constant 0 : i32
          %dma_wait3A_485 = tpu.memref_slice %arg10[%dma_wait3A_483, %dma_wait3A_484] : memref<10000x128xf32, #tpu.memory_space<vmem_shared>> -> memref<80x128xf32, #tpu.memory_space<vmem_shared>>
          %dma_wait3A_486 = arith.constant 9920 : i32
          %dma_wait3A_487 = arith.constant 0 : i32
          %dma_wait3A_488 = tpu.memref_slice %arg10[%dma_wait3A_486, %dma_wait3A_487] : memref<10000x128xf32, #tpu.memory_space<vmem_shared>> -> memref<80x128xf32, #tpu.memory_space<vmem_shared>>
          %dma_wait3A_489 = arith.constant 0 : i32
          %dma_wait3A_490 = arith.constant 0 : i32
          %dma_wait3A_491 = tpu.memref_slice %arg9[%cond3A_462, %dma_wait3A_489, %dma_wait3A_490] : memref<4x80x128xf32, #tpu.memory_space<vmem>> -> memref<1x80x128xf32, #tpu.memory_space<vmem>>
          %dma_wait3A_492 = tpu.memref_squeeze %dma_wait3A_491 : memref<1x80x128xf32, #tpu.memory_space<vmem>> -> memref<80x128xf32, #tpu.memory_space<vmem>>
          tpu.wait_dma2 semaphore(%run_scoped3A : memref<!tpu.dma_semaphore, #tpu.memory_space<semaphore_mem>>) src(%dma_wait3A_492 : memref<80x128xf32, #tpu.memory_space<vmem>>) dst(%dma_wait3A_488 : memref<80x128xf32, #tpu.memory_space<vmem_shared>>)
          tpu.yield
        }) : () -> ()
      } else {
      }
    } else {
    }
    %barrier3A = arith.constant 0 : index
    tpu.barrier barrier_id(%barrier3A)
    %add3A_12 = arith.constant 0 : i32
    %add3A_13 = arith.addi %mul3A_2, %add3A_12 : i32
    %dma_start3A = arith.constant 0 : i32
    %dma_start3A_14 = arith.constant 0 : i32
    %dma_start3A_15 = arith.constant 0 : i32
    %dma_start3A_16 = tpu.memref_slice %arg3[%add3A_13, %dma_start3A_14, %dma_start3A_15] : memref<4000x2x80xi32, #tpu.memory_space<hbm>> -> memref<1x2x80xi32, #tpu.memory_space<hbm>>
    %dma_start3A_17 = tpu.memref_squeeze %dma_start3A_16 : memref<1x2x80xi32, #tpu.memory_space<hbm>> -> memref<2x80xi32, #tpu.memory_space<hbm>>
    %dma_start3A_18 = tpu.memref_slice %arg11[%dma_start3A] : memref<4x!tpu.dma_semaphore, #tpu.memory_space<semaphore_mem>> -> memref<1x!tpu.dma_semaphore, #tpu.memory_space<semaphore_mem>>
    %dma_start3A_19 = tpu.memref_squeeze %dma_start3A_18 : memref<1x!tpu.dma_semaphore, #tpu.memory_space<semaphore_mem>> -> memref<!tpu.dma_semaphore, #tpu.memory_space<semaphore_mem>>
    %dma_start3A_20 = arith.constant 0 : i32
    %dma_start3A_21 = arith.constant 0 : i32
    %dma_start3A_22 = tpu.memref_slice %arg3[%add3A_13, %dma_start3A_20, %dma_start3A_21] : memref<4000x2x80xi32, #tpu.memory_space<hbm>> -> memref<1x2x80xi32, #tpu.memory_space<hbm>>
    %dma_start3A_23 = tpu.memref_squeeze %dma_start3A_22 : memref<1x2x80xi32, #tpu.memory_space<hbm>> -> memref<2x80xi32, #tpu.memory_space<hbm>>
    tpu.enqueue_dma source(%dma_start3A_23 : memref<2x80xi32, #tpu.memory_space<hbm>>) target(%arg5 : memref<2x80xi32, #tpu.memory_space<vmem>>) target_semaphore(%dma_start3A_19 : memref<!tpu.dma_semaphore, #tpu.memory_space<semaphore_mem>>)
    %add3A_24 = arith.constant 1 : i32
    %add3A_25 = arith.addi %mul3A_2, %add3A_24 : i32
    %dma_start3A_26 = arith.constant 1 : i32
    %dma_start3A_27 = arith.constant 0 : i32
    %dma_start3A_28 = arith.constant 0 : i32
    %dma_start3A_29 = tpu.memref_slice %arg3[%add3A_25, %dma_start3A_27, %dma_start3A_28] : memref<4000x2x80xi32, #tpu.memory_space<hbm>> -> memref<1x2x80xi32, #tpu.memory_space<hbm>>
    %dma_start3A_30 = tpu.memref_squeeze %dma_start3A_29 : memref<1x2x80xi32, #tpu.memory_space<hbm>> -> memref<2x80xi32, #tpu.memory_space<hbm>>
    %dma_start3A_31 = tpu.memref_slice %arg11[%dma_start3A_26] : memref<4x!tpu.dma_semaphore, #tpu.memory_space<semaphore_mem>> -> memref<1x!tpu.dma_semaphore, #tpu.memory_space<semaphore_mem>>
    %dma_start3A_32 = tpu.memref_squeeze %dma_start3A_31 : memref<1x!tpu.dma_semaphore, #tpu.memory_space<semaphore_mem>> -> memref<!tpu.dma_semaphore, #tpu.memory_space<semaphore_mem>>
    %dma_start3A_33 = arith.constant 0 : i32
    %dma_start3A_34 = arith.constant 0 : i32
    %dma_start3A_35 = tpu.memref_slice %arg3[%add3A_25, %dma_start3A_33, %dma_start3A_34] : memref<4000x2x80xi32, #tpu.memory_space<hbm>> -> memref<1x2x80xi32, #tpu.memory_space<hbm>>
    %dma_start3A_36 = tpu.memref_squeeze %dma_start3A_35 : memref<1x2x80xi32, #tpu.memory_space<hbm>> -> memref<2x80xi32, #tpu.memory_space<hbm>>
    tpu.enqueue_dma source(%dma_start3A_36 : memref<2x80xi32, #tpu.memory_space<hbm>>) target(%arg6 : memref<2x80xi32, #tpu.memory_space<vmem>>) target_semaphore(%dma_start3A_32 : memref<!tpu.dma_semaphore, #tpu.memory_space<semaphore_mem>>)
    %dma_wait3A = arith.constant 0 : i32
    %dma_wait3A_37 = arith.constant 0 : i32
    %dma_wait3A_38 = arith.constant 0 : i32
    %dma_wait3A_39 = tpu.memref_slice %arg3[%mul3A_2, %dma_wait3A_37, %dma_wait3A_38] : memref<4000x2x80xi32, #tpu.memory_space<hbm>> -> memref<1x2x80xi32, #tpu.memory_space<hbm>>
    %dma_wait3A_40 = tpu.memref_squeeze %dma_wait3A_39 : memref<1x2x80xi32, #tpu.memory_space<hbm>> -> memref<2x80xi32, #tpu.memory_space<hbm>>
    %dma_wait3A_41 = tpu.memref_slice %arg11[%dma_wait3A] : memref<4x!tpu.dma_semaphore, #tpu.memory_space<semaphore_mem>> -> memref<1x!tpu.dma_semaphore, #tpu.memory_space<semaphore_mem>>
    %dma_wait3A_42 = tpu.memref_squeeze %dma_wait3A_41 : memref<1x!tpu.dma_semaphore, #tpu.memory_space<semaphore_mem>> -> memref<!tpu.dma_semaphore, #tpu.memory_space<semaphore_mem>>
    %dma_wait3A_43 = arith.constant 0 : i32
    %dma_wait3A_44 = arith.constant 0 : i32
    %dma_wait3A_45 = tpu.memref_slice %arg3[%mul3A_2, %dma_wait3A_43, %dma_wait3A_44] : memref<4000x2x80xi32, #tpu.memory_space<hbm>> -> memref<1x2x80xi32, #tpu.memory_space<hbm>>
    %dma_wait3A_46 = tpu.memref_squeeze %dma_wait3A_45 : memref<1x2x80xi32, #tpu.memory_space<hbm>> -> memref<2x80xi32, #tpu.memory_space<hbm>>
    tpu.wait_dma2 semaphore(%dma_wait3A_42 : memref<!tpu.dma_semaphore, #tpu.memory_space<semaphore_mem>>) src(%dma_wait3A_46 : memref<2x80xi32, #tpu.memory_space<hbm>>) dst(%arg5 : memref<2x80xi32, #tpu.memory_space<vmem>>)
    %dma_start3A_47 = arith.constant 0 : i32
    %dma_start3A_48 = arith.constant 0 : i32
    %dma_start3A_49 = arith.constant 0 : i32
    %dma_start3A_50 = arith.constant 0 : i32
    %dma_start3A_51 = arith.constant 0 : i32
    %dma_start3A_52 = tpu.memref_slice %arg9[%dma_start3A_48, %dma_start3A_50, %dma_start3A_51] : memref<4x80x128xf32, #tpu.memory_space<vmem>> -> memref<1x80x128xf32, #tpu.memory_space<vmem>>
    %dma_start3A_53 = tpu.memref_squeeze %dma_start3A_52 : memref<1x80x128xf32, #tpu.memory_space<vmem>> -> memref<80x128xf32, #tpu.memory_space<vmem>>
    %dma_start3A_54 = arith.constant 0 : i32
    %dma_start3A_55 = tpu.memref_slice %arg5[%dma_start3A_47, %dma_start3A_54] : memref<2x80xi32, #tpu.memory_space<vmem>> -> memref<1x80xi32, #tpu.memory_space<vmem>>
    %dma_start3A_56 = tpu.memref_squeeze %dma_start3A_55 : memref<1x80xi32, #tpu.memory_space<vmem>> -> memref<80xi32, #tpu.memory_space<vmem>>
    %dma_start3A_57 = arith.constant 0 : i32
    %dma_start3A_58 = arith.constant 0 : i32
    %dma_start3A_59 = tpu.memref_slice %arg2[%dma_start3A_57, %dma_start3A_58] : memref<10000x128xf32, #tpu.memory_space<hbm>> -> memref<10000x128xf32, #tpu.memory_space<hbm>>
    %dma_start3A_60 = tpu.memref_slice %arg12[%dma_start3A_49] : memref<4x!tpu.dma_semaphore, #tpu.memory_space<semaphore_mem>> -> memref<1x!tpu.dma_semaphore, #tpu.memory_space<semaphore_mem>>
    %dma_start3A_61 = tpu.memref_squeeze %dma_start3A_60 : memref<1x!tpu.dma_semaphore, #tpu.memory_space<semaphore_mem>> -> memref<!tpu.dma_semaphore, #tpu.memory_space<semaphore_mem>>
    tpu.enqueue_indirect_dma source(%dma_start3A_59 : memref<10000x128xf32, #tpu.memory_space<hbm>>) target(%dma_start3A_53 : memref<80x128xf32, #tpu.memory_space<vmem>>) offsets(%dma_start3A_56 : memref<80xi32, #tpu.memory_space<vmem>>) semaphore(%dma_start3A_61 : memref<!tpu.dma_semaphore, #tpu.memory_space<semaphore_mem>>)
    %add3A_62 = arith.constant 2 : i32
    %add3A_63 = arith.addi %mul3A_2, %add3A_62 : i32
    %dma_start3A_64 = arith.constant 2 : i32
    %dma_start3A_65 = arith.constant 0 : i32
    %dma_start3A_66 = arith.constant 0 : i32
    %dma_start3A_67 = tpu.memref_slice %arg3[%add3A_63, %dma_start3A_65, %dma_start3A_66] : memref<4000x2x80xi32, #tpu.memory_space<hbm>> -> memref<1x2x80xi32, #tpu.memory_space<hbm>>
    %dma_start3A_68 = tpu.memref_squeeze %dma_start3A_67 : memref<1x2x80xi32, #tpu.memory_space<hbm>> -> memref<2x80xi32, #tpu.memory_space<hbm>>
    %dma_start3A_69 = tpu.memref_slice %arg11[%dma_start3A_64] : memref<4x!tpu.dma_semaphore, #tpu.memory_space<semaphore_mem>> -> memref<1x!tpu.dma_semaphore, #tpu.memory_space<semaphore_mem>>
    %dma_start3A_70 = tpu.memref_squeeze %dma_start3A_69 : memref<1x!tpu.dma_semaphore, #tpu.memory_space<semaphore_mem>> -> memref<!tpu.dma_semaphore, #tpu.memory_space<semaphore_mem>>
    %dma_start3A_71 = arith.constant 0 : i32
    %dma_start3A_72 = arith.constant 0 : i32
    %dma_start3A_73 = tpu.memref_slice %arg3[%add3A_63, %dma_start3A_71, %dma_start3A_72] : memref<4000x2x80xi32, #tpu.memory_space<hbm>> -> memref<1x2x80xi32, #tpu.memory_space<hbm>>
    %dma_start3A_74 = tpu.memref_squeeze %dma_start3A_73 : memref<1x2x80xi32, #tpu.memory_space<hbm>> -> memref<2x80xi32, #tpu.memory_space<hbm>>
    tpu.enqueue_dma source(%dma_start3A_74 : memref<2x80xi32, #tpu.memory_space<hbm>>) target(%arg7 : memref<2x80xi32, #tpu.memory_space<vmem>>) target_semaphore(%dma_start3A_70 : memref<!tpu.dma_semaphore, #tpu.memory_space<semaphore_mem>>)
    %dma_wait3A_75 = arith.constant 1 : i32
    %dma_wait3A_76 = arith.constant 0 : i32
    %dma_wait3A_77 = arith.constant 0 : i32
    %dma_wait3A_78 = tpu.memref_slice %arg3[%mul3A_2, %dma_wait3A_76, %dma_wait3A_77] : memref<4000x2x80xi32, #tpu.memory_space<hbm>> -> memref<1x2x80xi32, #tpu.memory_space<hbm>>
    %dma_wait3A_79 = tpu.memref_squeeze %dma_wait3A_78 : memref<1x2x80xi32, #tpu.memory_space<hbm>> -> memref<2x80xi32, #tpu.memory_space<hbm>>
    %dma_wait3A_80 = tpu.memref_slice %arg11[%dma_wait3A_75] : memref<4x!tpu.dma_semaphore, #tpu.memory_space<semaphore_mem>> -> memref<1x!tpu.dma_semaphore, #tpu.memory_space<semaphore_mem>>
    %dma_wait3A_81 = tpu.memref_squeeze %dma_wait3A_80 : memref<1x!tpu.dma_semaphore, #tpu.memory_space<semaphore_mem>> -> memref<!tpu.dma_semaphore, #tpu.memory_space<semaphore_mem>>
    %dma_wait3A_82 = arith.constant 0 : i32
    %dma_wait3A_83 = arith.constant 0 : i32
    %dma_wait3A_84 = tpu.memref_slice %arg3[%mul3A_2, %dma_wait3A_82, %dma_wait3A_83] : memref<4000x2x80xi32, #tpu.memory_space<hbm>> -> memref<1x2x80xi32, #tpu.memory_space<hbm>>
    %dma_wait3A_85 = tpu.memref_squeeze %dma_wait3A_84 : memref<1x2x80xi32, #tpu.memory_space<hbm>> -> memref<2x80xi32, #tpu.memory_space<hbm>>
    tpu.wait_dma2 semaphore(%dma_wait3A_81 : memref<!tpu.dma_semaphore, #tpu.memory_space<semaphore_mem>>) src(%dma_wait3A_85 : memref<2x80xi32, #tpu.memory_space<hbm>>) dst(%arg6 : memref<2x80xi32, #tpu.memory_space<vmem>>)
    %dma_start3A_86 = arith.constant 0 : i32
    %dma_start3A_87 = arith.constant 1 : i32
    %dma_start3A_88 = arith.constant 1 : i32
    %dma_start3A_89 = arith.constant 0 : i32
    %dma_start3A_90 = arith.constant 0 : i32
    %dma_start3A_91 = tpu.memref_slice %arg9[%dma_start3A_87, %dma_start3A_89, %dma_start3A_90] : memref<4x80x128xf32, #tpu.memory_space<vmem>> -> memref<1x80x128xf32, #tpu.memory_space<vmem>>
    %dma_start3A_92 = tpu.memref_squeeze %dma_start3A_91 : memref<1x80x128xf32, #tpu.memory_space<vmem>> -> memref<80x128xf32, #tpu.memory_space<vmem>>
    %dma_start3A_93 = arith.constant 0 : i32
    %dma_start3A_94 = tpu.memref_slice %arg6[%dma_start3A_86, %dma_start3A_93] : memref<2x80xi32, #tpu.memory_space<vmem>> -> memref<1x80xi32, #tpu.memory_space<vmem>>
    %dma_start3A_95 = tpu.memref_squeeze %dma_start3A_94 : memref<1x80xi32, #tpu.memory_space<vmem>> -> memref<80xi32, #tpu.memory_space<vmem>>
    %dma_start3A_96 = arith.constant 0 : i32
    %dma_start3A_97 = arith.constant 0 : i32
    %dma_start3A_98 = tpu.memref_slice %arg2[%dma_start3A_96, %dma_start3A_97] : memref<10000x128xf32, #tpu.memory_space<hbm>> -> memref<10000x128xf32, #tpu.memory_space<hbm>>
    %dma_start3A_99 = tpu.memref_slice %arg12[%dma_start3A_88] : memref<4x!tpu.dma_semaphore, #tpu.memory_space<semaphore_mem>> -> memref<1x!tpu.dma_semaphore, #tpu.memory_space<semaphore_mem>>
    %dma_start3A_100 = tpu.memref_squeeze %dma_start3A_99 : memref<1x!tpu.dma_semaphore, #tpu.memory_space<semaphore_mem>> -> memref<!tpu.dma_semaphore, #tpu.memory_space<semaphore_mem>>
    tpu.enqueue_indirect_dma source(%dma_start3A_98 : memref<10000x128xf32, #tpu.memory_space<hbm>>) target(%dma_start3A_92 : memref<80x128xf32, #tpu.memory_space<vmem>>) offsets(%dma_start3A_95 : memref<80xi32, #tpu.memory_space<vmem>>) semaphore(%dma_start3A_100 : memref<!tpu.dma_semaphore, #tpu.memory_space<semaphore_mem>>)
    %dma_wait3A_101 = arith.constant 0 : i32
    %dma_wait3A_102 = arith.constant 0 : i32
    %dma_wait3A_103 = arith.constant 0 : i32
    %dma_wait3A_104 = arith.constant 0 : i32
    %dma_wait3A_105 = arith.constant 0 : i32
    %dma_wait3A_106 = tpu.memref_slice %arg9[%dma_wait3A_102, %dma_wait3A_104, %dma_wait3A_105] : memref<4x80x128xf32, #tpu.memory_space<vmem>> -> memref<1x80x128xf32, #tpu.memory_space<vmem>>
    %dma_wait3A_107 = tpu.memref_squeeze %dma_wait3A_106 : memref<1x80x128xf32, #tpu.memory_space<vmem>> -> memref<80x128xf32, #tpu.memory_space<vmem>>
    %dma_wait3A_108 = arith.constant 0 : i32
    %dma_wait3A_109 = tpu.memref_slice %arg5[%dma_wait3A_101, %dma_wait3A_108] : memref<2x80xi32, #tpu.memory_space<vmem>> -> memref<1x80xi32, #tpu.memory_space<vmem>>
    %dma_wait3A_110 = tpu.memref_squeeze %dma_wait3A_109 : memref<1x80xi32, #tpu.memory_space<vmem>> -> memref<80xi32, #tpu.memory_space<vmem>>
    %dma_wait3A_111 = arith.constant 0 : i32
    %dma_wait3A_112 = arith.constant 0 : i32
    %dma_wait3A_113 = tpu.memref_slice %arg2[%dma_wait3A_111, %dma_wait3A_112] : memref<10000x128xf32, #tpu.memory_space<hbm>> -> memref<10000x128xf32, #tpu.memory_space<hbm>>
    %dma_wait3A_114 = tpu.memref_slice %arg12[%dma_wait3A_103] : memref<4x!tpu.dma_semaphore, #tpu.memory_space<semaphore_mem>> -> memref<1x!tpu.dma_semaphore, #tpu.memory_space<semaphore_mem>>
    %dma_wait3A_115 = tpu.memref_squeeze %dma_wait3A_114 : memref<1x!tpu.dma_semaphore, #tpu.memory_space<semaphore_mem>> -> memref<!tpu.dma_semaphore, #tpu.memory_space<semaphore_mem>>
    tpu.wait_indirect_dma semaphore(%dma_wait3A_115 : memref<!tpu.dma_semaphore, #tpu.memory_space<semaphore_mem>>) src(%dma_wait3A_113 : memref<10000x128xf32, #tpu.memory_space<hbm>>) dst(%dma_wait3A_107 : memref<80x128xf32, #tpu.memory_space<vmem>>)
    %dma_start3A_116 = arith.constant 0 : i32
    %dma_start3A_117 = arith.constant 1 : i32
    %dma_start3A_118 = arith.constant 0 : i32
    %dma_start3A_119 = arith.constant 0 : i32
    %dma_start3A_120 = arith.constant 0 : i32
    %dma_start3A_121 = tpu.memref_slice %arg9[%dma_start3A_116, %dma_start3A_119, %dma_start3A_120] : memref<4x80x128xf32, #tpu.memory_space<vmem>> -> memref<1x80x128xf32, #tpu.memory_space<vmem>>
    %dma_start3A_122 = tpu.memref_squeeze %dma_start3A_121 : memref<1x80x128xf32, #tpu.memory_space<vmem>> -> memref<80x128xf32, #tpu.memory_space<vmem>>
    %dma_start3A_123 = arith.constant 0 : i32
    %dma_start3A_124 = tpu.memref_slice %arg5[%dma_start3A_117, %dma_start3A_123] : memref<2x80xi32, #tpu.memory_space<vmem>> -> memref<1x80xi32, #tpu.memory_space<vmem>>
    %dma_start3A_125 = tpu.memref_squeeze %dma_start3A_124 : memref<1x80xi32, #tpu.memory_space<vmem>> -> memref<80xi32, #tpu.memory_space<vmem>>
    %dma_start3A_126 = arith.constant 0 : i32
    %dma_start3A_127 = arith.constant 0 : i32
    %dma_start3A_128 = tpu.memref_slice %arg10[%dma_start3A_126, %dma_start3A_127] : memref<10000x128xf32, #tpu.memory_space<vmem_shared>> -> memref<10000x128xf32, #tpu.memory_space<vmem_shared>>
    %dma_start3A_129 = tpu.memref_slice %arg13[%dma_start3A_118] : memref<4x!tpu.dma_semaphore, #tpu.memory_space<semaphore_mem>> -> memref<1x!tpu.dma_semaphore, #tpu.memory_space<semaphore_mem>>
    %dma_start3A_130 = tpu.memref_squeeze %dma_start3A_129 : memref<1x!tpu.dma_semaphore, #tpu.memory_space<semaphore_mem>> -> memref<!tpu.dma_semaphore, #tpu.memory_space<semaphore_mem>>
    tpu.enqueue_indirect_dma source(%dma_start3A_122 : memref<80x128xf32, #tpu.memory_space<vmem>>) target(%dma_start3A_128 : memref<10000x128xf32, #tpu.memory_space<vmem_shared>>) offsets(%dma_start3A_125 : memref<80xi32, #tpu.memory_space<vmem>>) semaphore(%dma_start3A_130 : memref<!tpu.dma_semaphore, #tpu.memory_space<semaphore_mem>>) {add = true}
    %add3A_131 = arith.constant 3 : i32
    %add3A_132 = arith.addi %mul3A_2, %add3A_131 : i32
    %dma_start3A_133 = arith.constant 3 : i32
    %dma_start3A_134 = arith.constant 0 : i32
    %dma_start3A_135 = arith.constant 0 : i32
    %dma_start3A_136 = tpu.memref_slice %arg3[%add3A_132, %dma_start3A_134, %dma_start3A_135] : memref<4000x2x80xi32, #tpu.memory_space<hbm>> -> memref<1x2x80xi32, #tpu.memory_space<hbm>>
    %dma_start3A_137 = tpu.memref_squeeze %dma_start3A_136 : memref<1x2x80xi32, #tpu.memory_space<hbm>> -> memref<2x80xi32, #tpu.memory_space<hbm>>
    %dma_start3A_138 = tpu.memref_slice %arg11[%dma_start3A_133] : memref<4x!tpu.dma_semaphore, #tpu.memory_space<semaphore_mem>> -> memref<1x!tpu.dma_semaphore, #tpu.memory_space<semaphore_mem>>
    %dma_start3A_139 = tpu.memref_squeeze %dma_start3A_138 : memref<1x!tpu.dma_semaphore, #tpu.memory_space<semaphore_mem>> -> memref<!tpu.dma_semaphore, #tpu.memory_space<semaphore_mem>>
    %dma_start3A_140 = arith.constant 0 : i32
    %dma_start3A_141 = arith.constant 0 : i32
    %dma_start3A_142 = tpu.memref_slice %arg3[%add3A_132, %dma_start3A_140, %dma_start3A_141] : memref<4000x2x80xi32, #tpu.memory_space<hbm>> -> memref<1x2x80xi32, #tpu.memory_space<hbm>>
    %dma_start3A_143 = tpu.memref_squeeze %dma_start3A_142 : memref<1x2x80xi32, #tpu.memory_space<hbm>> -> memref<2x80xi32, #tpu.memory_space<hbm>>
    tpu.enqueue_dma source(%dma_start3A_143 : memref<2x80xi32, #tpu.memory_space<hbm>>) target(%arg8 : memref<2x80xi32, #tpu.memory_space<vmem>>) target_semaphore(%dma_start3A_139 : memref<!tpu.dma_semaphore, #tpu.memory_space<semaphore_mem>>)
    %dma_wait3A_144 = arith.constant 2 : i32
    %dma_wait3A_145 = arith.constant 0 : i32
    %dma_wait3A_146 = arith.constant 0 : i32
    %dma_wait3A_147 = tpu.memref_slice %arg3[%mul3A_2, %dma_wait3A_145, %dma_wait3A_146] : memref<4000x2x80xi32, #tpu.memory_space<hbm>> -> memref<1x2x80xi32, #tpu.memory_space<hbm>>
    %dma_wait3A_148 = tpu.memref_squeeze %dma_wait3A_147 : memref<1x2x80xi32, #tpu.memory_space<hbm>> -> memref<2x80xi32, #tpu.memory_space<hbm>>
    %dma_wait3A_149 = tpu.memref_slice %arg11[%dma_wait3A_144] : memref<4x!tpu.dma_semaphore, #tpu.memory_space<semaphore_mem>> -> memref<1x!tpu.dma_semaphore, #tpu.memory_space<semaphore_mem>>
    %dma_wait3A_150 = tpu.memref_squeeze %dma_wait3A_149 : memref<1x!tpu.dma_semaphore, #tpu.memory_space<semaphore_mem>> -> memref<!tpu.dma_semaphore, #tpu.memory_space<semaphore_mem>>
    %dma_wait3A_151 = arith.constant 0 : i32
    %dma_wait3A_152 = arith.constant 0 : i32
    %dma_wait3A_153 = tpu.memref_slice %arg3[%mul3A_2, %dma_wait3A_151, %dma_wait3A_152] : memref<4000x2x80xi32, #tpu.memory_space<hbm>> -> memref<1x2x80xi32, #tpu.memory_space<hbm>>
    %dma_wait3A_154 = tpu.memref_squeeze %dma_wait3A_153 : memref<1x2x80xi32, #tpu.memory_space<hbm>> -> memref<2x80xi32, #tpu.memory_space<hbm>>
    tpu.wait_dma2 semaphore(%dma_wait3A_150 : memref<!tpu.dma_semaphore, #tpu.memory_space<semaphore_mem>>) src(%dma_wait3A_154 : memref<2x80xi32, #tpu.memory_space<hbm>>) dst(%arg7 : memref<2x80xi32, #tpu.memory_space<vmem>>)
    %dma_start3A_155 = arith.constant 0 : i32
    %dma_start3A_156 = arith.constant 2 : i32
    %dma_start3A_157 = arith.constant 2 : i32
    %dma_start3A_158 = arith.constant 0 : i32
    %dma_start3A_159 = arith.constant 0 : i32
    %dma_start3A_160 = tpu.memref_slice %arg9[%dma_start3A_156, %dma_start3A_158, %dma_start3A_159] : memref<4x80x128xf32, #tpu.memory_space<vmem>> -> memref<1x80x128xf32, #tpu.memory_space<vmem>>
    %dma_start3A_161 = tpu.memref_squeeze %dma_start3A_160 : memref<1x80x128xf32, #tpu.memory_space<vmem>> -> memref<80x128xf32, #tpu.memory_space<vmem>>
    %dma_start3A_162 = arith.constant 0 : i32
    %dma_start3A_163 = tpu.memref_slice %arg7[%dma_start3A_155, %dma_start3A_162] : memref<2x80xi32, #tpu.memory_space<vmem>> -> memref<1x80xi32, #tpu.memory_space<vmem>>
    %dma_start3A_164 = tpu.memref_squeeze %dma_start3A_163 : memref<1x80xi32, #tpu.memory_space<vmem>> -> memref<80xi32, #tpu.memory_space<vmem>>
    %dma_start3A_165 = arith.constant 0 : i32
    %dma_start3A_166 = arith.constant 0 : i32
    %dma_start3A_167 = tpu.memref_slice %arg2[%dma_start3A_165, %dma_start3A_166] : memref<10000x128xf32, #tpu.memory_space<hbm>> -> memref<10000x128xf32, #tpu.memory_space<hbm>>
    %dma_start3A_168 = tpu.memref_slice %arg12[%dma_start3A_157] : memref<4x!tpu.dma_semaphore, #tpu.memory_space<semaphore_mem>> -> memref<1x!tpu.dma_semaphore, #tpu.memory_space<semaphore_mem>>
    %dma_start3A_169 = tpu.memref_squeeze %dma_start3A_168 : memref<1x!tpu.dma_semaphore, #tpu.memory_space<semaphore_mem>> -> memref<!tpu.dma_semaphore, #tpu.memory_space<semaphore_mem>>
    tpu.enqueue_indirect_dma source(%dma_start3A_167 : memref<10000x128xf32, #tpu.memory_space<hbm>>) target(%dma_start3A_161 : memref<80x128xf32, #tpu.memory_space<vmem>>) offsets(%dma_start3A_164 : memref<80xi32, #tpu.memory_space<vmem>>) semaphore(%dma_start3A_169 : memref<!tpu.dma_semaphore, #tpu.memory_space<semaphore_mem>>)
    %dma_wait3A_170 = arith.constant 0 : i32
    %dma_wait3A_171 = arith.constant 1 : i32
    %dma_wait3A_172 = arith.constant 1 : i32
    %dma_wait3A_173 = arith.constant 0 : i32
    %dma_wait3A_174 = arith.constant 0 : i32
    %dma_wait3A_175 = tpu.memref_slice %arg9[%dma_wait3A_171, %dma_wait3A_173, %dma_wait3A_174] : memref<4x80x128xf32, #tpu.memory_space<vmem>> -> memref<1x80x128xf32, #tpu.memory_space<vmem>>
    %dma_wait3A_176 = tpu.memref_squeeze %dma_wait3A_175 : memref<1x80x128xf32, #tpu.memory_space<vmem>> -> memref<80x128xf32, #tpu.memory_space<vmem>>
    %dma_wait3A_177 = arith.constant 0 : i32
    %dma_wait3A_178 = tpu.memref_slice %arg6[%dma_wait3A_170, %dma_wait3A_177] : memref<2x80xi32, #tpu.memory_space<vmem>> -> memref<1x80xi32, #tpu.memory_space<vmem>>
    %dma_wait3A_179 = tpu.memref_squeeze %dma_wait3A_178 : memref<1x80xi32, #tpu.memory_space<vmem>> -> memref<80xi32, #tpu.memory_space<vmem>>
    %dma_wait3A_180 = arith.constant 0 : i32
    %dma_wait3A_181 = arith.constant 0 : i32
    %dma_wait3A_182 = tpu.memref_slice %arg2[%dma_wait3A_180, %dma_wait3A_181] : memref<10000x128xf32, #tpu.memory_space<hbm>> -> memref<10000x128xf32, #tpu.memory_space<hbm>>
    %dma_wait3A_183 = tpu.memref_slice %arg12[%dma_wait3A_172] : memref<4x!tpu.dma_semaphore, #tpu.memory_space<semaphore_mem>> -> memref<1x!tpu.dma_semaphore, #tpu.memory_space<semaphore_mem>>
    %dma_wait3A_184 = tpu.memref_squeeze %dma_wait3A_183 : memref<1x!tpu.dma_semaphore, #tpu.memory_space<semaphore_mem>> -> memref<!tpu.dma_semaphore, #tpu.memory_space<semaphore_mem>>
    tpu.wait_indirect_dma semaphore(%dma_wait3A_184 : memref<!tpu.dma_semaphore, #tpu.memory_space<semaphore_mem>>) src(%dma_wait3A_182 : memref<10000x128xf32, #tpu.memory_space<hbm>>) dst(%dma_wait3A_176 : memref<80x128xf32, #tpu.memory_space<vmem>>)
    %dma_start3A_185 = arith.constant 1 : i32
    %dma_start3A_186 = arith.constant 1 : i32
    %dma_start3A_187 = arith.constant 1 : i32
    %dma_start3A_188 = arith.constant 0 : i32
    %dma_start3A_189 = arith.constant 0 : i32
    %dma_start3A_190 = tpu.memref_slice %arg9[%dma_start3A_185, %dma_start3A_188, %dma_start3A_189] : memref<4x80x128xf32, #tpu.memory_space<vmem>> -> memref<1x80x128xf32, #tpu.memory_space<vmem>>
    %dma_start3A_191 = tpu.memref_squeeze %dma_start3A_190 : memref<1x80x128xf32, #tpu.memory_space<vmem>> -> memref<80x128xf32, #tpu.memory_space<vmem>>
    %dma_start3A_192 = arith.constant 0 : i32
    %dma_start3A_193 = tpu.memref_slice %arg6[%dma_start3A_186, %dma_start3A_192] : memref<2x80xi32, #tpu.memory_space<vmem>> -> memref<1x80xi32, #tpu.memory_space<vmem>>
    %dma_start3A_194 = tpu.memref_squeeze %dma_start3A_193 : memref<1x80xi32, #tpu.memory_space<vmem>> -> memref<80xi32, #tpu.memory_space<vmem>>
    %dma_start3A_195 = arith.constant 0 : i32
    %dma_start3A_196 = arith.constant 0 : i32
    %dma_start3A_197 = tpu.memref_slice %arg10[%dma_start3A_195, %dma_start3A_196] : memref<10000x128xf32, #tpu.memory_space<vmem_shared>> -> memref<10000x128xf32, #tpu.memory_space<vmem_shared>>
    %dma_start3A_198 = tpu.memref_slice %arg13[%dma_start3A_187] : memref<4x!tpu.dma_semaphore, #tpu.memory_space<semaphore_mem>> -> memref<1x!tpu.dma_semaphore, #tpu.memory_space<semaphore_mem>>
    %dma_start3A_199 = tpu.memref_squeeze %dma_start3A_198 : memref<1x!tpu.dma_semaphore, #tpu.memory_space<semaphore_mem>> -> memref<!tpu.dma_semaphore, #tpu.memory_space<semaphore_mem>>
    tpu.enqueue_indirect_dma source(%dma_start3A_191 : memref<80x128xf32, #tpu.memory_space<vmem>>) target(%dma_start3A_197 : memref<10000x128xf32, #tpu.memory_space<vmem_shared>>) offsets(%dma_start3A_194 : memref<80xi32, #tpu.memory_space<vmem>>) semaphore(%dma_start3A_199 : memref<!tpu.dma_semaphore, #tpu.memory_space<semaphore_mem>>) {add = true}
    %scan3A = arith.constant 0 : i32
    %scan3A_200 = arith.constant 0 : i32
    %scan3A_201 = arith.constant 30 : i32
    %scan3A_202 = arith.addi %scan3A_200, %scan3A_201 : i32
    %scan3A_203 = arith.constant 1 : i32
    scf.for %scan3A_445 = %scan3A_200 to %scan3A_202 step %scan3A_203  : i32 {
      %mul3A_446 = arith.constant 4 : i32
      %mul3A_447 = arith.muli %scan3A_445, %mul3A_446 : i32
      %add3A_448 = arith.constant 2 : i32
      %add3A_449 = arith.addi %add3A_448, %mul3A_447 : i32
      %add3A_450 = arith.constant 0 : i32
      %add3A_451 = arith.addi %add3A_449, %add3A_450 : i32
      %dma_wait3A_452 = arith.constant 0 : i32
      %dma_wait3A_453 = arith.constant 1 : i32
      %dma_wait3A_454 = arith.constant 0 : i32
      %dma_wait3A_455 = arith.constant 0 : i32
      %dma_wait3A_456 = arith.constant 0 : i32
      %dma_wait3A_457 = tpu.memref_slice %arg9[%dma_wait3A_452, %dma_wait3A_455, %dma_wait3A_456] : memref<4x80x128xf32, #tpu.memory_space<vmem>> -> memref<1x80x128xf32, #tpu.memory_space<vmem>>
      %dma_wait3A_458 = tpu.memref_squeeze %dma_wait3A_457 : memref<1x80x128xf32, #tpu.memory_space<vmem>> -> memref<80x128xf32, #tpu.memory_space<vmem>>
      %dma_wait3A_459 = arith.constant 0 : i32
      %dma_wait3A_460 = tpu.memref_slice %arg5[%dma_wait3A_453, %dma_wait3A_459] : memref<2x80xi32, #tpu.memory_space<vmem>> -> memref<1x80xi32, #tpu.memory_space<vmem>>
      %dma_wait3A_461 = tpu.memref_squeeze %dma_wait3A_460 : memref<1x80xi32, #tpu.memory_space<vmem>> -> memref<80xi32, #tpu.memory_space<vmem>>
      %dma_wait3A_462 = arith.constant 0 : i32
      %dma_wait3A_463 = arith.constant 0 : i32
      %dma_wait3A_464 = tpu.memref_slice %arg10[%dma_wait3A_462, %dma_wait3A_463] : memref<10000x128xf32, #tpu.memory_space<vmem_shared>> -> memref<10000x128xf32, #tpu.memory_space<vmem_shared>>
      %dma_wait3A_465 = tpu.memref_slice %arg13[%dma_wait3A_454] : memref<4x!tpu.dma_semaphore, #tpu.memory_space<semaphore_mem>> -> memref<1x!tpu.dma_semaphore, #tpu.memory_space<semaphore_mem>>
      %dma_wait3A_466 = tpu.memref_squeeze %dma_wait3A_465 : memref<1x!tpu.dma_semaphore, #tpu.memory_space<semaphore_mem>> -> memref<!tpu.dma_semaphore, #tpu.memory_space<semaphore_mem>>
      tpu.wait_indirect_dma semaphore(%dma_wait3A_466 : memref<!tpu.dma_semaphore, #tpu.memory_space<semaphore_mem>>) src(%dma_wait3A_458 : memref<80x128xf32, #tpu.memory_space<vmem>>) dst(%dma_wait3A_464 : memref<10000x128xf32, #tpu.memory_space<vmem_shared>>)
      %add3A_467 = arith.constant 2 : i32
      %add3A_468 = arith.addi %add3A_451, %add3A_467 : i32
      %add3A_469 = arith.addi %mul3A_2, %add3A_468 : i32
      %dma_start3A_470 = arith.constant 0 : i32
      %dma_start3A_471 = arith.constant 0 : i32
      %dma_start3A_472 = arith.constant 0 : i32
      %dma_start3A_473 = tpu.memref_slice %arg3[%add3A_469, %dma_start3A_471, %dma_start3A_472] : memref<4000x2x80xi32, #tpu.memory_space<hbm>> -> memref<1x2x80xi32, #tpu.memory_space<hbm>>
      %dma_start3A_474 = tpu.memref_squeeze %dma_start3A_473 : memref<1x2x80xi32, #tpu.memory_space<hbm>> -> memref<2x80xi32, #tpu.memory_space<hbm>>
      %dma_start3A_475 = tpu.memref_slice %arg11[%dma_start3A_470] : memref<4x!tpu.dma_semaphore, #tpu.memory_space<semaphore_mem>> -> memref<1x!tpu.dma_semaphore, #tpu.memory_space<semaphore_mem>>
      %dma_start3A_476 = tpu.memref_squeeze %dma_start3A_475 : memref<1x!tpu.dma_semaphore, #tpu.memory_space<semaphore_mem>> -> memref<!tpu.dma_semaphore, #tpu.memory_space<semaphore_mem>>
      %dma_start3A_477 = arith.constant 0 : i32
      %dma_start3A_478 = arith.constant 0 : i32
      %dma_start3A_479 = tpu.memref_slice %arg3[%add3A_469, %dma_start3A_477, %dma_start3A_478] : memref<4000x2x80xi32, #tpu.memory_space<hbm>> -> memref<1x2x80xi32, #tpu.memory_space<hbm>>
      %dma_start3A_480 = tpu.memref_squeeze %dma_start3A_479 : memref<1x2x80xi32, #tpu.memory_space<hbm>> -> memref<2x80xi32, #tpu.memory_space<hbm>>
      tpu.enqueue_dma source(%dma_start3A_480 : memref<2x80xi32, #tpu.memory_space<hbm>>) target(%arg5 : memref<2x80xi32, #tpu.memory_space<vmem>>) target_semaphore(%dma_start3A_476 : memref<!tpu.dma_semaphore, #tpu.memory_space<semaphore_mem>>)
      %dma_wait3A_481 = arith.constant 3 : i32
      %dma_wait3A_482 = arith.constant 0 : i32
      %dma_wait3A_483 = arith.constant 0 : i32
      %dma_wait3A_484 = tpu.memref_slice %arg3[%mul3A_2, %dma_wait3A_482, %dma_wait3A_483] : memref<4000x2x80xi32, #tpu.memory_space<hbm>> -> memref<1x2x80xi32, #tpu.memory_space<hbm>>
      %dma_wait3A_485 = tpu.memref_squeeze %dma_wait3A_484 : memref<1x2x80xi32, #tpu.memory_space<hbm>> -> memref<2x80xi32, #tpu.memory_space<hbm>>
      %dma_wait3A_486 = tpu.memref_slice %arg11[%dma_wait3A_481] : memref<4x!tpu.dma_semaphore, #tpu.memory_space<semaphore_mem>> -> memref<1x!tpu.dma_semaphore, #tpu.memory_space<semaphore_mem>>
      %dma_wait3A_487 = tpu.memref_squeeze %dma_wait3A_486 : memref<1x!tpu.dma_semaphore, #tpu.memory_space<semaphore_mem>> -> memref<!tpu.dma_semaphore, #tpu.memory_space<semaphore_mem>>
      %dma_wait3A_488 = arith.constant 0 : i32
      %dma_wait3A_489 = arith.constant 0 : i32
      %dma_wait3A_490 = tpu.memref_slice %arg3[%mul3A_2, %dma_wait3A_488, %dma_wait3A_489] : memref<4000x2x80xi32, #tpu.memory_space<hbm>> -> memref<1x2x80xi32, #tpu.memory_space<hbm>>
      %dma_wait3A_491 = tpu.memref_squeeze %dma_wait3A_490 : memref<1x2x80xi32, #tpu.memory_space<hbm>> -> memref<2x80xi32, #tpu.memory_space<hbm>>
      tpu.wait_dma2 semaphore(%dma_wait3A_487 : memref<!tpu.dma_semaphore, #tpu.memory_space<semaphore_mem>>) src(%dma_wait3A_491 : memref<2x80xi32, #tpu.memory_space<hbm>>) dst(%arg8 : memref<2x80xi32, #tpu.memory_space<vmem>>)
      %dma_start3A_492 = arith.constant 0 : i32
      %dma_start3A_493 = arith.constant 3 : i32
      %dma_start3A_494 = arith.constant 3 : i32
      %dma_start3A_495 = arith.constant 0 : i32
      %dma_start3A_496 = arith.constant 0 : i32
      %dma_start3A_497 = tpu.memref_slice %arg9[%dma_start3A_493, %dma_start3A_495, %dma_start3A_496] : memref<4x80x128xf32, #tpu.memory_space<vmem>> -> memref<1x80x128xf32, #tpu.memory_space<vmem>>
      %dma_start3A_498 = tpu.memref_squeeze %dma_start3A_497 : memref<1x80x128xf32, #tpu.memory_space<vmem>> -> memref<80x128xf32, #tpu.memory_space<vmem>>
      %dma_start3A_499 = arith.constant 0 : i32
      %dma_start3A_500 = tpu.memref_slice %arg8[%dma_start3A_492, %dma_start3A_499] : memref<2x80xi32, #tpu.memory_space<vmem>> -> memref<1x80xi32, #tpu.memory_space<vmem>>
      %dma_start3A_501 = tpu.memref_squeeze %dma_start3A_500 : memref<1x80xi32, #tpu.memory_space<vmem>> -> memref<80xi32, #tpu.memory_space<vmem>>
      %dma_start3A_502 = arith.constant 0 : i32
      %dma_start3A_503 = arith.constant 0 : i32
      %dma_start3A_504 = tpu.memref_slice %arg2[%dma_start3A_502, %dma_start3A_503] : memref<10000x128xf32, #tpu.memory_space<hbm>> -> memref<10000x128xf32, #tpu.memory_space<hbm>>
      %dma_start3A_505 = tpu.memref_slice %arg12[%dma_start3A_494] : memref<4x!tpu.dma_semaphore, #tpu.memory_space<semaphore_mem>> -> memref<1x!tpu.dma_semaphore, #tpu.memory_space<semaphore_mem>>
      %dma_start3A_506 = tpu.memref_squeeze %dma_start3A_505 : memref<1x!tpu.dma_semaphore, #tpu.memory_space<semaphore_mem>> -> memref<!tpu.dma_semaphore, #tpu.memory_space<semaphore_mem>>
      tpu.enqueue_indirect_dma source(%dma_start3A_504 : memref<10000x128xf32, #tpu.memory_space<hbm>>) target(%dma_start3A_498 : memref<80x128xf32, #tpu.memory_space<vmem>>) offsets(%dma_start3A_501 : memref<80xi32, #tpu.memory_space<vmem>>) semaphore(%dma_start3A_506 : memref<!tpu.dma_semaphore, #tpu.memory_space<semaphore_mem>>)
      %dma_wait3A_507 = arith.constant 0 : i32
      %dma_wait3A_508 = arith.constant 2 : i32
      %dma_wait3A_509 = arith.constant 2 : i32
      %dma_wait3A_510 = arith.constant 0 : i32
      %dma_wait3A_511 = arith.constant 0 : i32
      %dma_wait3A_512 = tpu.memref_slice %arg9[%dma_wait3A_508, %dma_wait3A_510, %dma_wait3A_511] : memref<4x80x128xf32, #tpu.memory_space<vmem>> -> memref<1x80x128xf32, #tpu.memory_space<vmem>>
      %dma_wait3A_513 = tpu.memref_squeeze %dma_wait3A_512 : memref<1x80x128xf32, #tpu.memory_space<vmem>> -> memref<80x128xf32, #tpu.memory_space<vmem>>
      %dma_wait3A_514 = arith.constant 0 : i32
      %dma_wait3A_515 = tpu.memref_slice %arg7[%dma_wait3A_507, %dma_wait3A_514] : memref<2x80xi32, #tpu.memory_space<vmem>> -> memref<1x80xi32, #tpu.memory_space<vmem>>
      %dma_wait3A_516 = tpu.memref_squeeze %dma_wait3A_515 : memref<1x80xi32, #tpu.memory_space<vmem>> -> memref<80xi32, #tpu.memory_space<vmem>>
      %dma_wait3A_517 = arith.constant 0 : i32
      %dma_wait3A_518 = arith.constant 0 : i32
      %dma_wait3A_519 = tpu.memref_slice %arg2[%dma_wait3A_517, %dma_wait3A_518] : memref<10000x128xf32, #tpu.memory_space<hbm>> -> memref<10000x128xf32, #tpu.memory_space<hbm>>
      %dma_wait3A_520 = tpu.memref_slice %arg12[%dma_wait3A_509] : memref<4x!tpu.dma_semaphore, #tpu.memory_space<semaphore_mem>> -> memref<1x!tpu.dma_semaphore, #tpu.memory_space<semaphore_mem>>
      %dma_wait3A_521 = tpu.memref_squeeze %dma_wait3A_520 : memref<1x!tpu.dma_semaphore, #tpu.memory_space<semaphore_mem>> -> memref<!tpu.dma_semaphore, #tpu.memory_space<semaphore_mem>>
      tpu.wait_indirect_dma semaphore(%dma_wait3A_521 : memref<!tpu.dma_semaphore, #tpu.memory_space<semaphore_mem>>) src(%dma_wait3A_519 : memref<10000x128xf32, #tpu.memory_space<hbm>>) dst(%dma_wait3A_513 : memref<80x128xf32, #tpu.memory_space<vmem>>)
      %dma_start3A_522 = arith.constant 2 : i32
      %dma_start3A_523 = arith.constant 1 : i32
      %dma_start3A_524 = arith.constant 2 : i32
      %dma_start3A_525 = arith.constant 0 : i32
      %dma_start3A_526 = arith.constant 0 : i32
      %dma_start3A_527 = tpu.memref_slice %arg9[%dma_start3A_522, %dma_start3A_525, %dma_start3A_526] : memref<4x80x128xf32, #tpu.memory_space<vmem>> -> memref<1x80x128xf32, #tpu.memory_space<vmem>>
      %dma_start3A_528 = tpu.memref_squeeze %dma_start3A_527 : memref<1x80x128xf32, #tpu.memory_space<vmem>> -> memref<80x128xf32, #tpu.memory_space<vmem>>
      %dma_start3A_529 = arith.constant 0 : i32
      %dma_start3A_530 = tpu.memref_slice %arg7[%dma_start3A_523, %dma_start3A_529] : memref<2x80xi32, #tpu.memory_space<vmem>> -> memref<1x80xi32, #tpu.memory_space<vmem>>
      %dma_start3A_531 = tpu.memref_squeeze %dma_start3A_530 : memref<1x80xi32, #tpu.memory_space<vmem>> -> memref<80xi32, #tpu.memory_space<vmem>>
      %dma_start3A_532 = arith.constant 0 : i32
      %dma_start3A_533 = arith.constant 0 : i32
      %dma_start3A_534 = tpu.memref_slice %arg10[%dma_start3A_532, %dma_start3A_533] : memref<10000x128xf32, #tpu.memory_space<vmem_shared>> -> memref<10000x128xf32, #tpu.memory_space<vmem_shared>>
      %dma_start3A_535 = tpu.memref_slice %arg13[%dma_start3A_524] : memref<4x!tpu.dma_semaphore, #tpu.memory_space<semaphore_mem>> -> memref<1x!tpu.dma_semaphore, #tpu.memory_space<semaphore_mem>>
      %dma_start3A_536 = tpu.memref_squeeze %dma_start3A_535 : memref<1x!tpu.dma_semaphore, #tpu.memory_space<semaphore_mem>> -> memref<!tpu.dma_semaphore, #tpu.memory_space<semaphore_mem>>
      tpu.enqueue_indirect_dma source(%dma_start3A_528 : memref<80x128xf32, #tpu.memory_space<vmem>>) target(%dma_start3A_534 : memref<10000x128xf32, #tpu.memory_space<vmem_shared>>) offsets(%dma_start3A_531 : memref<80xi32, #tpu.memory_space<vmem>>) semaphore(%dma_start3A_536 : memref<!tpu.dma_semaphore, #tpu.memory_space<semaphore_mem>>) {add = true}
      %mul3A_537 = arith.constant 4 : i32
      %mul3A_538 = arith.muli %scan3A_445, %mul3A_537 : i32
      %add3A_539 = arith.constant 2 : i32
      %add3A_540 = arith.addi %add3A_539, %mul3A_538 : i32
      %add3A_541 = arith.constant 1 : i32
      %add3A_542 = arith.addi %add3A_540, %add3A_541 : i32
      %dma_wait3A_543 = arith.constant 1 : i32
      %dma_wait3A_544 = arith.constant 1 : i32
      %dma_wait3A_545 = arith.constant 1 : i32
      %dma_wait3A_546 = arith.constant 0 : i32
      %dma_wait3A_547 = arith.constant 0 : i32
      %dma_wait3A_548 = tpu.memref_slice %arg9[%dma_wait3A_543, %dma_wait3A_546, %dma_wait3A_547] : memref<4x80x128xf32, #tpu.memory_space<vmem>> -> memref<1x80x128xf32, #tpu.memory_space<vmem>>
      %dma_wait3A_549 = tpu.memref_squeeze %dma_wait3A_548 : memref<1x80x128xf32, #tpu.memory_space<vmem>> -> memref<80x128xf32, #tpu.memory_space<vmem>>
      %dma_wait3A_550 = arith.constant 0 : i32
      %dma_wait3A_551 = tpu.memref_slice %arg6[%dma_wait3A_544, %dma_wait3A_550] : memref<2x80xi32, #tpu.memory_space<vmem>> -> memref<1x80xi32, #tpu.memory_space<vmem>>
      %dma_wait3A_552 = tpu.memref_squeeze %dma_wait3A_551 : memref<1x80xi32, #tpu.memory_space<vmem>> -> memref<80xi32, #tpu.memory_space<vmem>>
      %dma_wait3A_553 = arith.constant 0 : i32
      %dma_wait3A_554 = arith.constant 0 : i32
      %dma_wait3A_555 = tpu.memref_slice %arg10[%dma_wait3A_553, %dma_wait3A_554] : memref<10000x128xf32, #tpu.memory_space<vmem_shared>> -> memref<10000x128xf32, #tpu.memory_space<vmem_shared>>
      %dma_wait3A_556 = tpu.memref_slice %arg13[%dma_wait3A_545] : memref<4x!tpu.dma_semaphore, #tpu.memory_space<semaphore_mem>> -> memref<1x!tpu.dma_semaphore, #tpu.memory_space<semaphore_mem>>
      %dma_wait3A_557 = tpu.memref_squeeze %dma_wait3A_556 : memref<1x!tpu.dma_semaphore, #tpu.memory_space<semaphore_mem>> -> memref<!tpu.dma_semaphore, #tpu.memory_space<semaphore_mem>>
      tpu.wait_indirect_dma semaphore(%dma_wait3A_557 : memref<!tpu.dma_semaphore, #tpu.memory_space<semaphore_mem>>) src(%dma_wait3A_549 : memref<80x128xf32, #tpu.memory_space<vmem>>) dst(%dma_wait3A_555 : memref<10000x128xf32, #tpu.memory_space<vmem_shared>>)
      %add3A_558 = arith.constant 2 : i32
      %add3A_559 = arith.addi %add3A_542, %add3A_558 : i32
      %add3A_560 = arith.addi %mul3A_2, %add3A_559 : i32
      %dma_start3A_561 = arith.constant 1 : i32
      %dma_start3A_562 = arith.constant 0 : i32
      %dma_start3A_563 = arith.constant 0 : i32
      %dma_start3A_564 = tpu.memref_slice %arg3[%add3A_560, %dma_start3A_562, %dma_start3A_563] : memref<4000x2x80xi32, #tpu.memory_space<hbm>> -> memref<1x2x80xi32, #tpu.memory_space<hbm>>
      %dma_start3A_565 = tpu.memref_squeeze %dma_start3A_564 : memref<1x2x80xi32, #tpu.memory_space<hbm>> -> memref<2x80xi32, #tpu.memory_space<hbm>>
      %dma_start3A_566 = tpu.memref_slice %arg11[%dma_start3A_561] : memref<4x!tpu.dma_semaphore, #tpu.memory_space<semaphore_mem>> -> memref<1x!tpu.dma_semaphore, #tpu.memory_space<semaphore_mem>>
      %dma_start3A_567 = tpu.memref_squeeze %dma_start3A_566 : memref<1x!tpu.dma_semaphore, #tpu.memory_space<semaphore_mem>> -> memref<!tpu.dma_semaphore, #tpu.memory_space<semaphore_mem>>
      %dma_start3A_568 = arith.constant 0 : i32
      %dma_start3A_569 = arith.constant 0 : i32
      %dma_start3A_570 = tpu.memref_slice %arg3[%add3A_560, %dma_start3A_568, %dma_start3A_569] : memref<4000x2x80xi32, #tpu.memory_space<hbm>> -> memref<1x2x80xi32, #tpu.memory_space<hbm>>
      %dma_start3A_571 = tpu.memref_squeeze %dma_start3A_570 : memref<1x2x80xi32, #tpu.memory_space<hbm>> -> memref<2x80xi32, #tpu.memory_space<hbm>>
      tpu.enqueue_dma source(%dma_start3A_571 : memref<2x80xi32, #tpu.memory_space<hbm>>) target(%arg6 : memref<2x80xi32, #tpu.memory_space<vmem>>) target_semaphore(%dma_start3A_567 : memref<!tpu.dma_semaphore, #tpu.memory_space<semaphore_mem>>)
      %dma_wait3A_572 = arith.constant 0 : i32
      %dma_wait3A_573 = arith.constant 0 : i32
      %dma_wait3A_574 = arith.constant 0 : i32
      %dma_wait3A_575 = tpu.memref_slice %arg3[%mul3A_2, %dma_wait3A_573, %dma_wait3A_574] : memref<4000x2x80xi32, #tpu.memory_space<hbm>> -> memref<1x2x80xi32, #tpu.memory_space<hbm>>
      %dma_wait3A_576 = tpu.memref_squeeze %dma_wait3A_575 : memref<1x2x80xi32, #tpu.memory_space<hbm>> -> memref<2x80xi32, #tpu.memory_space<hbm>>
      %dma_wait3A_577 = tpu.memref_slice %arg11[%dma_wait3A_572] : memref<4x!tpu.dma_semaphore, #tpu.memory_space<semaphore_mem>> -> memref<1x!tpu.dma_semaphore, #tpu.memory_space<semaphore_mem>>
      %dma_wait3A_578 = tpu.memref_squeeze %dma_wait3A_577 : memref<1x!tpu.dma_semaphore, #tpu.memory_space<semaphore_mem>> -> memref<!tpu.dma_semaphore, #tpu.memory_space<semaphore_mem>>
      %dma_wait3A_579 = arith.constant 0 : i32
      %dma_wait3A_580 = arith.constant 0 : i32
      %dma_wait3A_581 = tpu.memref_slice %arg3[%mul3A_2, %dma_wait3A_579, %dma_wait3A_580] : memref<4000x2x80xi32, #tpu.memory_space<hbm>> -> memref<1x2x80xi32, #tpu.memory_space<hbm>>
      %dma_wait3A_582 = tpu.memref_squeeze %dma_wait3A_581 : memref<1x2x80xi32, #tpu.memory_space<hbm>> -> memref<2x80xi32, #tpu.memory_space<hbm>>
      tpu.wait_dma2 semaphore(%dma_wait3A_578 : memref<!tpu.dma_semaphore, #tpu.memory_space<semaphore_mem>>) src(%dma_wait3A_582 : memref<2x80xi32, #tpu.memory_space<hbm>>) dst(%arg5 : memref<2x80xi32, #tpu.memory_space<vmem>>)
      %dma_start3A_583 = arith.constant 0 : i32
      %dma_start3A_584 = arith.constant 0 : i32
      %dma_start3A_585 = arith.constant 0 : i32
      %dma_start3A_586 = arith.constant 0 : i32
      %dma_start3A_587 = arith.constant 0 : i32
      %dma_start3A_588 = tpu.memref_slice %arg9[%dma_start3A_584, %dma_start3A_586, %dma_start3A_587] : memref<4x80x128xf32, #tpu.memory_space<vmem>> -> memref<1x80x128xf32, #tpu.memory_space<vmem>>
      %dma_start3A_589 = tpu.memref_squeeze %dma_start3A_588 : memref<1x80x128xf32, #tpu.memory_space<vmem>> -> memref<80x128xf32, #tpu.memory_space<vmem>>
      %dma_start3A_590 = arith.constant 0 : i32
      %dma_start3A_591 = tpu.memref_slice %arg5[%dma_start3A_583, %dma_start3A_590] : memref<2x80xi32, #tpu.memory_space<vmem>> -> memref<1x80xi32, #tpu.memory_space<vmem>>
      %dma_start3A_592 = tpu.memref_squeeze %dma_start3A_591 : memref<1x80xi32, #tpu.memory_space<vmem>> -> memref<80xi32, #tpu.memory_space<vmem>>
      %dma_start3A_593 = arith.constant 0 : i32
      %dma_start3A_594 = arith.constant 0 : i32
      %dma_start3A_595 = tpu.memref_slice %arg2[%dma_start3A_593, %dma_start3A_594] : memref<10000x128xf32, #tpu.memory_space<hbm>> -> memref<10000x128xf32, #tpu.memory_space<hbm>>
      %dma_start3A_596 = tpu.memref_slice %arg12[%dma_start3A_585] : memref<4x!tpu.dma_semaphore, #tpu.memory_space<semaphore_mem>> -> memref<1x!tpu.dma_semaphore, #tpu.memory_space<semaphore_mem>>
      %dma_start3A_597 = tpu.memref_squeeze %dma_start3A_596 : memref<1x!tpu.dma_semaphore, #tpu.memory_space<semaphore_mem>> -> memref<!tpu.dma_semaphore, #tpu.memory_space<semaphore_mem>>
      tpu.enqueue_indirect_dma source(%dma_start3A_595 : memref<10000x128xf32, #tpu.memory_space<hbm>>) target(%dma_start3A_589 : memref<80x128xf32, #tpu.memory_space<vmem>>) offsets(%dma_start3A_592 : memref<80xi32, #tpu.memory_space<vmem>>) semaphore(%dma_start3A_597 : memref<!tpu.dma_semaphore, #tpu.memory_space<semaphore_mem>>)
      %dma_wait3A_598 = arith.constant 0 : i32
      %dma_wait3A_599 = arith.constant 3 : i32
      %dma_wait3A_600 = arith.constant 3 : i32
      %dma_wait3A_601 = arith.constant 0 : i32
      %dma_wait3A_602 = arith.constant 0 : i32
      %dma_wait3A_603 = tpu.memref_slice %arg9[%dma_wait3A_599, %dma_wait3A_601, %dma_wait3A_602] : memref<4x80x128xf32, #tpu.memory_space<vmem>> -> memref<1x80x128xf32, #tpu.memory_space<vmem>>
      %dma_wait3A_604 = tpu.memref_squeeze %dma_wait3A_603 : memref<1x80x128xf32, #tpu.memory_space<vmem>> -> memref<80x128xf32, #tpu.memory_space<vmem>>
      %dma_wait3A_605 = arith.constant 0 : i32
      %dma_wait3A_606 = tpu.memref_slice %arg8[%dma_wait3A_598, %dma_wait3A_605] : memref<2x80xi32, #tpu.memory_space<vmem>> -> memref<1x80xi32, #tpu.memory_space<vmem>>
      %dma_wait3A_607 = tpu.memref_squeeze %dma_wait3A_606 : memref<1x80xi32, #tpu.memory_space<vmem>> -> memref<80xi32, #tpu.memory_space<vmem>>
      %dma_wait3A_608 = arith.constant 0 : i32
      %dma_wait3A_609 = arith.constant 0 : i32
      %dma_wait3A_610 = tpu.memref_slice %arg2[%dma_wait3A_608, %dma_wait3A_609] : memref<10000x128xf32, #tpu.memory_space<hbm>> -> memref<10000x128xf32, #tpu.memory_space<hbm>>
      %dma_wait3A_611 = tpu.memref_slice %arg12[%dma_wait3A_600] : memref<4x!tpu.dma_semaphore, #tpu.memory_space<semaphore_mem>> -> memref<1x!tpu.dma_semaphore, #tpu.memory_space<semaphore_mem>>
      %dma_wait3A_612 = tpu.memref_squeeze %dma_wait3A_611 : memref<1x!tpu.dma_semaphore, #tpu.memory_space<semaphore_mem>> -> memref<!tpu.dma_semaphore, #tpu.memory_space<semaphore_mem>>
      tpu.wait_indirect_dma semaphore(%dma_wait3A_612 : memref<!tpu.dma_semaphore, #tpu.memory_space<semaphore_mem>>) src(%dma_wait3A_610 : memref<10000x128xf32, #tpu.memory_space<hbm>>) dst(%dma_wait3A_604 : memref<80x128xf32, #tpu.memory_space<vmem>>)
      %dma_start3A_613 = arith.constant 3 : i32
      %dma_start3A_614 = arith.constant 1 : i32
      %dma_start3A_615 = arith.constant 3 : i32
      %dma_start3A_616 = arith.constant 0 : i32
      %dma_start3A_617 = arith.constant 0 : i32
      %dma_start3A_618 = tpu.memref_slice %arg9[%dma_start3A_613, %dma_start3A_616, %dma_start3A_617] : memref<4x80x128xf32, #tpu.memory_space<vmem>> -> memref<1x80x128xf32, #tpu.memory_space<vmem>>
      %dma_start3A_619 = tpu.memref_squeeze %dma_start3A_618 : memref<1x80x128xf32, #tpu.memory_space<vmem>> -> memref<80x128xf32, #tpu.memory_space<vmem>>
      %dma_start3A_620 = arith.constant 0 : i32
      %dma_start3A_621 = tpu.memref_slice %arg8[%dma_start3A_614, %dma_start3A_620] : memref<2x80xi32, #tpu.memory_space<vmem>> -> memref<1x80xi32, #tpu.memory_space<vmem>>
      %dma_start3A_622 = tpu.memref_squeeze %dma_start3A_621 : memref<1x80xi32, #tpu.memory_space<vmem>> -> memref<80xi32, #tpu.memory_space<vmem>>
      %dma_start3A_623 = arith.constant 0 : i32
      %dma_start3A_624 = arith.constant 0 : i32
      %dma_start3A_625 = tpu.memref_slice %arg10[%dma_start3A_623, %dma_start3A_624] : memref<10000x128xf32, #tpu.memory_space<vmem_shared>> -> memref<10000x128xf32, #tpu.memory_space<vmem_shared>>
      %dma_start3A_626 = tpu.memref_slice %arg13[%dma_start3A_615] : memref<4x!tpu.dma_semaphore, #tpu.memory_space<semaphore_mem>> -> memref<1x!tpu.dma_semaphore, #tpu.memory_space<semaphore_mem>>
      %dma_start3A_627 = tpu.memref_squeeze %dma_start3A_626 : memref<1x!tpu.dma_semaphore, #tpu.memory_space<semaphore_mem>> -> memref<!tpu.dma_semaphore, #tpu.memory_space<semaphore_mem>>
      tpu.enqueue_indirect_dma source(%dma_start3A_619 : memref<80x128xf32, #tpu.memory_space<vmem>>) target(%dma_start3A_625 : memref<10000x128xf32, #tpu.memory_space<vmem_shared>>) offsets(%dma_start3A_622 : memref<80xi32, #tpu.memory_space<vmem>>) semaphore(%dma_start3A_627 : memref<!tpu.dma_semaphore, #tpu.memory_space<semaphore_mem>>) {add = true}
      %mul3A_628 = arith.constant 4 : i32
      %mul3A_629 = arith.muli %scan3A_445, %mul3A_628 : i32
      %add3A_630 = arith.constant 2 : i32
      %add3A_631 = arith.addi %add3A_630, %mul3A_629 : i32
      %add3A_632 = arith.constant 2 : i32
      %add3A_633 = arith.addi %add3A_631, %add3A_632 : i32
      %dma_wait3A_634 = arith.constant 2 : i32
      %dma_wait3A_635 = arith.constant 1 : i32
      %dma_wait3A_636 = arith.constant 2 : i32
      %dma_wait3A_637 = arith.constant 0 : i32
      %dma_wait3A_638 = arith.constant 0 : i32
      %dma_wait3A_639 = tpu.memref_slice %arg9[%dma_wait3A_634, %dma_wait3A_637, %dma_wait3A_638] : memref<4x80x128xf32, #tpu.memory_space<vmem>> -> memref<1x80x128xf32, #tpu.memory_space<vmem>>
      %dma_wait3A_640 = tpu.memref_squeeze %dma_wait3A_639 : memref<1x80x128xf32, #tpu.memory_space<vmem>> -> memref<80x128xf32, #tpu.memory_space<vmem>>
      %dma_wait3A_641 = arith.constant 0 : i32
      %dma_wait3A_642 = tpu.memref_slice %arg7[%dma_wait3A_635, %dma_wait3A_641] : memref<2x80xi32, #tpu.memory_space<vmem>> -> memref<1x80xi32, #tpu.memory_space<vmem>>
      %dma_wait3A_643 = tpu.memref_squeeze %dma_wait3A_642 : memref<1x80xi32, #tpu.memory_space<vmem>> -> memref<80xi32, #tpu.memory_space<vmem>>
      %dma_wait3A_644 = arith.constant 0 : i32
      %dma_wait3A_645 = arith.constant 0 : i32
      %dma_wait3A_646 = tpu.memref_slice %arg10[%dma_wait3A_644, %dma_wait3A_645] : memref<10000x128xf32, #tpu.memory_space<vmem_shared>> -> memref<10000x128xf32, #tpu.memory_space<vmem_shared>>
      %dma_wait3A_647 = tpu.memref_slice %arg13[%dma_wait3A_636] : memref<4x!tpu.dma_semaphore, #tpu.memory_space<semaphore_mem>> -> memref<1x!tpu.dma_semaphore, #tpu.memory_space<semaphore_mem>>
      %dma_wait3A_648 = tpu.memref_squeeze %dma_wait3A_647 : memref<1x!tpu.dma_semaphore, #tpu.memory_space<semaphore_mem>> -> memref<!tpu.dma_semaphore, #tpu.memory_space<semaphore_mem>>
      tpu.wait_indirect_dma semaphore(%dma_wait3A_648 : memref<!tpu.dma_semaphore, #tpu.memory_space<semaphore_mem>>) src(%dma_wait3A_640 : memref<80x128xf32, #tpu.memory_space<vmem>>) dst(%dma_wait3A_646 : memref<10000x128xf32, #tpu.memory_space<vmem_shared>>)
      %add3A_649 = arith.constant 2 : i32
      %add3A_650 = arith.addi %add3A_633, %add3A_649 : i32
      %add3A_651 = arith.addi %mul3A_2, %add3A_650 : i32
      %dma_start3A_652 = arith.constant 2 : i32
      %dma_start3A_653 = arith.constant 0 : i32
      %dma_start3A_654 = arith.constant 0 : i32
      %dma_start3A_655 = tpu.memref_slice %arg3[%add3A_651, %dma_start3A_653, %dma_start3A_654] : memref<4000x2x80xi32, #tpu.memory_space<hbm>> -> memref<1x2x80xi32, #tpu.memory_space<hbm>>
      %dma_start3A_656 = tpu.memref_squeeze %dma_start3A_655 : memref<1x2x80xi32, #tpu.memory_space<hbm>> -> memref<2x80xi32, #tpu.memory_space<hbm>>
      %dma_start3A_657 = tpu.memref_slice %arg11[%dma_start3A_652] : memref<4x!tpu.dma_semaphore, #tpu.memory_space<semaphore_mem>> -> memref<1x!tpu.dma_semaphore, #tpu.memory_space<semaphore_mem>>
      %dma_start3A_658 = tpu.memref_squeeze %dma_start3A_657 : memref<1x!tpu.dma_semaphore, #tpu.memory_space<semaphore_mem>> -> memref<!tpu.dma_semaphore, #tpu.memory_space<semaphore_mem>>
      %dma_start3A_659 = arith.constant 0 : i32
      %dma_start3A_660 = arith.constant 0 : i32
      %dma_start3A_661 = tpu.memref_slice %arg3[%add3A_651, %dma_start3A_659, %dma_start3A_660] : memref<4000x2x80xi32, #tpu.memory_space<hbm>> -> memref<1x2x80xi32, #tpu.memory_space<hbm>>
      %dma_start3A_662 = tpu.memref_squeeze %dma_start3A_661 : memref<1x2x80xi32, #tpu.memory_space<hbm>> -> memref<2x80xi32, #tpu.memory_space<hbm>>
      tpu.enqueue_dma source(%dma_start3A_662 : memref<2x80xi32, #tpu.memory_space<hbm>>) target(%arg7 : memref<2x80xi32, #tpu.memory_space<vmem>>) target_semaphore(%dma_start3A_658 : memref<!tpu.dma_semaphore, #tpu.memory_space<semaphore_mem>>)
      %dma_wait3A_663 = arith.constant 1 : i32
      %dma_wait3A_664 = arith.constant 0 : i32
      %dma_wait3A_665 = arith.constant 0 : i32
      %dma_wait3A_666 = tpu.memref_slice %arg3[%mul3A_2, %dma_wait3A_664, %dma_wait3A_665] : memref<4000x2x80xi32, #tpu.memory_space<hbm>> -> memref<1x2x80xi32, #tpu.memory_space<hbm>>
      %dma_wait3A_667 = tpu.memref_squeeze %dma_wait3A_666 : memref<1x2x80xi32, #tpu.memory_space<hbm>> -> memref<2x80xi32, #tpu.memory_space<hbm>>
      %dma_wait3A_668 = tpu.memref_slice %arg11[%dma_wait3A_663] : memref<4x!tpu.dma_semaphore, #tpu.memory_space<semaphore_mem>> -> memref<1x!tpu.dma_semaphore, #tpu.memory_space<semaphore_mem>>
      %dma_wait3A_669 = tpu.memref_squeeze %dma_wait3A_668 : memref<1x!tpu.dma_semaphore, #tpu.memory_space<semaphore_mem>> -> memref<!tpu.dma_semaphore, #tpu.memory_space<semaphore_mem>>
      %dma_wait3A_670 = arith.constant 0 : i32
      %dma_wait3A_671 = arith.constant 0 : i32
      %dma_wait3A_672 = tpu.memref_slice %arg3[%mul3A_2, %dma_wait3A_670, %dma_wait3A_671] : memref<4000x2x80xi32, #tpu.memory_space<hbm>> -> memref<1x2x80xi32, #tpu.memory_space<hbm>>
      %dma_wait3A_673 = tpu.memref_squeeze %dma_wait3A_672 : memref<1x2x80xi32, #tpu.memory_space<hbm>> -> memref<2x80xi32, #tpu.memory_space<hbm>>
      tpu.wait_dma2 semaphore(%dma_wait3A_669 : memref<!tpu.dma_semaphore, #tpu.memory_space<semaphore_mem>>) src(%dma_wait3A_673 : memref<2x80xi32, #tpu.memory_space<hbm>>) dst(%arg6 : memref<2x80xi32, #tpu.memory_space<vmem>>)
      %dma_start3A_674 = arith.constant 0 : i32
      %dma_start3A_675 = arith.constant 1 : i32
      %dma_start3A_676 = arith.constant 1 : i32
      %dma_start3A_677 = arith.constant 0 : i32
      %dma_start3A_678 = arith.constant 0 : i32
      %dma_start3A_679 = tpu.memref_slice %arg9[%dma_start3A_675, %dma_start3A_677, %dma_start3A_678] : memref<4x80x128xf32, #tpu.memory_space<vmem>> -> memref<1x80x128xf32, #tpu.memory_space<vmem>>
      %dma_start3A_680 = tpu.memref_squeeze %dma_start3A_679 : memref<1x80x128xf32, #tpu.memory_space<vmem>> -> memref<80x128xf32, #tpu.memory_space<vmem>>
      %dma_start3A_681 = arith.constant 0 : i32
      %dma_start3A_682 = tpu.memref_slice %arg6[%dma_start3A_674, %dma_start3A_681] : memref<2x80xi32, #tpu.memory_space<vmem>> -> memref<1x80xi32, #tpu.memory_space<vmem>>
      %dma_start3A_683 = tpu.memref_squeeze %dma_start3A_682 : memref<1x80xi32, #tpu.memory_space<vmem>> -> memref<80xi32, #tpu.memory_space<vmem>>
      %dma_start3A_684 = arith.constant 0 : i32
      %dma_start3A_685 = arith.constant 0 : i32
      %dma_start3A_686 = tpu.memref_slice %arg2[%dma_start3A_684, %dma_start3A_685] : memref<10000x128xf32, #tpu.memory_space<hbm>> -> memref<10000x128xf32, #tpu.memory_space<hbm>>
      %dma_start3A_687 = tpu.memref_slice %arg12[%dma_start3A_676] : memref<4x!tpu.dma_semaphore, #tpu.memory_space<semaphore_mem>> -> memref<1x!tpu.dma_semaphore, #tpu.memory_space<semaphore_mem>>
      %dma_start3A_688 = tpu.memref_squeeze %dma_start3A_687 : memref<1x!tpu.dma_semaphore, #tpu.memory_space<semaphore_mem>> -> memref<!tpu.dma_semaphore, #tpu.memory_space<semaphore_mem>>
      tpu.enqueue_indirect_dma source(%dma_start3A_686 : memref<10000x128xf32, #tpu.memory_space<hbm>>) target(%dma_start3A_680 : memref<80x128xf32, #tpu.memory_space<vmem>>) offsets(%dma_start3A_683 : memref<80xi32, #tpu.memory_space<vmem>>) semaphore(%dma_start3A_688 : memref<!tpu.dma_semaphore, #tpu.memory_space<semaphore_mem>>)
      %dma_wait3A_689 = arith.constant 0 : i32
      %dma_wait3A_690 = arith.constant 0 : i32
      %dma_wait3A_691 = arith.constant 0 : i32
      %dma_wait3A_692 = arith.constant 0 : i32
      %dma_wait3A_693 = arith.constant 0 : i32
      %dma_wait3A_694 = tpu.memref_slice %arg9[%dma_wait3A_690, %dma_wait3A_692, %dma_wait3A_693] : memref<4x80x128xf32, #tpu.memory_space<vmem>> -> memref<1x80x128xf32, #tpu.memory_space<vmem>>
      %dma_wait3A_695 = tpu.memref_squeeze %dma_wait3A_694 : memref<1x80x128xf32, #tpu.memory_space<vmem>> -> memref<80x128xf32, #tpu.memory_space<vmem>>
      %dma_wait3A_696 = arith.constant 0 : i32
      %dma_wait3A_697 = tpu.memref_slice %arg5[%dma_wait3A_689, %dma_wait3A_696] : memref<2x80xi32, #tpu.memory_space<vmem>> -> memref<1x80xi32, #tpu.memory_space<vmem>>
      %dma_wait3A_698 = tpu.memref_squeeze %dma_wait3A_697 : memref<1x80xi32, #tpu.memory_space<vmem>> -> memref<80xi32, #tpu.memory_space<vmem>>
      %dma_wait3A_699 = arith.constant 0 : i32
      %dma_wait3A_700 = arith.constant 0 : i32
      %dma_wait3A_701 = tpu.memref_slice %arg2[%dma_wait3A_699, %dma_wait3A_700] : memref<10000x128xf32, #tpu.memory_space<hbm>> -> memref<10000x128xf32, #tpu.memory_space<hbm>>
      %dma_wait3A_702 = tpu.memref_slice %arg12[%dma_wait3A_691] : memref<4x!tpu.dma_semaphore, #tpu.memory_space<semaphore_mem>> -> memref<1x!tpu.dma_semaphore, #tpu.memory_space<semaphore_mem>>
      %dma_wait3A_703 = tpu.memref_squeeze %dma_wait3A_702 : memref<1x!tpu.dma_semaphore, #tpu.memory_space<semaphore_mem>> -> memref<!tpu.dma_semaphore, #tpu.memory_space<semaphore_mem>>
      tpu.wait_indirect_dma semaphore(%dma_wait3A_703 : memref<!tpu.dma_semaphore, #tpu.memory_space<semaphore_mem>>) src(%dma_wait3A_701 : memref<10000x128xf32, #tpu.memory_space<hbm>>) dst(%dma_wait3A_695 : memref<80x128xf32, #tpu.memory_space<vmem>>)
      %dma_start3A_704 = arith.constant 0 : i32
      %dma_start3A_705 = arith.constant 1 : i32
      %dma_start3A_706 = arith.constant 0 : i32
      %dma_start3A_707 = arith.constant 0 : i32
      %dma_start3A_708 = arith.constant 0 : i32
      %dma_start3A_709 = tpu.memref_slice %arg9[%dma_start3A_704, %dma_start3A_707, %dma_start3A_708] : memref<4x80x128xf32, #tpu.memory_space<vmem>> -> memref<1x80x128xf32, #tpu.memory_space<vmem>>
      %dma_start3A_710 = tpu.memref_squeeze %dma_start3A_709 : memref<1x80x128xf32, #tpu.memory_space<vmem>> -> memref<80x128xf32, #tpu.memory_space<vmem>>
      %dma_start3A_711 = arith.constant 0 : i32
      %dma_start3A_712 = tpu.memref_slice %arg5[%dma_start3A_705, %dma_start3A_711] : memref<2x80xi32, #tpu.memory_space<vmem>> -> memref<1x80xi32, #tpu.memory_space<vmem>>
      %dma_start3A_713 = tpu.memref_squeeze %dma_start3A_712 : memref<1x80xi32, #tpu.memory_space<vmem>> -> memref<80xi32, #tpu.memory_space<vmem>>
      %dma_start3A_714 = arith.constant 0 : i32
      %dma_start3A_715 = arith.constant 0 : i32
      %dma_start3A_716 = tpu.memref_slice %arg10[%dma_start3A_714, %dma_start3A_715] : memref<10000x128xf32, #tpu.memory_space<vmem_shared>> -> memref<10000x128xf32, #tpu.memory_space<vmem_shared>>
      %dma_start3A_717 = tpu.memref_slice %arg13[%dma_start3A_706] : memref<4x!tpu.dma_semaphore, #tpu.memory_space<semaphore_mem>> -> memref<1x!tpu.dma_semaphore, #tpu.memory_space<semaphore_mem>>
      %dma_start3A_718 = tpu.memref_squeeze %dma_start3A_717 : memref<1x!tpu.dma_semaphore, #tpu.memory_space<semaphore_mem>> -> memref<!tpu.dma_semaphore, #tpu.memory_space<semaphore_mem>>
      tpu.enqueue_indirect_dma source(%dma_start3A_710 : memref<80x128xf32, #tpu.memory_space<vmem>>) target(%dma_start3A_716 : memref<10000x128xf32, #tpu.memory_space<vmem_shared>>) offsets(%dma_start3A_713 : memref<80xi32, #tpu.memory_space<vmem>>) semaphore(%dma_start3A_718 : memref<!tpu.dma_semaphore, #tpu.memory_space<semaphore_mem>>) {add = true}
      %mul3A_719 = arith.constant 4 : i32
      %mul3A_720 = arith.muli %scan3A_445, %mul3A_719 : i32
      %add3A_721 = arith.constant 2 : i32
      %add3A_722 = arith.addi %add3A_721, %mul3A_720 : i32
      %add3A_723 = arith.constant 3 : i32
      %add3A_724 = arith.addi %add3A_722, %add3A_723 : i32
      %dma_wait3A_725 = arith.constant 3 : i32
      %dma_wait3A_726 = arith.constant 1 : i32
      %dma_wait3A_727 = arith.constant 3 : i32
      %dma_wait3A_728 = arith.constant 0 : i32
      %dma_wait3A_729 = arith.constant 0 : i32
      %dma_wait3A_730 = tpu.memref_slice %arg9[%dma_wait3A_725, %dma_wait3A_728, %dma_wait3A_729] : memref<4x80x128xf32, #tpu.memory_space<vmem>> -> memref<1x80x128xf32, #tpu.memory_space<vmem>>
      %dma_wait3A_731 = tpu.memref_squeeze %dma_wait3A_730 : memref<1x80x128xf32, #tpu.memory_space<vmem>> -> memref<80x128xf32, #tpu.memory_space<vmem>>
      %dma_wait3A_732 = arith.constant 0 : i32
      %dma_wait3A_733 = tpu.memref_slice %arg8[%dma_wait3A_726, %dma_wait3A_732] : memref<2x80xi32, #tpu.memory_space<vmem>> -> memref<1x80xi32, #tpu.memory_space<vmem>>
      %dma_wait3A_734 = tpu.memref_squeeze %dma_wait3A_733 : memref<1x80xi32, #tpu.memory_space<vmem>> -> memref<80xi32, #tpu.memory_space<vmem>>
      %dma_wait3A_735 = arith.constant 0 : i32
      %dma_wait3A_736 = arith.constant 0 : i32
      %dma_wait3A_737 = tpu.memref_slice %arg10[%dma_wait3A_735, %dma_wait3A_736] : memref<10000x128xf32, #tpu.memory_space<vmem_shared>> -> memref<10000x128xf32, #tpu.memory_space<vmem_shared>>
      %dma_wait3A_738 = tpu.memref_slice %arg13[%dma_wait3A_727] : memref<4x!tpu.dma_semaphore, #tpu.memory_space<semaphore_mem>> -> memref<1x!tpu.dma_semaphore, #tpu.memory_space<semaphore_mem>>
      %dma_wait3A_739 = tpu.memref_squeeze %dma_wait3A_738 : memref<1x!tpu.dma_semaphore, #tpu.memory_space<semaphore_mem>> -> memref<!tpu.dma_semaphore, #tpu.memory_space<semaphore_mem>>
      tpu.wait_indirect_dma semaphore(%dma_wait3A_739 : memref<!tpu.dma_semaphore, #tpu.memory_space<semaphore_mem>>) src(%dma_wait3A_731 : memref<80x128xf32, #tpu.memory_space<vmem>>) dst(%dma_wait3A_737 : memref<10000x128xf32, #tpu.memory_space<vmem_shared>>)
      %add3A_740 = arith.constant 2 : i32
      %add3A_741 = arith.addi %add3A_724, %add3A_740 : i32
      %add3A_742 = arith.addi %mul3A_2, %add3A_741 : i32
      %dma_start3A_743 = arith.constant 3 : i32
      %dma_start3A_744 = arith.constant 0 : i32
      %dma_start3A_745 = arith.constant 0 : i32
      %dma_start3A_746 = tpu.memref_slice %arg3[%add3A_742, %dma_start3A_744, %dma_start3A_745] : memref<4000x2x80xi32, #tpu.memory_space<hbm>> -> memref<1x2x80xi32, #tpu.memory_space<hbm>>
      %dma_start3A_747 = tpu.memref_squeeze %dma_start3A_746 : memref<1x2x80xi32, #tpu.memory_space<hbm>> -> memref<2x80xi32, #tpu.memory_space<hbm>>
      %dma_start3A_748 = tpu.memref_slice %arg11[%dma_start3A_743] : memref<4x!tpu.dma_semaphore, #tpu.memory_space<semaphore_mem>> -> memref<1x!tpu.dma_semaphore, #tpu.memory_space<semaphore_mem>>
      %dma_start3A_749 = tpu.memref_squeeze %dma_start3A_748 : memref<1x!tpu.dma_semaphore, #tpu.memory_space<semaphore_mem>> -> memref<!tpu.dma_semaphore, #tpu.memory_space<semaphore_mem>>
      %dma_start3A_750 = arith.constant 0 : i32
      %dma_start3A_751 = arith.constant 0 : i32
      %dma_start3A_752 = tpu.memref_slice %arg3[%add3A_742, %dma_start3A_750, %dma_start3A_751] : memref<4000x2x80xi32, #tpu.memory_space<hbm>> -> memref<1x2x80xi32, #tpu.memory_space<hbm>>
      %dma_start3A_753 = tpu.memref_squeeze %dma_start3A_752 : memref<1x2x80xi32, #tpu.memory_space<hbm>> -> memref<2x80xi32, #tpu.memory_space<hbm>>
      tpu.enqueue_dma source(%dma_start3A_753 : memref<2x80xi32, #tpu.memory_space<hbm>>) target(%arg8 : memref<2x80xi32, #tpu.memory_space<vmem>>) target_semaphore(%dma_start3A_749 : memref<!tpu.dma_semaphore, #tpu.memory_space<semaphore_mem>>)
      %dma_wait3A_754 = arith.constant 2 : i32
      %dma_wait3A_755 = arith.constant 0 : i32
      %dma_wait3A_756 = arith.constant 0 : i32
      %dma_wait3A_757 = tpu.memref_slice %arg3[%mul3A_2, %dma_wait3A_755, %dma_wait3A_756] : memref<4000x2x80xi32, #tpu.memory_space<hbm>> -> memref<1x2x80xi32, #tpu.memory_space<hbm>>
      %dma_wait3A_758 = tpu.memref_squeeze %dma_wait3A_757 : memref<1x2x80xi32, #tpu.memory_space<hbm>> -> memref<2x80xi32, #tpu.memory_space<hbm>>
      %dma_wait3A_759 = tpu.memref_slice %arg11[%dma_wait3A_754] : memref<4x!tpu.dma_semaphore, #tpu.memory_space<semaphore_mem>> -> memref<1x!tpu.dma_semaphore, #tpu.memory_space<semaphore_mem>>
      %dma_wait3A_760 = tpu.memref_squeeze %dma_wait3A_759 : memref<1x!tpu.dma_semaphore, #tpu.memory_space<semaphore_mem>> -> memref<!tpu.dma_semaphore, #tpu.memory_space<semaphore_mem>>
      %dma_wait3A_761 = arith.constant 0 : i32
      %dma_wait3A_762 = arith.constant 0 : i32
      %dma_wait3A_763 = tpu.memref_slice %arg3[%mul3A_2, %dma_wait3A_761, %dma_wait3A_762] : memref<4000x2x80xi32, #tpu.memory_space<hbm>> -> memref<1x2x80xi32, #tpu.memory_space<hbm>>
      %dma_wait3A_764 = tpu.memref_squeeze %dma_wait3A_763 : memref<1x2x80xi32, #tpu.memory_space<hbm>> -> memref<2x80xi32, #tpu.memory_space<hbm>>
      tpu.wait_dma2 semaphore(%dma_wait3A_760 : memref<!tpu.dma_semaphore, #tpu.memory_space<semaphore_mem>>) src(%dma_wait3A_764 : memref<2x80xi32, #tpu.memory_space<hbm>>) dst(%arg7 : memref<2x80xi32, #tpu.memory_space<vmem>>)
      %dma_start3A_765 = arith.constant 0 : i32
      %dma_start3A_766 = arith.constant 2 : i32
      %dma_start3A_767 = arith.constant 2 : i32
      %dma_start3A_768 = arith.constant 0 : i32
      %dma_start3A_769 = arith.constant 0 : i32
      %dma_start3A_770 = tpu.memref_slice %arg9[%dma_start3A_766, %dma_start3A_768, %dma_start3A_769] : memref<4x80x128xf32, #tpu.memory_space<vmem>> -> memref<1x80x128xf32, #tpu.memory_space<vmem>>
      %dma_start3A_771 = tpu.memref_squeeze %dma_start3A_770 : memref<1x80x128xf32, #tpu.memory_space<vmem>> -> memref<80x128xf32, #tpu.memory_space<vmem>>
      %dma_start3A_772 = arith.constant 0 : i32
      %dma_start3A_773 = tpu.memref_slice %arg7[%dma_start3A_765, %dma_start3A_772] : memref<2x80xi32, #tpu.memory_space<vmem>> -> memref<1x80xi32, #tpu.memory_space<vmem>>
      %dma_start3A_774 = tpu.memref_squeeze %dma_start3A_773 : memref<1x80xi32, #tpu.memory_space<vmem>> -> memref<80xi32, #tpu.memory_space<vmem>>
      %dma_start3A_775 = arith.constant 0 : i32
      %dma_start3A_776 = arith.constant 0 : i32
      %dma_start3A_777 = tpu.memref_slice %arg2[%dma_start3A_775, %dma_start3A_776] : memref<10000x128xf32, #tpu.memory_space<hbm>> -> memref<10000x128xf32, #tpu.memory_space<hbm>>
      %dma_start3A_778 = tpu.memref_slice %arg12[%dma_start3A_767] : memref<4x!tpu.dma_semaphore, #tpu.memory_space<semaphore_mem>> -> memref<1x!tpu.dma_semaphore, #tpu.memory_space<semaphore_mem>>
      %dma_start3A_779 = tpu.memref_squeeze %dma_start3A_778 : memref<1x!tpu.dma_semaphore, #tpu.memory_space<semaphore_mem>> -> memref<!tpu.dma_semaphore, #tpu.memory_space<semaphore_mem>>
      tpu.enqueue_indirect_dma source(%dma_start3A_777 : memref<10000x128xf32, #tpu.memory_space<hbm>>) target(%dma_start3A_771 : memref<80x128xf32, #tpu.memory_space<vmem>>) offsets(%dma_start3A_774 : memref<80xi32, #tpu.memory_space<vmem>>) semaphore(%dma_start3A_779 : memref<!tpu.dma_semaphore, #tpu.memory_space<semaphore_mem>>)
      %dma_wait3A_780 = arith.constant 0 : i32
      %dma_wait3A_781 = arith.constant 1 : i32
      %dma_wait3A_782 = arith.constant 1 : i32
      %dma_wait3A_783 = arith.constant 0 : i32
      %dma_wait3A_784 = arith.constant 0 : i32
      %dma_wait3A_785 = tpu.memref_slice %arg9[%dma_wait3A_781, %dma_wait3A_783, %dma_wait3A_784] : memref<4x80x128xf32, #tpu.memory_space<vmem>> -> memref<1x80x128xf32, #tpu.memory_space<vmem>>
      %dma_wait3A_786 = tpu.memref_squeeze %dma_wait3A_785 : memref<1x80x128xf32, #tpu.memory_space<vmem>> -> memref<80x128xf32, #tpu.memory_space<vmem>>
      %dma_wait3A_787 = arith.constant 0 : i32
      %dma_wait3A_788 = tpu.memref_slice %arg6[%dma_wait3A_780, %dma_wait3A_787] : memref<2x80xi32, #tpu.memory_space<vmem>> -> memref<1x80xi32, #tpu.memory_space<vmem>>
      %dma_wait3A_789 = tpu.memref_squeeze %dma_wait3A_788 : memref<1x80xi32, #tpu.memory_space<vmem>> -> memref<80xi32, #tpu.memory_space<vmem>>
      %dma_wait3A_790 = arith.constant 0 : i32
      %dma_wait3A_791 = arith.constant 0 : i32
      %dma_wait3A_792 = tpu.memref_slice %arg2[%dma_wait3A_790, %dma_wait3A_791] : memref<10000x128xf32, #tpu.memory_space<hbm>> -> memref<10000x128xf32, #tpu.memory_space<hbm>>
      %dma_wait3A_793 = tpu.memref_slice %arg12[%dma_wait3A_782] : memref<4x!tpu.dma_semaphore, #tpu.memory_space<semaphore_mem>> -> memref<1x!tpu.dma_semaphore, #tpu.memory_space<semaphore_mem>>
      %dma_wait3A_794 = tpu.memref_squeeze %dma_wait3A_793 : memref<1x!tpu.dma_semaphore, #tpu.memory_space<semaphore_mem>> -> memref<!tpu.dma_semaphore, #tpu.memory_space<semaphore_mem>>
      tpu.wait_indirect_dma semaphore(%dma_wait3A_794 : memref<!tpu.dma_semaphore, #tpu.memory_space<semaphore_mem>>) src(%dma_wait3A_792 : memref<10000x128xf32, #tpu.memory_space<hbm>>) dst(%dma_wait3A_786 : memref<80x128xf32, #tpu.memory_space<vmem>>)
      %dma_start3A_795 = arith.constant 1 : i32
      %dma_start3A_796 = arith.constant 1 : i32
      %dma_start3A_797 = arith.constant 1 : i32
      %dma_start3A_798 = arith.constant 0 : i32
      %dma_start3A_799 = arith.constant 0 : i32
      %dma_start3A_800 = tpu.memref_slice %arg9[%dma_start3A_795, %dma_start3A_798, %dma_start3A_799] : memref<4x80x128xf32, #tpu.memory_space<vmem>> -> memref<1x80x128xf32, #tpu.memory_space<vmem>>
      %dma_start3A_801 = tpu.memref_squeeze %dma_start3A_800 : memref<1x80x128xf32, #tpu.memory_space<vmem>> -> memref<80x128xf32, #tpu.memory_space<vmem>>
      %dma_start3A_802 = arith.constant 0 : i32
      %dma_start3A_803 = tpu.memref_slice %arg6[%dma_start3A_796, %dma_start3A_802] : memref<2x80xi32, #tpu.memory_space<vmem>> -> memref<1x80xi32, #tpu.memory_space<vmem>>
      %dma_start3A_804 = tpu.memref_squeeze %dma_start3A_803 : memref<1x80xi32, #tpu.memory_space<vmem>> -> memref<80xi32, #tpu.memory_space<vmem>>
      %dma_start3A_805 = arith.constant 0 : i32
      %dma_start3A_806 = arith.constant 0 : i32
      %dma_start3A_807 = tpu.memref_slice %arg10[%dma_start3A_805, %dma_start3A_806] : memref<10000x128xf32, #tpu.memory_space<vmem_shared>> -> memref<10000x128xf32, #tpu.memory_space<vmem_shared>>
      %dma_start3A_808 = tpu.memref_slice %arg13[%dma_start3A_797] : memref<4x!tpu.dma_semaphore, #tpu.memory_space<semaphore_mem>> -> memref<1x!tpu.dma_semaphore, #tpu.memory_space<semaphore_mem>>
      %dma_start3A_809 = tpu.memref_squeeze %dma_start3A_808 : memref<1x!tpu.dma_semaphore, #tpu.memory_space<semaphore_mem>> -> memref<!tpu.dma_semaphore, #tpu.memory_space<semaphore_mem>>
      tpu.enqueue_indirect_dma source(%dma_start3A_801 : memref<80x128xf32, #tpu.memory_space<vmem>>) target(%dma_start3A_807 : memref<10000x128xf32, #tpu.memory_space<vmem_shared>>) offsets(%dma_start3A_804 : memref<80xi32, #tpu.memory_space<vmem>>) semaphore(%dma_start3A_809 : memref<!tpu.dma_semaphore, #tpu.memory_space<semaphore_mem>>) {add = true}
    }
    %scan3A_204 = arith.constant 30 : i32
    %dma_wait3A_205 = arith.constant 0 : i32
    %dma_wait3A_206 = arith.constant 1 : i32
    %dma_wait3A_207 = arith.constant 0 : i32
    %dma_wait3A_208 = arith.constant 0 : i32
    %dma_wait3A_209 = arith.constant 0 : i32
    %dma_wait3A_210 = tpu.memref_slice %arg9[%dma_wait3A_205, %dma_wait3A_208, %dma_wait3A_209] : memref<4x80x128xf32, #tpu.memory_space<vmem>> -> memref<1x80x128xf32, #tpu.memory_space<vmem>>
    %dma_wait3A_211 = tpu.memref_squeeze %dma_wait3A_210 : memref<1x80x128xf32, #tpu.memory_space<vmem>> -> memref<80x128xf32, #tpu.memory_space<vmem>>
    %dma_wait3A_212 = arith.constant 0 : i32
    %dma_wait3A_213 = tpu.memref_slice %arg5[%dma_wait3A_206, %dma_wait3A_212] : memref<2x80xi32, #tpu.memory_space<vmem>> -> memref<1x80xi32, #tpu.memory_space<vmem>>
    %dma_wait3A_214 = tpu.memref_squeeze %dma_wait3A_213 : memref<1x80xi32, #tpu.memory_space<vmem>> -> memref<80xi32, #tpu.memory_space<vmem>>
    %dma_wait3A_215 = arith.constant 0 : i32
    %dma_wait3A_216 = arith.constant 0 : i32
    %dma_wait3A_217 = tpu.memref_slice %arg10[%dma_wait3A_215, %dma_wait3A_216] : memref<10000x128xf32, #tpu.memory_space<vmem_shared>> -> memref<10000x128xf32, #tpu.memory_space<vmem_shared>>
    %dma_wait3A_218 = tpu.memref_slice %arg13[%dma_wait3A_207] : memref<4x!tpu.dma_semaphore, #tpu.memory_space<semaphore_mem>> -> memref<1x!tpu.dma_semaphore, #tpu.memory_space<semaphore_mem>>
    %dma_wait3A_219 = tpu.memref_squeeze %dma_wait3A_218 : memref<1x!tpu.dma_semaphore, #tpu.memory_space<semaphore_mem>> -> memref<!tpu.dma_semaphore, #tpu.memory_space<semaphore_mem>>
    tpu.wait_indirect_dma semaphore(%dma_wait3A_219 : memref<!tpu.dma_semaphore, #tpu.memory_space<semaphore_mem>>) src(%dma_wait3A_211 : memref<80x128xf32, #tpu.memory_space<vmem>>) dst(%dma_wait3A_217 : memref<10000x128xf32, #tpu.memory_space<vmem_shared>>)
    %add3A_220 = arith.constant 124 : i32
    %add3A_221 = arith.addi %mul3A_2, %add3A_220 : i32
    %dma_start3A_222 = arith.constant 0 : i32
    %dma_start3A_223 = arith.constant 0 : i32
    %dma_start3A_224 = arith.constant 0 : i32
    %dma_start3A_225 = tpu.memref_slice %arg3[%add3A_221, %dma_start3A_223, %dma_start3A_224] : memref<4000x2x80xi32, #tpu.memory_space<hbm>> -> memref<1x2x80xi32, #tpu.memory_space<hbm>>
    %dma_start3A_226 = tpu.memref_squeeze %dma_start3A_225 : memref<1x2x80xi32, #tpu.memory_space<hbm>> -> memref<2x80xi32, #tpu.memory_space<hbm>>
    %dma_start3A_227 = tpu.memref_slice %arg11[%dma_start3A_222] : memref<4x!tpu.dma_semaphore, #tpu.memory_space<semaphore_mem>> -> memref<1x!tpu.dma_semaphore, #tpu.memory_space<semaphore_mem>>
    %dma_start3A_228 = tpu.memref_squeeze %dma_start3A_227 : memref<1x!tpu.dma_semaphore, #tpu.memory_space<semaphore_mem>> -> memref<!tpu.dma_semaphore, #tpu.memory_space<semaphore_mem>>
    %dma_start3A_229 = arith.constant 0 : i32
    %dma_start3A_230 = arith.constant 0 : i32
    %dma_start3A_231 = tpu.memref_slice %arg3[%add3A_221, %dma_start3A_229, %dma_start3A_230] : memref<4000x2x80xi32, #tpu.memory_space<hbm>> -> memref<1x2x80xi32, #tpu.memory_space<hbm>>
    %dma_start3A_232 = tpu.memref_squeeze %dma_start3A_231 : memref<1x2x80xi32, #tpu.memory_space<hbm>> -> memref<2x80xi32, #tpu.memory_space<hbm>>
    tpu.enqueue_dma source(%dma_start3A_232 : memref<2x80xi32, #tpu.memory_space<hbm>>) target(%arg5 : memref<2x80xi32, #tpu.memory_space<vmem>>) target_semaphore(%dma_start3A_228 : memref<!tpu.dma_semaphore, #tpu.memory_space<semaphore_mem>>)
    %dma_wait3A_233 = arith.constant 3 : i32
    %dma_wait3A_234 = arith.constant 0 : i32
    %dma_wait3A_235 = arith.constant 0 : i32
    %dma_wait3A_236 = tpu.memref_slice %arg3[%mul3A_2, %dma_wait3A_234, %dma_wait3A_235] : memref<4000x2x80xi32, #tpu.memory_space<hbm>> -> memref<1x2x80xi32, #tpu.memory_space<hbm>>
    %dma_wait3A_237 = tpu.memref_squeeze %dma_wait3A_236 : memref<1x2x80xi32, #tpu.memory_space<hbm>> -> memref<2x80xi32, #tpu.memory_space<hbm>>
    %dma_wait3A_238 = tpu.memref_slice %arg11[%dma_wait3A_233] : memref<4x!tpu.dma_semaphore, #tpu.memory_space<semaphore_mem>> -> memref<1x!tpu.dma_semaphore, #tpu.memory_space<semaphore_mem>>
    %dma_wait3A_239 = tpu.memref_squeeze %dma_wait3A_238 : memref<1x!tpu.dma_semaphore, #tpu.memory_space<semaphore_mem>> -> memref<!tpu.dma_semaphore, #tpu.memory_space<semaphore_mem>>
    %dma_wait3A_240 = arith.constant 0 : i32
    %dma_wait3A_241 = arith.constant 0 : i32
    %dma_wait3A_242 = tpu.memref_slice %arg3[%mul3A_2, %dma_wait3A_240, %dma_wait3A_241] : memref<4000x2x80xi32, #tpu.memory_space<hbm>> -> memref<1x2x80xi32, #tpu.memory_space<hbm>>
    %dma_wait3A_243 = tpu.memref_squeeze %dma_wait3A_242 : memref<1x2x80xi32, #tpu.memory_space<hbm>> -> memref<2x80xi32, #tpu.memory_space<hbm>>
    tpu.wait_dma2 semaphore(%dma_wait3A_239 : memref<!tpu.dma_semaphore, #tpu.memory_space<semaphore_mem>>) src(%dma_wait3A_243 : memref<2x80xi32, #tpu.memory_space<hbm>>) dst(%arg8 : memref<2x80xi32, #tpu.memory_space<vmem>>)
    %dma_start3A_244 = arith.constant 0 : i32
    %dma_start3A_245 = arith.constant 3 : i32
    %dma_start3A_246 = arith.constant 3 : i32
    %dma_start3A_247 = arith.constant 0 : i32
    %dma_start3A_248 = arith.constant 0 : i32
    %dma_start3A_249 = tpu.memref_slice %arg9[%dma_start3A_245, %dma_start3A_247, %dma_start3A_248] : memref<4x80x128xf32, #tpu.memory_space<vmem>> -> memref<1x80x128xf32, #tpu.memory_space<vmem>>
    %dma_start3A_250 = tpu.memref_squeeze %dma_start3A_249 : memref<1x80x128xf32, #tpu.memory_space<vmem>> -> memref<80x128xf32, #tpu.memory_space<vmem>>
    %dma_start3A_251 = arith.constant 0 : i32
    %dma_start3A_252 = tpu.memref_slice %arg8[%dma_start3A_244, %dma_start3A_251] : memref<2x80xi32, #tpu.memory_space<vmem>> -> memref<1x80xi32, #tpu.memory_space<vmem>>
    %dma_start3A_253 = tpu.memref_squeeze %dma_start3A_252 : memref<1x80xi32, #tpu.memory_space<vmem>> -> memref<80xi32, #tpu.memory_space<vmem>>
    %dma_start3A_254 = arith.constant 0 : i32
    %dma_start3A_255 = arith.constant 0 : i32
    %dma_start3A_256 = tpu.memref_slice %arg2[%dma_start3A_254, %dma_start3A_255] : memref<10000x128xf32, #tpu.memory_space<hbm>> -> memref<10000x128xf32, #tpu.memory_space<hbm>>
    %dma_start3A_257 = tpu.memref_slice %arg12[%dma_start3A_246] : memref<4x!tpu.dma_semaphore, #tpu.memory_space<semaphore_mem>> -> memref<1x!tpu.dma_semaphore, #tpu.memory_space<semaphore_mem>>
    %dma_start3A_258 = tpu.memref_squeeze %dma_start3A_257 : memref<1x!tpu.dma_semaphore, #tpu.memory_space<semaphore_mem>> -> memref<!tpu.dma_semaphore, #tpu.memory_space<semaphore_mem>>
    tpu.enqueue_indirect_dma source(%dma_start3A_256 : memref<10000x128xf32, #tpu.memory_space<hbm>>) target(%dma_start3A_250 : memref<80x128xf32, #tpu.memory_space<vmem>>) offsets(%dma_start3A_253 : memref<80xi32, #tpu.memory_space<vmem>>) semaphore(%dma_start3A_258 : memref<!tpu.dma_semaphore, #tpu.memory_space<semaphore_mem>>)
    %dma_wait3A_259 = arith.constant 0 : i32
    %dma_wait3A_260 = arith.constant 2 : i32
    %dma_wait3A_261 = arith.constant 2 : i32
    %dma_wait3A_262 = arith.constant 0 : i32
    %dma_wait3A_263 = arith.constant 0 : i32
    %dma_wait3A_264 = tpu.memref_slice %arg9[%dma_wait3A_260, %dma_wait3A_262, %dma_wait3A_263] : memref<4x80x128xf32, #tpu.memory_space<vmem>> -> memref<1x80x128xf32, #tpu.memory_space<vmem>>
    %dma_wait3A_265 = tpu.memref_squeeze %dma_wait3A_264 : memref<1x80x128xf32, #tpu.memory_space<vmem>> -> memref<80x128xf32, #tpu.memory_space<vmem>>
    %dma_wait3A_266 = arith.constant 0 : i32
    %dma_wait3A_267 = tpu.memref_slice %arg7[%dma_wait3A_259, %dma_wait3A_266] : memref<2x80xi32, #tpu.memory_space<vmem>> -> memref<1x80xi32, #tpu.memory_space<vmem>>
    %dma_wait3A_268 = tpu.memref_squeeze %dma_wait3A_267 : memref<1x80xi32, #tpu.memory_space<vmem>> -> memref<80xi32, #tpu.memory_space<vmem>>
    %dma_wait3A_269 = arith.constant 0 : i32
    %dma_wait3A_270 = arith.constant 0 : i32
    %dma_wait3A_271 = tpu.memref_slice %arg2[%dma_wait3A_269, %dma_wait3A_270] : memref<10000x128xf32, #tpu.memory_space<hbm>> -> memref<10000x128xf32, #tpu.memory_space<hbm>>
    %dma_wait3A_272 = tpu.memref_slice %arg12[%dma_wait3A_261] : memref<4x!tpu.dma_semaphore, #tpu.memory_space<semaphore_mem>> -> memref<1x!tpu.dma_semaphore, #tpu.memory_space<semaphore_mem>>
    %dma_wait3A_273 = tpu.memref_squeeze %dma_wait3A_272 : memref<1x!tpu.dma_semaphore, #tpu.memory_space<semaphore_mem>> -> memref<!tpu.dma_semaphore, #tpu.memory_space<semaphore_mem>>
    tpu.wait_indirect_dma semaphore(%dma_wait3A_273 : memref<!tpu.dma_semaphore, #tpu.memory_space<semaphore_mem>>) src(%dma_wait3A_271 : memref<10000x128xf32, #tpu.memory_space<hbm>>) dst(%dma_wait3A_265 : memref<80x128xf32, #tpu.memory_space<vmem>>)
    %dma_start3A_274 = arith.constant 2 : i32
    %dma_start3A_275 = arith.constant 1 : i32
    %dma_start3A_276 = arith.constant 2 : i32
    %dma_start3A_277 = arith.constant 0 : i32
    %dma_start3A_278 = arith.constant 0 : i32
    %dma_start3A_279 = tpu.memref_slice %arg9[%dma_start3A_274, %dma_start3A_277, %dma_start3A_278] : memref<4x80x128xf32, #tpu.memory_space<vmem>> -> memref<1x80x128xf32, #tpu.memory_space<vmem>>
    %dma_start3A_280 = tpu.memref_squeeze %dma_start3A_279 : memref<1x80x128xf32, #tpu.memory_space<vmem>> -> memref<80x128xf32, #tpu.memory_space<vmem>>
    %dma_start3A_281 = arith.constant 0 : i32
    %dma_start3A_282 = tpu.memref_slice %arg7[%dma_start3A_275, %dma_start3A_281] : memref<2x80xi32, #tpu.memory_space<vmem>> -> memref<1x80xi32, #tpu.memory_space<vmem>>
    %dma_start3A_283 = tpu.memref_squeeze %dma_start3A_282 : memref<1x80xi32, #tpu.memory_space<vmem>> -> memref<80xi32, #tpu.memory_space<vmem>>
    %dma_start3A_284 = arith.constant 0 : i32
    %dma_start3A_285 = arith.constant 0 : i32
    %dma_start3A_286 = tpu.memref_slice %arg10[%dma_start3A_284, %dma_start3A_285] : memref<10000x128xf32, #tpu.memory_space<vmem_shared>> -> memref<10000x128xf32, #tpu.memory_space<vmem_shared>>
    %dma_start3A_287 = tpu.memref_slice %arg13[%dma_start3A_276] : memref<4x!tpu.dma_semaphore, #tpu.memory_space<semaphore_mem>> -> memref<1x!tpu.dma_semaphore, #tpu.memory_space<semaphore_mem>>
    %dma_start3A_288 = tpu.memref_squeeze %dma_start3A_287 : memref<1x!tpu.dma_semaphore, #tpu.memory_space<semaphore_mem>> -> memref<!tpu.dma_semaphore, #tpu.memory_space<semaphore_mem>>
    tpu.enqueue_indirect_dma source(%dma_start3A_280 : memref<80x128xf32, #tpu.memory_space<vmem>>) target(%dma_start3A_286 : memref<10000x128xf32, #tpu.memory_space<vmem_shared>>) offsets(%dma_start3A_283 : memref<80xi32, #tpu.memory_space<vmem>>) semaphore(%dma_start3A_288 : memref<!tpu.dma_semaphore, #tpu.memory_space<semaphore_mem>>) {add = true}
    %dma_wait3A_289 = arith.constant 1 : i32
    %dma_wait3A_290 = arith.constant 1 : i32
    %dma_wait3A_291 = arith.constant 1 : i32
    %dma_wait3A_292 = arith.constant 0 : i32
    %dma_wait3A_293 = arith.constant 0 : i32
    %dma_wait3A_294 = tpu.memref_slice %arg9[%dma_wait3A_289, %dma_wait3A_292, %dma_wait3A_293] : memref<4x80x128xf32, #tpu.memory_space<vmem>> -> memref<1x80x128xf32, #tpu.memory_space<vmem>>
    %dma_wait3A_295 = tpu.memref_squeeze %dma_wait3A_294 : memref<1x80x128xf32, #tpu.memory_space<vmem>> -> memref<80x128xf32, #tpu.memory_space<vmem>>
    %dma_wait3A_296 = arith.constant 0 : i32
    %dma_wait3A_297 = tpu.memref_slice %arg6[%dma_wait3A_290, %dma_wait3A_296] : memref<2x80xi32, #tpu.memory_space<vmem>> -> memref<1x80xi32, #tpu.memory_space<vmem>>
    %dma_wait3A_298 = tpu.memref_squeeze %dma_wait3A_297 : memref<1x80xi32, #tpu.memory_space<vmem>> -> memref<80xi32, #tpu.memory_space<vmem>>
    %dma_wait3A_299 = arith.constant 0 : i32
    %dma_wait3A_300 = arith.constant 0 : i32
    %dma_wait3A_301 = tpu.memref_slice %arg10[%dma_wait3A_299, %dma_wait3A_300] : memref<10000x128xf32, #tpu.memory_space<vmem_shared>> -> memref<10000x128xf32, #tpu.memory_space<vmem_shared>>
    %dma_wait3A_302 = tpu.memref_slice %arg13[%dma_wait3A_291] : memref<4x!tpu.dma_semaphore, #tpu.memory_space<semaphore_mem>> -> memref<1x!tpu.dma_semaphore, #tpu.memory_space<semaphore_mem>>
    %dma_wait3A_303 = tpu.memref_squeeze %dma_wait3A_302 : memref<1x!tpu.dma_semaphore, #tpu.memory_space<semaphore_mem>> -> memref<!tpu.dma_semaphore, #tpu.memory_space<semaphore_mem>>
    tpu.wait_indirect_dma semaphore(%dma_wait3A_303 : memref<!tpu.dma_semaphore, #tpu.memory_space<semaphore_mem>>) src(%dma_wait3A_295 : memref<80x128xf32, #tpu.memory_space<vmem>>) dst(%dma_wait3A_301 : memref<10000x128xf32, #tpu.memory_space<vmem_shared>>)
    %dma_wait3A_304 = arith.constant 0 : i32
    %dma_wait3A_305 = arith.constant 0 : i32
    %dma_wait3A_306 = arith.constant 0 : i32
    %dma_wait3A_307 = tpu.memref_slice %arg3[%mul3A_2, %dma_wait3A_305, %dma_wait3A_306] : memref<4000x2x80xi32, #tpu.memory_space<hbm>> -> memref<1x2x80xi32, #tpu.memory_space<hbm>>
    %dma_wait3A_308 = tpu.memref_squeeze %dma_wait3A_307 : memref<1x2x80xi32, #tpu.memory_space<hbm>> -> memref<2x80xi32, #tpu.memory_space<hbm>>
    %dma_wait3A_309 = tpu.memref_slice %arg11[%dma_wait3A_304] : memref<4x!tpu.dma_semaphore, #tpu.memory_space<semaphore_mem>> -> memref<1x!tpu.dma_semaphore, #tpu.memory_space<semaphore_mem>>
    %dma_wait3A_310 = tpu.memref_squeeze %dma_wait3A_309 : memref<1x!tpu.dma_semaphore, #tpu.memory_space<semaphore_mem>> -> memref<!tpu.dma_semaphore, #tpu.memory_space<semaphore_mem>>
    %dma_wait3A_311 = arith.constant 0 : i32
    %dma_wait3A_312 = arith.constant 0 : i32
    %dma_wait3A_313 = tpu.memref_slice %arg3[%mul3A_2, %dma_wait3A_311, %dma_wait3A_312] : memref<4000x2x80xi32, #tpu.memory_space<hbm>> -> memref<1x2x80xi32, #tpu.memory_space<hbm>>
    %dma_wait3A_314 = tpu.memref_squeeze %dma_wait3A_313 : memref<1x2x80xi32, #tpu.memory_space<hbm>> -> memref<2x80xi32, #tpu.memory_space<hbm>>
    tpu.wait_dma2 semaphore(%dma_wait3A_310 : memref<!tpu.dma_semaphore, #tpu.memory_space<semaphore_mem>>) src(%dma_wait3A_314 : memref<2x80xi32, #tpu.memory_space<hbm>>) dst(%arg5 : memref<2x80xi32, #tpu.memory_space<vmem>>)
    %dma_start3A_315 = arith.constant 0 : i32
    %dma_start3A_316 = arith.constant 0 : i32
    %dma_start3A_317 = arith.constant 0 : i32
    %dma_start3A_318 = arith.constant 0 : i32
    %dma_start3A_319 = arith.constant 0 : i32
    %dma_start3A_320 = tpu.memref_slice %arg9[%dma_start3A_316, %dma_start3A_318, %dma_start3A_319] : memref<4x80x128xf32, #tpu.memory_space<vmem>> -> memref<1x80x128xf32, #tpu.memory_space<vmem>>
    %dma_start3A_321 = tpu.memref_squeeze %dma_start3A_320 : memref<1x80x128xf32, #tpu.memory_space<vmem>> -> memref<80x128xf32, #tpu.memory_space<vmem>>
    %dma_start3A_322 = arith.constant 0 : i32
    %dma_start3A_323 = tpu.memref_slice %arg5[%dma_start3A_315, %dma_start3A_322] : memref<2x80xi32, #tpu.memory_space<vmem>> -> memref<1x80xi32, #tpu.memory_space<vmem>>
    %dma_start3A_324 = tpu.memref_squeeze %dma_start3A_323 : memref<1x80xi32, #tpu.memory_space<vmem>> -> memref<80xi32, #tpu.memory_space<vmem>>
    %dma_start3A_325 = arith.constant 0 : i32
    %dma_start3A_326 = arith.constant 0 : i32
    %dma_start3A_327 = tpu.memref_slice %arg2[%dma_start3A_325, %dma_start3A_326] : memref<10000x128xf32, #tpu.memory_space<hbm>> -> memref<10000x128xf32, #tpu.memory_space<hbm>>
    %dma_start3A_328 = tpu.memref_slice %arg12[%dma_start3A_317] : memref<4x!tpu.dma_semaphore, #tpu.memory_space<semaphore_mem>> -> memref<1x!tpu.dma_semaphore, #tpu.memory_space<semaphore_mem>>
    %dma_start3A_329 = tpu.memref_squeeze %dma_start3A_328 : memref<1x!tpu.dma_semaphore, #tpu.memory_space<semaphore_mem>> -> memref<!tpu.dma_semaphore, #tpu.memory_space<semaphore_mem>>
    tpu.enqueue_indirect_dma source(%dma_start3A_327 : memref<10000x128xf32, #tpu.memory_space<hbm>>) target(%dma_start3A_321 : memref<80x128xf32, #tpu.memory_space<vmem>>) offsets(%dma_start3A_324 : memref<80xi32, #tpu.memory_space<vmem>>) semaphore(%dma_start3A_329 : memref<!tpu.dma_semaphore, #tpu.memory_space<semaphore_mem>>)
    %dma_wait3A_330 = arith.constant 0 : i32
    %dma_wait3A_331 = arith.constant 3 : i32
    %dma_wait3A_332 = arith.constant 3 : i32
    %dma_wait3A_333 = arith.constant 0 : i32
    %dma_wait3A_334 = arith.constant 0 : i32
    %dma_wait3A_335 = tpu.memref_slice %arg9[%dma_wait3A_331, %dma_wait3A_333, %dma_wait3A_334] : memref<4x80x128xf32, #tpu.memory_space<vmem>> -> memref<1x80x128xf32, #tpu.memory_space<vmem>>
    %dma_wait3A_336 = tpu.memref_squeeze %dma_wait3A_335 : memref<1x80x128xf32, #tpu.memory_space<vmem>> -> memref<80x128xf32, #tpu.memory_space<vmem>>
    %dma_wait3A_337 = arith.constant 0 : i32
    %dma_wait3A_338 = tpu.memref_slice %arg8[%dma_wait3A_330, %dma_wait3A_337] : memref<2x80xi32, #tpu.memory_space<vmem>> -> memref<1x80xi32, #tpu.memory_space<vmem>>
    %dma_wait3A_339 = tpu.memref_squeeze %dma_wait3A_338 : memref<1x80xi32, #tpu.memory_space<vmem>> -> memref<80xi32, #tpu.memory_space<vmem>>
    %dma_wait3A_340 = arith.constant 0 : i32
    %dma_wait3A_341 = arith.constant 0 : i32
    %dma_wait3A_342 = tpu.memref_slice %arg2[%dma_wait3A_340, %dma_wait3A_341] : memref<10000x128xf32, #tpu.memory_space<hbm>> -> memref<10000x128xf32, #tpu.memory_space<hbm>>
    %dma_wait3A_343 = tpu.memref_slice %arg12[%dma_wait3A_332] : memref<4x!tpu.dma_semaphore, #tpu.memory_space<semaphore_mem>> -> memref<1x!tpu.dma_semaphore, #tpu.memory_space<semaphore_mem>>
    %dma_wait3A_344 = tpu.memref_squeeze %dma_wait3A_343 : memref<1x!tpu.dma_semaphore, #tpu.memory_space<semaphore_mem>> -> memref<!tpu.dma_semaphore, #tpu.memory_space<semaphore_mem>>
    tpu.wait_indirect_dma semaphore(%dma_wait3A_344 : memref<!tpu.dma_semaphore, #tpu.memory_space<semaphore_mem>>) src(%dma_wait3A_342 : memref<10000x128xf32, #tpu.memory_space<hbm>>) dst(%dma_wait3A_336 : memref<80x128xf32, #tpu.memory_space<vmem>>)
    %dma_start3A_345 = arith.constant 3 : i32
    %dma_start3A_346 = arith.constant 1 : i32
    %dma_start3A_347 = arith.constant 3 : i32
    %dma_start3A_348 = arith.constant 0 : i32
    %dma_start3A_349 = arith.constant 0 : i32
    %dma_start3A_350 = tpu.memref_slice %arg9[%dma_start3A_345, %dma_start3A_348, %dma_start3A_349] : memref<4x80x128xf32, #tpu.memory_space<vmem>> -> memref<1x80x128xf32, #tpu.memory_space<vmem>>
    %dma_start3A_351 = tpu.memref_squeeze %dma_start3A_350 : memref<1x80x128xf32, #tpu.memory_space<vmem>> -> memref<80x128xf32, #tpu.memory_space<vmem>>
    %dma_start3A_352 = arith.constant 0 : i32
    %dma_start3A_353 = tpu.memref_slice %arg8[%dma_start3A_346, %dma_start3A_352] : memref<2x80xi32, #tpu.memory_space<vmem>> -> memref<1x80xi32, #tpu.memory_space<vmem>>
    %dma_start3A_354 = tpu.memref_squeeze %dma_start3A_353 : memref<1x80xi32, #tpu.memory_space<vmem>> -> memref<80xi32, #tpu.memory_space<vmem>>
    %dma_start3A_355 = arith.constant 0 : i32
    %dma_start3A_356 = arith.constant 0 : i32
    %dma_start3A_357 = tpu.memref_slice %arg10[%dma_start3A_355, %dma_start3A_356] : memref<10000x128xf32, #tpu.memory_space<vmem_shared>> -> memref<10000x128xf32, #tpu.memory_space<vmem_shared>>
    %dma_start3A_358 = tpu.memref_slice %arg13[%dma_start3A_347] : memref<4x!tpu.dma_semaphore, #tpu.memory_space<semaphore_mem>> -> memref<1x!tpu.dma_semaphore, #tpu.memory_space<semaphore_mem>>
    %dma_start3A_359 = tpu.memref_squeeze %dma_start3A_358 : memref<1x!tpu.dma_semaphore, #tpu.memory_space<semaphore_mem>> -> memref<!tpu.dma_semaphore, #tpu.memory_space<semaphore_mem>>
    tpu.enqueue_indirect_dma source(%dma_start3A_351 : memref<80x128xf32, #tpu.memory_space<vmem>>) target(%dma_start3A_357 : memref<10000x128xf32, #tpu.memory_space<vmem_shared>>) offsets(%dma_start3A_354 : memref<80xi32, #tpu.memory_space<vmem>>) semaphore(%dma_start3A_359 : memref<!tpu.dma_semaphore, #tpu.memory_space<semaphore_mem>>) {add = true}
    %dma_wait3A_360 = arith.constant 2 : i32
    %dma_wait3A_361 = arith.constant 1 : i32
    %dma_wait3A_362 = arith.constant 2 : i32
    %dma_wait3A_363 = arith.constant 0 : i32
    %dma_wait3A_364 = arith.constant 0 : i32
    %dma_wait3A_365 = tpu.memref_slice %arg9[%dma_wait3A_360, %dma_wait3A_363, %dma_wait3A_364] : memref<4x80x128xf32, #tpu.memory_space<vmem>> -> memref<1x80x128xf32, #tpu.memory_space<vmem>>
    %dma_wait3A_366 = tpu.memref_squeeze %dma_wait3A_365 : memref<1x80x128xf32, #tpu.memory_space<vmem>> -> memref<80x128xf32, #tpu.memory_space<vmem>>
    %dma_wait3A_367 = arith.constant 0 : i32
    %dma_wait3A_368 = tpu.memref_slice %arg7[%dma_wait3A_361, %dma_wait3A_367] : memref<2x80xi32, #tpu.memory_space<vmem>> -> memref<1x80xi32, #tpu.memory_space<vmem>>
    %dma_wait3A_369 = tpu.memref_squeeze %dma_wait3A_368 : memref<1x80xi32, #tpu.memory_space<vmem>> -> memref<80xi32, #tpu.memory_space<vmem>>
    %dma_wait3A_370 = arith.constant 0 : i32
    %dma_wait3A_371 = arith.constant 0 : i32
    %dma_wait3A_372 = tpu.memref_slice %arg10[%dma_wait3A_370, %dma_wait3A_371] : memref<10000x128xf32, #tpu.memory_space<vmem_shared>> -> memref<10000x128xf32, #tpu.memory_space<vmem_shared>>
    %dma_wait3A_373 = tpu.memref_slice %arg13[%dma_wait3A_362] : memref<4x!tpu.dma_semaphore, #tpu.memory_space<semaphore_mem>> -> memref<1x!tpu.dma_semaphore, #tpu.memory_space<semaphore_mem>>
    %dma_wait3A_374 = tpu.memref_squeeze %dma_wait3A_373 : memref<1x!tpu.dma_semaphore, #tpu.memory_space<semaphore_mem>> -> memref<!tpu.dma_semaphore, #tpu.memory_space<semaphore_mem>>
    tpu.wait_indirect_dma semaphore(%dma_wait3A_374 : memref<!tpu.dma_semaphore, #tpu.memory_space<semaphore_mem>>) src(%dma_wait3A_366 : memref<80x128xf32, #tpu.memory_space<vmem>>) dst(%dma_wait3A_372 : memref<10000x128xf32, #tpu.memory_space<vmem_shared>>)
    %dma_wait3A_375 = arith.constant 0 : i32
    %dma_wait3A_376 = arith.constant 0 : i32
    %dma_wait3A_377 = arith.constant 0 : i32
    %dma_wait3A_378 = arith.constant 0 : i32
    %dma_wait3A_379 = arith.constant 0 : i32
    %dma_wait3A_380 = tpu.memref_slice %arg9[%dma_wait3A_376, %dma_wait3A_378, %dma_wait3A_379] : memref<4x80x128xf32, #tpu.memory_space<vmem>> -> memref<1x80x128xf32, #tpu.memory_space<vmem>>
    %dma_wait3A_381 = tpu.memref_squeeze %dma_wait3A_380 : memref<1x80x128xf32, #tpu.memory_space<vmem>> -> memref<80x128xf32, #tpu.memory_space<vmem>>
    %dma_wait3A_382 = arith.constant 0 : i32
    %dma_wait3A_383 = tpu.memref_slice %arg5[%dma_wait3A_375, %dma_wait3A_382] : memref<2x80xi32, #tpu.memory_space<vmem>> -> memref<1x80xi32, #tpu.memory_space<vmem>>
    %dma_wait3A_384 = tpu.memref_squeeze %dma_wait3A_383 : memref<1x80xi32, #tpu.memory_space<vmem>> -> memref<80xi32, #tpu.memory_space<vmem>>
    %dma_wait3A_385 = arith.constant 0 : i32
    %dma_wait3A_386 = arith.constant 0 : i32
    %dma_wait3A_387 = tpu.memref_slice %arg2[%dma_wait3A_385, %dma_wait3A_386] : memref<10000x128xf32, #tpu.memory_space<hbm>> -> memref<10000x128xf32, #tpu.memory_space<hbm>>
    %dma_wait3A_388 = tpu.memref_slice %arg12[%dma_wait3A_377] : memref<4x!tpu.dma_semaphore, #tpu.memory_space<semaphore_mem>> -> memref<1x!tpu.dma_semaphore, #tpu.memory_space<semaphore_mem>>
    %dma_wait3A_389 = tpu.memref_squeeze %dma_wait3A_388 : memref<1x!tpu.dma_semaphore, #tpu.memory_space<semaphore_mem>> -> memref<!tpu.dma_semaphore, #tpu.memory_space<semaphore_mem>>
    tpu.wait_indirect_dma semaphore(%dma_wait3A_389 : memref<!tpu.dma_semaphore, #tpu.memory_space<semaphore_mem>>) src(%dma_wait3A_387 : memref<10000x128xf32, #tpu.memory_space<hbm>>) dst(%dma_wait3A_381 : memref<80x128xf32, #tpu.memory_space<vmem>>)
    %dma_start3A_390 = arith.constant 0 : i32
    %dma_start3A_391 = arith.constant 1 : i32
    %dma_start3A_392 = arith.constant 0 : i32
    %dma_start3A_393 = arith.constant 0 : i32
    %dma_start3A_394 = arith.constant 0 : i32
    %dma_start3A_395 = tpu.memref_slice %arg9[%dma_start3A_390, %dma_start3A_393, %dma_start3A_394] : memref<4x80x128xf32, #tpu.memory_space<vmem>> -> memref<1x80x128xf32, #tpu.memory_space<vmem>>
    %dma_start3A_396 = tpu.memref_squeeze %dma_start3A_395 : memref<1x80x128xf32, #tpu.memory_space<vmem>> -> memref<80x128xf32, #tpu.memory_space<vmem>>
    %dma_start3A_397 = arith.constant 0 : i32
    %dma_start3A_398 = tpu.memref_slice %arg5[%dma_start3A_391, %dma_start3A_397] : memref<2x80xi32, #tpu.memory_space<vmem>> -> memref<1x80xi32, #tpu.memory_space<vmem>>
    %dma_start3A_399 = tpu.memref_squeeze %dma_start3A_398 : memref<1x80xi32, #tpu.memory_space<vmem>> -> memref<80xi32, #tpu.memory_space<vmem>>
    %dma_start3A_400 = arith.constant 0 : i32
    %dma_start3A_401 = arith.constant 0 : i32
    %dma_start3A_402 = tpu.memref_slice %arg10[%dma_start3A_400, %dma_start3A_401] : memref<10000x128xf32, #tpu.memory_space<vmem_shared>> -> memref<10000x128xf32, #tpu.memory_space<vmem_shared>>
    %dma_start3A_403 = tpu.memref_slice %arg13[%dma_start3A_392] : memref<4x!tpu.dma_semaphore, #tpu.memory_space<semaphore_mem>> -> memref<1x!tpu.dma_semaphore, #tpu.memory_space<semaphore_mem>>
    %dma_start3A_404 = tpu.memref_squeeze %dma_start3A_403 : memref<1x!tpu.dma_semaphore, #tpu.memory_space<semaphore_mem>> -> memref<!tpu.dma_semaphore, #tpu.memory_space<semaphore_mem>>
    tpu.enqueue_indirect_dma source(%dma_start3A_396 : memref<80x128xf32, #tpu.memory_space<vmem>>) target(%dma_start3A_402 : memref<10000x128xf32, #tpu.memory_space<vmem_shared>>) offsets(%dma_start3A_399 : memref<80xi32, #tpu.memory_space<vmem>>) semaphore(%dma_start3A_404 : memref<!tpu.dma_semaphore, #tpu.memory_space<semaphore_mem>>) {add = true}
    %dma_wait3A_405 = arith.constant 3 : i32
    %dma_wait3A_406 = arith.constant 1 : i32
    %dma_wait3A_407 = arith.constant 3 : i32
    %dma_wait3A_408 = arith.constant 0 : i32
    %dma_wait3A_409 = arith.constant 0 : i32
    %dma_wait3A_410 = tpu.memref_slice %arg9[%dma_wait3A_405, %dma_wait3A_408, %dma_wait3A_409] : memref<4x80x128xf32, #tpu.memory_space<vmem>> -> memref<1x80x128xf32, #tpu.memory_space<vmem>>
    %dma_wait3A_411 = tpu.memref_squeeze %dma_wait3A_410 : memref<1x80x128xf32, #tpu.memory_space<vmem>> -> memref<80x128xf32, #tpu.memory_space<vmem>>
    %dma_wait3A_412 = arith.constant 0 : i32
    %dma_wait3A_413 = tpu.memref_slice %arg8[%dma_wait3A_406, %dma_wait3A_412] : memref<2x80xi32, #tpu.memory_space<vmem>> -> memref<1x80xi32, #tpu.memory_space<vmem>>
    %dma_wait3A_414 = tpu.memref_squeeze %dma_wait3A_413 : memref<1x80xi32, #tpu.memory_space<vmem>> -> memref<80xi32, #tpu.memory_space<vmem>>
    %dma_wait3A_415 = arith.constant 0 : i32
    %dma_wait3A_416 = arith.constant 0 : i32
    %dma_wait3A_417 = tpu.memref_slice %arg10[%dma_wait3A_415, %dma_wait3A_416] : memref<10000x128xf32, #tpu.memory_space<vmem_shared>> -> memref<10000x128xf32, #tpu.memory_space<vmem_shared>>
    %dma_wait3A_418 = tpu.memref_slice %arg13[%dma_wait3A_407] : memref<4x!tpu.dma_semaphore, #tpu.memory_space<semaphore_mem>> -> memref<1x!tpu.dma_semaphore, #tpu.memory_space<semaphore_mem>>
    %dma_wait3A_419 = tpu.memref_squeeze %dma_wait3A_418 : memref<1x!tpu.dma_semaphore, #tpu.memory_space<semaphore_mem>> -> memref<!tpu.dma_semaphore, #tpu.memory_space<semaphore_mem>>
    tpu.wait_indirect_dma semaphore(%dma_wait3A_419 : memref<!tpu.dma_semaphore, #tpu.memory_space<semaphore_mem>>) src(%dma_wait3A_411 : memref<80x128xf32, #tpu.memory_space<vmem>>) dst(%dma_wait3A_417 : memref<10000x128xf32, #tpu.memory_space<vmem_shared>>)
    %dma_wait3A_420 = arith.constant 0 : i32
    %dma_wait3A_421 = arith.constant 1 : i32
    %dma_wait3A_422 = arith.constant 0 : i32
    %dma_wait3A_423 = arith.constant 0 : i32
    %dma_wait3A_424 = arith.constant 0 : i32
    %dma_wait3A_425 = tpu.memref_slice %arg9[%dma_wait3A_420, %dma_wait3A_423, %dma_wait3A_424] : memref<4x80x128xf32, #tpu.memory_space<vmem>> -> memref<1x80x128xf32, #tpu.memory_space<vmem>>
    %dma_wait3A_426 = tpu.memref_squeeze %dma_wait3A_425 : memref<1x80x128xf32, #tpu.memory_space<vmem>> -> memref<80x128xf32, #tpu.memory_space<vmem>>
    %dma_wait3A_427 = arith.constant 0 : i32
    %dma_wait3A_428 = tpu.memref_slice %arg5[%dma_wait3A_421, %dma_wait3A_427] : memref<2x80xi32, #tpu.memory_space<vmem>> -> memref<1x80xi32, #tpu.memory_space<vmem>>
    %dma_wait3A_429 = tpu.memref_squeeze %dma_wait3A_428 : memref<1x80xi32, #tpu.memory_space<vmem>> -> memref<80xi32, #tpu.memory_space<vmem>>
    %dma_wait3A_430 = arith.constant 0 : i32
    %dma_wait3A_431 = arith.constant 0 : i32
    %dma_wait3A_432 = tpu.memref_slice %arg10[%dma_wait3A_430, %dma_wait3A_431] : memref<10000x128xf32, #tpu.memory_space<vmem_shared>> -> memref<10000x128xf32, #tpu.memory_space<vmem_shared>>
    %dma_wait3A_433 = tpu.memref_slice %arg13[%dma_wait3A_422] : memref<4x!tpu.dma_semaphore, #tpu.memory_space<semaphore_mem>> -> memref<1x!tpu.dma_semaphore, #tpu.memory_space<semaphore_mem>>
    %dma_wait3A_434 = tpu.memref_squeeze %dma_wait3A_433 : memref<1x!tpu.dma_semaphore, #tpu.memory_space<semaphore_mem>> -> memref<!tpu.dma_semaphore, #tpu.memory_space<semaphore_mem>>
    tpu.wait_indirect_dma semaphore(%dma_wait3A_434 : memref<!tpu.dma_semaphore, #tpu.memory_space<semaphore_mem>>) src(%dma_wait3A_426 : memref<80x128xf32, #tpu.memory_space<vmem>>) dst(%dma_wait3A_432 : memref<10000x128xf32, #tpu.memory_space<vmem_shared>>)
    %barrier3A_435 = arith.constant 0 : index
    tpu.barrier barrier_id(%barrier3A_435)
    %lt3A = arith.constant 15 : i32
    %lt3A_436 = arith.cmpi slt, %arg1, %lt3A : i32
    %convert_element_type3A_437 = arith.extui %lt3A_436 : i1 to i32
    %cond3A_438 = arith.constant 0 : i32
    %cond3A_439 = arith.cmpi ne, %convert_element_type3A_437, %cond3A_438 : i32
    scf.if %cond3A_439 {
      "tpu.region"() ({
        %run_scoped3A = tpu.sem_alloc : memref<!tpu.dma_semaphore, #tpu.memory_space<semaphore_mem>>
        %dma_start3A_445 = arith.constant 0 : i32
        %dma_start3A_446 = tpu.memref_slice %arg4[%arg0, %mul3A_4, %dma_start3A_445] : memref<2x10000x128xf32, #tpu.memory_space<hbm>> -> memref<1x624x128xf32, #tpu.memory_space<hbm>>
        %dma_start3A_447 = tpu.memref_squeeze %dma_start3A_446 : memref<1x624x128xf32, #tpu.memory_space<hbm>> -> memref<624x128xf32, #tpu.memory_space<hbm>>
        %dma_start3A_448 = arith.constant 0 : i32
        %dma_start3A_449 = tpu.memref_slice %arg10[%mul3A_4, %dma_start3A_448] : memref<10000x128xf32, #tpu.memory_space<vmem_shared>> -> memref<624x128xf32, #tpu.memory_space<vmem_shared>>
        tpu.enqueue_dma source(%dma_start3A_449 : memref<624x128xf32, #tpu.memory_space<vmem_shared>>) target(%dma_start3A_447 : memref<624x128xf32, #tpu.memory_space<hbm>>) target_semaphore(%run_scoped3A : memref<!tpu.dma_semaphore, #tpu.memory_space<semaphore_mem>>)
        %dma_wait3A_450 = arith.constant 0 : i32
        %dma_wait3A_451 = tpu.memref_slice %arg4[%arg0, %mul3A_4, %dma_wait3A_450] : memref<2x10000x128xf32, #tpu.memory_space<hbm>> -> memref<1x624x128xf32, #tpu.memory_space<hbm>>
        %dma_wait3A_452 = tpu.memref_squeeze %dma_wait3A_451 : memref<1x624x128xf32, #tpu.memory_space<hbm>> -> memref<624x128xf32, #tpu.memory_space<hbm>>
        %dma_wait3A_453 = arith.constant 0 : i32
        %dma_wait3A_454 = tpu.memref_slice %arg10[%mul3A_4, %dma_wait3A_453] : memref<10000x128xf32, #tpu.memory_space<vmem_shared>> -> memref<624x128xf32, #tpu.memory_space<vmem_shared>>
        tpu.wait_dma2 semaphore(%run_scoped3A : memref<!tpu.dma_semaphore, #tpu.memory_space<semaphore_mem>>) src(%dma_wait3A_454 : memref<624x128xf32, #tpu.memory_space<vmem_shared>>) dst(%dma_wait3A_452 : memref<624x128xf32, #tpu.memory_space<hbm>>)
        tpu.yield
      }) : () -> ()
    } else {
    }
    %eq3A_440 = arith.constant 15 : i32
    %eq3A_441 = arith.cmpi eq, %arg1, %eq3A_440 : i32
    %convert_element_type3A_442 = arith.extui %eq3A_441 : i1 to i32
    %cond3A_443 = arith.constant 0 : i32
    %cond3A_444 = arith.cmpi ne, %convert_element_type3A_442, %cond3A_443 : i32
    scf.if %cond3A_444 {
      "tpu.region"() ({
        %run_scoped3A = tpu.sem_alloc : memref<!tpu.dma_semaphore, #tpu.memory_space<semaphore_mem>>
        %dma_start3A_445 = arith.constant 9360 : i32
        %dma_start3A_446 = arith.constant 0 : i32
        %dma_start3A_447 = tpu.memref_slice %arg4[%arg0, %dma_start3A_445, %dma_start3A_446] : memref<2x10000x128xf32, #tpu.memory_space<hbm>> -> memref<1x640x128xf32, #tpu.memory_space<hbm>>
        %dma_start3A_448 = tpu.memref_squeeze %dma_start3A_447 : memref<1x640x128xf32, #tpu.memory_space<hbm>> -> memref<640x128xf32, #tpu.memory_space<hbm>>
        %dma_start3A_449 = arith.constant 9360 : i32
        %dma_start3A_450 = arith.constant 0 : i32
        %dma_start3A_451 = tpu.memref_slice %arg10[%dma_start3A_449, %dma_start3A_450] : memref<10000x128xf32, #tpu.memory_space<vmem_shared>> -> memref<640x128xf32, #tpu.memory_space<vmem_shared>>
        tpu.enqueue_dma source(%dma_start3A_451 : memref<640x128xf32, #tpu.memory_space<vmem_shared>>) target(%dma_start3A_448 : memref<640x128xf32, #tpu.memory_space<hbm>>) target_semaphore(%run_scoped3A : memref<!tpu.dma_semaphore, #tpu.memory_space<semaphore_mem>>)
        %dma_wait3A_452 = arith.constant 9360 : i32
        %dma_wait3A_453 = arith.constant 0 : i32
        %dma_wait3A_454 = tpu.memref_slice %arg4[%arg0, %dma_wait3A_452, %dma_wait3A_453] : memref<2x10000x128xf32, #tpu.memory_space<hbm>> -> memref<1x640x128xf32, #tpu.memory_space<hbm>>
        %dma_wait3A_455 = tpu.memref_squeeze %dma_wait3A_454 : memref<1x640x128xf32, #tpu.memory_space<hbm>> -> memref<640x128xf32, #tpu.memory_space<hbm>>
        %dma_wait3A_456 = arith.constant 9360 : i32
        %dma_wait3A_457 = arith.constant 0 : i32
        %dma_wait3A_458 = tpu.memref_slice %arg10[%dma_wait3A_456, %dma_wait3A_457] : memref<10000x128xf32, #tpu.memory_space<vmem_shared>> -> memref<640x128xf32, #tpu.memory_space<vmem_shared>>
        tpu.wait_dma2 semaphore(%run_scoped3A : memref<!tpu.dma_semaphore, #tpu.memory_space<semaphore_mem>>) src(%dma_wait3A_458 : memref<640x128xf32, #tpu.memory_space<vmem_shared>>) dst(%dma_wait3A_455 : memref<640x128xf32, #tpu.memory_space<hbm>>)
        tpu.yield
      }) : () -> ()
    } else {
    }
    return
  }
}

module attributes {stable_mosaic.version = 14 : i64} {
  func.func @_mm1_body(%arg0: i32, %arg1: memref<1000x128xf32, #tpu.memory_space<vmem>>, %arg2: memref<128x128xf32, #tpu.memory_space<vmem>>, %arg3: memref<1000x128xf32, #tpu.memory_space<vmem>>) attributes {dimension_semantics = [#tpu.dimension_semantics<arbitrary>], iteration_bounds = array<i64: 10>, scalar_prefetch = 0 : i64, scratch_operands = 0 : i64, tpu.core_type = #tpu.core_type<tc>, window_params = [{transform_indices = @transform_0, window_bounds = array<i64: 1000, 128>}, {pipeline_mode = #tpu.pipeline_mode<synchronous>, transform_indices = @transform_1, window_bounds = array<i64: 128, 128>}, {transform_indices = @transform_2, window_bounds = array<i64: 1000, 128>}]} {
    %get3A = arith.constant 0 : index
    %get3A_0 = arith.constant 0 : index
    %get3A_1 = vector.load %arg1[%get3A, %get3A_0] : memref<1000x128xf32, #tpu.memory_space<vmem>>, vector<1000x128xf32>
    %get3A_2 = arith.constant 0 : index
    %get3A_3 = arith.constant 0 : index
    %get3A_4 = vector.load %arg2[%get3A_2, %get3A_3] : memref<128x128xf32, #tpu.memory_space<vmem>>, vector<128x128xf32>
    %dot_general3A = arith.constant dense<0.000000e+00> : vector<1000x128xf32>
    %dot_general3A_5 = tpu.matmul %get3A_1, %get3A_4, %dot_general3A {dimension_numbers = #tpu.dot_dimension_numbers<[1], [0], [0], [1], [0, 0, 1, 1], [], []>, transpose_lhs_hint = false} : vector<1000x128xf32>, vector<128x128xf32>, vector<1000x128xf32> -> vector<1000x128xf32>
    %swap3A = arith.constant 0 : index
    %swap3A_6 = arith.constant 0 : index
    %swap3A_7 = vector.load %arg3[%swap3A, %swap3A_6] : memref<1000x128xf32, #tpu.memory_space<vmem>>, vector<1000x128xf32>
    tpu.vector_store %arg3[%swap3A, %swap3A_6], %dot_general3A_5 {strides = array<i32>} : memref<1000x128xf32, #tpu.memory_space<vmem>>, vector<1000x128xf32>,
    return
  }
  func.func @transform_0(%arg0: i32) -> (i32, i32) {
    %c0_i32 = arith.constant 0 : i32
    %c0_i32_0 = arith.constant 0 : i32
    return %arg0, %c0_i32 : i32, i32
  }
  func.func @transform_1(%arg0: i32) -> (i32, i32) {
    %c0_i32 = arith.constant 0 : i32
    %c0_i32_0 = arith.constant 0 : i32
    %c0_i32_1 = arith.constant 0 : i32
    return %c0_i32, %c0_i32_0 : i32, i32
  }
  func.func @transform_2(%arg0: i32) -> (i32, i32) {
    %c0_i32 = arith.constant 0 : i32
    %c0_i32_0 = arith.constant 0 : i32
    return %arg0, %c0_i32 : i32, i32
  }
}

module attributes {stable_mosaic.version = 14 : i64} {
  func.func @_scale_body(%arg0: i32, %arg1: memref<1000x128xf32, #tpu.memory_space<vmem>>, %arg2: memref<1x32x1000xf32, #tpu.memory_space<vmem>>, %arg3: memref<1000x128xf32, #tpu.memory_space<vmem>>, %arg4: memref<1000x1xf32, #tpu.memory_space<vmem>>) attributes {dimension_semantics = [#tpu.dimension_semantics<arbitrary>], iteration_bounds = array<i64: 10>, scalar_prefetch = 0 : i64, scratch_operands = 0 : i64, tpu.core_type = #tpu.core_type<tc>, window_params = [{transform_indices = @transform_0, window_bounds = array<i64: 1000, 128>}, {transform_indices = @transform_1, window_bounds = array<i64: 1, 32, 1000>}, {transform_indices = @transform_2, window_bounds = array<i64: 1000, 128>}, {transform_indices = @transform_3, window_bounds = array<i64: 1000, 1>}]} {
    %get3A = arith.constant 0 : index
    %get3A_0 = arith.constant 0 : index
    %get3A_1 = arith.constant 0 : index
    %get3A_2 = vector.load %arg2[%get3A, %get3A_0, %get3A_1] : memref<1x32x1000xf32, #tpu.memory_space<vmem>>, vector<1x32x1000xf32>
    %reduce_sum3A = arith.constant dense<0.000000e+00> : vector<1000xf32>
    %reduce_sum3A_3 = vector.multi_reduction <add>, %get3A_2, %reduce_sum3A [0, 1] : vector<1x32x1000xf32> to vector<1000xf32>
    %add3A = arith.constant 1.000000e+00 : f32
    %add3A_4 = vector.broadcast %add3A : f32 to vector<1000xf32>
    %add3A_5 = arith.addf %reduce_sum3A_3, %add3A_4 : vector<1000xf32>
    %rsqrt3A = math.rsqrt %add3A_5 : vector<1000xf32>
    %broadcast_in_dim3A = vector.shape_cast %rsqrt3A : vector<1000xf32> to vector<1000x1xf32>
    %get3A_6 = arith.constant 0 : index
    %get3A_7 = arith.constant 0 : index
    %get3A_8 = vector.load %arg1[%get3A_6, %get3A_7] : memref<1000x128xf32, #tpu.memory_space<vmem>>, vector<1000x128xf32>
    %mul3A = vector.broadcast %broadcast_in_dim3A : vector<1000x1xf32> to vector<1000x128xf32>
    %mul3A_9 = arith.mulf %get3A_8, %mul3A : vector<1000x128xf32>
    %swap3A = arith.constant 0 : index
    %swap3A_10 = arith.constant 0 : index
    %swap3A_11 = vector.load %arg3[%swap3A, %swap3A_10] : memref<1000x128xf32, #tpu.memory_space<vmem>>, vector<1000x128xf32>
    tpu.vector_store %arg3[%swap3A, %swap3A_10], %mul3A_9 {strides = array<i32>} : memref<1000x128xf32, #tpu.memory_space<vmem>>, vector<1000x128xf32>,
    %swap3A_12 = arith.constant 0 : index
    %swap3A_13 = arith.constant 0 : index
    %swap3A_14 = vector.load %arg4[%swap3A_12, %swap3A_13] : memref<1000x1xf32, #tpu.memory_space<vmem>>, vector<1000x1xf32>
    tpu.vector_store %arg4[%swap3A_12, %swap3A_13], %broadcast_in_dim3A {strides = array<i32>} : memref<1000x1xf32, #tpu.memory_space<vmem>>, vector<1000x1xf32>,
    return
  }
  func.func @transform_0(%arg0: i32) -> (i32, i32) {
    %c0_i32 = arith.constant 0 : i32
    %c0_i32_0 = arith.constant 0 : i32
    return %arg0, %c0_i32 : i32, i32
  }
  func.func @transform_1(%arg0: i32) -> (i32, i32, i32) {
    %c0_i32 = arith.constant 0 : i32
    %c0_i32_0 = arith.constant 0 : i32
    %c0_i32_1 = arith.constant 0 : i32
    return %arg0, %c0_i32, %c0_i32_0 : i32, i32, i32
  }
  func.func @transform_2(%arg0: i32) -> (i32, i32) {
    %c0_i32 = arith.constant 0 : i32
    %c0_i32_0 = arith.constant 0 : i32
    return %arg0, %c0_i32 : i32, i32
  }
  func.func @transform_3(%arg0: i32) -> (i32, i32) {
    %c0_i32 = arith.constant 0 : i32
    %c0_i32_0 = arith.constant 0 : i32
    return %arg0, %c0_i32 : i32, i32
  }
}

module attributes {stable_mosaic.version = 14 : i64} {
  func.func @_mid_body(%arg0: i32, %arg1: memref<2x1000x128xf32, #tpu.memory_space<vmem>>, %arg2: memref<1000x1xf32, #tpu.memory_space<vmem>>, %arg3: memref<1x128xf32, #tpu.memory_space<vmem>>, %arg4: memref<128x128xf32, #tpu.memory_space<vmem>>, %arg5: memref<1000x128xf32, #tpu.memory_space<vmem>>) attributes {dimension_semantics = [#tpu.dimension_semantics<arbitrary>], iteration_bounds = array<i64: 10>, scalar_prefetch = 0 : i64, scratch_operands = 0 : i64, tpu.core_type = #tpu.core_type<tc>, window_params = [{transform_indices = @transform_0, window_bounds = array<i64: 2, 1000, 128>}, {transform_indices = @transform_1, window_bounds = array<i64: 1000, 1>}, {pipeline_mode = #tpu.pipeline_mode<synchronous>, transform_indices = @transform_2, window_bounds = array<i64: 1, 128>}, {pipeline_mode = #tpu.pipeline_mode<synchronous>, transform_indices = @transform_3, window_bounds = array<i64: 128, 128>}, {transform_indices = @transform_4, window_bounds = array<i64: 1000, 128>}]} {
    %get3A = arith.constant 0 : index
    %get3A_0 = arith.constant 0 : index
    %get3A_1 = vector.load %arg2[%get3A, %get3A_0] : memref<1000x1xf32, #tpu.memory_space<vmem>>, vector<1000x1xf32>
    %get3A_2 = arith.constant 0 : index
    %get3A_3 = arith.constant 0 : index
    %get3A_4 = arith.constant 0 : index
    %get3A_5 = vector.load %arg1[%get3A_2, %get3A_3, %get3A_4] : memref<2x1000x128xf32, #tpu.memory_space<vmem>>, vector<1x1000x128xf32>
    %get3A_6 = vector.shape_cast %get3A_5 : vector<1x1000x128xf32> to vector<1000x128xf32>
    %get3A_7 = arith.constant 1 : index
    %get3A_8 = arith.constant 0 : index
    %get3A_9 = arith.constant 0 : index
    %get3A_10 = vector.load %arg1[%get3A_7, %get3A_8, %get3A_9] : memref<2x1000x128xf32, #tpu.memory_space<vmem>>, vector<1x1000x128xf32>
    %get3A_11 = vector.shape_cast %get3A_10 : vector<1x1000x128xf32> to vector<1000x128xf32>
    %add3A = arith.addf %get3A_6, %get3A_11 : vector<1000x128xf32>
    %mul3A = vector.broadcast %get3A_1 : vector<1000x1xf32> to vector<1000x128xf32>
    %mul3A_12 = arith.mulf %add3A, %mul3A : vector<1000x128xf32>
    %get3A_13 = arith.constant 0 : index
    %get3A_14 = arith.constant 0 : index
    %get3A_15 = vector.load %arg3[%get3A_13, %get3A_14] : memref<1x128xf32, #tpu.memory_space<vmem>>, vector<1x128xf32>
    %add3A_16 = vector.broadcast %get3A_15 : vector<1x128xf32> to vector<1000x128xf32>
    %add3A_17 = arith.addf %mul3A_12, %add3A_16 : vector<1000x128xf32>
    %max3A = arith.constant 0.000000e+00 : f32
    %max3A_18 = vector.broadcast %max3A : f32 to vector<1000x128xf32>
    %max3A_19 = arith.maximumf %add3A_17, %max3A_18 : vector<1000x128xf32>
    %get3A_20 = arith.constant 0 : index
    %get3A_21 = arith.constant 0 : index
    %get3A_22 = vector.load %arg4[%get3A_20, %get3A_21] : memref<128x128xf32, #tpu.memory_space<vmem>>, vector<128x128xf32>
    %dot_general3A = arith.constant dense<0.000000e+00> : vector<1000x128xf32>
    %dot_general3A_23 = tpu.matmul %max3A_19, %get3A_22, %dot_general3A {dimension_numbers = #tpu.dot_dimension_numbers<[1], [0], [0], [1], [0, 0, 1, 1], [], []>, transpose_lhs_hint = false} : vector<1000x128xf32>, vector<128x128xf32>, vector<1000x128xf32> -> vector<1000x128xf32>
    %mul3A_24 = vector.broadcast %get3A_1 : vector<1000x1xf32> to vector<1000x128xf32>
    %mul3A_25 = arith.mulf %dot_general3A_23, %mul3A_24 : vector<1000x128xf32>
    %swap3A = arith.constant 0 : index
    %swap3A_26 = arith.constant 0 : index
    %swap3A_27 = vector.load %arg5[%swap3A, %swap3A_26] : memref<1000x128xf32, #tpu.memory_space<vmem>>, vector<1000x128xf32>
    tpu.vector_store %arg5[%swap3A, %swap3A_26], %mul3A_25 {strides = array<i32>} : memref<1000x128xf32, #tpu.memory_space<vmem>>, vector<1000x128xf32>,
    return
  }
  func.func @transform_0(%arg0: i32) -> (i32, i32, i32) {
    %c0_i32 = arith.constant 0 : i32
    %c0_i32_0 = arith.constant 0 : i32
    %c0_i32_1 = arith.constant 0 : i32
    return %c0_i32, %arg0, %c0_i32_0 : i32, i32, i32
  }
  func.func @transform_1(%arg0: i32) -> (i32, i32) {
    %c0_i32 = arith.constant 0 : i32
    %c0_i32_0 = arith.constant 0 : i32
    return %arg0, %c0_i32 : i32, i32
  }
  func.func @transform_2(%arg0: i32) -> (i32, i32) {
    %c0_i32 = arith.constant 0 : i32
    %c0_i32_0 = arith.constant 0 : i32
    %c0_i32_1 = arith.constant 0 : i32
    return %c0_i32, %c0_i32_0 : i32, i32
  }
  func.func @transform_3(%arg0: i32) -> (i32, i32) {
    %c0_i32 = arith.constant 0 : i32
    %c0_i32_0 = arith.constant 0 : i32
    %c0_i32_1 = arith.constant 0 : i32
    return %c0_i32, %c0_i32_0 : i32, i32
  }
  func.func @transform_4(%arg0: i32) -> (i32, i32) {
    %c0_i32 = arith.constant 0 : i32
    %c0_i32_0 = arith.constant 0 : i32
    return %arg0, %c0_i32 : i32, i32
  }
}

module attributes {stable_mosaic.version = 14 : i64} {
  func.func @_post_body(%arg0: i32, %arg1: memref<2x1000x128xf32, #tpu.memory_space<vmem>>, %arg2: memref<1000x1xf32, #tpu.memory_space<vmem>>, %arg3: memref<1x128xf32, #tpu.memory_space<vmem>>, %arg4: memref<128x128xf32, #tpu.memory_space<vmem>>, %arg5: memref<1x128xf32, #tpu.memory_space<vmem>>, %arg6: memref<128x128xf32, #tpu.memory_space<vmem>>, %arg7: memref<1x128xf32, #tpu.memory_space<vmem>>, %arg8: memref<1000x128xf32, #tpu.memory_space<vmem>>, %arg9: memref<1000x128xf32, #tpu.memory_space<vmem>>, %arg10: memref<1000x128xf32, #tpu.memory_space<vmem>>) attributes {dimension_semantics = [#tpu.dimension_semantics<arbitrary>], iteration_bounds = array<i64: 10>, scalar_prefetch = 0 : i64, scratch_operands = 0 : i64, tpu.core_type = #tpu.core_type<tc>, window_params = [{transform_indices = @transform_0, window_bounds = array<i64: 2, 1000, 128>}, {transform_indices = @transform_1, window_bounds = array<i64: 1000, 1>}, {pipeline_mode = #tpu.pipeline_mode<synchronous>, transform_indices = @transform_2, window_bounds = array<i64: 1, 128>}, {pipeline_mode = #tpu.pipeline_mode<synchronous>, transform_indices = @transform_3, window_bounds = array<i64: 128, 128>}, {pipeline_mode = #tpu.pipeline_mode<synchronous>, transform_indices = @transform_4, window_bounds = array<i64: 1, 128>}, {pipeline_mode = #tpu.pipeline_mode<synchronous>, transform_indices = @transform_5, window_bounds = array<i64: 128, 128>}, {pipeline_mode = #tpu.pipeline_mode<synchronous>, transform_indices = @transform_6, window_bounds = array<i64: 1, 128>}, {transform_indices = @transform_7, window_bounds = array<i64: 1000, 128>}, {transform_indices = @transform_8, window_bounds = array<i64: 1000, 128>}, {transform_indices = @transform_9, window_bounds = array<i64: 1000, 128>}]} {
    %get3A = arith.constant 0 : index
    %get3A_0 = arith.constant 0 : index
    %get3A_1 = vector.load %arg2[%get3A, %get3A_0] : memref<1000x1xf32, #tpu.memory_space<vmem>>, vector<1000x1xf32>
    %get3A_2 = arith.constant 0 : index
    %get3A_3 = arith.constant 0 : index
    %get3A_4 = arith.constant 0 : index
    %get3A_5 = vector.load %arg1[%get3A_2, %get3A_3, %get3A_4] : memref<2x1000x128xf32, #tpu.memory_space<vmem>>, vector<1x1000x128xf32>
    %get3A_6 = vector.shape_cast %get3A_5 : vector<1x1000x128xf32> to vector<1000x128xf32>
    %get3A_7 = arith.constant 1 : index
    %get3A_8 = arith.constant 0 : index
    %get3A_9 = arith.constant 0 : index
    %get3A_10 = vector.load %arg1[%get3A_7, %get3A_8, %get3A_9] : memref<2x1000x128xf32, #tpu.memory_space<vmem>>, vector<1x1000x128xf32>
    %get3A_11 = vector.shape_cast %get3A_10 : vector<1x1000x128xf32> to vector<1000x128xf32>
    %add3A = arith.addf %get3A_6, %get3A_11 : vector<1000x128xf32>
    %mul3A = vector.broadcast %get3A_1 : vector<1000x1xf32> to vector<1000x128xf32>
    %mul3A_12 = arith.mulf %add3A, %mul3A : vector<1000x128xf32>
    %get3A_13 = arith.constant 0 : index
    %get3A_14 = arith.constant 0 : index
    %get3A_15 = vector.load %arg3[%get3A_13, %get3A_14] : memref<1x128xf32, #tpu.memory_space<vmem>>, vector<1x128xf32>
    %add3A_16 = vector.broadcast %get3A_15 : vector<1x128xf32> to vector<1000x128xf32>
    %add3A_17 = arith.addf %mul3A_12, %add3A_16 : vector<1000x128xf32>
    %swap3A = arith.constant 0 : index
    %swap3A_18 = arith.constant 0 : index
    %swap3A_19 = vector.load %arg8[%swap3A, %swap3A_18] : memref<1000x128xf32, #tpu.memory_space<vmem>>, vector<1000x128xf32>
    tpu.vector_store %arg8[%swap3A, %swap3A_18], %add3A_17 {strides = array<i32>} : memref<1000x128xf32, #tpu.memory_space<vmem>>, vector<1000x128xf32>,
    %get3A_20 = arith.constant 0 : index
    %get3A_21 = arith.constant 0 : index
    %get3A_22 = vector.load %arg4[%get3A_20, %get3A_21] : memref<128x128xf32, #tpu.memory_space<vmem>>, vector<128x128xf32>
    %dot_general3A = arith.constant dense<0.000000e+00> : vector<1000x128xf32>
    %dot_general3A_23 = tpu.matmul %add3A_17, %get3A_22, %dot_general3A {dimension_numbers = #tpu.dot_dimension_numbers<[1], [0], [0], [1], [0, 0, 1, 1], [], []>, transpose_lhs_hint = false} : vector<1000x128xf32>, vector<128x128xf32>, vector<1000x128xf32> -> vector<1000x128xf32>
    %get3A_24 = arith.constant 0 : index
    %get3A_25 = arith.constant 0 : index
    %get3A_26 = vector.load %arg5[%get3A_24, %get3A_25] : memref<1x128xf32, #tpu.memory_space<vmem>>, vector<1x128xf32>
    %add3A_27 = vector.broadcast %get3A_26 : vector<1x128xf32> to vector<1000x128xf32>
    %add3A_28 = arith.addf %dot_general3A_23, %add3A_27 : vector<1000x128xf32>
    %max3A = arith.constant 0.000000e+00 : f32
    %max3A_29 = vector.broadcast %max3A : f32 to vector<1000x128xf32>
    %max3A_30 = arith.maximumf %add3A_28, %max3A_29 : vector<1000x128xf32>
    %swap3A_31 = arith.constant 0 : index
    %swap3A_32 = arith.constant 0 : index
    %swap3A_33 = vector.load %arg9[%swap3A_31, %swap3A_32] : memref<1000x128xf32, #tpu.memory_space<vmem>>, vector<1000x128xf32>
    tpu.vector_store %arg9[%swap3A_31, %swap3A_32], %max3A_30 {strides = array<i32>} : memref<1000x128xf32, #tpu.memory_space<vmem>>, vector<1000x128xf32>,
    %get3A_34 = arith.constant 0 : index
    %get3A_35 = arith.constant 0 : index
    %get3A_36 = vector.load %arg6[%get3A_34, %get3A_35] : memref<128x128xf32, #tpu.memory_space<vmem>>, vector<128x128xf32>
    %dot_general3A_37 = arith.constant dense<0.000000e+00> : vector<1000x128xf32>
    %dot_general3A_38 = tpu.matmul %add3A_17, %get3A_36, %dot_general3A_37 {dimension_numbers = #tpu.dot_dimension_numbers<[1], [0], [0], [1], [0, 0, 1, 1], [], []>, transpose_lhs_hint = false} : vector<1000x128xf32>, vector<128x128xf32>, vector<1000x128xf32> -> vector<1000x128xf32>
    %get3A_39 = arith.constant 0 : index
    %get3A_40 = arith.constant 0 : index
    %get3A_41 = vector.load %arg7[%get3A_39, %get3A_40] : memref<1x128xf32, #tpu.memory_space<vmem>>, vector<1x128xf32>
    %add3A_42 = vector.broadcast %get3A_41 : vector<1x128xf32> to vector<1000x128xf32>
    %add3A_43 = arith.addf %dot_general3A_38, %add3A_42 : vector<1000x128xf32>
    %max3A_44 = arith.constant 0.000000e+00 : f32
    %max3A_45 = vector.broadcast %max3A_44 : f32 to vector<1000x128xf32>
    %max3A_46 = arith.maximumf %add3A_43, %max3A_45 : vector<1000x128xf32>
    %swap3A_47 = arith.constant 0 : index
    %swap3A_48 = arith.constant 0 : index
    %swap3A_49 = vector.load %arg10[%swap3A_47, %swap3A_48] : memref<1000x128xf32, #tpu.memory_space<vmem>>, vector<1000x128xf32>
    tpu.vector_store %arg10[%swap3A_47, %swap3A_48], %max3A_46 {strides = array<i32>} : memref<1000x128xf32, #tpu.memory_space<vmem>>, vector<1000x128xf32>,
    return
  }
  func.func @transform_0(%arg0: i32) -> (i32, i32, i32) {
    %c0_i32 = arith.constant 0 : i32
    %c0_i32_0 = arith.constant 0 : i32
    %c0_i32_1 = arith.constant 0 : i32
    return %c0_i32, %arg0, %c0_i32_0 : i32, i32, i32
  }
  func.func @transform_1(%arg0: i32) -> (i32, i32) {
    %c0_i32 = arith.constant 0 : i32
    %c0_i32_0 = arith.constant 0 : i32
    return %arg0, %c0_i32 : i32, i32
  }
  func.func @transform_2(%arg0: i32) -> (i32, i32) {
    %c0_i32 = arith.constant 0 : i32
    %c0_i32_0 = arith.constant 0 : i32
    %c0_i32_1 = arith.constant 0 : i32
    return %c0_i32, %c0_i32_0 : i32, i32
  }
  func.func @transform_3(%arg0: i32) -> (i32, i32) {
    %c0_i32 = arith.constant 0 : i32
    %c0_i32_0 = arith.constant 0 : i32
    %c0_i32_1 = arith.constant 0 : i32
    return %c0_i32, %c0_i32_0 : i32, i32
  }
  func.func @transform_4(%arg0: i32) -> (i32, i32) {
    %c0_i32 = arith.constant 0 : i32
    %c0_i32_0 = arith.constant 0 : i32
    %c0_i32_1 = arith.constant 0 : i32
    return %c0_i32, %c0_i32_0 : i32, i32
  }
  func.func @transform_5(%arg0: i32) -> (i32, i32) {
    %c0_i32 = arith.constant 0 : i32
    %c0_i32_0 = arith.constant 0 : i32
    %c0_i32_1 = arith.constant 0 : i32
    return %c0_i32, %c0_i32_0 : i32, i32
  }
  func.func @transform_6(%arg0: i32) -> (i32, i32) {
    %c0_i32 = arith.constant 0 : i32
    %c0_i32_0 = arith.constant 0 : i32
    %c0_i32_1 = arith.constant 0 : i32
    return %c0_i32, %c0_i32_0 : i32, i32
  }
  func.func @transform_7(%arg0: i32) -> (i32, i32) {
    %c0_i32 = arith.constant 0 : i32
    %c0_i32_0 = arith.constant 0 : i32
    return %arg0, %c0_i32 : i32, i32
  }
  func.func @transform_8(%arg0: i32) -> (i32, i32) {
    %c0_i32 = arith.constant 0 : i32
    %c0_i32_0 = arith.constant 0 : i32
    return %arg0, %c0_i32 : i32, i32
  }
  func.func @transform_9(%arg0: i32) -> (i32, i32) {
    %c0_i32 = arith.constant 0 : i32
    %c0_i32_0 = arith.constant 0 : i32
    return %arg0, %c0_i32 : i32, i32
  }
}

</mosaic_0001>

<sc_bundles>
// kernel: kernel.12.cloned.1.call-start
scs
__scs_entry_jumppad:
0x0: {  	(pc) =	sbr.rel $0x88, $3  }
0x1: {  	(tag) =	ssettag $0x0;
	lr =	simm.s32 $0x1  }
0x2: {  	[smem:$0x3F97] =	sst lr;
	_ =	strace $0xD0000000  }
0x3: {  	_ = 	snop  }
0x4: {  	_ = 	snop  }
0x5: {  	_ = 	snop  }
0x6: {  	_ = 	snop  }
0x7: {  	_ = 	snop  }
__scs_overlays_trampoline_lowered:
0x8: {  	[smem:$0x3FA6] =	sst s0  }
0x9: {  	[smem:$0x3FA7] =	sst s1  }
0xa: {  	[smem:$0x3FA8] =	sst s2  }
0xb: {  	[smem:$0x3FA9] =	sst s3  }
0xc: {  	[smem:$0x3FAA] =	sst s4  }
0xd: {  	[smem:$0x3FAB] =	sst s5  }
0xe: {  	[smem:$0x3FAC] =	sst s6  }
0xf: {  	[smem:$0x3FAD] =	sst s7  }
0x10: {  	[smem:$0x3FAE] =	sst s8  }
0x11: {  	[smem:$0x3FAF] =	sst s9;
	s0 =	simm.s32 @!p0 $0x0  }
0x12: {  	s1 =	sld [smem:$0x3F95];
	s0 =	simm.s32 @p0 $0x1  }
0x13: {  	[smem:$0x3FB0] =	sst s0;
	s0 =	simm.s32 @!p1 $0x0  }
0x14: {  	s2 =	sld [smem:$0x3F94];
	s0 =	simm.s32 @p1 $0x1  }
0x15: {  	[smem:$0x3FB1] =	sst s0;
	s0 =	simm.s32 @!p2 $0x0  }
0x16: {  	s3 =	sld [smem:$0x3FDB];
	s0 =	simm.s32 @p2 $0x1  }
0x17: {  	s4 =	simm.s32 $0x1BF5;
	[smem:$0x3FB3] =	sst s0  }
0x18: {  	s0 =	sld [smem:$0x3F96];
	_ =	swait.ge [sflag:s4], $0x0  }
0x19: {  	s7 =	sld [smem:$0x3F97]  }
0x1a: {  	s8 =	sadd.s32 $0xFFFFE003, lr  }
0x1b: {  	s9 =	sadd.s32 $0xFFFFFEF7, lr;
	s5 =	simm.s32 $0xFFFFFFFF;
	p2 =	slt.u32 s8, $0xFFFFF086  }
0x1c: {  	p1 =	slt.u32 s9, $0xF7A;
	s5 =	simm.s32 @!p2 $0x0  }
0x1d: {  	s5 =	simm.s32 @p1 $0x1;
	p0 =	seq.s32 s7, s2  }
0x1e: {  	s7 =	smul.u32 @!p0 $0xF7A, s2;
	p2 =	seq.s32 @!p0 s5, $0x0  }
0x1f: {  	s9 =	smul.u32 $0xF7A, s1;
	s8 =	simm.s32 @!p0 $0x1BF5;
	p2 =	por !p2, p0  }
0x20: {  	[sflag:s8] =	ssyncset.s32 @!p0 $0xFFFFF086;
	s6 =	sadd.s32 @!p0 s3, s7;
	s7 =	simm.s32 @!p0 $0x108  }
0x21: {  	s3 =	sadd.s32 s3, s9;
	s6 =	sadd.s32 @!p0 $0x88, s6;
	s7 =	simm.s32 @p2 $0x1082  }
0x22: {  	[simem:s7], [sflag:s8] =	dma.local @!p0 [hbm:s6], $0xF7A  }
0x23: {  	s9 =	sor.u32 $0xD0000000, s2;
	s6 =	simm.s32 $0x108;
	_ =	swait.ge @!p0 [sflag:s8], $0x0  }
0x24: {  	s3 =	sadd.s32 $0x88, s3;
	s6 =	simm.s32 @!p1 $0x1082;
	[sflag:s4] =	ssyncset.s32 $0xFFFFF086  }
0x25: {  	[simem:s6], [sflag:s4] =	dma.local [hbm:s3], $0xF7A  }
0x26: {  	[smem:$0x3F97] =	sst s1;
	(tag) =	ssettag s2;
	_ =	strace s9  }
0x27: {  	s1 =	sld [smem:$0x3FA7]  }
0x28: {  	s2 =	sld [smem:$0x3FA8]  }
0x29: {  	s4 =	sld [smem:$0x3FAA]  }
0x2a: {  	p0 =	seq.s32 s5, $0x0;
	s5 =	sld [smem:$0x3FAB]  }
0x2b: {  	s6 =	sld [smem:$0x3FAC]  }
0x2c: {  	s7 =	sld [smem:$0x3FAD]  }
0x2d: {  	s3 =	simm.s32 $0x108;
	s8 =	sld [smem:$0x3FAE]  }
0x2e: {  	s3 =	simm.s32 @!p0 $0x1082;
	s9 =	sld [smem:$0x3FAF]  }
0x2f: {  	lr =	sadd.s32 s0, s3;
	s0 =	sld [smem:$0x3FA6]  }
0x30: {  	s3 =	sld [smem:$0x3FA9]  }
0x31: {  	[smem:$0x3FB2] =	sst s10  }
0x32: {  	s10 =	sld [smem:$0x3FB0];
	_ =	sdelay $0x3  }
0x33: {  	p0 =	seq.s32 s10, $0x1;
	s10 =	sld [smem:$0x3FB2];
	_ =	sdelay $0x3  }
0x34: {  	[smem:$0x3FB2] =	sst s10  }
0x35: {  	s10 =	sld [smem:$0x3FB1];
	_ =	sdelay $0x3  }
0x36: {  	p1 =	seq.s32 s10, $0x1;
	s10 =	sld [smem:$0x3FB2];
	_ =	sdelay $0x3  }
0x37: {  	[smem:$0x3FB2] =	sst s10  }
0x38: {  	s10 =	sld [smem:$0x3FB3]  }
0x39: {  	_ = 	snop;
	(pc) =	sbr.ind lr, $3  }
0x3a: {  	_ = 	snop  }
0x3b: {  	_ = 	snop  }
0x3c: {  	p2 =	seq.s32 s10, $0x1;
	s10 =	sld [smem:$0x3FB2]  }
0x3d: {  	_ =	shalt  }
0x3e: {  	_ =	shalt  }
0x3f: {  	_ =	shalt  }
0x40: {  	_ =	shalt  }
0x41: {  	_ =	shalt  }
0x42: {  	_ =	shalt  }
0x43: {  	_ =	shalt  }
0x44: {  	_ =	shalt  }
0x45: {  	_ =	shalt  }
0x46: {  	_ =	shalt  }
0x47: {  	_ =	shalt  }
0x48: {  	_ =	shalt  }
0x49: {  	_ =	shalt  }
0x4a: {  	_ =	shalt  }
0x4b: {  	_ =	shalt  }
0x4c: {  	_ =	shalt  }
0x4d: {  	_ =	shalt  }
0x4e: {  	_ =	shalt  }
0x4f: {  	_ =	shalt  }
0x50: {  	_ =	shalt  }
0x51: {  	_ =	shalt  }
0x52: {  	_ =	shalt  }
0x53: {  	_ =	shalt  }
0x54: {  	_ =	shalt  }
0x55: {  	_ =	shalt  }
0x56: {  	_ =	shalt  }
0x57: {  	_ =	shalt  }
0x58: {  	_ =	shalt  }
0x59: {  	_ =	shalt  }
0x5a: {  	_ =	shalt  }
0x5b: {  	_ =	shalt  }
0x5c: {  	_ =	shalt  }
0x5d: {  	_ =	shalt  }
0x5e: {  	_ =	shalt  }
0x5f: {  	_ =	shalt  }
0x60: {  	_ =	shalt  }
0x61: {  	_ =	shalt  }
0x62: {  	_ =	shalt  }
0x63: {  	_ =	shalt  }
0x64: {  	_ =	shalt  }
0x65: {  	_ =	shalt  }
0x66: {  	_ =	shalt  }
0x67: {  	_ =	shalt  }
0x68: {  	_ =	shalt  }
0x69: {  	_ =	shalt  }
0x6a: {  	_ =	shalt  }
0x6b: {  	_ =	shalt  }
0x6c: {  	_ =	shalt  }
0x6d: {  	_ =	shalt  }
0x6e: {  	_ =	shalt  }
0x6f: {  	_ =	shalt  }
0x70: {  	_ =	shalt  }
0x71: {  	_ =	shalt  }
0x72: {  	_ =	shalt  }
0x73: {  	_ =	shalt  }
0x74: {  	_ =	shalt  }
0x75: {  	_ =	shalt  }
0x76: {  	_ =	shalt  }
0x77: {  	_ =	shalt  }
0x78: {  	_ =	shalt  }
0x79: {  	_ =	shalt  }
0x7a: {  	_ =	shalt  }
0x7b: {  	_ =	shalt  }
0x7c: {  	_ =	shalt  }
0x7d: {  	_ =	shalt  }
0x7e: {  	_ =	shalt  }
0x7f: {  	_ =	shalt  }
0x80: {  	_ =	shalt  }
0x81: {  	_ =	shalt  }
0x82: {  	_ =	shalt  }
0x83: {  	_ =	shalt  }
0x84: {  	_ =	shalt  }
0x85: {  	_ =	shalt  }
0x86: {  	_ =	shalt  }
0x87: {  	_ =	shalt  }
.Lfunc_end0:
.L_simem_size_0:
called_computation.1_lowered:
.L_overlay_start_0:
0x88: {  	s2 =	sld [smem:$0x3FD9]  }
0x89: {  	s3 =	sld [smem:$0x3FFE];
	_ =	sdelay $0x1  }
0x8a: {  	s1 =	srdreg.scid  }
0x8b: {  	s0 =	sand.u32 $0x1, s1  }
0x8c: {  	s14 =	sshll.u32 s0, $0xA;
	s2 =	sadd.s32 s3, s2  }
0x8d: {  	s2 =	sadd.s32 s2, s14  }
0x8e: {  	[smem:$0x3FBE] =	sst s2  }
0x8f: {  	_ = 	snop  }
0x90: {  	s2 =	sld [smem:$0x3FD0];
	_ =	sdelay $0x2  }
0x91: {  	s15 =	simm.s32 $0xA;
	s4 =	simm.s32 $0x10  }
0x92: {  	[smem:s4], [sflag:s15] =	dma.local [hbm:s2], $0x1  }
0x93: {  	_ =	swait.eq [sflag:s15], $0x1  }
0x94: {  	[sflag:s15] =	ssyncset.done $0x0  }
0x95: {  	s16 =	sld [smem:$0x11];
	[sflag:s15] =	ssyncadd.s32 $0xFFFFFFFF  }
0x96: {  	s17 =	sld [smem:$0x12];
	(tm) =	ssettm $0x1  }
0x97: {  	s18 =	sld [smem:$0x3FFB];
	_ =	sdelay $0x3  }
0x98: {  	_ =	strace s18  }
0x99: {  	s4 =	sld [smem:$0x3FFC];
	_ =	sdelay $0x3  }
0x9a: {  	_ =	strace s4  }
0x9b: {  	s4 =	sld [smem:$0x3FFD];
	_ =	sdelay $0x3  }
0x9c: {  	_ =	strace s4  }
0x9d: {  	_ =	strace $0x8FFFFFFF  }
0x9e: {  	s19 =	sld [smem:$0x3FDB];
	_ =	sdelay $0x1  }
0x9f: {  	s5 =	simm.s32 $_scs_section_size  }
0xa0: {  	s6 =	simm.s32 $_size__tile_overlayer_lowered;
	s7 =	simm.s32 $_tile_overlayer_lowered  }
0xa1: {  	s22 =	simm.s32 $0x1BFF;
	s21 =	sshll.u32 s7, $0x1;
	s4 =	sadd.s32 s5, s19  }
0xa2: {  	s8 =	simm.s32 $0x0;
	s20 =	sshll.u32 s6, $0x1;
	s6 =	sadd.s32 s21, s4  }
0xa3: {  	[timem:s8], [sflag:s22] =	dma.local [hbm:s6], s20  }
0xa4: {  	_ =	swait.ge [sflag:s22], s20  }
0xa5: {  	s5 =	ssub.s32 $0x0, s20;
	[sflag:s22] =	ssyncset.done $0x0  }
0xa6: {  	[sflag:s22] =	ssyncadd.s32 s5;
	_ =	sdelay $0x1  }
0xa7: {  	s23 =	simm.s32 $0x1B8B  }
0xa8: {  	_ =	swait.ge [sflag:s23], $0x1  }
0xa9: {  	[sflag:s23] =	ssyncset.done $0x0  }
0xaa: {  	s25 =	simm.s32 $0x1B8E;
	s24 =	sld [smem:$0x3FFE];
	[sflag:s23] =	ssyncadd.s32 $0xFFFFFFFF  }
0xab: {  	s26 =	simm.s32 $execute0_lowered;
	[smem:$0x3FD2] =	sst s25  }
0xac: {  	s6 =	sshll.u32 s26, $0x1;
	_ =	strace $0x80000049;
	[dreg:$0x1] =	wrdreg $0xFFFFFFFF  }
0xad: {  	s28 =	simm.s32 $_size_execute0_lowered;
	s4 =	sadd.s32 s4, s6;
	[dreg:$0x0] =	wrdreg $0x0  }
0xae: {  	s6 =	sshll.u32 s28, $0x1;
	[dreg:$0x2] =	wrdreg s4  }
0xaf: {  	[dreg:$0x3] =	wrdreg s6  }
0xb0: {  	[dreg:$0x4] =	wrdreg $0xC0  }
0xb1: {  	_ =	task [dreg:s8], $0x5FFFF  }
0xb2: {  	[dreg:$0x1] =	wrdreg $0xFFFFFFFF  }
0xb3: {  	[dreg:$0x0] =	wrdreg $0x60  }
0xb4: {  	[dreg:$0x2] =	wrdreg s17  }
0xb5: {  	[dreg:$0x3] =	wrdreg s16  }
0xb6: {  	[dreg:$0x4] =	wrdreg s24  }
0xb7: {  	[dreg:$0x5] =	wrdreg $0xA4000  }
0xb8: {  	[dreg:$0x6] =	wrdreg $0x9  }
0xb9: {  	_ =	task.clear_ibuf [dreg:s8], $0x7FFFF;
	_ =	strace $0x90000049  }
0xba: {  	s29 =	simm.s32 $0x9;
	_ =	strace $0x8000004B  }
0xbb: {  	_ =	swait.ge [sflag:s29], $0x1  }
0xbc: {  	[sflag:s29] =	ssyncadd.s32 $0xFFFFFFFF  }
0xbd: {  	_ =	strace $0x9000004B  }
0xbe: {  	_ =	sfence  }
0xbf: {  	s30 =	sld [smem:$0x0];
	_ =	sdelay $0x2  }
0xc0: {  	s31 =	sshll.u32 s1, $0xD;
	s1 =	sshrl.u32 s1, $0x2  }
0xc1: {  	s3 =	sand.u32 $0x4000, s31;
	s1 =	sadd.s32 s1, s30  }
0xc2: {  	s0 =	sor.u32 s3, s0;
	s1 =	sshll.u32 s1, $0x11  }
0xc3: {  	s0 =	sor.u32 s1, s0  }
0xc4: {  	s0 =	sadd.s32 $0x8F2B, s0  }
0xc5: {  	[sflag:s0] =	ssyncadd.remote.s32 $0x1  }
0xc6: {  	_ =	sfence.sel $0xFFFF  }
0xc7: {  	[dreg:$0x0] =	wrdreg $0xFFFFFFFF;
	(pc) =	sbr.abs _section_cstart, $3  }
0xc8: {  	[dreg:$0x1] =	wrdreg $0xFFFFFFFF  }
0xc9: {  	_ =	task.clear_ibuf [dreg:s8], $0x2FFFF;
	_ =	strace $0x9FFFFFFF  }
0xca: {  	(tm) =	ssettm $0x7FFFFFFF  }
0xcb: {  	_ =	shalt  }
tec
execute0_lowered:
.L_overlay_start_1:
0x0: {  	(tag) =	ssettag $0x1  }
0x1: {  	s1 =	rddreg [dreg:$0x0]  }
0x2: {  	s0 =	rddreg [dreg:$0x1]  }
0x3: {  	s4 =	rddreg [dreg:$0x2]  }
0x4: {  	s2 =	rddreg [dreg:$0x3]  }
0x5: {  	s3 =	simm.s32 $0x0;
	s5 =	srdreg.scid;
	s13 =	stileid.u32  }
0x6: {  	s28 =	simm.s32 $0x180;
	s29 =	simm.s32 $0x9;
	s30 =	simm.s32 $0x4  }
0x7: {  	s31 =	simm.s32 $0x7C00;
	[smem:$0x7FF] =	sst s3;
	s5 =	sand.u32 $0x1, s5  }
0x8: {  	s4 =	sadd.s32 $0x2800, s4;
	s8 =	smul.u32 $0x4E000, s13;
	s11 =	sshll.u32 s13, $0x1  }
0x9: {  	s9 =	smul.u32 $0x2700, s13;
	s15 =	sadd.s32 $0x124800, s2;
	s16 =	sadd.s32 $0x24900, s1  }
0xa: {  	s23 =	sadd.s32 $0x127000, s2;
	_ =	strace $0x8000004A;
	[dreg:$0xb] =	wrdreg s15  }
0xb: {  	s24 =	smul.u32 $0x13800, s13;
	s25 =	sadd.s32 $0x129800, s2;
	[dreg:$0xc] =	wrdreg s16  }
0xc: {  	s6 =	ssub.s32 $0x2, s5;
	s19 =	smul.u32 $0x138800, s5;
	[dreg:$0x14] =	wrdreg s23  }
0xd: {  	[dreg:$0x15] =	wrdreg s25;
	s23 =	sadd.s32 $0x12E800, s2;
	s25 =	sadd.s32 $0x133800, s2  }
0xe: {  	s7 =	sshrl.u32 s6, $0x1;
	s8 =	sshrl.u32 s8, $0x2;
	[dreg:$0x1f] =	wrdreg s23  }
0xf: {  	s12 =	sadd.s32 s1, s9;
	[smem:$0x7FC] =	sst s25;
	s6 =	ssub.s32 s6, s7  }
0x10: {  	s7 =	sor.u32 s5, s11;
	s11 =	sadd.s32 s8, s2;
	[dreg:$0xa] =	wrdreg s12  }
0x11: {  	s26 =	sadd.s32 s24, s19;
	s24 =	sadd.s32 $0x131000, s2;
	[dreg:$0x9] =	wrdreg s11  }
0x12: {  	s21 =	smul.u32 $0xFA, s13;
	s17 =	sadd.s32 $0x2800, s11;
	[smem:$0x7FB] =	sst s24  }
0x13: {  	p1 =	seq.s32 s13, $0xF;
	s18 =	sadd.s32 $0x5000, s11;
	[dreg:$0xd] =	wrdreg s17  }
0x14: {  	s13 =	simm.s32 $0x5;
	s10 =	sadd.s32 $0x7800, s11;
	[dreg:$0xe] =	wrdreg s18  }
0x15: {  	p0 =	seq.s32 s5, $0x1;
	s20 =	sadd.s32 $0xA000, s11;
	[dreg:$0xf] =	wrdreg s10  }
0x16: {  	s9 =	simm.s32 $0x400;
	s12 =	sadd.s32 $0xC800, s11;
	[dreg:$0x10] =	wrdreg s20  }
0x17: {  	s5 =	smul.u32 $0x7D, s5;
	s22 =	sadd.s32 $0xF000, s11;
	[dreg:$0x11] =	wrdreg s12  }
0x18: {  	s14 =	smul.u32 $0xFA0, s7;
	s11 =	sadd.s32 $0x11800, s11;
	[dreg:$0x12] =	wrdreg s22  }
0x19: {  	[dreg:$0x13] =	wrdreg s11;
	s5 =	sadd.s32 s5, s21;
	s21 =	smax.u32 s6, $0x1  }
0x1a: {  	s7 =	smul.u32 $0x7D00, s7;
	s22 =	sadd.s32 $0x12C000, s2;
	[dreg:$0x1d] =	wrdreg s21  }
0x1b: {  	s23 =	simm.s32 $0xC;
	s8 =	sadd.s32 s0, s14;
	[dreg:$0x1e] =	wrdreg s22  }
0x1c: {  	s7 =	sshrl.u32 s7, $0x3;
	s5 =	sshll.u32 s5, $0x5;
	[dreg:$0x16] =	wrdreg s8  }
0x1d: {  	s7 =	sadd.s32 s0, s7;
	s8 =	sshrl.u32 s26, $0x3;
	s26 =	sadd.s32 $0x136000, s2  }
0x1e: {  	s0 =	sadd.s32 s5, s0;
	s10 =	sadd.s32 s4, s8;
	[smem:$0x7FD] =	sst s26  }
0x1f: {  	s25 =	simm.s32 $0x0;
	s12 =	sadd.s32 $0xE0, s0;
	[dreg:$0x17] =	wrdreg s10  }
0x20: {  	s11 =	sshrl.u32 s19, $0x3;
	s15 =	sadd.s32 $0x20, s7;
	[dreg:$0x5] =	wrdreg s12  }
0x21: {  	s6 =	simm.s32 $0x1;
	s14 =	sadd.s32 $0xC0, s0;
	[dreg:$0x18] =	wrdreg s15  }
0x22: {  	s21 =	simm.s32 $0x380;
	s16 =	sadd.s32 $0xA0, s0;
	[dreg:$0x6] =	wrdreg s14  }
0x23: {  	s22 =	simm.s32 $0xB;
	s17 =	sadd.s32 $0x40, s7;
	[dreg:$0x7] =	wrdreg s16  }
0x24: {  	s4 =	sadd.s32 s4, s11;
	s0 =	sadd.s32 $0x80, s0;
	[dreg:$0x19] =	wrdreg s17  }
0x25: {  	s18 =	sadd.s32 $0x60, s7;
	s19 =	sadd.s32 $0xF80, s7;
	[dreg:$0x8] =	wrdreg s0  }
0x26: {  	s8 =	simm.s32 $0x50;
	s11 =	simm.s32 $0x2;
	[dreg:$0x1a] =	wrdreg s18  }
0x27: {  	s26 =	simm.s32 $0x6;
	[dreg:$0x1b] =	wrdreg s19;
	s20 =	sadd.s32 $0x24900, s4  }
0x28: {  	s0 =	simm.s32 $0x100;
	s10 =	simm.s32 $0x200;
	s12 =	simm.s32 $0x2C00  }
0x29: {  	s14 =	simm.s32 $0x80;
	s15 =	simm.s32 $0x300;
	s16 =	simm.s32 $0x3  }
0x2a: {  	s17 =	simm.s32 $0x5400;
	s4 =	simm.s32 $0x7;
	s18 =	simm.s32 $0x280  }
0x2b: {  	v0 =	vimm.f32 $0.0e+00;
	s19 =	simm.s32 $0xA;
	[dreg:$0x1c] =	wrdreg s20;
	s20 =	simm.s32 $0x8  }
.LBB2_1:
0x2c: {  	[smem:$0x7F7] =	sst s25  }
.Ltmp0:
0x2d: {  	s7 =	rddreg [dreg:$0xb];
	(pc) =	sbr.rel @!p0 .LBB2_2-.Ltmp0, $4  }
0x2e: {  	s5 =	stileid.u32;
	s24 =	sshrl.u32 @p1 s7, $0x3;
	s7 =	rddreg [dreg:$0x9]  }
0x2f: {  	s5 =	sshll.u32 @!p1 s5, $0x6;
	s25 =	sshrl.u32 @!p1 s7, $0x3;
	[smem:$0x7FA] =	sst s24  }
0x30: {  	s5 =	sor.u32 @!p1 $0x1C0D, s5;
	[smem:$0x7F8] =	sst s25  }
0x31: {  	[smem:$0x7F9] =	sst s5  }
0x32: {  	s5 =	sand.u32 $0xFE00, s3  }
0x33: {  	s25 =	sand.u32 $0x70, s3;
	s5 =	sshrl.u32 s5, $0x2  }
0x34: {  	s7 =	simm.s32 $0x40;
	s5 =	sor.u32 s25, s5;
	s25 =	simm.s32 $0x0  }
.LBB2_4:
0x35: {  	p2 =	sne.s32 s7, $0x9FC0  }
0x36: {  	[tilespmem:s5+$0x400] =	vst v0;
	s25 =	sadd.s32 $0x10, s25;
	s5 =	smov.u32 s7;
	s7 =	sadd.s32 $0x40, s7  }
.Ltmp1:
0x37: {  	(pc) =	sbr.rel @p2 .LBB2_4-.Ltmp1, $4  }
0x38: {  	_ = 	snop  }
0x39: {  	s5 =	sand.u32 $0xFE00, s5  }
0x3a: {  	s24 =	sand.u32 $0x70, s25;
	s5 =	sshrl.u32 s5, $0x2  }
0x3b: {  	s5 =	sor.u32 s24, s5  }
0x3c: {  	[tilespmem:s5+$0x400] =	vst v0;
	s5 =	simm.s32 @p1 $0x400;
	s7 =	rddreg [dreg:$0xb]  }
0x3d: {  	[spmem:s7] =	stream.linear.scatter @p1 [tilespmem:s5], [sflag:$0xD], $0x2800, $0x38;
	[tilespmem:$0x1DC80] =	vst v63  }
0x3e: {  	s7 =	simm.s32 @p1 $0xD  }
0x3f: {  	_ =	swait.ge @p1 [sflag:s7], $0x2800  }
0x40: {  	[sflag:s7] =	ssyncset.done @p1 $0x0  }
0x41: {  	s24 =	rddreg [dreg:$0x14];
	[sflag:s7] =	ssyncadd.s32 @p1 $0xFFFFD800  }
0x42: {  	[spmem:s24] =	stream.linear.scatter @p1 [tilespmem:s5], [sflag:$0xD], $0x2800, $0x38;
	[tilespmem:$0x1DC80] =	vst v63  }
0x43: {  	_ =	swait.ge @p1 [sflag:s7], $0x2800  }
0x44: {  	[sflag:s7] =	ssyncset.done @p1 $0x0  }
0x45: {  	s24 =	rddreg [dreg:$0x15];
	[sflag:s7] =	ssyncadd.s32 @p1 $0xFFFFD800  }
0x46: {  	[spmem:s24] =	stream.linear.scatter @p1 [tilespmem:s5], [sflag:$0xD], $0x2800, $0x38;
	[tilespmem:$0x1DC80] =	vst v63  }
0x47: {  	_ =	swait.ge @p1 [sflag:s7], $0x2800  }
0x48: {  	[sflag:s7] =	ssyncset.done @p1 $0x0  }
0x49: {  	s24 =	rddreg [dreg:$0x1e];
	[sflag:s7] =	ssyncadd.s32 @p1 $0xFFFFD800  }
0x4a: {  	[spmem:s24] =	stream.linear.scatter @p1 [tilespmem:s5], [sflag:$0xD], $0x2800, $0x38;
	[tilespmem:$0x1DC80] =	vst v63  }
0x4b: {  	_ =	swait.ge @p1 [sflag:s7], $0x2800  }
0x4c: {  	[sflag:s7] =	ssyncset.done @p1 $0x0  }
0x4d: {  	s24 =	rddreg [dreg:$0x1f];
	[sflag:s7] =	ssyncadd.s32 @p1 $0xFFFFD800  }
0x4e: {  	[spmem:s24] =	stream.linear.scatter @p1 [tilespmem:s5], [sflag:$0xD], $0x2800, $0x38;
	[tilespmem:$0x1DC80] =	vst v63  }
0x4f: {  	_ =	swait.ge @p1 [sflag:s7], $0x2800  }
0x50: {  	s24 =	sld [smem:$0x7FB]  }
0x51: {  	[sflag:s7] =	ssyncset.done @p1 $0x0  }
0x52: {  	[sflag:s7] =	ssyncadd.s32 @p1 $0xFFFFD800  }
0x53: {  	[spmem:s24] =	stream.linear.scatter @p1 [tilespmem:s5], [sflag:$0xD], $0x2800, $0x38;
	[tilespmem:$0x1DC80] =	vst v63  }
0x54: {  	_ =	swait.ge @p1 [sflag:s7], $0x2800  }
0x55: {  	s24 =	sld [smem:$0x7FC]  }
0x56: {  	[sflag:s7] =	ssyncset.done @p1 $0x0  }
0x57: {  	[sflag:s7] =	ssyncadd.s32 @p1 $0xFFFFD800  }
0x58: {  	[spmem:s24] =	stream.linear.scatter @p1 [tilespmem:s5], [sflag:$0xD], $0x2800, $0x38;
	[tilespmem:$0x1DC80] =	vst v63  }
0x59: {  	_ =	swait.ge @p1 [sflag:s7], $0x2800  }
0x5a: {  	s24 =	sld [smem:$0x7FD]  }
0x5b: {  	[sflag:s7] =	ssyncset.done @p1 $0x0  }
0x5c: {  	[sflag:s7] =	ssyncadd.s32 @p1 $0xFFFFD800  }
0x5d: {  	[spmem:s24] =	stream.linear.scatter @p1 [tilespmem:s5], [sflag:$0xD], $0x2800, $0x38;
	[tilespmem:$0x1DC80] =	vst v63  }
0x5e: {  	_ =	swait.ge @p1 [sflag:s7], $0x2800  }
0x5f: {  	[sflag:s7] =	ssyncset.done @p1 $0x0  }
0x60: {  	s5 =	simm.s32 @!p1 $0x400;
	[sflag:s7] =	ssyncadd.s32 @p1 $0xFFFFD800;
	s7 =	rddreg [dreg:$0x9]  }
0x61: {  	[spmem:s7] =	stream.linear.scatter @!p1 [tilespmem:s5], [sflag:$0xD], $0x2800, $0x38;
	[tilespmem:$0x1DC80] =	vst v63  }
0x62: {  	s7 =	simm.s32 @!p1 $0xD  }
0x63: {  	_ =	swait.ge @!p1 [sflag:s7], $0x2800  }
0x64: {  	[sflag:s7] =	ssyncset.done @!p1 $0x0  }
0x65: {  	s24 =	rddreg [dreg:$0xd];
	[sflag:s7] =	ssyncadd.s32 @!p1 $0xFFFFD800  }
0x66: {  	[spmem:s24] =	stream.linear.scatter @!p1 [tilespmem:s5], [sflag:$0xD], $0x2800, $0x38;
	[tilespmem:$0x1DC80] =	vst v63  }
0x67: {  	_ =	swait.ge @!p1 [sflag:s7], $0x2800  }
0x68: {  	[sflag:s7] =	ssyncset.done @!p1 $0x0  }
0x69: {  	s24 =	rddreg [dreg:$0xe];
	[sflag:s7] =	ssyncadd.s32 @!p1 $0xFFFFD800  }
0x6a: {  	[spmem:s24] =	stream.linear.scatter @!p1 [tilespmem:s5], [sflag:$0xD], $0x2800, $0x38;
	[tilespmem:$0x1DC80] =	vst v63  }
0x6b: {  	_ =	swait.ge @!p1 [sflag:s7], $0x2800  }
0x6c: {  	[sflag:s7] =	ssyncset.done @!p1 $0x0  }
0x6d: {  	s24 =	rddreg [dreg:$0xf];
	[sflag:s7] =	ssyncadd.s32 @!p1 $0xFFFFD800  }
0x6e: {  	[spmem:s24] =	stream.linear.scatter @!p1 [tilespmem:s5], [sflag:$0xD], $0x2800, $0x38;
	[tilespmem:$0x1DC80] =	vst v63  }
0x6f: {  	_ =	swait.ge @!p1 [sflag:s7], $0x2800  }
0x70: {  	[sflag:s7] =	ssyncset.done @!p1 $0x0  }
0x71: {  	s24 =	rddreg [dreg:$0x10];
	[sflag:s7] =	ssyncadd.s32 @!p1 $0xFFFFD800  }
0x72: {  	[spmem:s24] =	stream.linear.scatter @!p1 [tilespmem:s5], [sflag:$0xD], $0x2800, $0x38;
	[tilespmem:$0x1DC80] =	vst v63  }
0x73: {  	_ =	swait.ge @!p1 [sflag:s7], $0x2800  }
0x74: {  	[sflag:s7] =	ssyncset.done @!p1 $0x0  }
0x75: {  	s24 =	rddreg [dreg:$0x11];
	[sflag:s7] =	ssyncadd.s32 @!p1 $0xFFFFD800  }
0x76: {  	[spmem:s24] =	stream.linear.scatter @!p1 [tilespmem:s5], [sflag:$0xD], $0x2800, $0x38;
	[tilespmem:$0x1DC80] =	vst v63  }
0x77: {  	_ =	swait.ge @!p1 [sflag:s7], $0x2800  }
0x78: {  	[sflag:s7] =	ssyncset.done @!p1 $0x0  }
0x79: {  	s24 =	rddreg [dreg:$0x12];
	[sflag:s7] =	ssyncadd.s32 @!p1 $0xFFFFD800  }
0x7a: {  	[spmem:s24] =	stream.linear.scatter @!p1 [tilespmem:s5], [sflag:$0xD], $0x2800, $0x38;
	[tilespmem:$0x1DC80] =	vst v63  }
0x7b: {  	_ =	swait.ge @!p1 [sflag:s7], $0x2800  }
0x7c: {  	[sflag:s7] =	ssyncset.done @!p1 $0x0  }
.Ltmp2:
0x7d: {  	s24 =	rddreg [dreg:$0x13];
	[sflag:s7] =	ssyncadd.s32 @!p1 $0xFFFFD800;
	(pc) =	sbr.rel .LBB2_6-.Ltmp2, $4  }
0x7e: {  	[spmem:s24] =	stream.linear.scatter @!p1 [tilespmem:s5], [sflag:$0xD], $0x2000, $0x38;
	[tilespmem:$0x1DC80] =	vst v63  }
0x7f: {  	_ =	swait.ge @!p1 [sflag:s7], $0x2000  }
0x80: {  	[sflag:s7] =	ssyncset.done @!p1 $0x0  }
0x81: {  	[sflag:s7] =	ssyncadd.s32 @!p1 $0xFFFFE000  }
.LBB2_2:
0x82: {  	s5 =	simm.s32 @p1 $0x1FCD;
	s7 =	rddreg [dreg:$0xc]  }
0x83: {  	[spmem:s24], [sflag:s5] =	dma.local @p1 [hbm:s7], $0x2800  }
0x84: {  	s5 =	simm.s32 @p1 $0xD  }
0x85: {  	_ =	swait.ge @p1 [sflag:s5], $0x2800  }
0x86: {  	s7 =	sld [smem:$0x7F9]  }
0x87: {  	[sflag:s5] =	ssyncset.done @p1 $0x0  }
0x88: {  	[sflag:s5] =	ssyncadd.s32 @p1 $0xFFFFD800;
	s5 =	rddreg [dreg:$0xa]  }
0x89: {  	[spmem:s25], [sflag:s7] =	dma.local @!p1 [hbm:s5], $0x2700  }
0x8a: {  	s5 =	simm.s32 @!p1 $0xD  }
0x8b: {  	_ =	swait.ge @!p1 [sflag:s5], $0x2700  }
0x8c: {  	[sflag:s5] =	ssyncset.done @!p1 $0x0  }
0x8d: {  	[sflag:s5] =	ssyncadd.s32 @!p1 $0xFFFFD900  }
.LBB2_6:
0x8e: {  	[bflag:$0x0] =	sbarrier.arrive $0xFFFF  }
0x8f: {  	s5 =	simm.s32 $0x0;
	s7 =	rddreg [dreg:$0x16]  }
0x90: {  	[tilespmem:s5], [sflag:$0x1] =	stream.linear.gather [hbm4b:s7+s5], $0x100, $0x38;
	[tilespmem:$0x1DC80] =	vst v63  }
0x91: {  	s24 =	rddreg [dreg:$0x18]  }
0x92: {  	[tilespmem:s0], [sflag:$0x2] =	stream.linear.gather [hbm4b:s24+s5], $0x100, $0x38;
	[tilespmem:$0x1DC80] =	vst v63  }
0x93: {  	_ =	swait.ge [sflag:s6], $0x100  }
0x94: {  	[sflag:s6] =	ssyncset.done $0x0  }
0x95: {  	[sflag:s6] =	ssyncadd.s32 $0xFFFFFF00  }
0x96: {  	[tilespmem:s9], [sflag:$0x5] =	stream.indirect.gather [hbm4b:s1+s8], $0x80, s5, s8, $0xb8;
	[tilespmem:$0x1DC80] =	vst v63  }
0x97: {  	s25 =	rddreg [dreg:$0x19]  }
0x98: {  	[tilespmem:s10], [sflag:$0x3] =	stream.linear.gather [hbm4b:s25+s5], $0x100, $0x38;
	[tilespmem:$0x1DC80] =	vst v63  }
0x99: {  	_ =	swait.ge [sflag:s11], $0x100  }
0x9a: {  	[sflag:s11] =	ssyncset.done $0x0  }
0x9b: {  	[sflag:s11] =	ssyncadd.s32 $0xFFFFFF00  }
0x9c: {  	[tilespmem:s12], [sflag:$0x6] =	stream.indirect.gather [hbm4b:s1+s8], $0x80, s0, s8, $0xb8;
	[tilespmem:$0x1DC80] =	vst v63  }
0x9d: {  	_ =	swait.ge [sflag:s13], $0x2800  }
0x9e: {  	[sflag:s13] =	ssyncset.done $0x0  }
0x9f: {  	[sflag:s13] =	ssyncadd.s32 $0xFFFFD800  }
0xa0: {  	[spmem:s2] =	stream.indirect.scatter.add.f32 [tilespmem:s9], [sflag:$0x9], $0x80, s14, s8, $0xb8;
	[tilespmem:$0x1DC80] =	vst v63  }
0xa1: {  	s24 =	rddreg [dreg:$0x1a]  }
0xa2: {  	[tilespmem:s15], [sflag:$0x4] =	stream.linear.gather [hbm4b:s24+s5], $0x100, $0x38;
	[tilespmem:$0x1DC80] =	vst v63  }
0xa3: {  	_ =	swait.ge [sflag:s16], $0x100  }
0xa4: {  	[sflag:s16] =	ssyncset.done $0x0  }
0xa5: {  	[sflag:s16] =	ssyncadd.s32 $0xFFFFFF00  }
0xa6: {  	[tilespmem:s17], [sflag:$0x7] =	stream.indirect.gather [hbm4b:s1+s8], $0x80, s10, s8, $0xb8;
	[tilespmem:$0x1DC80] =	vst v63  }
0xa7: {  	_ =	swait.ge [sflag:s26], $0x2800  }
0xa8: {  	[sflag:s26] =	ssyncset.done $0x0  }
0xa9: {  	[sflag:s26] =	ssyncadd.s32 $0xFFFFD800  }
0xaa: {  	[spmem:s2] =	stream.indirect.scatter.add.f32 [tilespmem:s12], [sflag:$0xA], $0x80, s28, s8, $0xb8;
	[tilespmem:$0x1DC80] =	vst v63  }
0xab: {  	_ =	swait.ge [sflag:s29], $0x2800  }
0xac: {  	s25 =	rddreg [dreg:$0x8];
	[sflag:s29] =	ssyncset.done $0x0  }
0xad: {  	[sflag:s29] =	ssyncadd.s32 $0xFFFFD800;
	s5 =	sadd.s32 $0x0, s25  }
0xae: {  	[tilespmem:s3], [sflag:$0x1] =	stream.linear.gather [hbm4b:s5+s3], $0x100, $0x38;
	[tilespmem:$0x1DC80] =	vst v63  }
0xaf: {  	_ =	swait.ge [sflag:s30], $0x100  }
0xb0: {  	[sflag:s30] =	ssyncset.done $0x0  }
0xb1: {  	[sflag:s30] =	ssyncadd.s32 $0xFFFFFF00  }
0xb2: {  	[tilespmem:s31], [sflag:$0x8] =	stream.indirect.gather [hbm4b:s1+s8], $0x80, s15, s8, $0xb8;
	[tilespmem:$0x1DC80] =	vst v63  }
0xb3: {  	_ =	swait.ge [sflag:s4], $0x2800  }
0xb4: {  	[sflag:s4] =	ssyncset.done $0x0  }
0xb5: {  	[sflag:s4] =	ssyncadd.s32 $0xFFFFD800  }
0xb6: {  	[spmem:s2] =	stream.indirect.scatter.add.f32 [tilespmem:s17], [sflag:$0xB], $0x80, s18, s8, $0xb8;
	[tilespmem:$0x1DC80] =	vst v63  }
0xb7: {  	_ =	swait.ge [sflag:s19], $0x2800  }
0xb8: {  	s7 =	rddreg [dreg:$0x7];
	[sflag:s19] =	ssyncset.done $0x0  }
0xb9: {  	[sflag:s19] =	ssyncadd.s32 $0xFFFFD800;
	s5 =	sadd.s32 $0x0, s7  }
0xba: {  	[tilespmem:s0], [sflag:$0x2] =	stream.linear.gather [hbm4b:s5+s3], $0x100, $0x38;
	[tilespmem:$0x1DC80] =	vst v63  }
0xbb: {  	_ =	swait.ge [sflag:s6], $0x100  }
0xbc: {  	[sflag:s6] =	ssyncset.done $0x0  }
0xbd: {  	[sflag:s6] =	ssyncadd.s32 $0xFFFFFF00  }
0xbe: {  	[tilespmem:s9], [sflag:$0x5] =	stream.indirect.gather [hbm4b:s1+s8], $0x80, s3, s8, $0xb8;
	[tilespmem:$0x1DC80] =	vst v63  }
0xbf: {  	_ =	swait.ge [sflag:s20], $0x2800  }
0xc0: {  	[sflag:s20] =	ssyncset.done $0x0  }
0xc1: {  	[sflag:s20] =	ssyncadd.s32 $0xFFFFD800  }
0xc2: {  	[spmem:s2] =	stream.indirect.scatter.add.f32 [tilespmem:s31], [sflag:$0xC], $0x80, s21, s8, $0xb8;
	[tilespmem:$0x1DC80] =	vst v63  }
0xc3: {  	_ =	swait.ge [sflag:s22], $0x2800  }
0xc4: {  	s24 =	rddreg [dreg:$0x6];
	[sflag:s22] =	ssyncset.done $0x0  }
0xc5: {  	[sflag:s22] =	ssyncadd.s32 $0xFFFFD800;
	s5 =	sadd.s32 $0x0, s24  }
0xc6: {  	[tilespmem:s10], [sflag:$0x3] =	stream.linear.gather [hbm4b:s5+s3], $0x100, $0x38;
	[tilespmem:$0x1DC80] =	vst v63  }
0xc7: {  	_ =	swait.ge [sflag:s11], $0x100  }
0xc8: {  	[sflag:s11] =	ssyncset.done $0x0  }
0xc9: {  	[sflag:s11] =	ssyncadd.s32 $0xFFFFFF00  }
0xca: {  	[tilespmem:s12], [sflag:$0x6] =	stream.indirect.gather [hbm4b:s1+s8], $0x80, s0, s8, $0xb8;
	[tilespmem:$0x1DC80] =	vst v63  }
0xcb: {  	_ =	swait.ge [sflag:s13], $0x2800  }
0xcc: {  	[sflag:s13] =	ssyncset.done $0x0  }
0xcd: {  	[sflag:s13] =	ssyncadd.s32 $0xFFFFD800  }
0xce: {  	[spmem:s2] =	stream.indirect.scatter.add.f32 [tilespmem:s9], [sflag:$0x9], $0x80, s14, s8, $0xb8;
	[tilespmem:$0x1DC80] =	vst v63  }
0xcf: {  	_ =	swait.ge [sflag:s23], $0x2800  }
0xd0: {  	s25 =	rddreg [dreg:$0x5];
	[sflag:s23] =	ssyncset.done $0x0  }
0xd1: {  	[sflag:s23] =	ssyncadd.s32 $0xFFFFD800;
	s5 =	sadd.s32 $0x0, s25  }
0xd2: {  	[tilespmem:s15], [sflag:$0x4] =	stream.linear.gather [hbm4b:s5+s3], $0x100, $0x38;
	[tilespmem:$0x1DC80] =	vst v63  }
0xd3: {  	_ =	swait.ge [sflag:s16], $0x100  }
0xd4: {  	[sflag:s16] =	ssyncset.done $0x0  }
0xd5: {  	[sflag:s16] =	ssyncadd.s32 $0xFFFFFF00  }
0xd6: {  	[tilespmem:s17], [sflag:$0x7] =	stream.indirect.gather [hbm4b:s1+s8], $0x80, s10, s8, $0xb8;
	[tilespmem:$0x1DC80] =	vst v63  }
0xd7: {  	_ =	swait.ge [sflag:s26], $0x2800  }
0xd8: {  	[sflag:s26] =	ssyncset.done $0x0  }
0xd9: {  	s25 =	simm.s32 $0x80;
	[sflag:s26] =	ssyncadd.s32 $0xFFFFD800  }
.LBB2_7:
0xda: {  	[spmem:s2] =	stream.indirect.scatter.add.f32 [tilespmem:s12], [sflag:$0xA], $0x80, s28, s8, $0xb8;
	[tilespmem:$0x1DC80] =	vst v63  }
0xdb: {  	_ =	swait.ge [sflag:s29], $0x2800  }
0xdc: {  	s7 =	smov.u32 s25;
	s5 =	rddreg [dreg:$0x8];
	[sflag:s29] =	ssyncset.done $0x0  }
0xdd: {  	[sflag:s29] =	ssyncadd.s32 $0xFFFFD800;
	s5 =	sadd.s32 s7, s5  }
0xde: {  	[tilespmem:s3], [sflag:$0x1] =	stream.linear.gather [hbm4b:s5+s3], $0x100, $0x38;
	[tilespmem:$0x1DC80] =	vst v63  }
0xdf: {  	_ =	swait.ge [sflag:s30], $0x100  }
0xe0: {  	[sflag:s30] =	ssyncset.done $0x0  }
0xe1: {  	[sflag:s30] =	ssyncadd.s32 $0xFFFFFF00  }
0xe2: {  	[tilespmem:s31], [sflag:$0x8] =	stream.indirect.gather [hbm4b:s1+s8], $0x80, s15, s8, $0xb8;
	[tilespmem:$0x1DC80] =	vst v63  }
0xe3: {  	_ =	swait.ge [sflag:s4], $0x2800  }
0xe4: {  	[sflag:s4] =	ssyncset.done $0x0  }
0xe5: {  	[sflag:s4] =	ssyncadd.s32 $0xFFFFD800  }
0xe6: {  	[spmem:s2] =	stream.indirect.scatter.add.f32 [tilespmem:s17], [sflag:$0xB], $0x80, s18, s8, $0xb8;
	[tilespmem:$0x1DC80] =	vst v63  }
0xe7: {  	_ =	swait.ge [sflag:s19], $0x2800  }
0xe8: {  	s24 =	rddreg [dreg:$0x7];
	[sflag:s19] =	ssyncset.done $0x0  }
0xe9: {  	[sflag:s19] =	ssyncadd.s32 $0xFFFFD800;
	s5 =	sadd.s32 s7, s24  }
0xea: {  	[tilespmem:s0], [sflag:$0x2] =	stream.linear.gather [hbm4b:s5+s3], $0x100, $0x38;
	[tilespmem:$0x1DC80] =	vst v63  }
0xeb: {  	_ =	swait.ge [sflag:s6], $0x100  }
0xec: {  	[sflag:s6] =	ssyncset.done $0x0  }
0xed: {  	[sflag:s6] =	ssyncadd.s32 $0xFFFFFF00  }
0xee: {  	[tilespmem:s9], [sflag:$0x5] =	stream.indirect.gather [hbm4b:s1+s8], $0x80, s3, s8, $0xb8;
	[tilespmem:$0x1DC80] =	vst v63  }
0xef: {  	_ =	swait.ge [sflag:s20], $0x2800  }
0xf0: {  	[sflag:s20] =	ssyncset.done $0x0  }
0xf1: {  	[sflag:s20] =	ssyncadd.s32 $0xFFFFD800  }
0xf2: {  	[spmem:s2] =	stream.indirect.scatter.add.f32 [tilespmem:s31], [sflag:$0xC], $0x80, s21, s8, $0xb8;
	[tilespmem:$0x1DC80] =	vst v63  }
0xf3: {  	_ =	swait.ge [sflag:s22], $0x2800  }
0xf4: {  	s24 =	rddreg [dreg:$0x6];
	[sflag:s22] =	ssyncset.done $0x0  }
0xf5: {  	[sflag:s22] =	ssyncadd.s32 $0xFFFFD800;
	s5 =	sadd.s32 s7, s24  }
0xf6: {  	[tilespmem:s10], [sflag:$0x3] =	stream.linear.gather [hbm4b:s5+s3], $0x100, $0x38;
	[tilespmem:$0x1DC80] =	vst v63  }
0xf7: {  	_ =	swait.ge [sflag:s11], $0x100  }
0xf8: {  	[sflag:s11] =	ssyncset.done $0x0  }
0xf9: {  	[sflag:s11] =	ssyncadd.s32 $0xFFFFFF00  }
0xfa: {  	[tilespmem:s12], [sflag:$0x6] =	stream.indirect.gather [hbm4b:s1+s8], $0x80, s0, s8, $0xb8;
	[tilespmem:$0x1DC80] =	vst v63  }
0xfb: {  	_ =	swait.ge [sflag:s13], $0x2800  }
0xfc: {  	[sflag:s13] =	ssyncset.done $0x0  }
0xfd: {  	[sflag:s13] =	ssyncadd.s32 $0xFFFFD800  }
0xfe: {  	[spmem:s2] =	stream.indirect.scatter.add.f32 [tilespmem:s9], [sflag:$0x9], $0x80, s14, s8, $0xb8;
	[tilespmem:$0x1DC80] =	vst v63  }
0xff: {  	_ =	swait.ge [sflag:s23], $0x2800  }
0x100: {  	s24 =	rddreg [dreg:$0x5];
	[sflag:s23] =	ssyncset.done $0x0  }
0x101: {  	[sflag:s23] =	ssyncadd.s32 $0xFFFFD800;
	s5 =	sadd.s32 s7, s24  }
0x102: {  	[tilespmem:s15], [sflag:$0x4] =	stream.linear.gather [hbm4b:s5+s3], $0x100, $0x38;
	[tilespmem:$0x1DC80] =	vst v63  }
0x103: {  	_ =	swait.ge [sflag:s16], $0x100  }
0x104: {  	p2 =	sne.s32 s25, $0xE80;
	[sflag:s16] =	ssyncset.done $0x0  }
.Ltmp3:
0x105: {  	[sflag:s16] =	ssyncadd.s32 $0xFFFFFF00;
	(pc) =	sbr.rel @p2 .LBB2_7-.Ltmp3, $4  }
0x106: {  	[tilespmem:s17], [sflag:$0x7] =	stream.indirect.gather [hbm4b:s1+s8], $0x80, s10, s8, $0xb8;
	[tilespmem:$0x1DC80] =	vst v63  }
0x107: {  	_ =	swait.ge [sflag:s26], $0x2800  }
0x108: {  	[sflag:s26] =	ssyncset.done $0x0  }
0x109: {  	s25 =	sadd.s32 $0x80, s25;
	[sflag:s26] =	ssyncadd.s32 $0xFFFFD800  }
0x10a: {  	[spmem:s2] =	stream.indirect.scatter.add.f32 [tilespmem:s12], [sflag:$0xA], $0x80, s28, s8, $0xb8;
	[tilespmem:$0x1DC80] =	vst v63  }
0x10b: {  	_ =	swait.ge [sflag:s29], $0x2800  }
0x10c: {  	[sflag:s29] =	ssyncset.done $0x0  }
0x10d: {  	s5 =	rddreg [dreg:$0x1b];
	[sflag:s29] =	ssyncadd.s32 $0xFFFFD800  }
0x10e: {  	[tilespmem:s3], [sflag:$0x1] =	stream.linear.gather [hbm4b:s5+s3], $0x100, $0x38;
	[tilespmem:$0x1DC80] =	vst v63  }
0x10f: {  	_ =	swait.ge [sflag:s30], $0x100  }
0x110: {  	[sflag:s30] =	ssyncset.done $0x0  }
0x111: {  	[sflag:s30] =	ssyncadd.s32 $0xFFFFFF00  }
0x112: {  	[tilespmem:s31], [sflag:$0x8] =	stream.indirect.gather [hbm4b:s1+s8], $0x80, s15, s8, $0xb8;
	[tilespmem:$0x1DC80] =	vst v63  }
0x113: {  	_ =	swait.ge [sflag:s4], $0x2800  }
0x114: {  	[sflag:s4] =	ssyncset.done $0x0  }
0x115: {  	[sflag:s4] =	ssyncadd.s32 $0xFFFFD800  }
0x116: {  	[spmem:s2] =	stream.indirect.scatter.add.f32 [tilespmem:s17], [sflag:$0xB], $0x80, s18, s8, $0xb8;
	[tilespmem:$0x1DC80] =	vst v63  }
0x117: {  	_ =	swait.ge [sflag:s19], $0x2800  }
0x118: {  	[sflag:s19] =	ssyncset.done $0x0  }
0x119: {  	[sflag:s19] =	ssyncadd.s32 $0xFFFFD800  }
0x11a: {  	_ =	swait.ge [sflag:s6], $0x100  }
0x11b: {  	[sflag:s6] =	ssyncset.done $0x0  }
0x11c: {  	[sflag:s6] =	ssyncadd.s32 $0xFFFFFF00  }
0x11d: {  	[tilespmem:s9], [sflag:$0x5] =	stream.indirect.gather [hbm4b:s1+s8], $0x80, s3, s8, $0xb8;
	[tilespmem:$0x1DC80] =	vst v63  }
0x11e: {  	_ =	swait.ge [sflag:s20], $0x2800  }
0x11f: {  	[sflag:s20] =	ssyncset.done $0x0  }
0x120: {  	[sflag:s20] =	ssyncadd.s32 $0xFFFFD800  }
0x121: {  	[spmem:s2] =	stream.indirect.scatter.add.f32 [tilespmem:s31], [sflag:$0xC], $0x80, s21, s8, $0xb8;
	[tilespmem:$0x1DC80] =	vst v63  }
0x122: {  	_ =	swait.ge [sflag:s22], $0x2800  }
0x123: {  	[sflag:s22] =	ssyncset.done $0x0  }
0x124: {  	[sflag:s22] =	ssyncadd.s32 $0xFFFFD800  }
0x125: {  	_ =	swait.ge [sflag:s13], $0x2800  }
0x126: {  	[sflag:s13] =	ssyncset.done $0x0  }
0x127: {  	[sflag:s13] =	ssyncadd.s32 $0xFFFFD800  }
0x128: {  	[spmem:s2] =	stream.indirect.scatter.add.f32 [tilespmem:s9], [sflag:$0x9], $0x80, s14, s8, $0xb8;
	[tilespmem:$0x1DC80] =	vst v63  }
0x129: {  	_ =	swait.ge [sflag:s23], $0x2800  }
0x12a: {  	[sflag:s23] =	ssyncset.done $0x0  }
0x12b: {  	[sflag:s23] =	ssyncadd.s32 $0xFFFFD800  }
0x12c: {  	_ =	swait.ge [sflag:s29], $0x2800  }
0x12d: {  	[sflag:s29] =	ssyncset.done $0x0  }
0x12e: {  	[sflag:s29] =	ssyncadd.s32 $0xFFFFD800  }
0x12f: {  	[bflag:$0x0] =	sbarrier.arrive $0xFFFF  }
0x130: {  	s24 =	sld [smem:$0x7FA];
	_ =	sdelay $0x1  }
0x131: {  	s5 =	simm.s32 @p1 $0x1FCD;
	s7 =	rddreg [dreg:$0x1c]  }
0x132: {  	[hbm:s7], [sflag:s5] =	dma.local @p1 [spmem:s24], $0x2800  }
0x133: {  	s5 =	simm.s32 @p1 $0xD  }
0x134: {  	_ =	swait.ge @p1 [sflag:s5], $0x2800  }
0x135: {  	s7 =	sld [smem:$0x7F8]  }
0x136: {  	s24 =	sld [smem:$0x7F9]  }
0x137: {  	[sflag:s5] =	ssyncset.done @p1 $0x0  }
0x138: {  	[sflag:s5] =	ssyncadd.s32 @p1 $0xFFFFD800;
	s5 =	rddreg [dreg:$0x17]  }
0x139: {  	[hbm:s5], [sflag:s24] =	dma.local @!p1 [spmem:s7], $0x2700  }
0x13a: {  	s5 =	simm.s32 @!p1 $0xD  }
0x13b: {  	_ =	swait.ge @!p1 [sflag:s5], $0x2700  }
0x13c: {  	s25 =	sld [smem:$0x7F7];
	_ =	sdelay $0x2  }
0x13d: {  	s24 =	rddreg [dreg:$0x1d];
	s25 =	sadd.s32 $0x1, s25  }
0x13e: {  	p2 =	sne.s32 s25, s24  }
.Ltmp4:
0x13f: {  	_ = 	snop;
	(pc) =	sbr.rel @p2 .LBB2_1-.Ltmp4, $3  }
0x140: {  	_ =	sdelay $0x1  }
0x141: {  	[sflag:s5] =	ssyncset.done @!p1 $0x0  }
0x142: {  	[sflag:s5] =	ssyncadd.s32 @!p1 $0xFFFFD900  }
0x143: {  	_ =	sfence.sel $0x180000  }
0x144: {  	[bflag:$0x0] =	sbarrier.arrive $0xFFFF  }
0x145: {  	_ =	strace $0x9000004A  }
0x146: {  	s0 =	stileid.u32;
	[bflag:$0x2] =	sbarrier.arrive $0xFFFF  }
0x147: {  	p0 =	sne.s32 s0, $0x0;
	s0 =	rddreg [dreg:$0x4]  }
0x148: {  	s0 =	sadd.s32 @!p0 $0x100000, s0  }
0x149: {  	[sflag:s0] =	ssyncadd.tile.s32 @!p0 $0x1;
	_ =	shalt  }
.Lfunc_end2:
_tile_overlayer_lowered:
.L_overlay_start_2:
0x14a: {  	(tag) =	ssettag $0x2  }
0x14b: {  	s0 =	rddreg [dreg:$0x0];
	s2 =	stileid.u32  }
0x14c: {  	s1 =	rddreg [dreg:$0x1];
	p0 =	sne.s32 s2, $0x0  }
0x14d: {  	s3 =	rddreg [dreg:$0x2];
	[bflag:$0x3] =	sbarrier.arrive $0xFFFF;
	s2 =	simm.s32 @!p0 $0x1C0D  }
0x14e: {  	[timem:s3], [sflag:s2] =	dma.local @!p0 [hbm:s0], s1  }
0x14f: {  	s0 =	simm.s32 @!p0 $0xD  }
0x150: {  	_ =	swait.ge @!p0 [sflag:s0], s1  }
0x151: {  	s1 =	ssub.s32 @!p0 $0x0, s1;
	[sflag:s0] =	ssyncset.done @!p0 $0x0  }
0x152: {  	[sflag:s0] =	ssyncadd.s32 @!p0 s1  }
0x153: {  	[bflag:$0x3] =	sbarrier.arrive $0xFFFF  }
0x154: {  	_ =	shalt  }

// kernel: kernel.15.cloned.1.call-start
scs
__scs_entry_jumppad:
0x0: {  	(pc) =	sbr.rel $0x88, $3  }
0x1: {  	(tag) =	ssettag $0x0;
	lr =	simm.s32 $0x1  }
0x2: {  	[smem:$0x3F97] =	sst lr;
	_ =	strace $0xD0000000  }
0x3: {  	_ = 	snop  }
0x4: {  	_ = 	snop  }
0x5: {  	_ = 	snop  }
0x6: {  	_ = 	snop  }
0x7: {  	_ = 	snop  }
__scs_overlays_trampoline_lowered:
0x8: {  	[smem:$0x3FA6] =	sst s0  }
0x9: {  	[smem:$0x3FA7] =	sst s1  }
0xa: {  	[smem:$0x3FA8] =	sst s2  }
0xb: {  	[smem:$0x3FA9] =	sst s3  }
0xc: {  	[smem:$0x3FAA] =	sst s4  }
0xd: {  	[smem:$0x3FAB] =	sst s5  }
0xe: {  	[smem:$0x3FAC] =	sst s6  }
0xf: {  	[smem:$0x3FAD] =	sst s7  }
0x10: {  	[smem:$0x3FAE] =	sst s8  }
0x11: {  	[smem:$0x3FAF] =	sst s9;
	s0 =	simm.s32 @!p0 $0x0  }
0x12: {  	s1 =	sld [smem:$0x3F95];
	s0 =	simm.s32 @p0 $0x1  }
0x13: {  	[smem:$0x3FB0] =	sst s0;
	s0 =	simm.s32 @!p1 $0x0  }
0x14: {  	s2 =	sld [smem:$0x3F94];
	s0 =	simm.s32 @p1 $0x1  }
0x15: {  	[smem:$0x3FB1] =	sst s0;
	s0 =	simm.s32 @!p2 $0x0  }
0x16: {  	s3 =	sld [smem:$0x3FDB];
	s0 =	simm.s32 @p2 $0x1  }
0x17: {  	s4 =	simm.s32 $0x1BF5;
	[smem:$0x3FB3] =	sst s0  }
0x18: {  	s0 =	sld [smem:$0x3F96];
	_ =	swait.ge [sflag:s4], $0x0  }
0x19: {  	s7 =	sld [smem:$0x3F97]  }
0x1a: {  	s8 =	sadd.s32 $0xFFFFE003, lr  }
0x1b: {  	s9 =	sadd.s32 $0xFFFFFEF7, lr;
	s5 =	simm.s32 $0xFFFFFFFF;
	p2 =	slt.u32 s8, $0xFFFFF086  }
0x1c: {  	p1 =	slt.u32 s9, $0xF7A;
	s5 =	simm.s32 @!p2 $0x0  }
0x1d: {  	s5 =	simm.s32 @p1 $0x1;
	p0 =	seq.s32 s7, s2  }
0x1e: {  	s7 =	smul.u32 @!p0 $0xF7A, s2;
	p2 =	seq.s32 @!p0 s5, $0x0  }
0x1f: {  	s9 =	smul.u32 $0xF7A, s1;
	s8 =	simm.s32 @!p0 $0x1BF5;
	p2 =	por !p2, p0  }
0x20: {  	[sflag:s8] =	ssyncset.s32 @!p0 $0xFFFFF086;
	s6 =	sadd.s32 @!p0 s3, s7;
	s7 =	simm.s32 @!p0 $0x108  }
0x21: {  	s3 =	sadd.s32 s3, s9;
	s6 =	sadd.s32 @!p0 $0x88, s6;
	s7 =	simm.s32 @p2 $0x1082  }
0x22: {  	[simem:s7], [sflag:s8] =	dma.local @!p0 [hbm:s6], $0xF7A  }
0x23: {  	s9 =	sor.u32 $0xD0000000, s2;
	s6 =	simm.s32 $0x108;
	_ =	swait.ge @!p0 [sflag:s8], $0x0  }
0x24: {  	s3 =	sadd.s32 $0x88, s3;
	s6 =	simm.s32 @!p1 $0x1082;
	[sflag:s4] =	ssyncset.s32 $0xFFFFF086  }
0x25: {  	[simem:s6], [sflag:s4] =	dma.local [hbm:s3], $0xF7A  }
0x26: {  	[smem:$0x3F97] =	sst s1;
	(tag) =	ssettag s2;
	_ =	strace s9  }
0x27: {  	s1 =	sld [smem:$0x3FA7]  }
0x28: {  	s2 =	sld [smem:$0x3FA8]  }
0x29: {  	s4 =	sld [smem:$0x3FAA]  }
0x2a: {  	p0 =	seq.s32 s5, $0x0;
	s5 =	sld [smem:$0x3FAB]  }
0x2b: {  	s6 =	sld [smem:$0x3FAC]  }
0x2c: {  	s7 =	sld [smem:$0x3FAD]  }
0x2d: {  	s3 =	simm.s32 $0x108;
	s8 =	sld [smem:$0x3FAE]  }
0x2e: {  	s3 =	simm.s32 @!p0 $0x1082;
	s9 =	sld [smem:$0x3FAF]  }
0x2f: {  	lr =	sadd.s32 s0, s3;
	s0 =	sld [smem:$0x3FA6]  }
0x30: {  	s3 =	sld [smem:$0x3FA9]  }
0x31: {  	[smem:$0x3FB2] =	sst s10  }
0x32: {  	s10 =	sld [smem:$0x3FB0];
	_ =	sdelay $0x3  }
0x33: {  	p0 =	seq.s32 s10, $0x1;
	s10 =	sld [smem:$0x3FB2];
	_ =	sdelay $0x3  }
0x34: {  	[smem:$0x3FB2] =	sst s10  }
0x35: {  	s10 =	sld [smem:$0x3FB1];
	_ =	sdelay $0x3  }
0x36: {  	p1 =	seq.s32 s10, $0x1;
	s10 =	sld [smem:$0x3FB2];
	_ =	sdelay $0x3  }
0x37: {  	[smem:$0x3FB2] =	sst s10  }
0x38: {  	s10 =	sld [smem:$0x3FB3]  }
0x39: {  	_ = 	snop;
	(pc) =	sbr.ind lr, $3  }
0x3a: {  	_ = 	snop  }
0x3b: {  	_ = 	snop  }
0x3c: {  	p2 =	seq.s32 s10, $0x1;
	s10 =	sld [smem:$0x3FB2]  }
0x3d: {  	_ =	shalt  }
0x3e: {  	_ =	shalt  }
0x3f: {  	_ =	shalt  }
0x40: {  	_ =	shalt  }
0x41: {  	_ =	shalt  }
0x42: {  	_ =	shalt  }
0x43: {  	_ =	shalt  }
0x44: {  	_ =	shalt  }
0x45: {  	_ =	shalt  }
0x46: {  	_ =	shalt  }
0x47: {  	_ =	shalt  }
0x48: {  	_ =	shalt  }
0x49: {  	_ =	shalt  }
0x4a: {  	_ =	shalt  }
0x4b: {  	_ =	shalt  }
0x4c: {  	_ =	shalt  }
0x4d: {  	_ =	shalt  }
0x4e: {  	_ =	shalt  }
0x4f: {  	_ =	shalt  }
0x50: {  	_ =	shalt  }
0x51: {  	_ =	shalt  }
0x52: {  	_ =	shalt  }
0x53: {  	_ =	shalt  }
0x54: {  	_ =	shalt  }
0x55: {  	_ =	shalt  }
0x56: {  	_ =	shalt  }
0x57: {  	_ =	shalt  }
0x58: {  	_ =	shalt  }
0x59: {  	_ =	shalt  }
0x5a: {  	_ =	shalt  }
0x5b: {  	_ =	shalt  }
0x5c: {  	_ =	shalt  }
0x5d: {  	_ =	shalt  }
0x5e: {  	_ =	shalt  }
0x5f: {  	_ =	shalt  }
0x60: {  	_ =	shalt  }
0x61: {  	_ =	shalt  }
0x62: {  	_ =	shalt  }
0x63: {  	_ =	shalt  }
0x64: {  	_ =	shalt  }
0x65: {  	_ =	shalt  }
0x66: {  	_ =	shalt  }
0x67: {  	_ =	shalt  }
0x68: {  	_ =	shalt  }
0x69: {  	_ =	shalt  }
0x6a: {  	_ =	shalt  }
0x6b: {  	_ =	shalt  }
0x6c: {  	_ =	shalt  }
0x6d: {  	_ =	shalt  }
0x6e: {  	_ =	shalt  }
0x6f: {  	_ =	shalt  }
0x70: {  	_ =	shalt  }
0x71: {  	_ =	shalt  }
0x72: {  	_ =	shalt  }
0x73: {  	_ =	shalt  }
0x74: {  	_ =	shalt  }
0x75: {  	_ =	shalt  }
0x76: {  	_ =	shalt  }
0x77: {  	_ =	shalt  }
0x78: {  	_ =	shalt  }
0x79: {  	_ =	shalt  }
0x7a: {  	_ =	shalt  }
0x7b: {  	_ =	shalt  }
0x7c: {  	_ =	shalt  }
0x7d: {  	_ =	shalt  }
0x7e: {  	_ =	shalt  }
0x7f: {  	_ =	shalt  }
0x80: {  	_ =	shalt  }
0x81: {  	_ =	shalt  }
0x82: {  	_ =	shalt  }
0x83: {  	_ =	shalt  }
0x84: {  	_ =	shalt  }
0x85: {  	_ =	shalt  }
0x86: {  	_ =	shalt  }
0x87: {  	_ =	shalt  }
.Lfunc_end0:
.L_simem_size_0:
called_computation.2_lowered:
.L_overlay_start_0:
0x88: {  	s2 =	sld [smem:$0x3FD9]  }
0x89: {  	s3 =	sld [smem:$0x3FFE];
	_ =	sdelay $0x1  }
0x8a: {  	s1 =	srdreg.scid  }
0x8b: {  	s0 =	sand.u32 $0x1, s1  }
0x8c: {  	s14 =	sshll.u32 s0, $0xA;
	s2 =	sadd.s32 s3, s2  }
0x8d: {  	s2 =	sadd.s32 s2, s14  }
0x8e: {  	[smem:$0x3FBE] =	sst s2  }
0x8f: {  	_ = 	snop  }
0x90: {  	s2 =	sld [smem:$0x3FD0];
	_ =	sdelay $0x2  }
0x91: {  	s15 =	simm.s32 $0xA;
	s4 =	simm.s32 $0x10  }
0x92: {  	[smem:s4], [sflag:s15] =	dma.local [hbm:s2], $0x1  }
0x93: {  	_ =	swait.eq [sflag:s15], $0x1  }
0x94: {  	[sflag:s15] =	ssyncset.done $0x0  }
0x95: {  	s16 =	sld [smem:$0x11];
	[sflag:s15] =	ssyncadd.s32 $0xFFFFFFFF  }
0x96: {  	s17 =	sld [smem:$0x12];
	(tm) =	ssettm $0x1  }
0x97: {  	s18 =	sld [smem:$0x3FFB];
	_ =	sdelay $0x3  }
0x98: {  	_ =	strace s18  }
0x99: {  	s4 =	sld [smem:$0x3FFC];
	_ =	sdelay $0x3  }
0x9a: {  	_ =	strace s4  }
0x9b: {  	s4 =	sld [smem:$0x3FFD];
	_ =	sdelay $0x3  }
0x9c: {  	_ =	strace s4  }
0x9d: {  	_ =	strace $0x8FFFFFFF  }
0x9e: {  	s19 =	sld [smem:$0x3FDB];
	_ =	sdelay $0x1  }
0x9f: {  	s5 =	simm.s32 $_scs_section_size  }
0xa0: {  	s6 =	simm.s32 $_size__tile_overlayer_lowered;
	s7 =	simm.s32 $_tile_overlayer_lowered  }
0xa1: {  	s22 =	simm.s32 $0x1BFF;
	s21 =	sshll.u32 s7, $0x1;
	s4 =	sadd.s32 s5, s19  }
0xa2: {  	s8 =	simm.s32 $0x0;
	s20 =	sshll.u32 s6, $0x1;
	s6 =	sadd.s32 s21, s4  }
0xa3: {  	[timem:s8], [sflag:s22] =	dma.local [hbm:s6], s20  }
0xa4: {  	_ =	swait.ge [sflag:s22], s20  }
0xa5: {  	s5 =	ssub.s32 $0x0, s20;
	[sflag:s22] =	ssyncset.done $0x0  }
0xa6: {  	[sflag:s22] =	ssyncadd.s32 s5;
	_ =	sdelay $0x1  }
0xa7: {  	s23 =	simm.s32 $0x1B8B  }
0xa8: {  	_ =	swait.ge [sflag:s23], $0x1  }
0xa9: {  	[sflag:s23] =	ssyncset.done $0x0  }
0xaa: {  	s25 =	simm.s32 $0x1B8E;
	s24 =	sld [smem:$0x3FFE];
	[sflag:s23] =	ssyncadd.s32 $0xFFFFFFFF  }
0xab: {  	s26 =	simm.s32 $execute0_lowered;
	[smem:$0x3FD2] =	sst s25  }
0xac: {  	s6 =	sshll.u32 s26, $0x1;
	_ =	strace $0x8000004C;
	[dreg:$0x1] =	wrdreg $0xFFFFFFFF  }
0xad: {  	s28 =	simm.s32 $_size_execute0_lowered;
	s4 =	sadd.s32 s4, s6;
	[dreg:$0x0] =	wrdreg $0x0  }
0xae: {  	s6 =	sshll.u32 s28, $0x1;
	[dreg:$0x2] =	wrdreg s4  }
0xaf: {  	[dreg:$0x3] =	wrdreg s6  }
0xb0: {  	[dreg:$0x4] =	wrdreg $0xC0  }
0xb1: {  	_ =	task [dreg:s8], $0x5FFFF  }
0xb2: {  	[dreg:$0x1] =	wrdreg $0xFFFFFFFF  }
0xb3: {  	[dreg:$0x0] =	wrdreg $0x60  }
0xb4: {  	[dreg:$0x2] =	wrdreg s17  }
0xb5: {  	[dreg:$0x3] =	wrdreg s16  }
0xb6: {  	[dreg:$0x4] =	wrdreg s24  }
0xb7: {  	[dreg:$0x5] =	wrdreg $0xA4000  }
0xb8: {  	[dreg:$0x6] =	wrdreg $0x9  }
0xb9: {  	_ =	task.clear_ibuf [dreg:s8], $0x7FFFF;
	_ =	strace $0x9000004C  }
0xba: {  	s29 =	simm.s32 $0x9;
	_ =	strace $0x8000004E  }
0xbb: {  	_ =	swait.ge [sflag:s29], $0x1  }
0xbc: {  	[sflag:s29] =	ssyncadd.s32 $0xFFFFFFFF  }
0xbd: {  	_ =	strace $0x9000004E  }
0xbe: {  	_ =	sfence  }
0xbf: {  	s30 =	sld [smem:$0x0];
	_ =	sdelay $0x2  }
0xc0: {  	s31 =	sshll.u32 s1, $0xD;
	s1 =	sshrl.u32 s1, $0x2  }
0xc1: {  	s3 =	sand.u32 $0x4000, s31;
	s1 =	sadd.s32 s1, s30  }
0xc2: {  	s0 =	sor.u32 s3, s0;
	s1 =	sshll.u32 s1, $0x11  }
0xc3: {  	s0 =	sor.u32 s1, s0  }
0xc4: {  	s0 =	sadd.s32 $0x8F2B, s0  }
0xc5: {  	[sflag:s0] =	ssyncadd.remote.s32 $0x1  }
0xc6: {  	_ =	sfence.sel $0xFFFF  }
0xc7: {  	[dreg:$0x0] =	wrdreg $0xFFFFFFFF;
	(pc) =	sbr.abs _section_cstart, $3  }
0xc8: {  	[dreg:$0x1] =	wrdreg $0xFFFFFFFF  }
0xc9: {  	_ =	task.clear_ibuf [dreg:s8], $0x2FFFF;
	_ =	strace $0x9FFFFFFF  }
0xca: {  	(tm) =	ssettm $0x7FFFFFFF  }
0xcb: {  	_ =	shalt  }
tec
execute0_lowered:
.L_overlay_start_1:
0x0: {  	(tag) =	ssettag $0x1  }
0x1: {  	s1 =	rddreg [dreg:$0x0]  }
0x2: {  	s0 =	rddreg [dreg:$0x1]  }
0x3: {  	s4 =	rddreg [dreg:$0x2]  }
0x4: {  	s2 =	rddreg [dreg:$0x3]  }
0x5: {  	s3 =	simm.s32 $0x0;
	s5 =	srdreg.scid;
	s13 =	stileid.u32  }
0x6: {  	s28 =	simm.s32 $0x180;
	s29 =	simm.s32 $0x9;
	s30 =	simm.s32 $0x4  }
0x7: {  	s31 =	simm.s32 $0x7C00;
	[smem:$0x7FF] =	sst s3;
	s5 =	sand.u32 $0x1, s5  }
0x8: {  	s4 =	sadd.s32 $0x2800, s4;
	s8 =	smul.u32 $0x4E000, s13;
	s11 =	sshll.u32 s13, $0x1  }
0x9: {  	s9 =	smul.u32 $0x2700, s13;
	s15 =	sadd.s32 $0x124800, s2;
	s16 =	sadd.s32 $0x24900, s1  }
0xa: {  	s23 =	sadd.s32 $0x127000, s2;
	_ =	strace $0x8000004D;
	[dreg:$0xb] =	wrdreg s15  }
0xb: {  	s24 =	smul.u32 $0x13800, s13;
	s25 =	sadd.s32 $0x129800, s2;
	[dreg:$0xc] =	wrdreg s16  }
0xc: {  	s6 =	ssub.s32 $0x2, s5;
	s19 =	smul.u32 $0x138800, s5;
	[dreg:$0x14] =	wrdreg s23  }
0xd: {  	[dreg:$0x15] =	wrdreg s25;
	s23 =	sadd.s32 $0x12E800, s2;
	s25 =	sadd.s32 $0x133800, s2  }
0xe: {  	s7 =	sshrl.u32 s6, $0x1;
	s8 =	sshrl.u32 s8, $0x2;
	[dreg:$0x1f] =	wrdreg s23  }
0xf: {  	s12 =	sadd.s32 s1, s9;
	[smem:$0x7FC] =	sst s25;
	s6 =	ssub.s32 s6, s7  }
0x10: {  	s7 =	sor.u32 s5, s11;
	s11 =	sadd.s32 s8, s2;
	[dreg:$0xa] =	wrdreg s12  }
0x11: {  	s26 =	sadd.s32 s24, s19;
	s24 =	sadd.s32 $0x131000, s2;
	[dreg:$0x9] =	wrdreg s11  }
0x12: {  	s21 =	smul.u32 $0xFA, s13;
	s17 =	sadd.s32 $0x2800, s11;
	[smem:$0x7FB] =	sst s24  }
0x13: {  	p1 =	seq.s32 s13, $0xF;
	s18 =	sadd.s32 $0x5000, s11;
	[dreg:$0xd] =	wrdreg s17  }
0x14: {  	s13 =	simm.s32 $0x5;
	s10 =	sadd.s32 $0x7800, s11;
	[dreg:$0xe] =	wrdreg s18  }
0x15: {  	p0 =	seq.s32 s5, $0x1;
	s20 =	sadd.s32 $0xA000, s11;
	[dreg:$0xf] =	wrdreg s10  }
0x16: {  	s9 =	simm.s32 $0x400;
	s12 =	sadd.s32 $0xC800, s11;
	[dreg:$0x10] =	wrdreg s20  }
0x17: {  	s5 =	smul.u32 $0x7D, s5;
	s22 =	sadd.s32 $0xF000, s11;
	[dreg:$0x11] =	wrdreg s12  }
0x18: {  	s14 =	smul.u32 $0xFA0, s7;
	s11 =	sadd.s32 $0x11800, s11;
	[dreg:$0x12] =	wrdreg s22  }
0x19: {  	[dreg:$0x13] =	wrdreg s11;
	s5 =	sadd.s32 s5, s21;
	s21 =	smax.u32 s6, $0x1  }
0x1a: {  	s7 =	smul.u32 $0x7D00, s7;
	s22 =	sadd.s32 $0x12C000, s2;
	[dreg:$0x1d] =	wrdreg s21  }
0x1b: {  	s23 =	simm.s32 $0xC;
	s8 =	sadd.s32 s0, s14;
	[dreg:$0x1e] =	wrdreg s22  }
0x1c: {  	s7 =	sshrl.u32 s7, $0x3;
	s5 =	sshll.u32 s5, $0x5;
	[dreg:$0x16] =	wrdreg s8  }
0x1d: {  	s7 =	sadd.s32 s0, s7;
	s8 =	sshrl.u32 s26, $0x3;
	s26 =	sadd.s32 $0x136000, s2  }
0x1e: {  	s0 =	sadd.s32 s5, s0;
	s10 =	sadd.s32 s4, s8;
	[smem:$0x7FD] =	sst s26  }
0x1f: {  	s25 =	simm.s32 $0x0;
	s12 =	sadd.s32 $0xE0, s0;
	[dreg:$0x17] =	wrdreg s10  }
0x20: {  	s11 =	sshrl.u32 s19, $0x3;
	s15 =	sadd.s32 $0x20, s7;
	[dreg:$0x5] =	wrdreg s12  }
0x21: {  	s6 =	simm.s32 $0x1;
	s14 =	sadd.s32 $0xC0, s0;
	[dreg:$0x18] =	wrdreg s15  }
0x22: {  	s21 =	simm.s32 $0x380;
	s16 =	sadd.s32 $0xA0, s0;
	[dreg:$0x6] =	wrdreg s14  }
0x23: {  	s22 =	simm.s32 $0xB;
	s17 =	sadd.s32 $0x40, s7;
	[dreg:$0x7] =	wrdreg s16  }
0x24: {  	s4 =	sadd.s32 s4, s11;
	s0 =	sadd.s32 $0x80, s0;
	[dreg:$0x19] =	wrdreg s17  }
0x25: {  	s18 =	sadd.s32 $0x60, s7;
	s19 =	sadd.s32 $0xF80, s7;
	[dreg:$0x8] =	wrdreg s0  }
0x26: {  	s8 =	simm.s32 $0x50;
	s11 =	simm.s32 $0x2;
	[dreg:$0x1a] =	wrdreg s18  }
0x27: {  	s26 =	simm.s32 $0x6;
	[dreg:$0x1b] =	wrdreg s19;
	s20 =	sadd.s32 $0x24900, s4  }
0x28: {  	s0 =	simm.s32 $0x100;
	s10 =	simm.s32 $0x200;
	s12 =	simm.s32 $0x2C00  }
0x29: {  	s14 =	simm.s32 $0x80;
	s15 =	simm.s32 $0x300;
	s16 =	simm.s32 $0x3  }
0x2a: {  	s17 =	simm.s32 $0x5400;
	s4 =	simm.s32 $0x7;
	s18 =	simm.s32 $0x280  }
0x2b: {  	v0 =	vimm.f32 $0.0e+00;
	s19 =	simm.s32 $0xA;
	[dreg:$0x1c] =	wrdreg s20;
	s20 =	simm.s32 $0x8  }
.LBB2_1:
0x2c: {  	[smem:$0x7F7] =	sst s25  }
.Ltmp0:
0x2d: {  	s7 =	rddreg [dreg:$0xb];
	(pc) =	sbr.rel @!p0 .LBB2_2-.Ltmp0, $4  }
0x2e: {  	s5 =	stileid.u32;
	s24 =	sshrl.u32 @p1 s7, $0x3;
	s7 =	rddreg [dreg:$0x9]  }
0x2f: {  	s5 =	sshll.u32 @!p1 s5, $0x6;
	s25 =	sshrl.u32 @!p1 s7, $0x3;
	[smem:$0x7FA] =	sst s24  }
0x30: {  	s5 =	sor.u32 @!p1 $0x1C0D, s5;
	[smem:$0x7F8] =	sst s25  }
0x31: {  	[smem:$0x7F9] =	sst s5  }
0x32: {  	s5 =	sand.u32 $0xFE00, s3  }
0x33: {  	s25 =	sand.u32 $0x70, s3;
	s5 =	sshrl.u32 s5, $0x2  }
0x34: {  	s7 =	simm.s32 $0x40;
	s5 =	sor.u32 s25, s5;
	s25 =	simm.s32 $0x0  }
.LBB2_4:
0x35: {  	p2 =	sne.s32 s7, $0x9FC0  }
0x36: {  	[tilespmem:s5+$0x400] =	vst v0;
	s25 =	sadd.s32 $0x10, s25;
	s5 =	smov.u32 s7;
	s7 =	sadd.s32 $0x40, s7  }
.Ltmp1:
0x37: {  	(pc) =	sbr.rel @p2 .LBB2_4-.Ltmp1, $4  }
0x38: {  	_ = 	snop  }
0x39: {  	s5 =	sand.u32 $0xFE00, s5  }
0x3a: {  	s24 =	sand.u32 $0x70, s25;
	s5 =	sshrl.u32 s5, $0x2  }
0x3b: {  	s5 =	sor.u32 s24, s5  }
0x3c: {  	[tilespmem:s5+$0x400] =	vst v0;
	s5 =	simm.s32 @p1 $0x400;
	s7 =	rddreg [dreg:$0xb]  }
0x3d: {  	[spmem:s7] =	stream.linear.scatter @p1 [tilespmem:s5], [sflag:$0xD], $0x2800, $0x38;
	[tilespmem:$0x1DC80] =	vst v63  }
0x3e: {  	s7 =	simm.s32 @p1 $0xD  }
0x3f: {  	_ =	swait.ge @p1 [sflag:s7], $0x2800  }
0x40: {  	[sflag:s7] =	ssyncset.done @p1 $0x0  }
0x41: {  	s24 =	rddreg [dreg:$0x14];
	[sflag:s7] =	ssyncadd.s32 @p1 $0xFFFFD800  }
0x42: {  	[spmem:s24] =	stream.linear.scatter @p1 [tilespmem:s5], [sflag:$0xD], $0x2800, $0x38;
	[tilespmem:$0x1DC80] =	vst v63  }
0x43: {  	_ =	swait.ge @p1 [sflag:s7], $0x2800  }
0x44: {  	[sflag:s7] =	ssyncset.done @p1 $0x0  }
0x45: {  	s24 =	rddreg [dreg:$0x15];
	[sflag:s7] =	ssyncadd.s32 @p1 $0xFFFFD800  }
0x46: {  	[spmem:s24] =	stream.linear.scatter @p1 [tilespmem:s5], [sflag:$0xD], $0x2800, $0x38;
	[tilespmem:$0x1DC80] =	vst v63  }
0x47: {  	_ =	swait.ge @p1 [sflag:s7], $0x2800  }
0x48: {  	[sflag:s7] =	ssyncset.done @p1 $0x0  }
0x49: {  	s24 =	rddreg [dreg:$0x1e];
	[sflag:s7] =	ssyncadd.s32 @p1 $0xFFFFD800  }
0x4a: {  	[spmem:s24] =	stream.linear.scatter @p1 [tilespmem:s5], [sflag:$0xD], $0x2800, $0x38;
	[tilespmem:$0x1DC80] =	vst v63  }
0x4b: {  	_ =	swait.ge @p1 [sflag:s7], $0x2800  }
0x4c: {  	[sflag:s7] =	ssyncset.done @p1 $0x0  }
0x4d: {  	s24 =	rddreg [dreg:$0x1f];
	[sflag:s7] =	ssyncadd.s32 @p1 $0xFFFFD800  }
0x4e: {  	[spmem:s24] =	stream.linear.scatter @p1 [tilespmem:s5], [sflag:$0xD], $0x2800, $0x38;
	[tilespmem:$0x1DC80] =	vst v63  }
0x4f: {  	_ =	swait.ge @p1 [sflag:s7], $0x2800  }
0x50: {  	s24 =	sld [smem:$0x7FB]  }
0x51: {  	[sflag:s7] =	ssyncset.done @p1 $0x0  }
0x52: {  	[sflag:s7] =	ssyncadd.s32 @p1 $0xFFFFD800  }
0x53: {  	[spmem:s24] =	stream.linear.scatter @p1 [tilespmem:s5], [sflag:$0xD], $0x2800, $0x38;
	[tilespmem:$0x1DC80] =	vst v63  }
0x54: {  	_ =	swait.ge @p1 [sflag:s7], $0x2800  }
0x55: {  	s24 =	sld [smem:$0x7FC]  }
0x56: {  	[sflag:s7] =	ssyncset.done @p1 $0x0  }
0x57: {  	[sflag:s7] =	ssyncadd.s32 @p1 $0xFFFFD800  }
0x58: {  	[spmem:s24] =	stream.linear.scatter @p1 [tilespmem:s5], [sflag:$0xD], $0x2800, $0x38;
	[tilespmem:$0x1DC80] =	vst v63  }
0x59: {  	_ =	swait.ge @p1 [sflag:s7], $0x2800  }
0x5a: {  	s24 =	sld [smem:$0x7FD]  }
0x5b: {  	[sflag:s7] =	ssyncset.done @p1 $0x0  }
0x5c: {  	[sflag:s7] =	ssyncadd.s32 @p1 $0xFFFFD800  }
0x5d: {  	[spmem:s24] =	stream.linear.scatter @p1 [tilespmem:s5], [sflag:$0xD], $0x2800, $0x38;
	[tilespmem:$0x1DC80] =	vst v63  }
0x5e: {  	_ =	swait.ge @p1 [sflag:s7], $0x2800  }
0x5f: {  	[sflag:s7] =	ssyncset.done @p1 $0x0  }
0x60: {  	s5 =	simm.s32 @!p1 $0x400;
	[sflag:s7] =	ssyncadd.s32 @p1 $0xFFFFD800;
	s7 =	rddreg [dreg:$0x9]  }
0x61: {  	[spmem:s7] =	stream.linear.scatter @!p1 [tilespmem:s5], [sflag:$0xD], $0x2800, $0x38;
	[tilespmem:$0x1DC80] =	vst v63  }
0x62: {  	s7 =	simm.s32 @!p1 $0xD  }
0x63: {  	_ =	swait.ge @!p1 [sflag:s7], $0x2800  }
0x64: {  	[sflag:s7] =	ssyncset.done @!p1 $0x0  }
0x65: {  	s24 =	rddreg [dreg:$0xd];
	[sflag:s7] =	ssyncadd.s32 @!p1 $0xFFFFD800  }
0x66: {  	[spmem:s24] =	stream.linear.scatter @!p1 [tilespmem:s5], [sflag:$0xD], $0x2800, $0x38;
	[tilespmem:$0x1DC80] =	vst v63  }
0x67: {  	_ =	swait.ge @!p1 [sflag:s7], $0x2800  }
0x68: {  	[sflag:s7] =	ssyncset.done @!p1 $0x0  }
0x69: {  	s24 =	rddreg [dreg:$0xe];
	[sflag:s7] =	ssyncadd.s32 @!p1 $0xFFFFD800  }
0x6a: {  	[spmem:s24] =	stream.linear.scatter @!p1 [tilespmem:s5], [sflag:$0xD], $0x2800, $0x38;
	[tilespmem:$0x1DC80] =	vst v63  }
0x6b: {  	_ =	swait.ge @!p1 [sflag:s7], $0x2800  }
0x6c: {  	[sflag:s7] =	ssyncset.done @!p1 $0x0  }
0x6d: {  	s24 =	rddreg [dreg:$0xf];
	[sflag:s7] =	ssyncadd.s32 @!p1 $0xFFFFD800  }
0x6e: {  	[spmem:s24] =	stream.linear.scatter @!p1 [tilespmem:s5], [sflag:$0xD], $0x2800, $0x38;
	[tilespmem:$0x1DC80] =	vst v63  }
0x6f: {  	_ =	swait.ge @!p1 [sflag:s7], $0x2800  }
0x70: {  	[sflag:s7] =	ssyncset.done @!p1 $0x0  }
0x71: {  	s24 =	rddreg [dreg:$0x10];
	[sflag:s7] =	ssyncadd.s32 @!p1 $0xFFFFD800  }
0x72: {  	[spmem:s24] =	stream.linear.scatter @!p1 [tilespmem:s5], [sflag:$0xD], $0x2800, $0x38;
	[tilespmem:$0x1DC80] =	vst v63  }
0x73: {  	_ =	swait.ge @!p1 [sflag:s7], $0x2800  }
0x74: {  	[sflag:s7] =	ssyncset.done @!p1 $0x0  }
0x75: {  	s24 =	rddreg [dreg:$0x11];
	[sflag:s7] =	ssyncadd.s32 @!p1 $0xFFFFD800  }
0x76: {  	[spmem:s24] =	stream.linear.scatter @!p1 [tilespmem:s5], [sflag:$0xD], $0x2800, $0x38;
	[tilespmem:$0x1DC80] =	vst v63  }
0x77: {  	_ =	swait.ge @!p1 [sflag:s7], $0x2800  }
0x78: {  	[sflag:s7] =	ssyncset.done @!p1 $0x0  }
0x79: {  	s24 =	rddreg [dreg:$0x12];
	[sflag:s7] =	ssyncadd.s32 @!p1 $0xFFFFD800  }
0x7a: {  	[spmem:s24] =	stream.linear.scatter @!p1 [tilespmem:s5], [sflag:$0xD], $0x2800, $0x38;
	[tilespmem:$0x1DC80] =	vst v63  }
0x7b: {  	_ =	swait.ge @!p1 [sflag:s7], $0x2800  }
0x7c: {  	[sflag:s7] =	ssyncset.done @!p1 $0x0  }
.Ltmp2:
0x7d: {  	s24 =	rddreg [dreg:$0x13];
	[sflag:s7] =	ssyncadd.s32 @!p1 $0xFFFFD800;
	(pc) =	sbr.rel .LBB2_6-.Ltmp2, $4  }
0x7e: {  	[spmem:s24] =	stream.linear.scatter @!p1 [tilespmem:s5], [sflag:$0xD], $0x2000, $0x38;
	[tilespmem:$0x1DC80] =	vst v63  }
0x7f: {  	_ =	swait.ge @!p1 [sflag:s7], $0x2000  }
0x80: {  	[sflag:s7] =	ssyncset.done @!p1 $0x0  }
0x81: {  	[sflag:s7] =	ssyncadd.s32 @!p1 $0xFFFFE000  }
.LBB2_2:
0x82: {  	s5 =	simm.s32 @p1 $0x1FCD;
	s7 =	rddreg [dreg:$0xc]  }
0x83: {  	[spmem:s24], [sflag:s5] =	dma.local @p1 [hbm:s7], $0x2800  }
0x84: {  	s5 =	simm.s32 @p1 $0xD  }
0x85: {  	_ =	swait.ge @p1 [sflag:s5], $0x2800  }
0x86: {  	s7 =	sld [smem:$0x7F9]  }
0x87: {  	[sflag:s5] =	ssyncset.done @p1 $0x0  }
0x88: {  	[sflag:s5] =	ssyncadd.s32 @p1 $0xFFFFD800;
	s5 =	rddreg [dreg:$0xa]  }
0x89: {  	[spmem:s25], [sflag:s7] =	dma.local @!p1 [hbm:s5], $0x2700  }
0x8a: {  	s5 =	simm.s32 @!p1 $0xD  }
0x8b: {  	_ =	swait.ge @!p1 [sflag:s5], $0x2700  }
0x8c: {  	[sflag:s5] =	ssyncset.done @!p1 $0x0  }
0x8d: {  	[sflag:s5] =	ssyncadd.s32 @!p1 $0xFFFFD900  }
.LBB2_6:
0x8e: {  	[bflag:$0x0] =	sbarrier.arrive $0xFFFF  }
0x8f: {  	s5 =	simm.s32 $0x0;
	s7 =	rddreg [dreg:$0x16]  }
0x90: {  	[tilespmem:s5], [sflag:$0x1] =	stream.linear.gather [hbm4b:s7+s5], $0x100, $0x38;
	[tilespmem:$0x1DC80] =	vst v63  }
0x91: {  	s24 =	rddreg [dreg:$0x18]  }
0x92: {  	[tilespmem:s0], [sflag:$0x2] =	stream.linear.gather [hbm4b:s24+s5], $0x100, $0x38;
	[tilespmem:$0x1DC80] =	vst v63  }
0x93: {  	_ =	swait.ge [sflag:s6], $0x100  }
0x94: {  	[sflag:s6] =	ssyncset.done $0x0  }
0x95: {  	[sflag:s6] =	ssyncadd.s32 $0xFFFFFF00  }
0x96: {  	[tilespmem:s9], [sflag:$0x5] =	stream.indirect.gather [hbm4b:s1+s8], $0x80, s5, s8, $0xb8;
	[tilespmem:$0x1DC80] =	vst v63  }
0x97: {  	s25 =	rddreg [dreg:$0x19]  }
0x98: {  	[tilespmem:s10], [sflag:$0x3] =	stream.linear.gather [hbm4b:s25+s5], $0x100, $0x38;
	[tilespmem:$0x1DC80] =	vst v63  }
0x99: {  	_ =	swait.ge [sflag:s11], $0x100  }
0x9a: {  	[sflag:s11] =	ssyncset.done $0x0  }
0x9b: {  	[sflag:s11] =	ssyncadd.s32 $0xFFFFFF00  }
0x9c: {  	[tilespmem:s12], [sflag:$0x6] =	stream.indirect.gather [hbm4b:s1+s8], $0x80, s0, s8, $0xb8;
	[tilespmem:$0x1DC80] =	vst v63  }
0x9d: {  	_ =	swait.ge [sflag:s13], $0x2800  }
0x9e: {  	[sflag:s13] =	ssyncset.done $0x0  }
0x9f: {  	[sflag:s13] =	ssyncadd.s32 $0xFFFFD800  }
0xa0: {  	[spmem:s2] =	stream.indirect.scatter.add.f32 [tilespmem:s9], [sflag:$0x9], $0x80, s14, s8, $0xb8;
	[tilespmem:$0x1DC80] =	vst v63  }
0xa1: {  	s24 =	rddreg [dreg:$0x1a]  }
0xa2: {  	[tilespmem:s15], [sflag:$0x4] =	stream.linear.gather [hbm4b:s24+s5], $0x100, $0x38;
	[tilespmem:$0x1DC80] =	vst v63  }
0xa3: {  	_ =	swait.ge [sflag:s16], $0x100  }
0xa4: {  	[sflag:s16] =	ssyncset.done $0x0  }
0xa5: {  	[sflag:s16] =	ssyncadd.s32 $0xFFFFFF00  }
0xa6: {  	[tilespmem:s17], [sflag:$0x7] =	stream.indirect.gather [hbm4b:s1+s8], $0x80, s10, s8, $0xb8;
	[tilespmem:$0x1DC80] =	vst v63  }
0xa7: {  	_ =	swait.ge [sflag:s26], $0x2800  }
0xa8: {  	[sflag:s26] =	ssyncset.done $0x0  }
0xa9: {  	[sflag:s26] =	ssyncadd.s32 $0xFFFFD800  }
0xaa: {  	[spmem:s2] =	stream.indirect.scatter.add.f32 [tilespmem:s12], [sflag:$0xA], $0x80, s28, s8, $0xb8;
	[tilespmem:$0x1DC80] =	vst v63  }
0xab: {  	_ =	swait.ge [sflag:s29], $0x2800  }
0xac: {  	s25 =	rddreg [dreg:$0x8];
	[sflag:s29] =	ssyncset.done $0x0  }
0xad: {  	[sflag:s29] =	ssyncadd.s32 $0xFFFFD800;
	s5 =	sadd.s32 $0x0, s25  }
0xae: {  	[tilespmem:s3], [sflag:$0x1] =	stream.linear.gather [hbm4b:s5+s3], $0x100, $0x38;
	[tilespmem:$0x1DC80] =	vst v63  }
0xaf: {  	_ =	swait.ge [sflag:s30], $0x100  }
0xb0: {  	[sflag:s30] =	ssyncset.done $0x0  }
0xb1: {  	[sflag:s30] =	ssyncadd.s32 $0xFFFFFF00  }
0xb2: {  	[tilespmem:s31], [sflag:$0x8] =	stream.indirect.gather [hbm4b:s1+s8], $0x80, s15, s8, $0xb8;
	[tilespmem:$0x1DC80] =	vst v63  }
0xb3: {  	_ =	swait.ge [sflag:s4], $0x2800  }
0xb4: {  	[sflag:s4] =	ssyncset.done $0x0  }
0xb5: {  	[sflag:s4] =	ssyncadd.s32 $0xFFFFD800  }
0xb6: {  	[spmem:s2] =	stream.indirect.scatter.add.f32 [tilespmem:s17], [sflag:$0xB], $0x80, s18, s8, $0xb8;
	[tilespmem:$0x1DC80] =	vst v63  }
0xb7: {  	_ =	swait.ge [sflag:s19], $0x2800  }
0xb8: {  	s7 =	rddreg [dreg:$0x7];
	[sflag:s19] =	ssyncset.done $0x0  }
0xb9: {  	[sflag:s19] =	ssyncadd.s32 $0xFFFFD800;
	s5 =	sadd.s32 $0x0, s7  }
0xba: {  	[tilespmem:s0], [sflag:$0x2] =	stream.linear.gather [hbm4b:s5+s3], $0x100, $0x38;
	[tilespmem:$0x1DC80] =	vst v63  }
0xbb: {  	_ =	swait.ge [sflag:s6], $0x100  }
0xbc: {  	[sflag:s6] =	ssyncset.done $0x0  }
0xbd: {  	[sflag:s6] =	ssyncadd.s32 $0xFFFFFF00  }
0xbe: {  	[tilespmem:s9], [sflag:$0x5] =	stream.indirect.gather [hbm4b:s1+s8], $0x80, s3, s8, $0xb8;
	[tilespmem:$0x1DC80] =	vst v63  }
0xbf: {  	_ =	swait.ge [sflag:s20], $0x2800  }
0xc0: {  	[sflag:s20] =	ssyncset.done $0x0  }
0xc1: {  	[sflag:s20] =	ssyncadd.s32 $0xFFFFD800  }
0xc2: {  	[spmem:s2] =	stream.indirect.scatter.add.f32 [tilespmem:s31], [sflag:$0xC], $0x80, s21, s8, $0xb8;
	[tilespmem:$0x1DC80] =	vst v63  }
0xc3: {  	_ =	swait.ge [sflag:s22], $0x2800  }
0xc4: {  	s24 =	rddreg [dreg:$0x6];
	[sflag:s22] =	ssyncset.done $0x0  }
0xc5: {  	[sflag:s22] =	ssyncadd.s32 $0xFFFFD800;
	s5 =	sadd.s32 $0x0, s24  }
0xc6: {  	[tilespmem:s10], [sflag:$0x3] =	stream.linear.gather [hbm4b:s5+s3], $0x100, $0x38;
	[tilespmem:$0x1DC80] =	vst v63  }
0xc7: {  	_ =	swait.ge [sflag:s11], $0x100  }
0xc8: {  	[sflag:s11] =	ssyncset.done $0x0  }
0xc9: {  	[sflag:s11] =	ssyncadd.s32 $0xFFFFFF00  }
0xca: {  	[tilespmem:s12], [sflag:$0x6] =	stream.indirect.gather [hbm4b:s1+s8], $0x80, s0, s8, $0xb8;
	[tilespmem:$0x1DC80] =	vst v63  }
0xcb: {  	_ =	swait.ge [sflag:s13], $0x2800  }
0xcc: {  	[sflag:s13] =	ssyncset.done $0x0  }
0xcd: {  	[sflag:s13] =	ssyncadd.s32 $0xFFFFD800  }
0xce: {  	[spmem:s2] =	stream.indirect.scatter.add.f32 [tilespmem:s9], [sflag:$0x9], $0x80, s14, s8, $0xb8;
	[tilespmem:$0x1DC80] =	vst v63  }
0xcf: {  	_ =	swait.ge [sflag:s23], $0x2800  }
0xd0: {  	s25 =	rddreg [dreg:$0x5];
	[sflag:s23] =	ssyncset.done $0x0  }
0xd1: {  	[sflag:s23] =	ssyncadd.s32 $0xFFFFD800;
	s5 =	sadd.s32 $0x0, s25  }
0xd2: {  	[tilespmem:s15], [sflag:$0x4] =	stream.linear.gather [hbm4b:s5+s3], $0x100, $0x38;
	[tilespmem:$0x1DC80] =	vst v63  }
0xd3: {  	_ =	swait.ge [sflag:s16], $0x100  }
0xd4: {  	[sflag:s16] =	ssyncset.done $0x0  }
0xd5: {  	[sflag:s16] =	ssyncadd.s32 $0xFFFFFF00  }
0xd6: {  	[tilespmem:s17], [sflag:$0x7] =	stream.indirect.gather [hbm4b:s1+s8], $0x80, s10, s8, $0xb8;
	[tilespmem:$0x1DC80] =	vst v63  }
0xd7: {  	_ =	swait.ge [sflag:s26], $0x2800  }
0xd8: {  	[sflag:s26] =	ssyncset.done $0x0  }
0xd9: {  	s25 =	simm.s32 $0x80;
	[sflag:s26] =	ssyncadd.s32 $0xFFFFD800  }
.LBB2_7:
0xda: {  	[spmem:s2] =	stream.indirect.scatter.add.f32 [tilespmem:s12], [sflag:$0xA], $0x80, s28, s8, $0xb8;
	[tilespmem:$0x1DC80] =	vst v63  }
0xdb: {  	_ =	swait.ge [sflag:s29], $0x2800  }
0xdc: {  	s7 =	smov.u32 s25;
	s5 =	rddreg [dreg:$0x8];
	[sflag:s29] =	ssyncset.done $0x0  }
0xdd: {  	[sflag:s29] =	ssyncadd.s32 $0xFFFFD800;
	s5 =	sadd.s32 s7, s5  }
0xde: {  	[tilespmem:s3], [sflag:$0x1] =	stream.linear.gather [hbm4b:s5+s3], $0x100, $0x38;
	[tilespmem:$0x1DC80] =	vst v63  }
0xdf: {  	_ =	swait.ge [sflag:s30], $0x100  }
0xe0: {  	[sflag:s30] =	ssyncset.done $0x0  }
0xe1: {  	[sflag:s30] =	ssyncadd.s32 $0xFFFFFF00  }
0xe2: {  	[tilespmem:s31], [sflag:$0x8] =	stream.indirect.gather [hbm4b:s1+s8], $0x80, s15, s8, $0xb8;
	[tilespmem:$0x1DC80] =	vst v63  }
0xe3: {  	_ =	swait.ge [sflag:s4], $0x2800  }
0xe4: {  	[sflag:s4] =	ssyncset.done $0x0  }
0xe5: {  	[sflag:s4] =	ssyncadd.s32 $0xFFFFD800  }
0xe6: {  	[spmem:s2] =	stream.indirect.scatter.add.f32 [tilespmem:s17], [sflag:$0xB], $0x80, s18, s8, $0xb8;
	[tilespmem:$0x1DC80] =	vst v63  }
0xe7: {  	_ =	swait.ge [sflag:s19], $0x2800  }
0xe8: {  	s24 =	rddreg [dreg:$0x7];
	[sflag:s19] =	ssyncset.done $0x0  }
0xe9: {  	[sflag:s19] =	ssyncadd.s32 $0xFFFFD800;
	s5 =	sadd.s32 s7, s24  }
0xea: {  	[tilespmem:s0], [sflag:$0x2] =	stream.linear.gather [hbm4b:s5+s3], $0x100, $0x38;
	[tilespmem:$0x1DC80] =	vst v63  }
0xeb: {  	_ =	swait.ge [sflag:s6], $0x100  }
0xec: {  	[sflag:s6] =	ssyncset.done $0x0  }
0xed: {  	[sflag:s6] =	ssyncadd.s32 $0xFFFFFF00  }
0xee: {  	[tilespmem:s9], [sflag:$0x5] =	stream.indirect.gather [hbm4b:s1+s8], $0x80, s3, s8, $0xb8;
	[tilespmem:$0x1DC80] =	vst v63  }
0xef: {  	_ =	swait.ge [sflag:s20], $0x2800  }
0xf0: {  	[sflag:s20] =	ssyncset.done $0x0  }
0xf1: {  	[sflag:s20] =	ssyncadd.s32 $0xFFFFD800  }
0xf2: {  	[spmem:s2] =	stream.indirect.scatter.add.f32 [tilespmem:s31], [sflag:$0xC], $0x80, s21, s8, $0xb8;
	[tilespmem:$0x1DC80] =	vst v63  }
0xf3: {  	_ =	swait.ge [sflag:s22], $0x2800  }
0xf4: {  	s24 =	rddreg [dreg:$0x6];
	[sflag:s22] =	ssyncset.done $0x0  }
0xf5: {  	[sflag:s22] =	ssyncadd.s32 $0xFFFFD800;
	s5 =	sadd.s32 s7, s24  }
0xf6: {  	[tilespmem:s10], [sflag:$0x3] =	stream.linear.gather [hbm4b:s5+s3], $0x100, $0x38;
	[tilespmem:$0x1DC80] =	vst v63  }
0xf7: {  	_ =	swait.ge [sflag:s11], $0x100  }
0xf8: {  	[sflag:s11] =	ssyncset.done $0x0  }
0xf9: {  	[sflag:s11] =	ssyncadd.s32 $0xFFFFFF00  }
0xfa: {  	[tilespmem:s12], [sflag:$0x6] =	stream.indirect.gather [hbm4b:s1+s8], $0x80, s0, s8, $0xb8;
	[tilespmem:$0x1DC80] =	vst v63  }
0xfb: {  	_ =	swait.ge [sflag:s13], $0x2800  }
0xfc: {  	[sflag:s13] =	ssyncset.done $0x0  }
0xfd: {  	[sflag:s13] =	ssyncadd.s32 $0xFFFFD800  }
0xfe: {  	[spmem:s2] =	stream.indirect.scatter.add.f32 [tilespmem:s9], [sflag:$0x9], $0x80, s14, s8, $0xb8;
	[tilespmem:$0x1DC80] =	vst v63  }
0xff: {  	_ =	swait.ge [sflag:s23], $0x2800  }
0x100: {  	s24 =	rddreg [dreg:$0x5];
	[sflag:s23] =	ssyncset.done $0x0  }
0x101: {  	[sflag:s23] =	ssyncadd.s32 $0xFFFFD800;
	s5 =	sadd.s32 s7, s24  }
0x102: {  	[tilespmem:s15], [sflag:$0x4] =	stream.linear.gather [hbm4b:s5+s3], $0x100, $0x38;
	[tilespmem:$0x1DC80] =	vst v63  }
0x103: {  	_ =	swait.ge [sflag:s16], $0x100  }
0x104: {  	p2 =	sne.s32 s25, $0xE80;
	[sflag:s16] =	ssyncset.done $0x0  }
.Ltmp3:
0x105: {  	[sflag:s16] =	ssyncadd.s32 $0xFFFFFF00;
	(pc) =	sbr.rel @p2 .LBB2_7-.Ltmp3, $4  }
0x106: {  	[tilespmem:s17], [sflag:$0x7] =	stream.indirect.gather [hbm4b:s1+s8], $0x80, s10, s8, $0xb8;
	[tilespmem:$0x1DC80] =	vst v63  }
0x107: {  	_ =	swait.ge [sflag:s26], $0x2800  }
0x108: {  	[sflag:s26] =	ssyncset.done $0x0  }
0x109: {  	s25 =	sadd.s32 $0x80, s25;
	[sflag:s26] =	ssyncadd.s32 $0xFFFFD800  }
0x10a: {  	[spmem:s2] =	stream.indirect.scatter.add.f32 [tilespmem:s12], [sflag:$0xA], $0x80, s28, s8, $0xb8;
	[tilespmem:$0x1DC80] =	vst v63  }
0x10b: {  	_ =	swait.ge [sflag:s29], $0x2800  }
0x10c: {  	[sflag:s29] =	ssyncset.done $0x0  }
0x10d: {  	s5 =	rddreg [dreg:$0x1b];
	[sflag:s29] =	ssyncadd.s32 $0xFFFFD800  }
0x10e: {  	[tilespmem:s3], [sflag:$0x1] =	stream.linear.gather [hbm4b:s5+s3], $0x100, $0x38;
	[tilespmem:$0x1DC80] =	vst v63  }
0x10f: {  	_ =	swait.ge [sflag:s30], $0x100  }
0x110: {  	[sflag:s30] =	ssyncset.done $0x0  }
0x111: {  	[sflag:s30] =	ssyncadd.s32 $0xFFFFFF00  }
0x112: {  	[tilespmem:s31], [sflag:$0x8] =	stream.indirect.gather [hbm4b:s1+s8], $0x80, s15, s8, $0xb8;
	[tilespmem:$0x1DC80] =	vst v63  }
0x113: {  	_ =	swait.ge [sflag:s4], $0x2800  }
0x114: {  	[sflag:s4] =	ssyncset.done $0x0  }
0x115: {  	[sflag:s4] =	ssyncadd.s32 $0xFFFFD800  }
0x116: {  	[spmem:s2] =	stream.indirect.scatter.add.f32 [tilespmem:s17], [sflag:$0xB], $0x80, s18, s8, $0xb8;
	[tilespmem:$0x1DC80] =	vst v63  }
0x117: {  	_ =	swait.ge [sflag:s19], $0x2800  }
0x118: {  	[sflag:s19] =	ssyncset.done $0x0  }
0x119: {  	[sflag:s19] =	ssyncadd.s32 $0xFFFFD800  }
0x11a: {  	_ =	swait.ge [sflag:s6], $0x100  }
0x11b: {  	[sflag:s6] =	ssyncset.done $0x0  }
0x11c: {  	[sflag:s6] =	ssyncadd.s32 $0xFFFFFF00  }
0x11d: {  	[tilespmem:s9], [sflag:$0x5] =	stream.indirect.gather [hbm4b:s1+s8], $0x80, s3, s8, $0xb8;
	[tilespmem:$0x1DC80] =	vst v63  }
0x11e: {  	_ =	swait.ge [sflag:s20], $0x2800  }
0x11f: {  	[sflag:s20] =	ssyncset.done $0x0  }
0x120: {  	[sflag:s20] =	ssyncadd.s32 $0xFFFFD800  }
0x121: {  	[spmem:s2] =	stream.indirect.scatter.add.f32 [tilespmem:s31], [sflag:$0xC], $0x80, s21, s8, $0xb8;
	[tilespmem:$0x1DC80] =	vst v63  }
0x122: {  	_ =	swait.ge [sflag:s22], $0x2800  }
0x123: {  	[sflag:s22] =	ssyncset.done $0x0  }
0x124: {  	[sflag:s22] =	ssyncadd.s32 $0xFFFFD800  }
0x125: {  	_ =	swait.ge [sflag:s13], $0x2800  }
0x126: {  	[sflag:s13] =	ssyncset.done $0x0  }
0x127: {  	[sflag:s13] =	ssyncadd.s32 $0xFFFFD800  }
0x128: {  	[spmem:s2] =	stream.indirect.scatter.add.f32 [tilespmem:s9], [sflag:$0x9], $0x80, s14, s8, $0xb8;
	[tilespmem:$0x1DC80] =	vst v63  }
0x129: {  	_ =	swait.ge [sflag:s23], $0x2800  }
0x12a: {  	[sflag:s23] =	ssyncset.done $0x0  }
0x12b: {  	[sflag:s23] =	ssyncadd.s32 $0xFFFFD800  }
0x12c: {  	_ =	swait.ge [sflag:s29], $0x2800  }
0x12d: {  	[sflag:s29] =	ssyncset.done $0x0  }
0x12e: {  	[sflag:s29] =	ssyncadd.s32 $0xFFFFD800  }
0x12f: {  	[bflag:$0x0] =	sbarrier.arrive $0xFFFF  }
0x130: {  	s24 =	sld [smem:$0x7FA];
	_ =	sdelay $0x1  }
0x131: {  	s5 =	simm.s32 @p1 $0x1FCD;
	s7 =	rddreg [dreg:$0x1c]  }
0x132: {  	[hbm:s7], [sflag:s5] =	dma.local @p1 [spmem:s24], $0x2800  }
0x133: {  	s5 =	simm.s32 @p1 $0xD  }
0x134: {  	_ =	swait.ge @p1 [sflag:s5], $0x2800  }
0x135: {  	s7 =	sld [smem:$0x7F8]  }
0x136: {  	s24 =	sld [smem:$0x7F9]  }
0x137: {  	[sflag:s5] =	ssyncset.done @p1 $0x0  }
0x138: {  	[sflag:s5] =	ssyncadd.s32 @p1 $0xFFFFD800;
	s5 =	rddreg [dreg:$0x17]  }
0x139: {  	[hbm:s5], [sflag:s24] =	dma.local @!p1 [spmem:s7], $0x2700  }
0x13a: {  	s5 =	simm.s32 @!p1 $0xD  }
0x13b: {  	_ =	swait.ge @!p1 [sflag:s5], $0x2700  }
0x13c: {  	s25 =	sld [smem:$0x7F7];
	_ =	sdelay $0x2  }
0x13d: {  	s24 =	rddreg [dreg:$0x1d];
	s25 =	sadd.s32 $0x1, s25  }
0x13e: {  	p2 =	sne.s32 s25, s24  }
.Ltmp4:
0x13f: {  	_ = 	snop;
	(pc) =	sbr.rel @p2 .LBB2_1-.Ltmp4, $3  }
0x140: {  	_ =	sdelay $0x1  }
0x141: {  	[sflag:s5] =	ssyncset.done @!p1 $0x0  }
0x142: {  	[sflag:s5] =	ssyncadd.s32 @!p1 $0xFFFFD900  }
0x143: {  	_ =	sfence.sel $0x180000  }
0x144: {  	[bflag:$0x0] =	sbarrier.arrive $0xFFFF  }
0x145: {  	_ =	strace $0x9000004D  }
0x146: {  	s0 =	stileid.u32;
	[bflag:$0x2] =	sbarrier.arrive $0xFFFF  }
0x147: {  	p0 =	sne.s32 s0, $0x0;
	s0 =	rddreg [dreg:$0x4]  }
0x148: {  	s0 =	sadd.s32 @!p0 $0x100000, s0  }
0x149: {  	[sflag:s0] =	ssyncadd.tile.s32 @!p0 $0x1;
	_ =	shalt  }
.Lfunc_end2:
_tile_overlayer_lowered:
.L_overlay_start_2:
0x14a: {  	(tag) =	ssettag $0x2  }
0x14b: {  	s0 =	rddreg [dreg:$0x0];
	s2 =	stileid.u32  }
0x14c: {  	s1 =	rddreg [dreg:$0x1];
	p0 =	sne.s32 s2, $0x0  }
0x14d: {  	s3 =	rddreg [dreg:$0x2];
	[bflag:$0x3] =	sbarrier.arrive $0xFFFF;
	s2 =	simm.s32 @!p0 $0x1C0D  }
0x14e: {  	[timem:s3], [sflag:s2] =	dma.local @!p0 [hbm:s0], s1  }
0x14f: {  	s0 =	simm.s32 @!p0 $0xD  }
0x150: {  	_ =	swait.ge @!p0 [sflag:s0], s1  }
0x151: {  	s1 =	ssub.s32 @!p0 $0x0, s1;
	[sflag:s0] =	ssyncset.done @!p0 $0x0  }
0x152: {  	[sflag:s0] =	ssyncadd.s32 @!p0 s1  }
0x153: {  	[bflag:$0x3] =	sbarrier.arrive $0xFFFF  }
0x154: {  	_ =	shalt  }

// kernel: kernel.9.cloned.1.call-start
scs
__scs_entry_jumppad:
0x0: {  	(pc) =	sbr.rel $0x88, $3  }
0x1: {  	(tag) =	ssettag $0x0;
	lr =	simm.s32 $0x1  }
0x2: {  	[smem:$0x3F97] =	sst lr;
	_ =	strace $0xD0000000  }
0x3: {  	_ = 	snop  }
0x4: {  	_ = 	snop  }
0x5: {  	_ = 	snop  }
0x6: {  	_ = 	snop  }
0x7: {  	_ = 	snop  }
__scs_overlays_trampoline_lowered:
0x8: {  	[smem:$0x3FA6] =	sst s0  }
0x9: {  	[smem:$0x3FA7] =	sst s1  }
0xa: {  	[smem:$0x3FA8] =	sst s2  }
0xb: {  	[smem:$0x3FA9] =	sst s3  }
0xc: {  	[smem:$0x3FAA] =	sst s4  }
0xd: {  	[smem:$0x3FAB] =	sst s5  }
0xe: {  	[smem:$0x3FAC] =	sst s6  }
0xf: {  	[smem:$0x3FAD] =	sst s7  }
0x10: {  	[smem:$0x3FAE] =	sst s8  }
0x11: {  	[smem:$0x3FAF] =	sst s9;
	s0 =	simm.s32 @!p0 $0x0  }
0x12: {  	s1 =	sld [smem:$0x3F95];
	s0 =	simm.s32 @p0 $0x1  }
0x13: {  	[smem:$0x3FB0] =	sst s0;
	s0 =	simm.s32 @!p1 $0x0  }
0x14: {  	s2 =	sld [smem:$0x3F94];
	s0 =	simm.s32 @p1 $0x1  }
0x15: {  	[smem:$0x3FB1] =	sst s0;
	s0 =	simm.s32 @!p2 $0x0  }
0x16: {  	s3 =	sld [smem:$0x3FDB];
	s0 =	simm.s32 @p2 $0x1  }
0x17: {  	s4 =	simm.s32 $0x1BF5;
	[smem:$0x3FB3] =	sst s0  }
0x18: {  	s0 =	sld [smem:$0x3F96];
	_ =	swait.ge [sflag:s4], $0x0  }
0x19: {  	s7 =	sld [smem:$0x3F97]  }
0x1a: {  	s8 =	sadd.s32 $0xFFFFE003, lr  }
0x1b: {  	s9 =	sadd.s32 $0xFFFFFEF7, lr;
	s5 =	simm.s32 $0xFFFFFFFF;
	p2 =	slt.u32 s8, $0xFFFFF086  }
0x1c: {  	p1 =	slt.u32 s9, $0xF7A;
	s5 =	simm.s32 @!p2 $0x0  }
0x1d: {  	s5 =	simm.s32 @p1 $0x1;
	p0 =	seq.s32 s7, s2  }
0x1e: {  	s7 =	smul.u32 @!p0 $0xF7A, s2;
	p2 =	seq.s32 @!p0 s5, $0x0  }
0x1f: {  	s9 =	smul.u32 $0xF7A, s1;
	s8 =	simm.s32 @!p0 $0x1BF5;
	p2 =	por !p2, p0  }
0x20: {  	[sflag:s8] =	ssyncset.s32 @!p0 $0xFFFFF086;
	s6 =	sadd.s32 @!p0 s3, s7;
	s7 =	simm.s32 @!p0 $0x108  }
0x21: {  	s3 =	sadd.s32 s3, s9;
	s6 =	sadd.s32 @!p0 $0x88, s6;
	s7 =	simm.s32 @p2 $0x1082  }
0x22: {  	[simem:s7], [sflag:s8] =	dma.local @!p0 [hbm:s6], $0xF7A  }
0x23: {  	s9 =	sor.u32 $0xD0000000, s2;
	s6 =	simm.s32 $0x108;
	_ =	swait.ge @!p0 [sflag:s8], $0x0  }
0x24: {  	s3 =	sadd.s32 $0x88, s3;
	s6 =	simm.s32 @!p1 $0x1082;
	[sflag:s4] =	ssyncset.s32 $0xFFFFF086  }
0x25: {  	[simem:s6], [sflag:s4] =	dma.local [hbm:s3], $0xF7A  }
0x26: {  	[smem:$0x3F97] =	sst s1;
	(tag) =	ssettag s2;
	_ =	strace s9  }
0x27: {  	s1 =	sld [smem:$0x3FA7]  }
0x28: {  	s2 =	sld [smem:$0x3FA8]  }
0x29: {  	s4 =	sld [smem:$0x3FAA]  }
0x2a: {  	p0 =	seq.s32 s5, $0x0;
	s5 =	sld [smem:$0x3FAB]  }
0x2b: {  	s6 =	sld [smem:$0x3FAC]  }
0x2c: {  	s7 =	sld [smem:$0x3FAD]  }
0x2d: {  	s3 =	simm.s32 $0x108;
	s8 =	sld [smem:$0x3FAE]  }
0x2e: {  	s3 =	simm.s32 @!p0 $0x1082;
	s9 =	sld [smem:$0x3FAF]  }
0x2f: {  	lr =	sadd.s32 s0, s3;
	s0 =	sld [smem:$0x3FA6]  }
0x30: {  	s3 =	sld [smem:$0x3FA9]  }
0x31: {  	[smem:$0x3FB2] =	sst s10  }
0x32: {  	s10 =	sld [smem:$0x3FB0];
	_ =	sdelay $0x3  }
0x33: {  	p0 =	seq.s32 s10, $0x1;
	s10 =	sld [smem:$0x3FB2];
	_ =	sdelay $0x3  }
0x34: {  	[smem:$0x3FB2] =	sst s10  }
0x35: {  	s10 =	sld [smem:$0x3FB1];
	_ =	sdelay $0x3  }
0x36: {  	p1 =	seq.s32 s10, $0x1;
	s10 =	sld [smem:$0x3FB2];
	_ =	sdelay $0x3  }
0x37: {  	[smem:$0x3FB2] =	sst s10  }
0x38: {  	s10 =	sld [smem:$0x3FB3]  }
0x39: {  	_ = 	snop;
	(pc) =	sbr.ind lr, $3  }
0x3a: {  	_ = 	snop  }
0x3b: {  	_ = 	snop  }
0x3c: {  	p2 =	seq.s32 s10, $0x1;
	s10 =	sld [smem:$0x3FB2]  }
0x3d: {  	_ =	shalt  }
0x3e: {  	_ =	shalt  }
0x3f: {  	_ =	shalt  }
0x40: {  	_ =	shalt  }
0x41: {  	_ =	shalt  }
0x42: {  	_ =	shalt  }
0x43: {  	_ =	shalt  }
0x44: {  	_ =	shalt  }
0x45: {  	_ =	shalt  }
0x46: {  	_ =	shalt  }
0x47: {  	_ =	shalt  }
0x48: {  	_ =	shalt  }
0x49: {  	_ =	shalt  }
0x4a: {  	_ =	shalt  }
0x4b: {  	_ =	shalt  }
0x4c: {  	_ =	shalt  }
0x4d: {  	_ =	shalt  }
0x4e: {  	_ =	shalt  }
0x4f: {  	_ =	shalt  }
0x50: {  	_ =	shalt  }
0x51: {  	_ =	shalt  }
0x52: {  	_ =	shalt  }
0x53: {  	_ =	shalt  }
0x54: {  	_ =	shalt  }
0x55: {  	_ =	shalt  }
0x56: {  	_ =	shalt  }
0x57: {  	_ =	shalt  }
0x58: {  	_ =	shalt  }
0x59: {  	_ =	shalt  }
0x5a: {  	_ =	shalt  }
0x5b: {  	_ =	shalt  }
0x5c: {  	_ =	shalt  }
0x5d: {  	_ =	shalt  }
0x5e: {  	_ =	shalt  }
0x5f: {  	_ =	shalt  }
0x60: {  	_ =	shalt  }
0x61: {  	_ =	shalt  }
0x62: {  	_ =	shalt  }
0x63: {  	_ =	shalt  }
0x64: {  	_ =	shalt  }
0x65: {  	_ =	shalt  }
0x66: {  	_ =	shalt  }
0x67: {  	_ =	shalt  }
0x68: {  	_ =	shalt  }
0x69: {  	_ =	shalt  }
0x6a: {  	_ =	shalt  }
0x6b: {  	_ =	shalt  }
0x6c: {  	_ =	shalt  }
0x6d: {  	_ =	shalt  }
0x6e: {  	_ =	shalt  }
0x6f: {  	_ =	shalt  }
0x70: {  	_ =	shalt  }
0x71: {  	_ =	shalt  }
0x72: {  	_ =	shalt  }
0x73: {  	_ =	shalt  }
0x74: {  	_ =	shalt  }
0x75: {  	_ =	shalt  }
0x76: {  	_ =	shalt  }
0x77: {  	_ =	shalt  }
0x78: {  	_ =	shalt  }
0x79: {  	_ =	shalt  }
0x7a: {  	_ =	shalt  }
0x7b: {  	_ =	shalt  }
0x7c: {  	_ =	shalt  }
0x7d: {  	_ =	shalt  }
0x7e: {  	_ =	shalt  }
0x7f: {  	_ =	shalt  }
0x80: {  	_ =	shalt  }
0x81: {  	_ =	shalt  }
0x82: {  	_ =	shalt  }
0x83: {  	_ =	shalt  }
0x84: {  	_ =	shalt  }
0x85: {  	_ =	shalt  }
0x86: {  	_ =	shalt  }
0x87: {  	_ =	shalt  }
.Lfunc_end0:
.L_simem_size_0:
called_computation_lowered:
.L_overlay_start_0:
0x88: {  	s2 =	sld [smem:$0x3FD9]  }
0x89: {  	s3 =	sld [smem:$0x3FFE];
	_ =	sdelay $0x1  }
0x8a: {  	s1 =	srdreg.scid  }
0x8b: {  	s0 =	sand.u32 $0x1, s1  }
0x8c: {  	s15 =	sshll.u32 s0, $0xA;
	s2 =	sadd.s32 s3, s2  }
0x8d: {  	s2 =	sadd.s32 s2, s15  }
0x8e: {  	[smem:$0x3FBE] =	sst s2  }
0x8f: {  	_ = 	snop  }
0x90: {  	s2 =	sld [smem:$0x3FD0];
	_ =	sdelay $0x2  }
0x91: {  	s16 =	simm.s32 $0xA;
	s4 =	simm.s32 $0x10  }
0x92: {  	[smem:s4], [sflag:s16] =	dma.local [hbm:s2], $0x1  }
0x93: {  	_ =	swait.eq [sflag:s16], $0x1  }
0x94: {  	[sflag:s16] =	ssyncset.done $0x0  }
0x95: {  	s17 =	sld [smem:$0x10];
	[sflag:s16] =	ssyncadd.s32 $0xFFFFFFFF  }
0x96: {  	s18 =	sld [smem:$0x12];
	(tm) =	ssettm $0x1  }
0x97: {  	s19 =	sld [smem:$0x3FFB];
	_ =	sdelay $0x3  }
0x98: {  	_ =	strace s19  }
0x99: {  	s4 =	sld [smem:$0x3FFC];
	_ =	sdelay $0x3  }
0x9a: {  	_ =	strace s4  }
0x9b: {  	s4 =	sld [smem:$0x3FFD];
	_ =	sdelay $0x3  }
0x9c: {  	_ =	strace s4  }
0x9d: {  	_ =	strace $0x8FFFFFFF  }
0x9e: {  	s20 =	sld [smem:$0x3FDB];
	_ =	sdelay $0x1  }
0x9f: {  	s5 =	simm.s32 $_scs_section_size  }
0xa0: {  	s6 =	simm.s32 $_size__tile_overlayer_lowered;
	s7 =	simm.s32 $_tile_overlayer_lowered  }
0xa1: {  	s23 =	simm.s32 $0x1BFF;
	s22 =	sshll.u32 s7, $0x1;
	s4 =	sadd.s32 s5, s20  }
0xa2: {  	s8 =	simm.s32 $0x0;
	s21 =	sshll.u32 s6, $0x1;
	s6 =	sadd.s32 s22, s4  }
0xa3: {  	[timem:s8], [sflag:s23] =	dma.local [hbm:s6], s21  }
0xa4: {  	_ =	swait.ge [sflag:s23], s21  }
0xa5: {  	s5 =	ssub.s32 $0x0, s21;
	[sflag:s23] =	ssyncset.done $0x0  }
0xa6: {  	[sflag:s23] =	ssyncadd.s32 s5;
	_ =	sdelay $0x1  }
0xa7: {  	s24 =	simm.s32 $0x1B8B  }
0xa8: {  	_ =	swait.ge [sflag:s24], $0x1  }
0xa9: {  	[sflag:s24] =	ssyncset.done $0x0  }
0xaa: {  	s25 =	simm.s32 $0x1B8E;
	[sflag:s24] =	ssyncadd.s32 $0xFFFFFFFF  }
0xab: {  	s26 =	simm.s32 $execute0_lowered;
	[smem:$0x3FD2] =	sst s25  }
0xac: {  	s5 =	sshll.u32 s26, $0x1;
	_ =	strace $0x80000046;
	[dreg:$0x1] =	wrdreg $0xFFFFFFFF  }
0xad: {  	s28 =	simm.s32 $_size_execute0_lowered;
	s4 =	sadd.s32 s4, s5;
	[dreg:$0x0] =	wrdreg $0x0  }
0xae: {  	s5 =	sshll.u32 s28, $0x1;
	[dreg:$0x2] =	wrdreg s4  }
0xaf: {  	[dreg:$0x3] =	wrdreg s5  }
0xb0: {  	[dreg:$0x4] =	wrdreg $0xC0  }
0xb1: {  	_ =	task [dreg:s8], $0x5FFFF  }
0xb2: {  	[dreg:$0x1] =	wrdreg $0xFFFFFFFF  }
0xb3: {  	[dreg:$0x0] =	wrdreg $0x60  }
0xb4: {  	[dreg:$0x2] =	wrdreg s18  }
0xb5: {  	[dreg:$0x3] =	wrdreg s17  }
0xb6: {  	[dreg:$0x4] =	wrdreg $0x9  }
0xb7: {  	_ =	task.clear_ibuf [dreg:s8], $0x5FFFF;
	_ =	strace $0x90000046  }
0xb8: {  	s29 =	simm.s32 $0x9;
	_ =	strace $0x80000048  }
0xb9: {  	_ =	swait.ge [sflag:s29], $0x1  }
0xba: {  	[sflag:s29] =	ssyncadd.s32 $0xFFFFFFFF  }
0xbb: {  	_ =	strace $0x90000048  }
0xbc: {  	_ =	sfence  }
0xbd: {  	s30 =	sld [smem:$0x0];
	_ =	sdelay $0x2  }
0xbe: {  	s31 =	sshll.u32 s1, $0xD;
	s1 =	sshrl.u32 s1, $0x2  }
0xbf: {  	s3 =	sand.u32 $0x4000, s31;
	s1 =	sadd.s32 s1, s30  }
0xc0: {  	s0 =	sor.u32 s3, s0;
	s1 =	sshll.u32 s1, $0x11  }
0xc1: {  	s0 =	sor.u32 s1, s0  }
0xc2: {  	s0 =	sadd.s32 $0x8F2B, s0  }
0xc3: {  	[sflag:s0] =	ssyncadd.remote.s32 $0x1  }
0xc4: {  	_ =	sfence.sel $0xFFFF  }
0xc5: {  	[dreg:$0x0] =	wrdreg $0xFFFFFFFF;
	(pc) =	sbr.abs _section_cstart, $3  }
0xc6: {  	[dreg:$0x1] =	wrdreg $0xFFFFFFFF  }
0xc7: {  	_ =	task.clear_ibuf [dreg:s8], $0x2FFFF;
	_ =	strace $0x9FFFFFFF  }
0xc8: {  	(tm) =	ssettm $0x7FFFFFFF  }
0xc9: {  	_ =	shalt  }
tec
execute0_lowered:
.L_overlay_start_1:
0x0: {  	(tag) =	ssettag $0x1  }
0x1: {  	s1 =	srdreg.scid;
	s4 =	rddreg [dreg:$0x0]  }
0x2: {  	s0 =	stileid.u32;
	s5 =	rddreg [dreg:$0x1];
	s2 =	simm.s32 $0x0  }
0x3: {  	s15 =	simm.s32 $0x1;
	s16 =	simm.s32 $0x2710;
	s17 =	simm.s32 $0x2AF8  }
0x4: {  	s18 =	simm.s32 $0x2EE0;
	s19 =	simm.s32 $0x32C8;
	s20 =	simm.s32 $0x36B0  }
0x5: {  	s21 =	simm.s32 $0x3A98;
	s22 =	simm.s32 $0x3E80;
	s23 =	simm.s32 $0x4268  }
0x6: {  	s24 =	simm.s32 $0x4650;
	s3 =	sand.u32 $0x1, s1;
	s29 =	sshll.u32 s0, $0x1  }
0x7: {  	s25 =	simm.s32 $0x4A38;
	s26 =	simm.s32 $0x0;
	s6 =	sor.u32 s3, s29  }
0x8: {  	s1 =	rddreg [dreg:$0x2];
	s8 =	ssub.s32 $0x2, s3;
	s7 =	smul.u32 $0x3E8, s6  }
0x9: {  	[smem:$0x7FF] =	sst s2;
	s6 =	smul.u32 $0x4E2, s6;
	s31 =	sshrl.u32 s8, $0x1  }
0xa: {  	_ =	strace $0x80000047;
	s14 =	ssub.s32 s8, s31;
	s30 =	sshrl.u32 s7, $0x3  }
0xb: {  	s4 =	sadd.s32 s4, s6;
	s14 =	smax.u32 s14, $0x1;
	s3 =	sadd.s32 s5, s30  }
0xc: {  	s5 =	sadd.s32 $0xFA0, s3;
	s6 =	sadd.s32 $0x1F40, s3;
	s7 =	sadd.s32 $0x2EE0, s3  }
0xd: {  	s8 =	sadd.s32 $0x3E80, s3;
	s9 =	sadd.s32 $0x4E20, s3;
	s10 =	sadd.s32 $0x5DC0, s3  }
0xe: {  	v0 =	vimm.f32 $0.0e+00;
	v1 =	vimm.f32 $1.000000000e+00;
	s11 =	sadd.s32 $0x6D60, s3;
	s12 =	sadd.s32 $0x7D00, s3;
	s13 =	sadd.s32 $0x8CA0, s3  }
.LBB2_1:
0xf: {  	s28 =	simm.s32 $0x40;
	s29 =	simm.s32 $0x0  }
.LBB2_2:
0x10: {  	p0 =	sne.s32 s28, $0x9C00;
	[tilespmem:s29+$0x2710] =	vst v0;
	s29 =	smov.u32 s28;
	s28 =	sadd.s32 $0x40, s28  }
.Ltmp0:
0x11: {  	(pc) =	sbr.rel @p0 .LBB2_2-.Ltmp0, $2  }
0x12: {  	_ =	sdelay $0x2  }
0x13: {  	s29 =	sshra.s32 s29, $0x2  }
0x14: {  	[tilespmem:s29+$0x2710] =	vst v0;
	s28 =	simm.s32 $0x0  }
0x15: {  	[tilespmem:s28], [sflag:$0x1] =	stream.linear.gather [hbm4b:s4+s28], $0x2710, $0x38;
	[tilespmem:$0x4E20] =	vst v63  }
0x16: {  	_ =	swait.ge [sflag:s15], $0x2710  }
0x17: {  	[sflag:s15] =	ssyncset.done $0x0  }
0x18: {  	s29 =	simm.s32 $0x0;
	s28 =	simm.s32 $0x40;
	[sflag:s15] =	ssyncadd.s32 $0xFFFFD8F0  }
.LBB2_4:
0x19: {  	p0 =	sne.s32 s28, $0x9C00;
	v2 =	vld [tilespmem:s29+$0x0];
	_ =	sdelay $0x3  }
.Ltmp1:
0x1a: {  	(pc) =	sbr.rel @p0 .LBB2_4-.Ltmp1, $2  }
0x1b: {  	_ =	sdelay $0x2  }
0x1c: {  	s29 =	sshra.s32 s28, $0x2;
	s28 =	sadd.s32 $0x40, s28;
	[tilespmem:v2+s16+$0x0] =	vst.idx.add.f32.msk $0xffff, v1  }
0x1d: {  	v2 =	vld [tilespmem:s29+$0x0];
	_ =	sdelay $0x7  }
0x1e: {  	[tilespmem:v2+s16+$0x0] =	vst.idx.add.f32.msk $0xffff, v1  }
0x1f: {  	[hbm4b:s3+s2] =	stream.linear.scatter [tilespmem:s16], [sflag:$0x1], $0x3E8, $0x38;
	[tilespmem:$0x4E20] =	vst v63  }
0x20: {  	_ =	swait.ge [sflag:s15], $0x3E8  }
0x21: {  	[sflag:s15] =	ssyncset.done $0x0  }
0x22: {  	[sflag:s15] =	ssyncadd.s32 $0xFFFFFC18  }
0x23: {  	[hbm4b:s5+s2] =	stream.linear.scatter [tilespmem:s17], [sflag:$0x1], $0x3E8, $0x38;
	[tilespmem:$0x4E20] =	vst v63  }
0x24: {  	_ =	swait.ge [sflag:s15], $0x3E8  }
0x25: {  	[sflag:s15] =	ssyncset.done $0x0  }
0x26: {  	[sflag:s15] =	ssyncadd.s32 $0xFFFFFC18  }
0x27: {  	[hbm4b:s6+s2] =	stream.linear.scatter [tilespmem:s18], [sflag:$0x1], $0x3E8, $0x38;
	[tilespmem:$0x4E20] =	vst v63  }
0x28: {  	_ =	swait.ge [sflag:s15], $0x3E8  }
0x29: {  	[sflag:s15] =	ssyncset.done $0x0  }
0x2a: {  	[sflag:s15] =	ssyncadd.s32 $0xFFFFFC18  }
0x2b: {  	[hbm4b:s7+s2] =	stream.linear.scatter [tilespmem:s19], [sflag:$0x1], $0x3E8, $0x38;
	[tilespmem:$0x4E20] =	vst v63  }
0x2c: {  	_ =	swait.ge [sflag:s15], $0x3E8  }
0x2d: {  	[sflag:s15] =	ssyncset.done $0x0  }
0x2e: {  	[sflag:s15] =	ssyncadd.s32 $0xFFFFFC18  }
0x2f: {  	[hbm4b:s8+s2] =	stream.linear.scatter [tilespmem:s20], [sflag:$0x1], $0x3E8, $0x38;
	[tilespmem:$0x4E20] =	vst v63  }
0x30: {  	_ =	swait.ge [sflag:s15], $0x3E8  }
0x31: {  	[sflag:s15] =	ssyncset.done $0x0  }
0x32: {  	[sflag:s15] =	ssyncadd.s32 $0xFFFFFC18  }
0x33: {  	[hbm4b:s9+s2] =	stream.linear.scatter [tilespmem:s21], [sflag:$0x1], $0x3E8, $0x38;
	[tilespmem:$0x4E20] =	vst v63  }
0x34: {  	_ =	swait.ge [sflag:s15], $0x3E8  }
0x35: {  	[sflag:s15] =	ssyncset.done $0x0  }
0x36: {  	[sflag:s15] =	ssyncadd.s32 $0xFFFFFC18  }
0x37: {  	[hbm4b:s10+s2] =	stream.linear.scatter [tilespmem:s22], [sflag:$0x1], $0x3E8, $0x38;
	[tilespmem:$0x4E20] =	vst v63  }
0x38: {  	_ =	swait.ge [sflag:s15], $0x3E8  }
0x39: {  	[sflag:s15] =	ssyncset.done $0x0  }
0x3a: {  	[sflag:s15] =	ssyncadd.s32 $0xFFFFFC18  }
0x3b: {  	[hbm4b:s11+s2] =	stream.linear.scatter [tilespmem:s23], [sflag:$0x1], $0x3E8, $0x38;
	[tilespmem:$0x4E20] =	vst v63  }
0x3c: {  	_ =	swait.ge [sflag:s15], $0x3E8  }
0x3d: {  	[sflag:s15] =	ssyncset.done $0x0  }
0x3e: {  	[sflag:s15] =	ssyncadd.s32 $0xFFFFFC18  }
0x3f: {  	[hbm4b:s12+s2] =	stream.linear.scatter [tilespmem:s24], [sflag:$0x1], $0x3E8, $0x38;
	[tilespmem:$0x4E20] =	vst v63  }
0x40: {  	s26 =	sadd.s32 $0x1, s26;
	_ =	swait.ge [sflag:s15], $0x3E8  }
0x41: {  	p0 =	sne.s32 s26, s14;
	[sflag:s15] =	ssyncset.done $0x0  }
.Ltmp2:
0x42: {  	[sflag:s15] =	ssyncadd.s32 $0xFFFFFC18;
	(pc) =	sbr.rel @p0 .LBB2_1-.Ltmp2, $4  }
0x43: {  	[hbm4b:s13+s2] =	stream.linear.scatter [tilespmem:s25], [sflag:$0x1], $0x3E8, $0x38;
	[tilespmem:$0x4E20] =	vst v63  }
0x44: {  	_ =	swait.ge [sflag:s15], $0x3E8  }
0x45: {  	[sflag:s15] =	ssyncset.done $0x0  }
0x46: {  	[sflag:s15] =	ssyncadd.s32 $0xFFFFFC18  }
0x47: {  	_ =	sfence.sel $0x180000  }
0x48: {  	[bflag:$0x0] =	sbarrier.arrive $0xFFFF  }
0x49: {  	p0 =	sne.s32 s0, $0x0;
	_ =	strace $0x90000047  }
0x4a: {  	s0 =	sadd.s32 @!p0 $0x100000, s1;
	[bflag:$0x2] =	sbarrier.arrive $0xFFFF  }
0x4b: {  	[sflag:s0] =	ssyncadd.tile.s32 @!p0 $0x1;
	_ =	shalt  }
.Lfunc_end2:
_tile_overlayer_lowered:
.L_overlay_start_2:
0x4c: {  	(tag) =	ssettag $0x2  }
0x4d: {  	s0 =	rddreg [dreg:$0x0];
	s2 =	stileid.u32  }
0x4e: {  	s1 =	rddreg [dreg:$0x1];
	p0 =	sne.s32 s2, $0x0  }
0x4f: {  	s3 =	rddreg [dreg:$0x2];
	[bflag:$0x3] =	sbarrier.arrive $0xFFFF;
	s2 =	simm.s32 @!p0 $0x1C01  }
0x50: {  	[timem:s3], [sflag:s2] =	dma.local @!p0 [hbm:s0], s1  }
0x51: {  	s0 =	simm.s32 @!p0 $0x1  }
0x52: {  	_ =	swait.ge @!p0 [sflag:s0], s1  }
0x53: {  	s1 =	ssub.s32 @!p0 $0x0, s1;
	[sflag:s0] =	ssyncset.done @!p0 $0x0  }
0x54: {  	[sflag:s0] =	ssyncadd.s32 @!p0 s1  }
0x55: {  	[bflag:$0x3] =	sbarrier.arrive $0xFFFF  }
0x56: {  	_ =	shalt  }

</sc_bundles>
